<compile_context>
chip_gen: v7x
topology: tpu7x:2x2x1
jax: 0.10.2.dev20260603
libtpu: 0.0.44.dev20260713+nightly
codegen_flags: <defaults>
</compile_context>

<pallas_src>
import functools

import jax
import jax.numpy as jnp
from jax import lax
from jax.experimental import pallas as pl
from jax.experimental.pallas import tpu as pltpu
from jax.experimental.pallas import tpu_sc as plsc

NC = 2
NS = 16
L = 16
CB = 128


def _sc_mesh():
    return plsc.VectorSubcoreMesh(core_axis_name="c", subcore_axis_name="s")


_SC_PARAMS = dict(
    mesh=_sc_mesh(),
    compiler_params=pltpu.CompilerParams(needs_layout_passes=False),
)


def _zero_rows(ref, n_rows, n_cols):
    zeros = jnp.zeros((L,), jnp.float32)

    def body(i, carry):
        for j in range(n_cols // L):
            ref[i, pl.ds(j * L, L)] = zeros
        return carry

    lax.fori_loop(0, n_rows, body, 0)


def _make_deg_kernel(n_pad, n_edges_pad):
    rpt = n_edges_pad // CB // (NC * NS)

    @functools.partial(
        pl.kernel,
        out_type=jax.ShapeDtypeStruct((NC, NS, n_pad), jnp.float32),
        scratch_types=[
            pltpu.VMEM((rpt, CB), jnp.int32),
            pltpu.VMEM((rpt, CB), jnp.float32),
            pltpu.VMEM((n_pad,), jnp.float32),
        ],
        **_SC_PARAMS,
    )
    def deg_kernel(dst_hbm, ew_hbm, out_hbm, dst_sup, ew_sup, deg_v):
        c = lax.axis_index("c")
        s = lax.axis_index("s")
        base_row = (c * NS + s) * rpt
        pltpu.sync_copy(dst_hbm.at[pl.ds(base_row, rpt)], dst_sup)
        pltpu.sync_copy(ew_hbm.at[pl.ds(base_row, rpt)], ew_sup)
        zeros = jnp.zeros((L,), jnp.float32)

        def zbody(i, carry):
            deg_v[pl.ds(i * L, L)] = zeros
            return carry

        lax.fori_loop(0, n_pad // L, zbody, 0)
        lane = lax.iota(jnp.int32, L)

        def chunk(k, carry):
            for g in range(CB // L):
                dg = dst_sup[k, pl.ds(g * L, L)]
                ewg = ew_sup[k, pl.ds(g * L, L)]
                for l in range(L):
                    plsc.addupdate_scatter(deg_v, [dg], ewg,
                                           mask=lane == l)
            return carry

        lax.fori_loop(0, rpt, chunk, 0)
        pltpu.sync_copy(deg_v, out_hbm.at[c].at[s])

    return deg_kernel


SUP = 8


def _agg_pipeline(s, rpt, d, r_tile, sup,
                  src_sup, dst_sup, ew_sup, nrm_v, rows, dis_v, acc_sh,
                  sem_g, sem_s,
                  dis_hbm, src_hbm, dst_hbm, ew_hbm, rep_tbl,
                  base_row, start_gather):
    pltpu.sync_copy(dis_hbm, dis_v)

    _zero_rows(rows[1], CB, d)
    for k in range(r_tile // CB):
        pltpu.sync_copy(rows[1], acc_sh.at[pl.ds(s * r_tile + k * CB, CB)])
    plsc.subcore_barrier()

    def wait_gather(b):
        pltpu.make_async_copy(rep_tbl.at[src_sup.at[0]], rows[b],
                              sem_g[b]).wait()

    def wait_scatter(b):
        pltpu.make_async_copy(rows[b], acc_sh.at[dst_sup.at[0]],
                              sem_s[b]).wait()

    def super_body(sb, carry):
        row0 = base_row + sb * sup
        pltpu.sync_copy(src_hbm.at[pl.ds(row0, sup)], src_sup)
        pltpu.sync_copy(dst_hbm.at[pl.ds(row0, sup)], dst_sup)
        pltpu.sync_copy(ew_hbm.at[pl.ds(row0, sup)], ew_sup)
        start_gather(0, 0)

        def body(jj, carry2):
            for b in range(2):
                j = 2 * jj + b

                @pl.when(j + 1 < sup)
                def _():
                    @pl.when(j >= 1)
                    def _():
                        wait_scatter(1 - b)

                    start_gather(j + 1, 1 - b)

                wait_gather(b)
                for g in range(CB // L):
                    sg = src_sup[j, pl.ds(g * L, L)]
                    dg = dst_sup[j, pl.ds(g * L, L)]
                    ewg = ew_sup[j, pl.ds(g * L, L)]
                    ng = (plsc.load_gather(dis_v, [sg]) * ewg
                          * plsc.load_gather(dis_v, [dg]))
                    nrm_v[pl.ds(g * L, L)] = ng

                rb = rows[b]

                @plsc.parallel_loop(0, CB, 1, unroll=4)
                def _(i):
                    nspl = plsc.load_gather(
                        nrm_v, [jnp.zeros((L,), jnp.int32) + i])
                    for jv in range(d // L):
                        sl = pl.ds(jv * L, L)
                        rb[i, sl] = rb[i, sl] * nspl
                pltpu.async_copy(rows[b], acc_sh.at[dst_sup.at[j]],
                                 sem_s[b], add=True)
            return carry2

        lax.fori_loop(0, sup // 2, body, 0)
        wait_scatter(0)
        wait_scatter(1)
        return carry

    lax.fori_loop(0, rpt // sup, super_body, 0)
    plsc.subcore_barrier()


def _make_agg_feat_split(n_nodes, n_pad, n_edges_pad, d_half):
    rpt = n_edges_pad // CB // NS
    r_tile = n_pad // NS
    assert r_tile % CB == 0 and d_half % L == 0 and rpt % SUP == 0

    @functools.partial(
        pl.kernel,
        out_type=[
            jax.ShapeDtypeStruct((n_pad, d_half), jnp.float32),
            jax.ShapeDtypeStruct((n_pad, d_half), jnp.float32),
        ],
        scratch_types=[
            pltpu.VMEM((SUP, CB), jnp.int32),
            pltpu.VMEM((SUP, CB), jnp.int32),
            pltpu.VMEM((SUP, CB), jnp.float32),
            pltpu.VMEM((CB,), jnp.float32),
            pltpu.VMEM((CB, d_half), jnp.float32),
            pltpu.VMEM((CB, d_half), jnp.float32),
            pltpu.VMEM((n_nodes,), jnp.float32),
            pltpu.VMEM_SHARED((n_pad, d_half), jnp.float32),
            pltpu.SemaphoreType.DMA,
            pltpu.SemaphoreType.DMA,
            pltpu.SemaphoreType.DMA,
            pltpu.SemaphoreType.DMA,
        ],
        **_SC_PARAMS,
    )
    def agg_kernel(xa_hbm, xb_hbm, src_hbm, dst_hbm, ew_hbm, dis_hbm,
                   oa_hbm, ob_hbm,
                   src_sup, dst_sup, ew_sup, nrm_v, rows0, rows1, dis_v,
                   acc_sh, sg0, sg1, ss0, ss1):
        c = lax.axis_index("c")
        s = lax.axis_index("s")
        rows = (rows0, rows1)
        sem_g = (sg0, sg1)
        sem_s = (ss0, ss1)

        def start_gather(j, b):
            @pl.when(c == 0)
            def _():
                pltpu.async_copy(xa_hbm.at[src_sup.at[j]], rows[b],
                                 sem_g[b])

            @pl.when(c == 1)
            def _():
                pltpu.async_copy(xb_hbm.at[src_sup.at[j]], rows[b],
                                 sem_g[b])

        _agg_pipeline(s, rpt, d_half, r_tile, SUP,
                      src_sup, dst_sup, ew_sup, nrm_v, rows, dis_v, acc_sh,
                      sem_g, sem_s,
                      dis_hbm, src_hbm, dst_hbm, ew_hbm, xa_hbm,
                      s * rpt, start_gather)

        ro = s * r_tile

        @pl.when(c == 0)
        def _():
            pltpu.sync_copy(acc_sh.at[pl.ds(ro, r_tile)],
                            oa_hbm.at[pl.ds(ro, r_tile)])

        @pl.when(c == 1)
        def _():
            pltpu.sync_copy(acc_sh.at[pl.ds(ro, r_tile)],
                            ob_hbm.at[pl.ds(ro, r_tile)])

    return agg_kernel


def _make_agg_edge_split(n_nodes, n_pad, n_edges_pad, d):
    rpt = n_edges_pad // CB // (NC * NS)
    r_tile = n_pad // NS
    assert r_tile % CB == 0 and d % L == 0 and rpt % SUP == 0

    @functools.partial(
        pl.kernel,
        mesh=_sc_mesh(),
        compiler_params=pltpu.CompilerParams(
            needs_layout_passes=False, use_tc_tiling_on_sc=False),
        out_type=jax.ShapeDtypeStruct((NC, n_pad, d), jnp.float32),
        scratch_types=[
            pltpu.VMEM((rpt, CB), jnp.int32),
            pltpu.VMEM((rpt, CB), jnp.int32),
            pltpu.VMEM((rpt, CB), jnp.float32),
            pltpu.VMEM((CB,), jnp.float32),
            pltpu.VMEM((CB, d), jnp.float32),
            pltpu.VMEM((CB, d), jnp.float32),
            pltpu.VMEM((n_nodes,), jnp.float32),
            pltpu.VMEM_SHARED((n_pad, d), jnp.float32),
            pltpu.SemaphoreType.DMA,
            pltpu.SemaphoreType.DMA,
            pltpu.SemaphoreType.DMA,
            pltpu.SemaphoreType.DMA,
        ],
    )
    def agg_kernel(xw_hbm, src_hbm, dst_hbm, ew_hbm, dis_hbm, out_hbm,
                   src_sup, dst_sup, ew_sup, nrm_v, rows0, rows1, dis_v,
                   acc_sh, sg0, sg1, ss0, ss1):
        c = lax.axis_index("c")
        s = lax.axis_index("s")
        rows = (rows0, rows1)
        sem_g = (sg0, sg1)
        sem_s = (ss0, ss1)

        def start_gather(j, b):
            pltpu.async_copy(xw_hbm.at[src_sup.at[j]], rows[b], sem_g[b])

        _agg_pipeline(s, rpt, d, r_tile, rpt,
                      src_sup, dst_sup, ew_sup, nrm_v, rows, dis_v, acc_sh,
                      sem_g, sem_s,
                      dis_hbm, src_hbm, dst_hbm, ew_hbm, xw_hbm,
                      (c * NS + s) * rpt, start_gather)

        ro = s * r_tile
        pltpu.sync_copy(acc_sh.at[pl.ds(ro, r_tile)],
                        out_hbm.at[c].at[pl.ds(ro, r_tile)])

    return agg_kernel


def _tc_degnorm(deg32):
    w, n_pad = deg32.shape

    def body(deg_ref, dis_ref, dinv_ref):
        d = 1.0 + jnp.sum(deg_ref[...], axis=0, keepdims=True)
        d = jnp.maximum(d, 1e-30)
        dis_ref[...] = lax.rsqrt(d)
        dinv_ref[...] = 1.0 / d

    return pl.pallas_call(
        body,
        out_shape=[
            jax.ShapeDtypeStruct((1, n_pad), jnp.float32),
            jax.ShapeDtypeStruct((1, n_pad), jnp.float32),
        ],
    )(deg32)


def _tc1(x, w1t, rows_blk):
    n, in_ch = x.shape
    hid = w1t.shape[1]
    h2 = hid // 2
    grid = n // rows_blk

    def body(x_ref, w_ref, xa_ref, xb_ref):
        xw = jnp.dot(x_ref[...], w_ref[...],
                     preferred_element_type=jnp.float32)
        xa_ref[...] = xw[:, :h2]
        xb_ref[...] = xw[:, h2:]

    return pl.pallas_call(
        body,
        grid=(grid,),
        in_specs=[
            pl.BlockSpec((rows_blk, in_ch), lambda i: (i, 0)),
            pl.BlockSpec((in_ch, hid), lambda i: (0, 0)),
        ],
        out_specs=[
            pl.BlockSpec((rows_blk, h2), lambda i: (i, 0)),
            pl.BlockSpec((rows_blk, h2), lambda i: (i, 0)),
        ],
        out_shape=[
            jax.ShapeDtypeStruct((n, h2), jnp.float32),
            jax.ShapeDtypeStruct((n, h2), jnp.float32),
        ],
    )(x, w1t)


def _tc2(aa, ab, xa, xb, dinv, b1, w2t, d_pad, rows_blk):
    n, h2 = xa.shape
    hid = 2 * h2
    out_ch = w2t.shape[1]
    grid = n // rows_blk

    def body(aa_ref, ab_ref, xa_ref, xb_ref, dinv_ref, b1_ref, w_ref,
             hw_ref):
        dv = dinv_ref[...]
        ha = jnp.maximum(aa_ref[...] + dv * xa_ref[...] + b1_ref[0, :h2], 0.0)
        hb = jnp.maximum(ab_ref[...] + dv * xb_ref[...] + b1_ref[0, h2:], 0.0)
        h = jnp.concatenate([ha, hb], axis=1)
        hw = jnp.dot(h, w_ref[...], preferred_element_type=jnp.float32)
        if d_pad > out_ch:
            hw = jnp.concatenate(
                [hw, jnp.zeros((rows_blk, d_pad - out_ch), jnp.float32)],
                axis=1)
        hw_ref[...] = hw

    return pl.pallas_call(
        body,
        grid=(grid,),
        in_specs=[
            pl.BlockSpec((rows_blk, h2), lambda i: (i, 0)),
            pl.BlockSpec((rows_blk, h2), lambda i: (i, 0)),
            pl.BlockSpec((rows_blk, h2), lambda i: (i, 0)),
            pl.BlockSpec((rows_blk, h2), lambda i: (i, 0)),
            pl.BlockSpec((rows_blk, 1), lambda i: (i, 0)),
            pl.BlockSpec((1, hid), lambda i: (0, 0)),
            pl.BlockSpec((hid, out_ch), lambda i: (0, 0)),
        ],
        out_specs=pl.BlockSpec((rows_blk, d_pad), lambda i: (i, 0)),
        out_shape=jax.ShapeDtypeStruct((n, d_pad), jnp.float32),
    )(aa, ab, xa, xb, dinv, b1, w2t)


def _tc3(g2, hw, dinv, b2, out_ch, rows_blk):
    n, d_pad = hw.shape
    grid = n // rows_blk

    def body(g_ref, hw_ref, dinv_ref, b2_ref, out_ref):
        gsum = jnp.sum(g_ref[...], axis=0)
        zf = gsum + dinv_ref[...] * hw_ref[...]
        z = zf[:, :out_ch] + b2_ref[0, :]
        m = jnp.max(z, axis=1, keepdims=True)
        e = z - m
        lse = jnp.log(jnp.sum(jnp.exp(e), axis=1, keepdims=True))
        out_ref[...] = e - lse

    return pl.pallas_call(
        body,
        grid=(grid,),
        in_specs=[
            pl.BlockSpec((NC, rows_blk, d_pad), lambda i: (0, i, 0)),
            pl.BlockSpec((rows_blk, d_pad), lambda i: (i, 0)),
            pl.BlockSpec((rows_blk, 1), lambda i: (i, 0)),
            pl.BlockSpec((1, out_ch), lambda i: (0, 0)),
        ],
        out_specs=pl.BlockSpec((rows_blk, out_ch), lambda i: (i, 0)),
        out_shape=jax.ShapeDtypeStruct((n, out_ch), jnp.float32),
    )(g2, hw, dinv, b2)


@jax.jit
def kernel(x, edge_index, edge_weight, W1, b1, W2, b2):
    n, _ = x.shape
    hid = W1.shape[0]
    out_ch = W2.shape[0]
    e = edge_index.shape[1]
    d_pad = out_ch

    src = edge_index[0].astype(jnp.int32)
    dst = edge_index[1].astype(jnp.int32)
    ew = edge_weight.astype(jnp.float32)

    ep = ((e + NC * NS * CB - 1) // (NC * NS * CB)) * (NC * NS * CB)
    pad = ep - e
    if pad:
        src = jnp.concatenate([src, jnp.zeros((pad,), jnp.int32)])
        dst = jnp.concatenate([dst, jnp.zeros((pad,), jnp.int32)])
        ew = jnp.concatenate([ew, jnp.zeros((pad,), jnp.float32)])
    src2 = src.reshape(ep // CB, CB)
    dst2 = dst.reshape(ep // CB, CB)
    ew2 = ew.reshape(ep // CB, CB)

    rows_blk = 1000
    n_pad = ((n + NS * CB - 1) // (NS * CB)) * (NS * CB)

    deg32 = _make_deg_kernel(n_pad, ep)(dst2, ew2)
    dis_r, dinv_r = _tc_degnorm(deg32.reshape(NC * NS, n_pad))
    dis = dis_r.reshape(n_pad)[:n]
    dinv = dinv_r.reshape(n_pad)[:n].reshape(n, 1)

    xa, xb = _tc1(x, W1.T, rows_blk)
    aa, ab = _make_agg_feat_split(n, n_pad, ep, hid // 2)(
        xa, xb, src2, dst2, ew2, dis)
    hw = _tc2(aa, ab, xa, xb, dinv, b1.reshape(1, hid), W2.T, d_pad, rows_blk)
    g2 = _make_agg_edge_split(n, n_pad, ep, d_pad)(
        hw, src2, dst2, ew2, dis)
    return _tc3(g2, hw, dinv, b2.reshape(1, out_ch), out_ch, rows_blk)

# --- scband reference (transcript-rebuilt; emitter-appended) ---
"""Pipeline reference for scband-gcn-6081673691658 (READ-ONLY COPY).

The authoritative reference and input builder live on the scoring server;
editing this copy changes nothing except your own understanding.
"""

import jax, jax.numpy as jnp
import numpy as np

N_NODES = 10000
N_EDGES = 160000
IN_CH = 256
HID_CH = 256
OUT_CH = 64


def setup_inputs(seed: int = 0) -> dict:
    key = jax.random.key(seed)
    k1, k2, k3, k4, k5, k6, k7 = jax.random.split(key, 7)
    x = jax.random.normal(k1, (N_NODES, IN_CH), dtype=jnp.float32)
    edge_index = jax.random.randint(k2, (2, N_EDGES), 0, N_NODES, dtype=jnp.int64)
    edge_weight = jax.random.uniform(k3, (N_EDGES,), dtype=jnp.float32)
    # GCNConv params: PyG Linear weight shape (out, in), glorot init, bias zeros-ish
    W1 = jax.random.normal(k4, (HID_CH, IN_CH), dtype=jnp.float32) * (1.0 / np.sqrt(IN_CH))
    b1 = jnp.zeros((HID_CH,), dtype=jnp.float32)
    W2 = jax.random.normal(k5, (OUT_CH, HID_CH), dtype=jnp.float32) * (1.0 / np.sqrt(HID_CH))
    b2 = jnp.zeros((OUT_CH,), dtype=jnp.float32)
    return {"x": x, "edge_index": edge_index, "edge_weight": edge_weight,
            "W1": W1, "b1": b1, "W2": W2, "b2": b2}


def _gcn_conv(x, edge_index, edge_weight, W, b):
    N = x.shape[0]
    src = edge_index[0]
    dst = edge_index[1]
    # add self loops with fill weight 1.0 (PyG gcn_norm default)
    loop = jnp.arange(N, dtype=edge_index.dtype)
    src_full = jnp.concatenate([src, loop])
    dst_full = jnp.concatenate([dst, loop])
    ew_full = jnp.concatenate([edge_weight, jnp.ones((N,), dtype=x.dtype)])
    # symmetric normalization: D^{-1/2} A_hat D^{-1/2}
    deg = jax.ops.segment_sum(ew_full, dst_full, num_segments=N)
    deg_inv_sqrt = jnp.where(deg > 0, deg ** -0.5, 0.0)
    norm = deg_inv_sqrt[src_full] * ew_full * deg_inv_sqrt[dst_full]
    # linear transform first (PyG GCNConv applies lin before propagate)
    xw = x @ W.T
    msg = xw[src_full] * norm[:, None]
    out = jax.ops.segment_sum(msg, dst_full, num_segments=N)
    return out + b


def reference(x, edge_index, edge_weight, W1, b1, W2, b2):
    h = _gcn_conv(x, edge_index, edge_weight, W1, b1)
    h = jax.nn.relu(h)
    # dropout is identity in eval mode
    h = _gcn_conv(h, edge_index, edge_weight, W2, b2)
    return jax.nn.log_softmax(h, axis=1)

if __name__ == "__main__":
    import jax
    _d = setup_inputs()
    print(jax.jit(kernel)(*tuple(_d.values())))

</pallas_src>

<mosaic_0001>
#map = affine_map<(d0, d1) -> (0, 0)>
#map1 = affine_map<(d0, d1) -> (0)>
#map2 = affine_map<(d0, d1) -> (0, 0, 0)>
module attributes {stable_mosaic.version = 14 : i64} {
  func.func @agg_kernel(%arg0: i32, %arg1: i32, %arg2: memref<10000x64xf32, #tpu.memory_space<hbm>>, %arg3: memref<1280x128xi32, #tpu.memory_space<hbm>>, %arg4: memref<1280x128xi32, #tpu.memory_space<hbm>>, %arg5: memref<1280x128xf32, #tpu.memory_space<hbm>>, %arg6: memref<10000xf32, #tpu.memory_space<hbm>>, %arg7: memref<2x10240x64xf32, #tpu.memory_space<hbm>>, %arg8: memref<40x128xi32, #tpu.memory_space<vmem>>, %arg9: memref<40x128xi32, #tpu.memory_space<vmem>>, %arg10: memref<40x128xf32, #tpu.memory_space<vmem>>, %arg11: memref<128xf32, #tpu.memory_space<vmem>>, %arg12: memref<128x64xf32, #tpu.memory_space<vmem>>, %arg13: memref<128x64xf32, #tpu.memory_space<vmem>>, %arg14: memref<10000xf32, #tpu.memory_space<vmem>>, %arg15: memref<10240x64xf32, #tpu.memory_space<vmem_shared>>, %arg16: memref<!tpu.dma_semaphore, #tpu.memory_space<semaphore_mem>>, %arg17: memref<!tpu.dma_semaphore, #tpu.memory_space<semaphore_mem>>, %arg18: memref<!tpu.dma_semaphore, #tpu.memory_space<semaphore_mem>>, %arg19: memref<!tpu.dma_semaphore, #tpu.memory_space<semaphore_mem>>) attributes {dimension_semantics = [#tpu.dimension_semantics<core_parallel>, #tpu.dimension_semantics<subcore_parallel>], iteration_bounds = array<i64: 2, 16>, scalar_prefetch = 0 : i64, scratch_operands = 12 : i64, tpu.core_type = #tpu.core_type<sc_vector_subcore>, window_params = [{transform_indices = #map}, {transform_indices = #map}, {transform_indices = #map}, {transform_indices = #map}, {transform_indices = #map1}, {transform_indices = #map2}]} {
    %mul3A = arith.constant 16 : i32
    %mul3A_0 = arith.muli %arg0, %mul3A : i32
    %add3A = arith.addi %mul3A_0, %arg1 : i32
    %mul3A_1 = arith.constant 40 : i32
    %mul3A_2 = arith.muli %add3A, %mul3A_1 : i32
    "tpu.region"() ({
      %run_scoped3A = tpu.sem_alloc : memref<!tpu.dma_semaphore, #tpu.memory_space<semaphore_mem>>
      tpu.enqueue_dma source(%arg6 : memref<10000xf32, #tpu.memory_space<hbm>>) target(%arg14 : memref<10000xf32, #tpu.memory_space<vmem>>) target_semaphore(%run_scoped3A : memref<!tpu.dma_semaphore, #tpu.memory_space<semaphore_mem>>)
      tpu.wait_dma2 semaphore(%run_scoped3A : memref<!tpu.dma_semaphore, #tpu.memory_space<semaphore_mem>>) src(%arg6 : memref<10000xf32, #tpu.memory_space<hbm>>) dst(%arg14 : memref<10000xf32, #tpu.memory_space<vmem>>)
      tpu.yield
    }) : () -> ()
    %broadcast_in_dim3A = arith.constant 0.000000e+00 : f32
    %broadcast_in_dim3A_3 = vector.broadcast %broadcast_in_dim3A : f32 to vector<16xf32>
    %scan3A = arith.constant 0 : i32
    %scan3A_4 = arith.constant 0 : i32
    %scan3A_5 = arith.constant 128 : i32
    %scan3A_6 = arith.addi %scan3A_4, %scan3A_5 : i32
    %scan3A_7 = arith.constant 1 : i32
    scf.for %scan3A_63 = %scan3A_4 to %scan3A_6 step %scan3A_7  : i32 {
      %swap3A = arith.index_cast %scan3A_63 : i32 to index
      %swap3A_64 = arith.constant 0 : index
      %swap3A_65 = tpu.vector_load %arg13[%swap3A, %swap3A_64] {strides = array<i32>} : memref<128x64xf32, #tpu.memory_space<vmem>>, vector<16xf32>,
      tpu.vector_store %arg13[%swap3A, %swap3A_64], %broadcast_in_dim3A_3 {strides = array<i32>} : memref<128x64xf32, #tpu.memory_space<vmem>>, vector<16xf32>,
      %swap3A_66 = arith.index_cast %scan3A_63 : i32 to index
      %swap3A_67 = arith.constant 16 : index
      %swap3A_68 = tpu.vector_load %arg13[%swap3A_66, %swap3A_67] {strides = array<i32>} : memref<128x64xf32, #tpu.memory_space<vmem>>, vector<16xf32>,
      tpu.vector_store %arg13[%swap3A_66, %swap3A_67], %broadcast_in_dim3A_3 {strides = array<i32>} : memref<128x64xf32, #tpu.memory_space<vmem>>, vector<16xf32>,
      %swap3A_69 = arith.index_cast %scan3A_63 : i32 to index
      %swap3A_70 = arith.constant 32 : index
      %swap3A_71 = tpu.vector_load %arg13[%swap3A_69, %swap3A_70] {strides = array<i32>} : memref<128x64xf32, #tpu.memory_space<vmem>>, vector<16xf32>,
      tpu.vector_store %arg13[%swap3A_69, %swap3A_70], %broadcast_in_dim3A_3 {strides = array<i32>} : memref<128x64xf32, #tpu.memory_space<vmem>>, vector<16xf32>,
      %swap3A_72 = arith.index_cast %scan3A_63 : i32 to index
      %swap3A_73 = arith.constant 48 : index
      %swap3A_74 = tpu.vector_load %arg13[%swap3A_72, %swap3A_73] {strides = array<i32>} : memref<128x64xf32, #tpu.memory_space<vmem>>, vector<16xf32>,
      tpu.vector_store %arg13[%swap3A_72, %swap3A_73], %broadcast_in_dim3A_3 {strides = array<i32>} : memref<128x64xf32, #tpu.memory_space<vmem>>, vector<16xf32>,
    }
    %scan3A_8 = arith.constant 128 : i32
    %mul3A_9 = arith.constant 640 : i32
    %mul3A_10 = arith.muli %arg1, %mul3A_9 : i32
    %add3A_11 = arith.constant 0 : i32
    %add3A_12 = arith.addi %mul3A_10, %add3A_11 : i32
    "tpu.region"() ({
      %run_scoped3A = tpu.sem_alloc : memref<!tpu.dma_semaphore, #tpu.memory_space<semaphore_mem>>
      %dma_start3A_63 = arith.constant 0 : i32
      %dma_start3A_64 = tpu.memref_slice %arg15[%add3A_12, %dma_start3A_63] : memref<10240x64xf32, #tpu.memory_space<vmem_shared>> -> memref<128x64xf32, #tpu.memory_space<vmem_shared>>
      %dma_start3A_65 = arith.constant 0 : i32
      %dma_start3A_66 = tpu.memref_slice %arg15[%add3A_12, %dma_start3A_65] : memref<10240x64xf32, #tpu.memory_space<vmem_shared>> -> memref<128x64xf32, #tpu.memory_space<vmem_shared>>
      tpu.enqueue_dma source(%arg13 : memref<128x64xf32, #tpu.memory_space<vmem>>) target(%dma_start3A_66 : memref<128x64xf32, #tpu.memory_space<vmem_shared>>) target_semaphore(%run_scoped3A : memref<!tpu.dma_semaphore, #tpu.memory_space<semaphore_mem>>)
      %dma_wait3A_67 = arith.constant 0 : i32
      %dma_wait3A_68 = tpu.memref_slice %arg15[%add3A_12, %dma_wait3A_67] : memref<10240x64xf32, #tpu.memory_space<vmem_shared>> -> memref<128x64xf32, #tpu.memory_space<vmem_shared>>
      %dma_wait3A_69 = arith.constant 0 : i32
      %dma_wait3A_70 = tpu.memref_slice %arg15[%add3A_12, %dma_wait3A_69] : memref<10240x64xf32, #tpu.memory_space<vmem_shared>> -> memref<128x64xf32, #tpu.memory_space<vmem_shared>>
      tpu.wait_dma2 semaphore(%run_scoped3A : memref<!tpu.dma_semaphore, #tpu.memory_space<semaphore_mem>>) src(%arg13 : memref<128x64xf32, #tpu.memory_space<vmem>>) dst(%dma_wait3A_70 : memref<128x64xf32, #tpu.memory_space<vmem_shared>>)
      tpu.yield
    }) : () -> ()
    %mul3A_13 = arith.constant 640 : i32
    %mul3A_14 = arith.muli %arg1, %mul3A_13 : i32
    %add3A_15 = arith.constant 128 : i32
    %add3A_16 = arith.addi %mul3A_14, %add3A_15 : i32
    "tpu.region"() ({
      %run_scoped3A = tpu.sem_alloc : memref<!tpu.dma_semaphore, #tpu.memory_space<semaphore_mem>>
      %dma_start3A_63 = arith.constant 0 : i32
      %dma_start3A_64 = tpu.memref_slice %arg15[%add3A_16, %dma_start3A_63] : memref<10240x64xf32, #tpu.memory_space<vmem_shared>> -> memref<128x64xf32, #tpu.memory_space<vmem_shared>>
      %dma_start3A_65 = arith.constant 0 : i32
      %dma_start3A_66 = tpu.memref_slice %arg15[%add3A_16, %dma_start3A_65] : memref<10240x64xf32, #tpu.memory_space<vmem_shared>> -> memref<128x64xf32, #tpu.memory_space<vmem_shared>>
      tpu.enqueue_dma source(%arg13 : memref<128x64xf32, #tpu.memory_space<vmem>>) target(%dma_start3A_66 : memref<128x64xf32, #tpu.memory_space<vmem_shared>>) target_semaphore(%run_scoped3A : memref<!tpu.dma_semaphore, #tpu.memory_space<semaphore_mem>>)
      %dma_wait3A_67 = arith.constant 0 : i32
      %dma_wait3A_68 = tpu.memref_slice %arg15[%add3A_16, %dma_wait3A_67] : memref<10240x64xf32, #tpu.memory_space<vmem_shared>> -> memref<128x64xf32, #tpu.memory_space<vmem_shared>>
      %dma_wait3A_69 = arith.constant 0 : i32
      %dma_wait3A_70 = tpu.memref_slice %arg15[%add3A_16, %dma_wait3A_69] : memref<10240x64xf32, #tpu.memory_space<vmem_shared>> -> memref<128x64xf32, #tpu.memory_space<vmem_shared>>
      tpu.wait_dma2 semaphore(%run_scoped3A : memref<!tpu.dma_semaphore, #tpu.memory_space<semaphore_mem>>) src(%arg13 : memref<128x64xf32, #tpu.memory_space<vmem>>) dst(%dma_wait3A_70 : memref<128x64xf32, #tpu.memory_space<vmem_shared>>)
      tpu.yield
    }) : () -> ()
    %mul3A_17 = arith.constant 640 : i32
    %mul3A_18 = arith.muli %arg1, %mul3A_17 : i32
    %add3A_19 = arith.constant 256 : i32
    %add3A_20 = arith.addi %mul3A_18, %add3A_19 : i32
    "tpu.region"() ({
      %run_scoped3A = tpu.sem_alloc : memref<!tpu.dma_semaphore, #tpu.memory_space<semaphore_mem>>
      %dma_start3A_63 = arith.constant 0 : i32
      %dma_start3A_64 = tpu.memref_slice %arg15[%add3A_20, %dma_start3A_63] : memref<10240x64xf32, #tpu.memory_space<vmem_shared>> -> memref<128x64xf32, #tpu.memory_space<vmem_shared>>
      %dma_start3A_65 = arith.constant 0 : i32
      %dma_start3A_66 = tpu.memref_slice %arg15[%add3A_20, %dma_start3A_65] : memref<10240x64xf32, #tpu.memory_space<vmem_shared>> -> memref<128x64xf32, #tpu.memory_space<vmem_shared>>
      tpu.enqueue_dma source(%arg13 : memref<128x64xf32, #tpu.memory_space<vmem>>) target(%dma_start3A_66 : memref<128x64xf32, #tpu.memory_space<vmem_shared>>) target_semaphore(%run_scoped3A : memref<!tpu.dma_semaphore, #tpu.memory_space<semaphore_mem>>)
      %dma_wait3A_67 = arith.constant 0 : i32
      %dma_wait3A_68 = tpu.memref_slice %arg15[%add3A_20, %dma_wait3A_67] : memref<10240x64xf32, #tpu.memory_space<vmem_shared>> -> memref<128x64xf32, #tpu.memory_space<vmem_shared>>
      %dma_wait3A_69 = arith.constant 0 : i32
      %dma_wait3A_70 = tpu.memref_slice %arg15[%add3A_20, %dma_wait3A_69] : memref<10240x64xf32, #tpu.memory_space<vmem_shared>> -> memref<128x64xf32, #tpu.memory_space<vmem_shared>>
      tpu.wait_dma2 semaphore(%run_scoped3A : memref<!tpu.dma_semaphore, #tpu.memory_space<semaphore_mem>>) src(%arg13 : memref<128x64xf32, #tpu.memory_space<vmem>>) dst(%dma_wait3A_70 : memref<128x64xf32, #tpu.memory_space<vmem_shared>>)
      tpu.yield
    }) : () -> ()
    %mul3A_21 = arith.constant 640 : i32
    %mul3A_22 = arith.muli %arg1, %mul3A_21 : i32
    %add3A_23 = arith.constant 384 : i32
    %add3A_24 = arith.addi %mul3A_22, %add3A_23 : i32
    "tpu.region"() ({
      %run_scoped3A = tpu.sem_alloc : memref<!tpu.dma_semaphore, #tpu.memory_space<semaphore_mem>>
      %dma_start3A_63 = arith.constant 0 : i32
      %dma_start3A_64 = tpu.memref_slice %arg15[%add3A_24, %dma_start3A_63] : memref<10240x64xf32, #tpu.memory_space<vmem_shared>> -> memref<128x64xf32, #tpu.memory_space<vmem_shared>>
      %dma_start3A_65 = arith.constant 0 : i32
      %dma_start3A_66 = tpu.memref_slice %arg15[%add3A_24, %dma_start3A_65] : memref<10240x64xf32, #tpu.memory_space<vmem_shared>> -> memref<128x64xf32, #tpu.memory_space<vmem_shared>>
      tpu.enqueue_dma source(%arg13 : memref<128x64xf32, #tpu.memory_space<vmem>>) target(%dma_start3A_66 : memref<128x64xf32, #tpu.memory_space<vmem_shared>>) target_semaphore(%run_scoped3A : memref<!tpu.dma_semaphore, #tpu.memory_space<semaphore_mem>>)
      %dma_wait3A_67 = arith.constant 0 : i32
      %dma_wait3A_68 = tpu.memref_slice %arg15[%add3A_24, %dma_wait3A_67] : memref<10240x64xf32, #tpu.memory_space<vmem_shared>> -> memref<128x64xf32, #tpu.memory_space<vmem_shared>>
      %dma_wait3A_69 = arith.constant 0 : i32
      %dma_wait3A_70 = tpu.memref_slice %arg15[%add3A_24, %dma_wait3A_69] : memref<10240x64xf32, #tpu.memory_space<vmem_shared>> -> memref<128x64xf32, #tpu.memory_space<vmem_shared>>
      tpu.wait_dma2 semaphore(%run_scoped3A : memref<!tpu.dma_semaphore, #tpu.memory_space<semaphore_mem>>) src(%arg13 : memref<128x64xf32, #tpu.memory_space<vmem>>) dst(%dma_wait3A_70 : memref<128x64xf32, #tpu.memory_space<vmem_shared>>)
      tpu.yield
    }) : () -> ()
    %mul3A_25 = arith.constant 640 : i32
    %mul3A_26 = arith.muli %arg1, %mul3A_25 : i32
    %add3A_27 = arith.constant 512 : i32
    %add3A_28 = arith.addi %mul3A_26, %add3A_27 : i32
    "tpu.region"() ({
      %run_scoped3A = tpu.sem_alloc : memref<!tpu.dma_semaphore, #tpu.memory_space<semaphore_mem>>
      %dma_start3A_63 = arith.constant 0 : i32
      %dma_start3A_64 = tpu.memref_slice %arg15[%add3A_28, %dma_start3A_63] : memref<10240x64xf32, #tpu.memory_space<vmem_shared>> -> memref<128x64xf32, #tpu.memory_space<vmem_shared>>
      %dma_start3A_65 = arith.constant 0 : i32
      %dma_start3A_66 = tpu.memref_slice %arg15[%add3A_28, %dma_start3A_65] : memref<10240x64xf32, #tpu.memory_space<vmem_shared>> -> memref<128x64xf32, #tpu.memory_space<vmem_shared>>
      tpu.enqueue_dma source(%arg13 : memref<128x64xf32, #tpu.memory_space<vmem>>) target(%dma_start3A_66 : memref<128x64xf32, #tpu.memory_space<vmem_shared>>) target_semaphore(%run_scoped3A : memref<!tpu.dma_semaphore, #tpu.memory_space<semaphore_mem>>)
      %dma_wait3A_67 = arith.constant 0 : i32
      %dma_wait3A_68 = tpu.memref_slice %arg15[%add3A_28, %dma_wait3A_67] : memref<10240x64xf32, #tpu.memory_space<vmem_shared>> -> memref<128x64xf32, #tpu.memory_space<vmem_shared>>
      %dma_wait3A_69 = arith.constant 0 : i32
      %dma_wait3A_70 = tpu.memref_slice %arg15[%add3A_28, %dma_wait3A_69] : memref<10240x64xf32, #tpu.memory_space<vmem_shared>> -> memref<128x64xf32, #tpu.memory_space<vmem_shared>>
      tpu.wait_dma2 semaphore(%run_scoped3A : memref<!tpu.dma_semaphore, #tpu.memory_space<semaphore_mem>>) src(%arg13 : memref<128x64xf32, #tpu.memory_space<vmem>>) dst(%dma_wait3A_70 : memref<128x64xf32, #tpu.memory_space<vmem_shared>>)
      tpu.yield
    }) : () -> ()
    %barrier3A = arith.constant 0 : index
    tpu.barrier barrier_id(%barrier3A)
    %scan3A_29 = arith.constant 0 : i32
    %scan3A_30 = arith.constant 0 : i32
    %mul3A_31 = arith.constant 40 : i32
    %mul3A_32 = arith.muli %scan3A_30, %mul3A_31 : i32
    %add3A_33 = arith.addi %mul3A_2, %mul3A_32 : i32
    "tpu.region"() ({
      %run_scoped3A = tpu.sem_alloc : memref<!tpu.dma_semaphore, #tpu.memory_space<semaphore_mem>>
      %dma_start3A_63 = arith.constant 0 : i32
      %dma_start3A_64 = tpu.memref_slice %arg3[%add3A_33, %dma_start3A_63] : memref<1280x128xi32, #tpu.memory_space<hbm>> -> memref<40x128xi32, #tpu.memory_space<hbm>>
      %dma_start3A_65 = arith.constant 0 : i32
      %dma_start3A_66 = tpu.memref_slice %arg3[%add3A_33, %dma_start3A_65] : memref<1280x128xi32, #tpu.memory_space<hbm>> -> memref<40x128xi32, #tpu.memory_space<hbm>>
      tpu.enqueue_dma source(%dma_start3A_66 : memref<40x128xi32, #tpu.memory_space<hbm>>) target(%arg8 : memref<40x128xi32, #tpu.memory_space<vmem>>) target_semaphore(%run_scoped3A : memref<!tpu.dma_semaphore, #tpu.memory_space<semaphore_mem>>)
      %dma_wait3A_67 = arith.constant 0 : i32
      %dma_wait3A_68 = tpu.memref_slice %arg3[%add3A_33, %dma_wait3A_67] : memref<1280x128xi32, #tpu.memory_space<hbm>> -> memref<40x128xi32, #tpu.memory_space<hbm>>
      %dma_wait3A_69 = arith.constant 0 : i32
      %dma_wait3A_70 = tpu.memref_slice %arg3[%add3A_33, %dma_wait3A_69] : memref<1280x128xi32, #tpu.memory_space<hbm>> -> memref<40x128xi32, #tpu.memory_space<hbm>>
      tpu.wait_dma2 semaphore(%run_scoped3A : memref<!tpu.dma_semaphore, #tpu.memory_space<semaphore_mem>>) src(%dma_wait3A_70 : memref<40x128xi32, #tpu.memory_space<hbm>>) dst(%arg8 : memref<40x128xi32, #tpu.memory_space<vmem>>)
      tpu.yield
    }) : () -> ()
    "tpu.region"() ({
      %run_scoped3A = tpu.sem_alloc : memref<!tpu.dma_semaphore, #tpu.memory_space<semaphore_mem>>
      %dma_start3A_63 = arith.constant 0 : i32
      %dma_start3A_64 = tpu.memref_slice %arg4[%add3A_33, %dma_start3A_63] : memref<1280x128xi32, #tpu.memory_space<hbm>> -> memref<40x128xi32, #tpu.memory_space<hbm>>
      %dma_start3A_65 = arith.constant 0 : i32
      %dma_start3A_66 = tpu.memref_slice %arg4[%add3A_33, %dma_start3A_65] : memref<1280x128xi32, #tpu.memory_space<hbm>> -> memref<40x128xi32, #tpu.memory_space<hbm>>
      tpu.enqueue_dma source(%dma_start3A_66 : memref<40x128xi32, #tpu.memory_space<hbm>>) target(%arg9 : memref<40x128xi32, #tpu.memory_space<vmem>>) target_semaphore(%run_scoped3A : memref<!tpu.dma_semaphore, #tpu.memory_space<semaphore_mem>>)
      %dma_wait3A_67 = arith.constant 0 : i32
      %dma_wait3A_68 = tpu.memref_slice %arg4[%add3A_33, %dma_wait3A_67] : memref<1280x128xi32, #tpu.memory_space<hbm>> -> memref<40x128xi32, #tpu.memory_space<hbm>>
      %dma_wait3A_69 = arith.constant 0 : i32
      %dma_wait3A_70 = tpu.memref_slice %arg4[%add3A_33, %dma_wait3A_69] : memref<1280x128xi32, #tpu.memory_space<hbm>> -> memref<40x128xi32, #tpu.memory_space<hbm>>
      tpu.wait_dma2 semaphore(%run_scoped3A : memref<!tpu.dma_semaphore, #tpu.memory_space<semaphore_mem>>) src(%dma_wait3A_70 : memref<40x128xi32, #tpu.memory_space<hbm>>) dst(%arg9 : memref<40x128xi32, #tpu.memory_space<vmem>>)
      tpu.yield
    }) : () -> ()
    "tpu.region"() ({
      %run_scoped3A = tpu.sem_alloc : memref<!tpu.dma_semaphore, #tpu.memory_space<semaphore_mem>>
      %dma_start3A_63 = arith.constant 0 : i32
      %dma_start3A_64 = tpu.memref_slice %arg5[%add3A_33, %dma_start3A_63] : memref<1280x128xf32, #tpu.memory_space<hbm>> -> memref<40x128xf32, #tpu.memory_space<hbm>>
      %dma_start3A_65 = arith.constant 0 : i32
      %dma_start3A_66 = tpu.memref_slice %arg5[%add3A_33, %dma_start3A_65] : memref<1280x128xf32, #tpu.memory_space<hbm>> -> memref<40x128xf32, #tpu.memory_space<hbm>>
      tpu.enqueue_dma source(%dma_start3A_66 : memref<40x128xf32, #tpu.memory_space<hbm>>) target(%arg10 : memref<40x128xf32, #tpu.memory_space<vmem>>) target_semaphore(%run_scoped3A : memref<!tpu.dma_semaphore, #tpu.memory_space<semaphore_mem>>)
      %dma_wait3A_67 = arith.constant 0 : i32
      %dma_wait3A_68 = tpu.memref_slice %arg5[%add3A_33, %dma_wait3A_67] : memref<1280x128xf32, #tpu.memory_space<hbm>> -> memref<40x128xf32, #tpu.memory_space<hbm>>
      %dma_wait3A_69 = arith.constant 0 : i32
      %dma_wait3A_70 = tpu.memref_slice %arg5[%add3A_33, %dma_wait3A_69] : memref<1280x128xf32, #tpu.memory_space<hbm>> -> memref<40x128xf32, #tpu.memory_space<hbm>>
      tpu.wait_dma2 semaphore(%run_scoped3A : memref<!tpu.dma_semaphore, #tpu.memory_space<semaphore_mem>>) src(%dma_wait3A_70 : memref<40x128xf32, #tpu.memory_space<hbm>>) dst(%arg10 : memref<40x128xf32, #tpu.memory_space<vmem>>)
      tpu.yield
    }) : () -> ()
    %dma_start3A = arith.constant 0 : i32
    %dma_start3A_34 = arith.constant 0 : i32
    %dma_start3A_35 = tpu.memref_slice %arg8[%dma_start3A, %dma_start3A_34] : memref<40x128xi32, #tpu.memory_space<vmem>> -> memref<1x128xi32, #tpu.memory_space<vmem>>
    %dma_start3A_36 = tpu.memref_squeeze %dma_start3A_35 : memref<1x128xi32, #tpu.memory_space<vmem>> -> memref<128xi32, #tpu.memory_space<vmem>>
    %dma_start3A_37 = arith.constant 0 : i32
    %dma_start3A_38 = arith.constant 0 : i32
    %dma_start3A_39 = tpu.memref_slice %arg2[%dma_start3A_37, %dma_start3A_38] : memref<10000x64xf32, #tpu.memory_space<hbm>> -> memref<10000x64xf32, #tpu.memory_space<hbm>>
    tpu.enqueue_indirect_dma source(%dma_start3A_39 : memref<10000x64xf32, #tpu.memory_space<hbm>>) target(%arg12 : memref<128x64xf32, #tpu.memory_space<vmem>>) offsets(%dma_start3A_36 : memref<128xi32, #tpu.memory_space<vmem>>) semaphore(%arg16 : memref<!tpu.dma_semaphore, #tpu.memory_space<semaphore_mem>>)
    %scan3A_40 = arith.constant 0 : i32
    %scan3A_41 = arith.constant 0 : i32
    %scan3A_42 = arith.constant 20 : i32
    %scan3A_43 = arith.addi %scan3A_41, %scan3A_42 : i32
    %scan3A_44 = arith.constant 1 : i32
    scf.for %scan3A_63 = %scan3A_41 to %scan3A_43 step %scan3A_44  : i32 {
      %mul3A_64 = arith.constant 2 : i32
      %mul3A_65 = arith.muli %mul3A_64, %scan3A_63 : i32
      %add3A_66 = arith.constant 0 : i32
      %add3A_67 = arith.addi %mul3A_65, %add3A_66 : i32
      %add3A_68 = arith.constant 1 : i32
      %add3A_69 = arith.addi %add3A_67, %add3A_68 : i32
      %lt3A = arith.constant 40 : i32
      %lt3A_70 = arith.cmpi slt, %add3A_69, %lt3A : i32
      %convert_element_type3A = arith.extui %lt3A_70 : i1 to i32
      %cond3A = arith.constant 0 : i32
      %cond3A_71 = arith.cmpi ne, %convert_element_type3A, %cond3A : i32
      scf.if %cond3A_71 {
        %ge3A = arith.constant 1 : i32
        %ge3A_351 = arith.cmpi sge, %add3A_67, %ge3A : i32
        %convert_element_type3A_352 = arith.extui %ge3A_351 : i1 to i32
        %cond3A_353 = arith.constant 0 : i32
        %cond3A_354 = arith.cmpi ne, %convert_element_type3A_352, %cond3A_353 : i32
        scf.if %cond3A_354 {
          %dma_wait3A_363 = arith.constant 0 : i32
          %dma_wait3A_364 = arith.constant 0 : i32
          %dma_wait3A_365 = tpu.memref_slice %arg9[%dma_wait3A_363, %dma_wait3A_364] : memref<40x128xi32, #tpu.memory_space<vmem>> -> memref<1x128xi32, #tpu.memory_space<vmem>>
          %dma_wait3A_366 = tpu.memref_squeeze %dma_wait3A_365 : memref<1x128xi32, #tpu.memory_space<vmem>> -> memref<128xi32, #tpu.memory_space<vmem>>
          %dma_wait3A_367 = arith.constant 0 : i32
          %dma_wait3A_368 = arith.constant 0 : i32
          %dma_wait3A_369 = tpu.memref_slice %arg15[%dma_wait3A_367, %dma_wait3A_368] : memref<10240x64xf32, #tpu.memory_space<vmem_shared>> -> memref<10240x64xf32, #tpu.memory_space<vmem_shared>>
          tpu.wait_indirect_dma semaphore(%arg19 : memref<!tpu.dma_semaphore, #tpu.memory_space<semaphore_mem>>) src(%arg13 : memref<128x64xf32, #tpu.memory_space<vmem>>) dst(%dma_wait3A_369 : memref<10240x64xf32, #tpu.memory_space<vmem_shared>>)
        } else {
        }
        %add3A_355 = arith.constant 1 : i32
        %add3A_356 = arith.addi %add3A_67, %add3A_355 : i32
        %dma_start3A_357 = arith.constant 0 : i32
        %dma_start3A_358 = tpu.memref_slice %arg8[%add3A_356, %dma_start3A_357] : memref<40x128xi32, #tpu.memory_space<vmem>> -> memref<1x128xi32, #tpu.memory_space<vmem>>
        %dma_start3A_359 = tpu.memref_squeeze %dma_start3A_358 : memref<1x128xi32, #tpu.memory_space<vmem>> -> memref<128xi32, #tpu.memory_space<vmem>>
        %dma_start3A_360 = arith.constant 0 : i32
        %dma_start3A_361 = arith.constant 0 : i32
        %dma_start3A_362 = tpu.memref_slice %arg2[%dma_start3A_360, %dma_start3A_361] : memref<10000x64xf32, #tpu.memory_space<hbm>> -> memref<10000x64xf32, #tpu.memory_space<hbm>>
        tpu.enqueue_indirect_dma source(%dma_start3A_362 : memref<10000x64xf32, #tpu.memory_space<hbm>>) target(%arg13 : memref<128x64xf32, #tpu.memory_space<vmem>>) offsets(%dma_start3A_359 : memref<128xi32, #tpu.memory_space<vmem>>) semaphore(%arg17 : memref<!tpu.dma_semaphore, #tpu.memory_space<semaphore_mem>>)
      } else {
      }
      %dma_wait3A_72 = arith.constant 0 : i32
      %dma_wait3A_73 = arith.constant 0 : i32
      %dma_wait3A_74 = tpu.memref_slice %arg8[%dma_wait3A_72, %dma_wait3A_73] : memref<40x128xi32, #tpu.memory_space<vmem>> -> memref<1x128xi32, #tpu.memory_space<vmem>>
      %dma_wait3A_75 = tpu.memref_squeeze %dma_wait3A_74 : memref<1x128xi32, #tpu.memory_space<vmem>> -> memref<128xi32, #tpu.memory_space<vmem>>
      %dma_wait3A_76 = arith.constant 0 : i32
      %dma_wait3A_77 = arith.constant 0 : i32
      %dma_wait3A_78 = tpu.memref_slice %arg2[%dma_wait3A_76, %dma_wait3A_77] : memref<10000x64xf32, #tpu.memory_space<hbm>> -> memref<10000x64xf32, #tpu.memory_space<hbm>>
      tpu.wait_indirect_dma semaphore(%arg16 : memref<!tpu.dma_semaphore, #tpu.memory_space<semaphore_mem>>) src(%dma_wait3A_78 : memref<10000x64xf32, #tpu.memory_space<hbm>>) dst(%arg12 : memref<128x64xf32, #tpu.memory_space<vmem>>)
      %get3A = arith.index_cast %add3A_67 : i32 to index
      %get3A_79 = arith.constant 0 : index
      %get3A_80 = tpu.vector_load %arg8[%get3A, %get3A_79] {strides = array<i32>} : memref<40x128xi32, #tpu.memory_space<vmem>>, vector<16xi32>,
      %get3A_81 = arith.index_cast %add3A_67 : i32 to index
      %get3A_82 = arith.constant 0 : index
      %get3A_83 = tpu.vector_load %arg9[%get3A_81, %get3A_82] {strides = array<i32>} : memref<40x128xi32, #tpu.memory_space<vmem>>, vector<16xi32>,
      %get3A_84 = arith.index_cast %add3A_67 : i32 to index
      %get3A_85 = arith.constant 0 : index
      %get3A_86 = tpu.vector_load %arg10[%get3A_84, %get3A_85] {strides = array<i32>} : memref<40x128xf32, #tpu.memory_space<vmem>>, vector<16xf32>,
      %gather3A = tpu.vector_load_idx %arg14[%get3A_80] : memref<10000xf32, #tpu.memory_space<vmem>>[vector<16xi32>], vector<16xf32>,
      %mul3A_87 = arith.mulf %gather3A, %get3A_86 : vector<16xf32>
      %gather3A_88 = tpu.vector_load_idx %arg14[%get3A_83] : memref<10000xf32, #tpu.memory_space<vmem>>[vector<16xi32>], vector<16xf32>,
      %mul3A_89 = arith.mulf %mul3A_87, %gather3A_88 : vector<16xf32>
      %swap3A = arith.constant 0 : index
      %swap3A_90 = tpu.vector_load %arg11[%swap3A] {strides = array<i32>} : memref<128xf32, #tpu.memory_space<vmem>>, vector<16xf32>,
      tpu.vector_store %arg11[%swap3A], %mul3A_89 {strides = array<i32>} : memref<128xf32, #tpu.memory_space<vmem>>, vector<16xf32>,
      %get3A_91 = arith.index_cast %add3A_67 : i32 to index
      %get3A_92 = arith.constant 16 : index
      %get3A_93 = tpu.vector_load %arg8[%get3A_91, %get3A_92] {strides = array<i32>} : memref<40x128xi32, #tpu.memory_space<vmem>>, vector<16xi32>,
      %get3A_94 = arith.index_cast %add3A_67 : i32 to index
      %get3A_95 = arith.constant 16 : index
      %get3A_96 = tpu.vector_load %arg9[%get3A_94, %get3A_95] {strides = array<i32>} : memref<40x128xi32, #tpu.memory_space<vmem>>, vector<16xi32>,
      %get3A_97 = arith.index_cast %add3A_67 : i32 to index
      %get3A_98 = arith.constant 16 : index
      %get3A_99 = tpu.vector_load %arg10[%get3A_97, %get3A_98] {strides = array<i32>} : memref<40x128xf32, #tpu.memory_space<vmem>>, vector<16xf32>,
      %gather3A_100 = tpu.vector_load_idx %arg14[%get3A_93] : memref<10000xf32, #tpu.memory_space<vmem>>[vector<16xi32>], vector<16xf32>,
      %mul3A_101 = arith.mulf %gather3A_100, %get3A_99 : vector<16xf32>
      %gather3A_102 = tpu.vector_load_idx %arg14[%get3A_96] : memref<10000xf32, #tpu.memory_space<vmem>>[vector<16xi32>], vector<16xf32>,
      %mul3A_103 = arith.mulf %mul3A_101, %gather3A_102 : vector<16xf32>
      %swap3A_104 = arith.constant 16 : index
      %swap3A_105 = tpu.vector_load %arg11[%swap3A_104] {strides = array<i32>} : memref<128xf32, #tpu.memory_space<vmem>>, vector<16xf32>,
      tpu.vector_store %arg11[%swap3A_104], %mul3A_103 {strides = array<i32>} : memref<128xf32, #tpu.memory_space<vmem>>, vector<16xf32>,
      %get3A_106 = arith.index_cast %add3A_67 : i32 to index
      %get3A_107 = arith.constant 32 : index
      %get3A_108 = tpu.vector_load %arg8[%get3A_106, %get3A_107] {strides = array<i32>} : memref<40x128xi32, #tpu.memory_space<vmem>>, vector<16xi32>,
      %get3A_109 = arith.index_cast %add3A_67 : i32 to index
      %get3A_110 = arith.constant 32 : index
      %get3A_111 = tpu.vector_load %arg9[%get3A_109, %get3A_110] {strides = array<i32>} : memref<40x128xi32, #tpu.memory_space<vmem>>, vector<16xi32>,
      %get3A_112 = arith.index_cast %add3A_67 : i32 to index
      %get3A_113 = arith.constant 32 : index
      %get3A_114 = tpu.vector_load %arg10[%get3A_112, %get3A_113] {strides = array<i32>} : memref<40x128xf32, #tpu.memory_space<vmem>>, vector<16xf32>,
      %gather3A_115 = tpu.vector_load_idx %arg14[%get3A_108] : memref<10000xf32, #tpu.memory_space<vmem>>[vector<16xi32>], vector<16xf32>,
      %mul3A_116 = arith.mulf %gather3A_115, %get3A_114 : vector<16xf32>
      %gather3A_117 = tpu.vector_load_idx %arg14[%get3A_111] : memref<10000xf32, #tpu.memory_space<vmem>>[vector<16xi32>], vector<16xf32>,
      %mul3A_118 = arith.mulf %mul3A_116, %gather3A_117 : vector<16xf32>
      %swap3A_119 = arith.constant 32 : index
      %swap3A_120 = tpu.vector_load %arg11[%swap3A_119] {strides = array<i32>} : memref<128xf32, #tpu.memory_space<vmem>>, vector<16xf32>,
      tpu.vector_store %arg11[%swap3A_119], %mul3A_118 {strides = array<i32>} : memref<128xf32, #tpu.memory_space<vmem>>, vector<16xf32>,
      %get3A_121 = arith.index_cast %add3A_67 : i32 to index
      %get3A_122 = arith.constant 48 : index
      %get3A_123 = tpu.vector_load %arg8[%get3A_121, %get3A_122] {strides = array<i32>} : memref<40x128xi32, #tpu.memory_space<vmem>>, vector<16xi32>,
      %get3A_124 = arith.index_cast %add3A_67 : i32 to index
      %get3A_125 = arith.constant 48 : index
      %get3A_126 = tpu.vector_load %arg9[%get3A_124, %get3A_125] {strides = array<i32>} : memref<40x128xi32, #tpu.memory_space<vmem>>, vector<16xi32>,
      %get3A_127 = arith.index_cast %add3A_67 : i32 to index
      %get3A_128 = arith.constant 48 : index
      %get3A_129 = tpu.vector_load %arg10[%get3A_127, %get3A_128] {strides = array<i32>} : memref<40x128xf32, #tpu.memory_space<vmem>>, vector<16xf32>,
      %gather3A_130 = tpu.vector_load_idx %arg14[%get3A_123] : memref<10000xf32, #tpu.memory_space<vmem>>[vector<16xi32>], vector<16xf32>,
      %mul3A_131 = arith.mulf %gather3A_130, %get3A_129 : vector<16xf32>
      %gather3A_132 = tpu.vector_load_idx %arg14[%get3A_126] : memref<10000xf32, #tpu.memory_space<vmem>>[vector<16xi32>], vector<16xf32>,
      %mul3A_133 = arith.mulf %mul3A_131, %gather3A_132 : vector<16xf32>
      %swap3A_134 = arith.constant 48 : index
      %swap3A_135 = tpu.vector_load %arg11[%swap3A_134] {strides = array<i32>} : memref<128xf32, #tpu.memory_space<vmem>>, vector<16xf32>,
      tpu.vector_store %arg11[%swap3A_134], %mul3A_133 {strides = array<i32>} : memref<128xf32, #tpu.memory_space<vmem>>, vector<16xf32>,
      %get3A_136 = arith.index_cast %add3A_67 : i32 to index
      %get3A_137 = arith.constant 64 : index
      %get3A_138 = tpu.vector_load %arg8[%get3A_136, %get3A_137] {strides = array<i32>} : memref<40x128xi32, #tpu.memory_space<vmem>>, vector<16xi32>,
      %get3A_139 = arith.index_cast %add3A_67 : i32 to index
      %get3A_140 = arith.constant 64 : index
      %get3A_141 = tpu.vector_load %arg9[%get3A_139, %get3A_140] {strides = array<i32>} : memref<40x128xi32, #tpu.memory_space<vmem>>, vector<16xi32>,
      %get3A_142 = arith.index_cast %add3A_67 : i32 to index
      %get3A_143 = arith.constant 64 : index
      %get3A_144 = tpu.vector_load %arg10[%get3A_142, %get3A_143] {strides = array<i32>} : memref<40x128xf32, #tpu.memory_space<vmem>>, vector<16xf32>,
      %gather3A_145 = tpu.vector_load_idx %arg14[%get3A_138] : memref<10000xf32, #tpu.memory_space<vmem>>[vector<16xi32>], vector<16xf32>,
      %mul3A_146 = arith.mulf %gather3A_145, %get3A_144 : vector<16xf32>
      %gather3A_147 = tpu.vector_load_idx %arg14[%get3A_141] : memref<10000xf32, #tpu.memory_space<vmem>>[vector<16xi32>], vector<16xf32>,
      %mul3A_148 = arith.mulf %mul3A_146, %gather3A_147 : vector<16xf32>
      %swap3A_149 = arith.constant 64 : index
      %swap3A_150 = tpu.vector_load %arg11[%swap3A_149] {strides = array<i32>} : memref<128xf32, #tpu.memory_space<vmem>>, vector<16xf32>,
      tpu.vector_store %arg11[%swap3A_149], %mul3A_148 {strides = array<i32>} : memref<128xf32, #tpu.memory_space<vmem>>, vector<16xf32>,
      %get3A_151 = arith.index_cast %add3A_67 : i32 to index
      %get3A_152 = arith.constant 80 : index
      %get3A_153 = tpu.vector_load %arg8[%get3A_151, %get3A_152] {strides = array<i32>} : memref<40x128xi32, #tpu.memory_space<vmem>>, vector<16xi32>,
      %get3A_154 = arith.index_cast %add3A_67 : i32 to index
      %get3A_155 = arith.constant 80 : index
      %get3A_156 = tpu.vector_load %arg9[%get3A_154, %get3A_155] {strides = array<i32>} : memref<40x128xi32, #tpu.memory_space<vmem>>, vector<16xi32>,
      %get3A_157 = arith.index_cast %add3A_67 : i32 to index
      %get3A_158 = arith.constant 80 : index
      %get3A_159 = tpu.vector_load %arg10[%get3A_157, %get3A_158] {strides = array<i32>} : memref<40x128xf32, #tpu.memory_space<vmem>>, vector<16xf32>,
      %gather3A_160 = tpu.vector_load_idx %arg14[%get3A_153] : memref<10000xf32, #tpu.memory_space<vmem>>[vector<16xi32>], vector<16xf32>,
      %mul3A_161 = arith.mulf %gather3A_160, %get3A_159 : vector<16xf32>
      %gather3A_162 = tpu.vector_load_idx %arg14[%get3A_156] : memref<10000xf32, #tpu.memory_space<vmem>>[vector<16xi32>], vector<16xf32>,
      %mul3A_163 = arith.mulf %mul3A_161, %gather3A_162 : vector<16xf32>
      %swap3A_164 = arith.constant 80 : index
      %swap3A_165 = tpu.vector_load %arg11[%swap3A_164] {strides = array<i32>} : memref<128xf32, #tpu.memory_space<vmem>>, vector<16xf32>,
      tpu.vector_store %arg11[%swap3A_164], %mul3A_163 {strides = array<i32>} : memref<128xf32, #tpu.memory_space<vmem>>, vector<16xf32>,
      %get3A_166 = arith.index_cast %add3A_67 : i32 to index
      %get3A_167 = arith.constant 96 : index
      %get3A_168 = tpu.vector_load %arg8[%get3A_166, %get3A_167] {strides = array<i32>} : memref<40x128xi32, #tpu.memory_space<vmem>>, vector<16xi32>,
      %get3A_169 = arith.index_cast %add3A_67 : i32 to index
      %get3A_170 = arith.constant 96 : index
      %get3A_171 = tpu.vector_load %arg9[%get3A_169, %get3A_170] {strides = array<i32>} : memref<40x128xi32, #tpu.memory_space<vmem>>, vector<16xi32>,
      %get3A_172 = arith.index_cast %add3A_67 : i32 to index
      %get3A_173 = arith.constant 96 : index
      %get3A_174 = tpu.vector_load %arg10[%get3A_172, %get3A_173] {strides = array<i32>} : memref<40x128xf32, #tpu.memory_space<vmem>>, vector<16xf32>,
      %gather3A_175 = tpu.vector_load_idx %arg14[%get3A_168] : memref<10000xf32, #tpu.memory_space<vmem>>[vector<16xi32>], vector<16xf32>,
      %mul3A_176 = arith.mulf %gather3A_175, %get3A_174 : vector<16xf32>
      %gather3A_177 = tpu.vector_load_idx %arg14[%get3A_171] : memref<10000xf32, #tpu.memory_space<vmem>>[vector<16xi32>], vector<16xf32>,
      %mul3A_178 = arith.mulf %mul3A_176, %gather3A_177 : vector<16xf32>
      %swap3A_179 = arith.constant 96 : index
      %swap3A_180 = tpu.vector_load %arg11[%swap3A_179] {strides = array<i32>} : memref<128xf32, #tpu.memory_space<vmem>>, vector<16xf32>,
      tpu.vector_store %arg11[%swap3A_179], %mul3A_178 {strides = array<i32>} : memref<128xf32, #tpu.memory_space<vmem>>, vector<16xf32>,
      %get3A_181 = arith.index_cast %add3A_67 : i32 to index
      %get3A_182 = arith.constant 112 : index
      %get3A_183 = tpu.vector_load %arg8[%get3A_181, %get3A_182] {strides = array<i32>} : memref<40x128xi32, #tpu.memory_space<vmem>>, vector<16xi32>,
      %get3A_184 = arith.index_cast %add3A_67 : i32 to index
      %get3A_185 = arith.constant 112 : index
      %get3A_186 = tpu.vector_load %arg9[%get3A_184, %get3A_185] {strides = array<i32>} : memref<40x128xi32, #tpu.memory_space<vmem>>, vector<16xi32>,
      %get3A_187 = arith.index_cast %add3A_67 : i32 to index
      %get3A_188 = arith.constant 112 : index
      %get3A_189 = tpu.vector_load %arg10[%get3A_187, %get3A_188] {strides = array<i32>} : memref<40x128xf32, #tpu.memory_space<vmem>>, vector<16xf32>,
      %gather3A_190 = tpu.vector_load_idx %arg14[%get3A_183] : memref<10000xf32, #tpu.memory_space<vmem>>[vector<16xi32>], vector<16xf32>,
      %mul3A_191 = arith.mulf %gather3A_190, %get3A_189 : vector<16xf32>
      %gather3A_192 = tpu.vector_load_idx %arg14[%get3A_186] : memref<10000xf32, #tpu.memory_space<vmem>>[vector<16xi32>], vector<16xf32>,
      %mul3A_193 = arith.mulf %mul3A_191, %gather3A_192 : vector<16xf32>
      %swap3A_194 = arith.constant 112 : index
      %swap3A_195 = tpu.vector_load %arg11[%swap3A_194] {strides = array<i32>} : memref<128xf32, #tpu.memory_space<vmem>>, vector<16xf32>,
      tpu.vector_store %arg11[%swap3A_194], %mul3A_193 {strides = array<i32>} : memref<128xf32, #tpu.memory_space<vmem>>, vector<16xf32>,
      %parallel_loop3A = arith.constant 0 : i32
      %parallel_loop3A_196 = arith.constant 128 : i32
      %parallel_loop3A_197 = arith.constant 1 : i32
      scf.for %parallel_loop3A_351 = %parallel_loop3A to %parallel_loop3A_196 step %parallel_loop3A_197  : i32 {
        %parallel_loop3A_352 = arith.constant 0 : i32
        %parallel_loop3A_353 = vector.broadcast %parallel_loop3A_352 : i32 to vector<16xi32>
        %parallel_loop3A_354 = vector.broadcast %parallel_loop3A_351 : i32 to vector<16xi32>
        %parallel_loop3A_355 = arith.addi %parallel_loop3A_353, %parallel_loop3A_354 : vector<16xi32>
        %parallel_loop3A_356 = tpu.vector_load_idx %arg11[%parallel_loop3A_355] : memref<128xf32, #tpu.memory_space<vmem>>[vector<16xi32>], vector<16xf32>,
        %parallel_loop3A_357 = arith.index_cast %parallel_loop3A_351 : i32 to index
        %parallel_loop3A_358 = arith.constant 0 : index
        %parallel_loop3A_359 = tpu.vector_load %arg12[%parallel_loop3A_357, %parallel_loop3A_358] {strides = array<i32>} : memref<128x64xf32, #tpu.memory_space<vmem>>, vector<16xf32>,
        %parallel_loop3A_360 = arith.mulf %parallel_loop3A_359, %parallel_loop3A_356 : vector<16xf32>
        %parallel_loop3A_361 = arith.index_cast %parallel_loop3A_351 : i32 to index
        %parallel_loop3A_362 = arith.constant 0 : index
        %parallel_loop3A_363 = tpu.vector_load %arg12[%parallel_loop3A_361, %parallel_loop3A_362] {strides = array<i32>} : memref<128x64xf32, #tpu.memory_space<vmem>>, vector<16xf32>,
        tpu.vector_store %arg12[%parallel_loop3A_361, %parallel_loop3A_362], %parallel_loop3A_360 {strides = array<i32>} : memref<128x64xf32, #tpu.memory_space<vmem>>, vector<16xf32>,
        %parallel_loop3A_364 = arith.index_cast %parallel_loop3A_351 : i32 to index
        %parallel_loop3A_365 = arith.constant 16 : index
        %parallel_loop3A_366 = tpu.vector_load %arg12[%parallel_loop3A_364, %parallel_loop3A_365] {strides = array<i32>} : memref<128x64xf32, #tpu.memory_space<vmem>>, vector<16xf32>,
        %parallel_loop3A_367 = arith.mulf %parallel_loop3A_366, %parallel_loop3A_356 : vector<16xf32>
        %parallel_loop3A_368 = arith.index_cast %parallel_loop3A_351 : i32 to index
        %parallel_loop3A_369 = arith.constant 16 : index
        %parallel_loop3A_370 = tpu.vector_load %arg12[%parallel_loop3A_368, %parallel_loop3A_369] {strides = array<i32>} : memref<128x64xf32, #tpu.memory_space<vmem>>, vector<16xf32>,
        tpu.vector_store %arg12[%parallel_loop3A_368, %parallel_loop3A_369], %parallel_loop3A_367 {strides = array<i32>} : memref<128x64xf32, #tpu.memory_space<vmem>>, vector<16xf32>,
        %parallel_loop3A_371 = arith.index_cast %parallel_loop3A_351 : i32 to index
        %parallel_loop3A_372 = arith.constant 32 : index
        %parallel_loop3A_373 = tpu.vector_load %arg12[%parallel_loop3A_371, %parallel_loop3A_372] {strides = array<i32>} : memref<128x64xf32, #tpu.memory_space<vmem>>, vector<16xf32>,
        %parallel_loop3A_374 = arith.mulf %parallel_loop3A_373, %parallel_loop3A_356 : vector<16xf32>
        %parallel_loop3A_375 = arith.index_cast %parallel_loop3A_351 : i32 to index
        %parallel_loop3A_376 = arith.constant 32 : index
        %parallel_loop3A_377 = tpu.vector_load %arg12[%parallel_loop3A_375, %parallel_loop3A_376] {strides = array<i32>} : memref<128x64xf32, #tpu.memory_space<vmem>>, vector<16xf32>,
        tpu.vector_store %arg12[%parallel_loop3A_375, %parallel_loop3A_376], %parallel_loop3A_374 {strides = array<i32>} : memref<128x64xf32, #tpu.memory_space<vmem>>, vector<16xf32>,
        %parallel_loop3A_378 = arith.index_cast %parallel_loop3A_351 : i32 to index
        %parallel_loop3A_379 = arith.constant 48 : index
        %parallel_loop3A_380 = tpu.vector_load %arg12[%parallel_loop3A_378, %parallel_loop3A_379] {strides = array<i32>} : memref<128x64xf32, #tpu.memory_space<vmem>>, vector<16xf32>,
        %parallel_loop3A_381 = arith.mulf %parallel_loop3A_380, %parallel_loop3A_356 : vector<16xf32>
        %parallel_loop3A_382 = arith.index_cast %parallel_loop3A_351 : i32 to index
        %parallel_loop3A_383 = arith.constant 48 : index
        %parallel_loop3A_384 = tpu.vector_load %arg12[%parallel_loop3A_382, %parallel_loop3A_383] {strides = array<i32>} : memref<128x64xf32, #tpu.memory_space<vmem>>, vector<16xf32>,
        tpu.vector_store %arg12[%parallel_loop3A_382, %parallel_loop3A_383], %parallel_loop3A_381 {strides = array<i32>} : memref<128x64xf32, #tpu.memory_space<vmem>>, vector<16xf32>,
      } {sc.loop_unroll_factor = 4 : i64, sc.parallel_access}
      %dma_start3A_198 = arith.constant 0 : i32
      %dma_start3A_199 = tpu.memref_slice %arg9[%add3A_67, %dma_start3A_198] : memref<40x128xi32, #tpu.memory_space<vmem>> -> memref<1x128xi32, #tpu.memory_space<vmem>>
      %dma_start3A_200 = tpu.memref_squeeze %dma_start3A_199 : memref<1x128xi32, #tpu.memory_space<vmem>> -> memref<128xi32, #tpu.memory_space<vmem>>
      %dma_start3A_201 = arith.constant 0 : i32
      %dma_start3A_202 = arith.constant 0 : i32
      %dma_start3A_203 = tpu.memref_slice %arg15[%dma_start3A_201, %dma_start3A_202] : memref<10240x64xf32, #tpu.memory_space<vmem_shared>> -> memref<10240x64xf32, #tpu.memory_space<vmem_shared>>
      tpu.enqueue_indirect_dma source(%arg12 : memref<128x64xf32, #tpu.memory_space<vmem>>) target(%dma_start3A_203 : memref<10240x64xf32, #tpu.memory_space<vmem_shared>>) offsets(%dma_start3A_200 : memref<128xi32, #tpu.memory_space<vmem>>) semaphore(%arg18 : memref<!tpu.dma_semaphore, #tpu.memory_space<semaphore_mem>>) {add = true}
      %mul3A_204 = arith.constant 2 : i32
      %mul3A_205 = arith.muli %mul3A_204, %scan3A_63 : i32
      %add3A_206 = arith.constant 1 : i32
      %add3A_207 = arith.addi %mul3A_205, %add3A_206 : i32
      %add3A_208 = arith.constant 1 : i32
      %add3A_209 = arith.addi %add3A_207, %add3A_208 : i32
      %lt3A_210 = arith.constant 40 : i32
      %lt3A_211 = arith.cmpi slt, %add3A_209, %lt3A_210 : i32
      %convert_element_type3A_212 = arith.extui %lt3A_211 : i1 to i32
      %cond3A_213 = arith.constant 0 : i32
      %cond3A_214 = arith.cmpi ne, %convert_element_type3A_212, %cond3A_213 : i32
      scf.if %cond3A_214 {
        %ge3A = arith.constant 1 : i32
        %ge3A_351 = arith.cmpi sge, %add3A_207, %ge3A : i32
        %convert_element_type3A_352 = arith.extui %ge3A_351 : i1 to i32
        %cond3A_353 = arith.constant 0 : i32
        %cond3A_354 = arith.cmpi ne, %convert_element_type3A_352, %cond3A_353 : i32
        scf.if %cond3A_354 {
          %dma_wait3A_363 = arith.constant 0 : i32
          %dma_wait3A_364 = arith.constant 0 : i32
          %dma_wait3A_365 = tpu.memref_slice %arg9[%dma_wait3A_363, %dma_wait3A_364] : memref<40x128xi32, #tpu.memory_space<vmem>> -> memref<1x128xi32, #tpu.memory_space<vmem>>
          %dma_wait3A_366 = tpu.memref_squeeze %dma_wait3A_365 : memref<1x128xi32, #tpu.memory_space<vmem>> -> memref<128xi32, #tpu.memory_space<vmem>>
          %dma_wait3A_367 = arith.constant 0 : i32
          %dma_wait3A_368 = arith.constant 0 : i32
          %dma_wait3A_369 = tpu.memref_slice %arg15[%dma_wait3A_367, %dma_wait3A_368] : memref<10240x64xf32, #tpu.memory_space<vmem_shared>> -> memref<10240x64xf32, #tpu.memory_space<vmem_shared>>
          tpu.wait_indirect_dma semaphore(%arg18 : memref<!tpu.dma_semaphore, #tpu.memory_space<semaphore_mem>>) src(%arg12 : memref<128x64xf32, #tpu.memory_space<vmem>>) dst(%dma_wait3A_369 : memref<10240x64xf32, #tpu.memory_space<vmem_shared>>)
        } else {
        }
        %add3A_355 = arith.constant 1 : i32
        %add3A_356 = arith.addi %add3A_207, %add3A_355 : i32
        %dma_start3A_357 = arith.constant 0 : i32
        %dma_start3A_358 = tpu.memref_slice %arg8[%add3A_356, %dma_start3A_357] : memref<40x128xi32, #tpu.memory_space<vmem>> -> memref<1x128xi32, #tpu.memory_space<vmem>>
        %dma_start3A_359 = tpu.memref_squeeze %dma_start3A_358 : memref<1x128xi32, #tpu.memory_space<vmem>> -> memref<128xi32, #tpu.memory_space<vmem>>
        %dma_start3A_360 = arith.constant 0 : i32
        %dma_start3A_361 = arith.constant 0 : i32
        %dma_start3A_362 = tpu.memref_slice %arg2[%dma_start3A_360, %dma_start3A_361] : memref<10000x64xf32, #tpu.memory_space<hbm>> -> memref<10000x64xf32, #tpu.memory_space<hbm>>
        tpu.enqueue_indirect_dma source(%dma_start3A_362 : memref<10000x64xf32, #tpu.memory_space<hbm>>) target(%arg12 : memref<128x64xf32, #tpu.memory_space<vmem>>) offsets(%dma_start3A_359 : memref<128xi32, #tpu.memory_space<vmem>>) semaphore(%arg16 : memref<!tpu.dma_semaphore, #tpu.memory_space<semaphore_mem>>)
      } else {
      }
      %dma_wait3A_215 = arith.constant 0 : i32
      %dma_wait3A_216 = arith.constant 0 : i32
      %dma_wait3A_217 = tpu.memref_slice %arg8[%dma_wait3A_215, %dma_wait3A_216] : memref<40x128xi32, #tpu.memory_space<vmem>> -> memref<1x128xi32, #tpu.memory_space<vmem>>
      %dma_wait3A_218 = tpu.memref_squeeze %dma_wait3A_217 : memref<1x128xi32, #tpu.memory_space<vmem>> -> memref<128xi32, #tpu.memory_space<vmem>>
      %dma_wait3A_219 = arith.constant 0 : i32
      %dma_wait3A_220 = arith.constant 0 : i32
      %dma_wait3A_221 = tpu.memref_slice %arg2[%dma_wait3A_219, %dma_wait3A_220] : memref<10000x64xf32, #tpu.memory_space<hbm>> -> memref<10000x64xf32, #tpu.memory_space<hbm>>
      tpu.wait_indirect_dma semaphore(%arg17 : memref<!tpu.dma_semaphore, #tpu.memory_space<semaphore_mem>>) src(%dma_wait3A_221 : memref<10000x64xf32, #tpu.memory_space<hbm>>) dst(%arg13 : memref<128x64xf32, #tpu.memory_space<vmem>>)
      %get3A_222 = arith.index_cast %add3A_207 : i32 to index
      %get3A_223 = arith.constant 0 : index
      %get3A_224 = tpu.vector_load %arg8[%get3A_222, %get3A_223] {strides = array<i32>} : memref<40x128xi32, #tpu.memory_space<vmem>>, vector<16xi32>,
      %get3A_225 = arith.index_cast %add3A_207 : i32 to index
      %get3A_226 = arith.constant 0 : index
      %get3A_227 = tpu.vector_load %arg9[%get3A_225, %get3A_226] {strides = array<i32>} : memref<40x128xi32, #tpu.memory_space<vmem>>, vector<16xi32>,
      %get3A_228 = arith.index_cast %add3A_207 : i32 to index
      %get3A_229 = arith.constant 0 : index
      %get3A_230 = tpu.vector_load %arg10[%get3A_228, %get3A_229] {strides = array<i32>} : memref<40x128xf32, #tpu.memory_space<vmem>>, vector<16xf32>,
      %gather3A_231 = tpu.vector_load_idx %arg14[%get3A_224] : memref<10000xf32, #tpu.memory_space<vmem>>[vector<16xi32>], vector<16xf32>,
      %mul3A_232 = arith.mulf %gather3A_231, %get3A_230 : vector<16xf32>
      %gather3A_233 = tpu.vector_load_idx %arg14[%get3A_227] : memref<10000xf32, #tpu.memory_space<vmem>>[vector<16xi32>], vector<16xf32>,
      %mul3A_234 = arith.mulf %mul3A_232, %gather3A_233 : vector<16xf32>
      %swap3A_235 = arith.constant 0 : index
      %swap3A_236 = tpu.vector_load %arg11[%swap3A_235] {strides = array<i32>} : memref<128xf32, #tpu.memory_space<vmem>>, vector<16xf32>,
      tpu.vector_store %arg11[%swap3A_235], %mul3A_234 {strides = array<i32>} : memref<128xf32, #tpu.memory_space<vmem>>, vector<16xf32>,
      %get3A_237 = arith.index_cast %add3A_207 : i32 to index
      %get3A_238 = arith.constant 16 : index
      %get3A_239 = tpu.vector_load %arg8[%get3A_237, %get3A_238] {strides = array<i32>} : memref<40x128xi32, #tpu.memory_space<vmem>>, vector<16xi32>,
      %get3A_240 = arith.index_cast %add3A_207 : i32 to index
      %get3A_241 = arith.constant 16 : index
      %get3A_242 = tpu.vector_load %arg9[%get3A_240, %get3A_241] {strides = array<i32>} : memref<40x128xi32, #tpu.memory_space<vmem>>, vector<16xi32>,
      %get3A_243 = arith.index_cast %add3A_207 : i32 to index
      %get3A_244 = arith.constant 16 : index
      %get3A_245 = tpu.vector_load %arg10[%get3A_243, %get3A_244] {strides = array<i32>} : memref<40x128xf32, #tpu.memory_space<vmem>>, vector<16xf32>,
      %gather3A_246 = tpu.vector_load_idx %arg14[%get3A_239] : memref<10000xf32, #tpu.memory_space<vmem>>[vector<16xi32>], vector<16xf32>,
      %mul3A_247 = arith.mulf %gather3A_246, %get3A_245 : vector<16xf32>
      %gather3A_248 = tpu.vector_load_idx %arg14[%get3A_242] : memref<10000xf32, #tpu.memory_space<vmem>>[vector<16xi32>], vector<16xf32>,
      %mul3A_249 = arith.mulf %mul3A_247, %gather3A_248 : vector<16xf32>
      %swap3A_250 = arith.constant 16 : index
      %swap3A_251 = tpu.vector_load %arg11[%swap3A_250] {strides = array<i32>} : memref<128xf32, #tpu.memory_space<vmem>>, vector<16xf32>,
      tpu.vector_store %arg11[%swap3A_250], %mul3A_249 {strides = array<i32>} : memref<128xf32, #tpu.memory_space<vmem>>, vector<16xf32>,
      %get3A_252 = arith.index_cast %add3A_207 : i32 to index
      %get3A_253 = arith.constant 32 : index
      %get3A_254 = tpu.vector_load %arg8[%get3A_252, %get3A_253] {strides = array<i32>} : memref<40x128xi32, #tpu.memory_space<vmem>>, vector<16xi32>,
      %get3A_255 = arith.index_cast %add3A_207 : i32 to index
      %get3A_256 = arith.constant 32 : index
      %get3A_257 = tpu.vector_load %arg9[%get3A_255, %get3A_256] {strides = array<i32>} : memref<40x128xi32, #tpu.memory_space<vmem>>, vector<16xi32>,
      %get3A_258 = arith.index_cast %add3A_207 : i32 to index
      %get3A_259 = arith.constant 32 : index
      %get3A_260 = tpu.vector_load %arg10[%get3A_258, %get3A_259] {strides = array<i32>} : memref<40x128xf32, #tpu.memory_space<vmem>>, vector<16xf32>,
      %gather3A_261 = tpu.vector_load_idx %arg14[%get3A_254] : memref<10000xf32, #tpu.memory_space<vmem>>[vector<16xi32>], vector<16xf32>,
      %mul3A_262 = arith.mulf %gather3A_261, %get3A_260 : vector<16xf32>
      %gather3A_263 = tpu.vector_load_idx %arg14[%get3A_257] : memref<10000xf32, #tpu.memory_space<vmem>>[vector<16xi32>], vector<16xf32>,
      %mul3A_264 = arith.mulf %mul3A_262, %gather3A_263 : vector<16xf32>
      %swap3A_265 = arith.constant 32 : index
      %swap3A_266 = tpu.vector_load %arg11[%swap3A_265] {strides = array<i32>} : memref<128xf32, #tpu.memory_space<vmem>>, vector<16xf32>,
      tpu.vector_store %arg11[%swap3A_265], %mul3A_264 {strides = array<i32>} : memref<128xf32, #tpu.memory_space<vmem>>, vector<16xf32>,
      %get3A_267 = arith.index_cast %add3A_207 : i32 to index
      %get3A_268 = arith.constant 48 : index
      %get3A_269 = tpu.vector_load %arg8[%get3A_267, %get3A_268] {strides = array<i32>} : memref<40x128xi32, #tpu.memory_space<vmem>>, vector<16xi32>,
      %get3A_270 = arith.index_cast %add3A_207 : i32 to index
      %get3A_271 = arith.constant 48 : index
      %get3A_272 = tpu.vector_load %arg9[%get3A_270, %get3A_271] {strides = array<i32>} : memref<40x128xi32, #tpu.memory_space<vmem>>, vector<16xi32>,
      %get3A_273 = arith.index_cast %add3A_207 : i32 to index
      %get3A_274 = arith.constant 48 : index
      %get3A_275 = tpu.vector_load %arg10[%get3A_273, %get3A_274] {strides = array<i32>} : memref<40x128xf32, #tpu.memory_space<vmem>>, vector<16xf32>,
      %gather3A_276 = tpu.vector_load_idx %arg14[%get3A_269] : memref<10000xf32, #tpu.memory_space<vmem>>[vector<16xi32>], vector<16xf32>,
      %mul3A_277 = arith.mulf %gather3A_276, %get3A_275 : vector<16xf32>
      %gather3A_278 = tpu.vector_load_idx %arg14[%get3A_272] : memref<10000xf32, #tpu.memory_space<vmem>>[vector<16xi32>], vector<16xf32>,
      %mul3A_279 = arith.mulf %mul3A_277, %gather3A_278 : vector<16xf32>
      %swap3A_280 = arith.constant 48 : index
      %swap3A_281 = tpu.vector_load %arg11[%swap3A_280] {strides = array<i32>} : memref<128xf32, #tpu.memory_space<vmem>>, vector<16xf32>,
      tpu.vector_store %arg11[%swap3A_280], %mul3A_279 {strides = array<i32>} : memref<128xf32, #tpu.memory_space<vmem>>, vector<16xf32>,
      %get3A_282 = arith.index_cast %add3A_207 : i32 to index
      %get3A_283 = arith.constant 64 : index
      %get3A_284 = tpu.vector_load %arg8[%get3A_282, %get3A_283] {strides = array<i32>} : memref<40x128xi32, #tpu.memory_space<vmem>>, vector<16xi32>,
      %get3A_285 = arith.index_cast %add3A_207 : i32 to index
      %get3A_286 = arith.constant 64 : index
      %get3A_287 = tpu.vector_load %arg9[%get3A_285, %get3A_286] {strides = array<i32>} : memref<40x128xi32, #tpu.memory_space<vmem>>, vector<16xi32>,
      %get3A_288 = arith.index_cast %add3A_207 : i32 to index
      %get3A_289 = arith.constant 64 : index
      %get3A_290 = tpu.vector_load %arg10[%get3A_288, %get3A_289] {strides = array<i32>} : memref<40x128xf32, #tpu.memory_space<vmem>>, vector<16xf32>,
      %gather3A_291 = tpu.vector_load_idx %arg14[%get3A_284] : memref<10000xf32, #tpu.memory_space<vmem>>[vector<16xi32>], vector<16xf32>,
      %mul3A_292 = arith.mulf %gather3A_291, %get3A_290 : vector<16xf32>
      %gather3A_293 = tpu.vector_load_idx %arg14[%get3A_287] : memref<10000xf32, #tpu.memory_space<vmem>>[vector<16xi32>], vector<16xf32>,
      %mul3A_294 = arith.mulf %mul3A_292, %gather3A_293 : vector<16xf32>
      %swap3A_295 = arith.constant 64 : index
      %swap3A_296 = tpu.vector_load %arg11[%swap3A_295] {strides = array<i32>} : memref<128xf32, #tpu.memory_space<vmem>>, vector<16xf32>,
      tpu.vector_store %arg11[%swap3A_295], %mul3A_294 {strides = array<i32>} : memref<128xf32, #tpu.memory_space<vmem>>, vector<16xf32>,
      %get3A_297 = arith.index_cast %add3A_207 : i32 to index
      %get3A_298 = arith.constant 80 : index
      %get3A_299 = tpu.vector_load %arg8[%get3A_297, %get3A_298] {strides = array<i32>} : memref<40x128xi32, #tpu.memory_space<vmem>>, vector<16xi32>,
      %get3A_300 = arith.index_cast %add3A_207 : i32 to index
      %get3A_301 = arith.constant 80 : index
      %get3A_302 = tpu.vector_load %arg9[%get3A_300, %get3A_301] {strides = array<i32>} : memref<40x128xi32, #tpu.memory_space<vmem>>, vector<16xi32>,
      %get3A_303 = arith.index_cast %add3A_207 : i32 to index
      %get3A_304 = arith.constant 80 : index
      %get3A_305 = tpu.vector_load %arg10[%get3A_303, %get3A_304] {strides = array<i32>} : memref<40x128xf32, #tpu.memory_space<vmem>>, vector<16xf32>,
      %gather3A_306 = tpu.vector_load_idx %arg14[%get3A_299] : memref<10000xf32, #tpu.memory_space<vmem>>[vector<16xi32>], vector<16xf32>,
      %mul3A_307 = arith.mulf %gather3A_306, %get3A_305 : vector<16xf32>
      %gather3A_308 = tpu.vector_load_idx %arg14[%get3A_302] : memref<10000xf32, #tpu.memory_space<vmem>>[vector<16xi32>], vector<16xf32>,
      %mul3A_309 = arith.mulf %mul3A_307, %gather3A_308 : vector<16xf32>
      %swap3A_310 = arith.constant 80 : index
      %swap3A_311 = tpu.vector_load %arg11[%swap3A_310] {strides = array<i32>} : memref<128xf32, #tpu.memory_space<vmem>>, vector<16xf32>,
      tpu.vector_store %arg11[%swap3A_310], %mul3A_309 {strides = array<i32>} : memref<128xf32, #tpu.memory_space<vmem>>, vector<16xf32>,
      %get3A_312 = arith.index_cast %add3A_207 : i32 to index
      %get3A_313 = arith.constant 96 : index
      %get3A_314 = tpu.vector_load %arg8[%get3A_312, %get3A_313] {strides = array<i32>} : memref<40x128xi32, #tpu.memory_space<vmem>>, vector<16xi32>,
      %get3A_315 = arith.index_cast %add3A_207 : i32 to index
      %get3A_316 = arith.constant 96 : index
      %get3A_317 = tpu.vector_load %arg9[%get3A_315, %get3A_316] {strides = array<i32>} : memref<40x128xi32, #tpu.memory_space<vmem>>, vector<16xi32>,
      %get3A_318 = arith.index_cast %add3A_207 : i32 to index
      %get3A_319 = arith.constant 96 : index
      %get3A_320 = tpu.vector_load %arg10[%get3A_318, %get3A_319] {strides = array<i32>} : memref<40x128xf32, #tpu.memory_space<vmem>>, vector<16xf32>,
      %gather3A_321 = tpu.vector_load_idx %arg14[%get3A_314] : memref<10000xf32, #tpu.memory_space<vmem>>[vector<16xi32>], vector<16xf32>,
      %mul3A_322 = arith.mulf %gather3A_321, %get3A_320 : vector<16xf32>
      %gather3A_323 = tpu.vector_load_idx %arg14[%get3A_317] : memref<10000xf32, #tpu.memory_space<vmem>>[vector<16xi32>], vector<16xf32>,
      %mul3A_324 = arith.mulf %mul3A_322, %gather3A_323 : vector<16xf32>
      %swap3A_325 = arith.constant 96 : index
      %swap3A_326 = tpu.vector_load %arg11[%swap3A_325] {strides = array<i32>} : memref<128xf32, #tpu.memory_space<vmem>>, vector<16xf32>,
      tpu.vector_store %arg11[%swap3A_325], %mul3A_324 {strides = array<i32>} : memref<128xf32, #tpu.memory_space<vmem>>, vector<16xf32>,
      %get3A_327 = arith.index_cast %add3A_207 : i32 to index
      %get3A_328 = arith.constant 112 : index
      %get3A_329 = tpu.vector_load %arg8[%get3A_327, %get3A_328] {strides = array<i32>} : memref<40x128xi32, #tpu.memory_space<vmem>>, vector<16xi32>,
      %get3A_330 = arith.index_cast %add3A_207 : i32 to index
      %get3A_331 = arith.constant 112 : index
      %get3A_332 = tpu.vector_load %arg9[%get3A_330, %get3A_331] {strides = array<i32>} : memref<40x128xi32, #tpu.memory_space<vmem>>, vector<16xi32>,
      %get3A_333 = arith.index_cast %add3A_207 : i32 to index
      %get3A_334 = arith.constant 112 : index
      %get3A_335 = tpu.vector_load %arg10[%get3A_333, %get3A_334] {strides = array<i32>} : memref<40x128xf32, #tpu.memory_space<vmem>>, vector<16xf32>,
      %gather3A_336 = tpu.vector_load_idx %arg14[%get3A_329] : memref<10000xf32, #tpu.memory_space<vmem>>[vector<16xi32>], vector<16xf32>,
      %mul3A_337 = arith.mulf %gather3A_336, %get3A_335 : vector<16xf32>
      %gather3A_338 = tpu.vector_load_idx %arg14[%get3A_332] : memref<10000xf32, #tpu.memory_space<vmem>>[vector<16xi32>], vector<16xf32>,
      %mul3A_339 = arith.mulf %mul3A_337, %gather3A_338 : vector<16xf32>
      %swap3A_340 = arith.constant 112 : index
      %swap3A_341 = tpu.vector_load %arg11[%swap3A_340] {strides = array<i32>} : memref<128xf32, #tpu.memory_space<vmem>>, vector<16xf32>,
      tpu.vector_store %arg11[%swap3A_340], %mul3A_339 {strides = array<i32>} : memref<128xf32, #tpu.memory_space<vmem>>, vector<16xf32>,
      %parallel_loop3A_342 = arith.constant 0 : i32
      %parallel_loop3A_343 = arith.constant 128 : i32
      %parallel_loop3A_344 = arith.constant 1 : i32
      scf.for %parallel_loop3A_351 = %parallel_loop3A_342 to %parallel_loop3A_343 step %parallel_loop3A_344  : i32 {
        %parallel_loop3A_352 = arith.constant 0 : i32
        %parallel_loop3A_353 = vector.broadcast %parallel_loop3A_352 : i32 to vector<16xi32>
        %parallel_loop3A_354 = vector.broadcast %parallel_loop3A_351 : i32 to vector<16xi32>
        %parallel_loop3A_355 = arith.addi %parallel_loop3A_353, %parallel_loop3A_354 : vector<16xi32>
        %parallel_loop3A_356 = tpu.vector_load_idx %arg11[%parallel_loop3A_355] : memref<128xf32, #tpu.memory_space<vmem>>[vector<16xi32>], vector<16xf32>,
        %parallel_loop3A_357 = arith.index_cast %parallel_loop3A_351 : i32 to index
        %parallel_loop3A_358 = arith.constant 0 : index
        %parallel_loop3A_359 = tpu.vector_load %arg13[%parallel_loop3A_357, %parallel_loop3A_358] {strides = array<i32>} : memref<128x64xf32, #tpu.memory_space<vmem>>, vector<16xf32>,
        %parallel_loop3A_360 = arith.mulf %parallel_loop3A_359, %parallel_loop3A_356 : vector<16xf32>
        %parallel_loop3A_361 = arith.index_cast %parallel_loop3A_351 : i32 to index
        %parallel_loop3A_362 = arith.constant 0 : index
        %parallel_loop3A_363 = tpu.vector_load %arg13[%parallel_loop3A_361, %parallel_loop3A_362] {strides = array<i32>} : memref<128x64xf32, #tpu.memory_space<vmem>>, vector<16xf32>,
        tpu.vector_store %arg13[%parallel_loop3A_361, %parallel_loop3A_362], %parallel_loop3A_360 {strides = array<i32>} : memref<128x64xf32, #tpu.memory_space<vmem>>, vector<16xf32>,
        %parallel_loop3A_364 = arith.index_cast %parallel_loop3A_351 : i32 to index
        %parallel_loop3A_365 = arith.constant 16 : index
        %parallel_loop3A_366 = tpu.vector_load %arg13[%parallel_loop3A_364, %parallel_loop3A_365] {strides = array<i32>} : memref<128x64xf32, #tpu.memory_space<vmem>>, vector<16xf32>,
        %parallel_loop3A_367 = arith.mulf %parallel_loop3A_366, %parallel_loop3A_356 : vector<16xf32>
        %parallel_loop3A_368 = arith.index_cast %parallel_loop3A_351 : i32 to index
        %parallel_loop3A_369 = arith.constant 16 : index
        %parallel_loop3A_370 = tpu.vector_load %arg13[%parallel_loop3A_368, %parallel_loop3A_369] {strides = array<i32>} : memref<128x64xf32, #tpu.memory_space<vmem>>, vector<16xf32>,
        tpu.vector_store %arg13[%parallel_loop3A_368, %parallel_loop3A_369], %parallel_loop3A_367 {strides = array<i32>} : memref<128x64xf32, #tpu.memory_space<vmem>>, vector<16xf32>,
        %parallel_loop3A_371 = arith.index_cast %parallel_loop3A_351 : i32 to index
        %parallel_loop3A_372 = arith.constant 32 : index
        %parallel_loop3A_373 = tpu.vector_load %arg13[%parallel_loop3A_371, %parallel_loop3A_372] {strides = array<i32>} : memref<128x64xf32, #tpu.memory_space<vmem>>, vector<16xf32>,
        %parallel_loop3A_374 = arith.mulf %parallel_loop3A_373, %parallel_loop3A_356 : vector<16xf32>
        %parallel_loop3A_375 = arith.index_cast %parallel_loop3A_351 : i32 to index
        %parallel_loop3A_376 = arith.constant 32 : index
        %parallel_loop3A_377 = tpu.vector_load %arg13[%parallel_loop3A_375, %parallel_loop3A_376] {strides = array<i32>} : memref<128x64xf32, #tpu.memory_space<vmem>>, vector<16xf32>,
        tpu.vector_store %arg13[%parallel_loop3A_375, %parallel_loop3A_376], %parallel_loop3A_374 {strides = array<i32>} : memref<128x64xf32, #tpu.memory_space<vmem>>, vector<16xf32>,
        %parallel_loop3A_378 = arith.index_cast %parallel_loop3A_351 : i32 to index
        %parallel_loop3A_379 = arith.constant 48 : index
        %parallel_loop3A_380 = tpu.vector_load %arg13[%parallel_loop3A_378, %parallel_loop3A_379] {strides = array<i32>} : memref<128x64xf32, #tpu.memory_space<vmem>>, vector<16xf32>,
        %parallel_loop3A_381 = arith.mulf %parallel_loop3A_380, %parallel_loop3A_356 : vector<16xf32>
        %parallel_loop3A_382 = arith.index_cast %parallel_loop3A_351 : i32 to index
        %parallel_loop3A_383 = arith.constant 48 : index
        %parallel_loop3A_384 = tpu.vector_load %arg13[%parallel_loop3A_382, %parallel_loop3A_383] {strides = array<i32>} : memref<128x64xf32, #tpu.memory_space<vmem>>, vector<16xf32>,
        tpu.vector_store %arg13[%parallel_loop3A_382, %parallel_loop3A_383], %parallel_loop3A_381 {strides = array<i32>} : memref<128x64xf32, #tpu.memory_space<vmem>>, vector<16xf32>,
      } {sc.loop_unroll_factor = 4 : i64, sc.parallel_access}
      %dma_start3A_345 = arith.constant 0 : i32
      %dma_start3A_346 = tpu.memref_slice %arg9[%add3A_207, %dma_start3A_345] : memref<40x128xi32, #tpu.memory_space<vmem>> -> memref<1x128xi32, #tpu.memory_space<vmem>>
      %dma_start3A_347 = tpu.memref_squeeze %dma_start3A_346 : memref<1x128xi32, #tpu.memory_space<vmem>> -> memref<128xi32, #tpu.memory_space<vmem>>
      %dma_start3A_348 = arith.constant 0 : i32
      %dma_start3A_349 = arith.constant 0 : i32
      %dma_start3A_350 = tpu.memref_slice %arg15[%dma_start3A_348, %dma_start3A_349] : memref<10240x64xf32, #tpu.memory_space<vmem_shared>> -> memref<10240x64xf32, #tpu.memory_space<vmem_shared>>
      tpu.enqueue_indirect_dma source(%arg13 : memref<128x64xf32, #tpu.memory_space<vmem>>) target(%dma_start3A_350 : memref<10240x64xf32, #tpu.memory_space<vmem_shared>>) offsets(%dma_start3A_347 : memref<128xi32, #tpu.memory_space<vmem>>) semaphore(%arg19 : memref<!tpu.dma_semaphore, #tpu.memory_space<semaphore_mem>>) {add = true}
    }
    %scan3A_45 = arith.constant 20 : i32
    %dma_wait3A = arith.constant 0 : i32
    %dma_wait3A_46 = arith.constant 0 : i32
    %dma_wait3A_47 = tpu.memref_slice %arg9[%dma_wait3A, %dma_wait3A_46] : memref<40x128xi32, #tpu.memory_space<vmem>> -> memref<1x128xi32, #tpu.memory_space<vmem>>
    %dma_wait3A_48 = tpu.memref_squeeze %dma_wait3A_47 : memref<1x128xi32, #tpu.memory_space<vmem>> -> memref<128xi32, #tpu.memory_space<vmem>>
    %dma_wait3A_49 = arith.constant 0 : i32
    %dma_wait3A_50 = arith.constant 0 : i32
    %dma_wait3A_51 = tpu.memref_slice %arg15[%dma_wait3A_49, %dma_wait3A_50] : memref<10240x64xf32, #tpu.memory_space<vmem_shared>> -> memref<10240x64xf32, #tpu.memory_space<vmem_shared>>
    tpu.wait_indirect_dma semaphore(%arg18 : memref<!tpu.dma_semaphore, #tpu.memory_space<semaphore_mem>>) src(%arg12 : memref<128x64xf32, #tpu.memory_space<vmem>>) dst(%dma_wait3A_51 : memref<10240x64xf32, #tpu.memory_space<vmem_shared>>)
    %dma_wait3A_52 = arith.constant 0 : i32
    %dma_wait3A_53 = arith.constant 0 : i32
    %dma_wait3A_54 = tpu.memref_slice %arg9[%dma_wait3A_52, %dma_wait3A_53] : memref<40x128xi32, #tpu.memory_space<vmem>> -> memref<1x128xi32, #tpu.memory_space<vmem>>
    %dma_wait3A_55 = tpu.memref_squeeze %dma_wait3A_54 : memref<1x128xi32, #tpu.memory_space<vmem>> -> memref<128xi32, #tpu.memory_space<vmem>>
    %dma_wait3A_56 = arith.constant 0 : i32
    %dma_wait3A_57 = arith.constant 0 : i32
    %dma_wait3A_58 = tpu.memref_slice %arg15[%dma_wait3A_56, %dma_wait3A_57] : memref<10240x64xf32, #tpu.memory_space<vmem_shared>> -> memref<10240x64xf32, #tpu.memory_space<vmem_shared>>
    tpu.wait_indirect_dma semaphore(%arg19 : memref<!tpu.dma_semaphore, #tpu.memory_space<semaphore_mem>>) src(%arg13 : memref<128x64xf32, #tpu.memory_space<vmem>>) dst(%dma_wait3A_58 : memref<10240x64xf32, #tpu.memory_space<vmem_shared>>)
    %scan3A_59 = arith.constant 1 : i32
    %barrier3A_60 = arith.constant 0 : index
    tpu.barrier barrier_id(%barrier3A_60)
    %mul3A_61 = arith.constant 640 : i32
    %mul3A_62 = arith.muli %arg1, %mul3A_61 : i32
    "tpu.region"() ({
      %run_scoped3A = tpu.sem_alloc : memref<!tpu.dma_semaphore, #tpu.memory_space<semaphore_mem>>
      %dma_start3A_63 = arith.constant 0 : i32
      %dma_start3A_64 = arith.constant 0 : i32
      %dma_start3A_65 = tpu.memref_slice %arg7[%arg0, %dma_start3A_63, %dma_start3A_64] : memref<2x10240x64xf32, #tpu.memory_space<hbm>> -> memref<1x10240x64xf32, #tpu.memory_space<hbm>>
      %dma_start3A_66 = tpu.memref_squeeze %dma_start3A_65 : memref<1x10240x64xf32, #tpu.memory_space<hbm>> -> memref<10240x64xf32, #tpu.memory_space<hbm>>
      %dma_start3A_67 = arith.constant 0 : i32
      %dma_start3A_68 = tpu.memref_slice %dma_start3A_66[%mul3A_62, %dma_start3A_67] : memref<10240x64xf32, #tpu.memory_space<hbm>> -> memref<640x64xf32, #tpu.memory_space<hbm>>
      %dma_start3A_69 = arith.constant 0 : i32
      %dma_start3A_70 = tpu.memref_slice %arg15[%mul3A_62, %dma_start3A_69] : memref<10240x64xf32, #tpu.memory_space<vmem_shared>> -> memref<640x64xf32, #tpu.memory_space<vmem_shared>>
      tpu.enqueue_dma source(%dma_start3A_70 : memref<640x64xf32, #tpu.memory_space<vmem_shared>>) target(%dma_start3A_68 : memref<640x64xf32, #tpu.memory_space<hbm>>) target_semaphore(%run_scoped3A : memref<!tpu.dma_semaphore, #tpu.memory_space<semaphore_mem>>)
      %dma_wait3A_71 = arith.constant 0 : i32
      %dma_wait3A_72 = arith.constant 0 : i32
      %dma_wait3A_73 = tpu.memref_slice %arg7[%arg0, %dma_wait3A_71, %dma_wait3A_72] : memref<2x10240x64xf32, #tpu.memory_space<hbm>> -> memref<1x10240x64xf32, #tpu.memory_space<hbm>>
      %dma_wait3A_74 = tpu.memref_squeeze %dma_wait3A_73 : memref<1x10240x64xf32, #tpu.memory_space<hbm>> -> memref<10240x64xf32, #tpu.memory_space<hbm>>
      %dma_wait3A_75 = arith.constant 0 : i32
      %dma_wait3A_76 = tpu.memref_slice %dma_wait3A_74[%mul3A_62, %dma_wait3A_75] : memref<10240x64xf32, #tpu.memory_space<hbm>> -> memref<640x64xf32, #tpu.memory_space<hbm>>
      %dma_wait3A_77 = arith.constant 0 : i32
      %dma_wait3A_78 = tpu.memref_slice %arg15[%mul3A_62, %dma_wait3A_77] : memref<10240x64xf32, #tpu.memory_space<vmem_shared>> -> memref<640x64xf32, #tpu.memory_space<vmem_shared>>
      tpu.wait_dma2 semaphore(%run_scoped3A : memref<!tpu.dma_semaphore, #tpu.memory_space<semaphore_mem>>) src(%dma_wait3A_78 : memref<640x64xf32, #tpu.memory_space<vmem_shared>>) dst(%dma_wait3A_76 : memref<640x64xf32, #tpu.memory_space<hbm>>)
      tpu.yield
    }) : () -> ()
    return
  }
}

#map = affine_map<(d0, d1) -> (0, 0)>
#map1 = affine_map<(d0, d1) -> (0, 0, 0)>
module attributes {stable_mosaic.version = 14 : i64} {
  func.func @deg_kernel(%arg0: i32, %arg1: i32, %arg2: memref<1280x128xi32, #tpu.memory_space<hbm>>, %arg3: memref<1280x128xf32, #tpu.memory_space<hbm>>, %arg4: memref<2x16x10240xf32, #tpu.memory_space<hbm>>, %arg5: memref<40x128xi32, #tpu.memory_space<vmem>>, %arg6: memref<40x128xf32, #tpu.memory_space<vmem>>, %arg7: memref<10240xf32, #tpu.memory_space<vmem>>) attributes {dimension_semantics = [#tpu.dimension_semantics<core_parallel>, #tpu.dimension_semantics<subcore_parallel>], iteration_bounds = array<i64: 2, 16>, scalar_prefetch = 0 : i64, scratch_operands = 3 : i64, tpu.core_type = #tpu.core_type<sc_vector_subcore>, window_params = [{transform_indices = #map}, {transform_indices = #map}, {transform_indices = #map1}]} {
    %mul3A = arith.constant 16 : i32
    %mul3A_0 = arith.muli %arg0, %mul3A : i32
    %add3A = arith.addi %mul3A_0, %arg1 : i32
    %mul3A_1 = arith.constant 40 : i32
    %mul3A_2 = arith.muli %add3A, %mul3A_1 : i32
    "tpu.region"() ({
      %run_scoped3A = tpu.sem_alloc : memref<!tpu.dma_semaphore, #tpu.memory_space<semaphore_mem>>
      %dma_start3A = arith.constant 0 : i32
      %dma_start3A_15 = tpu.memref_slice %arg2[%mul3A_2, %dma_start3A] : memref<1280x128xi32, #tpu.memory_space<hbm>> -> memref<40x128xi32, #tpu.memory_space<hbm>>
      %dma_start3A_16 = arith.constant 0 : i32
      %dma_start3A_17 = tpu.memref_slice %arg2[%mul3A_2, %dma_start3A_16] : memref<1280x128xi32, #tpu.memory_space<hbm>> -> memref<40x128xi32, #tpu.memory_space<hbm>>
      tpu.enqueue_dma source(%dma_start3A_17 : memref<40x128xi32, #tpu.memory_space<hbm>>) target(%arg5 : memref<40x128xi32, #tpu.memory_space<vmem>>) target_semaphore(%run_scoped3A : memref<!tpu.dma_semaphore, #tpu.memory_space<semaphore_mem>>)
      %dma_wait3A = arith.constant 0 : i32
      %dma_wait3A_18 = tpu.memref_slice %arg2[%mul3A_2, %dma_wait3A] : memref<1280x128xi32, #tpu.memory_space<hbm>> -> memref<40x128xi32, #tpu.memory_space<hbm>>
      %dma_wait3A_19 = arith.constant 0 : i32
      %dma_wait3A_20 = tpu.memref_slice %arg2[%mul3A_2, %dma_wait3A_19] : memref<1280x128xi32, #tpu.memory_space<hbm>> -> memref<40x128xi32, #tpu.memory_space<hbm>>
      tpu.wait_dma2 semaphore(%run_scoped3A : memref<!tpu.dma_semaphore, #tpu.memory_space<semaphore_mem>>) src(%dma_wait3A_20 : memref<40x128xi32, #tpu.memory_space<hbm>>) dst(%arg5 : memref<40x128xi32, #tpu.memory_space<vmem>>)
      tpu.yield
    }) : () -> ()
    "tpu.region"() ({
      %run_scoped3A = tpu.sem_alloc : memref<!tpu.dma_semaphore, #tpu.memory_space<semaphore_mem>>
      %dma_start3A = arith.constant 0 : i32
      %dma_start3A_15 = tpu.memref_slice %arg3[%mul3A_2, %dma_start3A] : memref<1280x128xf32, #tpu.memory_space<hbm>> -> memref<40x128xf32, #tpu.memory_space<hbm>>
      %dma_start3A_16 = arith.constant 0 : i32
      %dma_start3A_17 = tpu.memref_slice %arg3[%mul3A_2, %dma_start3A_16] : memref<1280x128xf32, #tpu.memory_space<hbm>> -> memref<40x128xf32, #tpu.memory_space<hbm>>
      tpu.enqueue_dma source(%dma_start3A_17 : memref<40x128xf32, #tpu.memory_space<hbm>>) target(%arg6 : memref<40x128xf32, #tpu.memory_space<vmem>>) target_semaphore(%run_scoped3A : memref<!tpu.dma_semaphore, #tpu.memory_space<semaphore_mem>>)
      %dma_wait3A = arith.constant 0 : i32
      %dma_wait3A_18 = tpu.memref_slice %arg3[%mul3A_2, %dma_wait3A] : memref<1280x128xf32, #tpu.memory_space<hbm>> -> memref<40x128xf32, #tpu.memory_space<hbm>>
      %dma_wait3A_19 = arith.constant 0 : i32
      %dma_wait3A_20 = tpu.memref_slice %arg3[%mul3A_2, %dma_wait3A_19] : memref<1280x128xf32, #tpu.memory_space<hbm>> -> memref<40x128xf32, #tpu.memory_space<hbm>>
      tpu.wait_dma2 semaphore(%run_scoped3A : memref<!tpu.dma_semaphore, #tpu.memory_space<semaphore_mem>>) src(%dma_wait3A_20 : memref<40x128xf32, #tpu.memory_space<hbm>>) dst(%arg6 : memref<40x128xf32, #tpu.memory_space<vmem>>)
      tpu.yield
    }) : () -> ()
    %broadcast_in_dim3A = arith.constant 0.000000e+00 : f32
    %broadcast_in_dim3A_3 = vector.broadcast %broadcast_in_dim3A : f32 to vector<16xf32>
    %scan3A = arith.constant 0 : i32
    %scan3A_4 = arith.constant 0 : i32
    %scan3A_5 = arith.constant 640 : i32
    %scan3A_6 = arith.addi %scan3A_4, %scan3A_5 : i32
    %scan3A_7 = arith.constant 1 : i32
    scf.for %scan3A_15 = %scan3A_4 to %scan3A_6 step %scan3A_7  : i32 {
      %mul3A_16 = arith.constant 16 : i32
      %mul3A_17 = arith.muli %scan3A_15, %mul3A_16 : i32
      %swap3A = arith.index_cast %mul3A_17 : i32 to index
      %swap3A_18 = tpu.vector_load %arg7[%swap3A] {strides = array<i32>} : memref<10240xf32, #tpu.memory_space<vmem>>, vector<16xf32>,
      tpu.vector_store %arg7[%swap3A], %broadcast_in_dim3A_3 {strides = array<i32>} : memref<10240xf32, #tpu.memory_space<vmem>>, vector<16xf32>,
    }
    %scan3A_8 = arith.constant 640 : i32
    %iota3A = tpu.iota {dimensions = array<i32: 0>} : vector<16xi32>
    %scan3A_9 = arith.constant 0 : i32
    %scan3A_10 = arith.constant 0 : i32
    %scan3A_11 = arith.constant 40 : i32
    %scan3A_12 = arith.addi %scan3A_10, %scan3A_11 : i32
    %scan3A_13 = arith.constant 1 : i32
    scf.for %scan3A_15 = %scan3A_10 to %scan3A_12 step %scan3A_13  : i32 {
      %get3A = arith.index_cast %scan3A_15 : i32 to index
      %get3A_16 = arith.constant 0 : index
      %get3A_17 = tpu.vector_load %arg5[%get3A, %get3A_16] {strides = array<i32>} : memref<40x128xi32, #tpu.memory_space<vmem>>, vector<16xi32>,
      %get3A_18 = arith.index_cast %scan3A_15 : i32 to index
      %get3A_19 = arith.constant 0 : index
      %get3A_20 = tpu.vector_load %arg6[%get3A_18, %get3A_19] {strides = array<i32>} : memref<40x128xf32, #tpu.memory_space<vmem>>, vector<16xf32>,
      %eq3A = arith.constant 0 : i32
      %eq3A_21 = vector.broadcast %eq3A : i32 to vector<16xi32>
      %eq3A_22 = arith.cmpi eq, %iota3A, %eq3A_21 : vector<16xi32>
      tpu.vector_store_idx %arg7[%get3A_17], %get3A_20 masked %eq3A_22 {add = true} : memref<10240xf32, #tpu.memory_space<vmem>>[vector<16xi32>], vector<16xf32>, vector<16xi1>
      %eq3A_23 = arith.constant 1 : i32
      %eq3A_24 = vector.broadcast %eq3A_23 : i32 to vector<16xi32>
      %eq3A_25 = arith.cmpi eq, %iota3A, %eq3A_24 : vector<16xi32>
      tpu.vector_store_idx %arg7[%get3A_17], %get3A_20 masked %eq3A_25 {add = true} : memref<10240xf32, #tpu.memory_space<vmem>>[vector<16xi32>], vector<16xf32>, vector<16xi1>
      %eq3A_26 = arith.constant 2 : i32
      %eq3A_27 = vector.broadcast %eq3A_26 : i32 to vector<16xi32>
      %eq3A_28 = arith.cmpi eq, %iota3A, %eq3A_27 : vector<16xi32>
      tpu.vector_store_idx %arg7[%get3A_17], %get3A_20 masked %eq3A_28 {add = true} : memref<10240xf32, #tpu.memory_space<vmem>>[vector<16xi32>], vector<16xf32>, vector<16xi1>
      %eq3A_29 = arith.constant 3 : i32
      %eq3A_30 = vector.broadcast %eq3A_29 : i32 to vector<16xi32>
      %eq3A_31 = arith.cmpi eq, %iota3A, %eq3A_30 : vector<16xi32>
      tpu.vector_store_idx %arg7[%get3A_17], %get3A_20 masked %eq3A_31 {add = true} : memref<10240xf32, #tpu.memory_space<vmem>>[vector<16xi32>], vector<16xf32>, vector<16xi1>
      %eq3A_32 = arith.constant 4 : i32
      %eq3A_33 = vector.broadcast %eq3A_32 : i32 to vector<16xi32>
      %eq3A_34 = arith.cmpi eq, %iota3A, %eq3A_33 : vector<16xi32>
      tpu.vector_store_idx %arg7[%get3A_17], %get3A_20 masked %eq3A_34 {add = true} : memref<10240xf32, #tpu.memory_space<vmem>>[vector<16xi32>], vector<16xf32>, vector<16xi1>
      %eq3A_35 = arith.constant 5 : i32
      %eq3A_36 = vector.broadcast %eq3A_35 : i32 to vector<16xi32>
      %eq3A_37 = arith.cmpi eq, %iota3A, %eq3A_36 : vector<16xi32>
      tpu.vector_store_idx %arg7[%get3A_17], %get3A_20 masked %eq3A_37 {add = true} : memref<10240xf32, #tpu.memory_space<vmem>>[vector<16xi32>], vector<16xf32>, vector<16xi1>
      %eq3A_38 = arith.constant 6 : i32
      %eq3A_39 = vector.broadcast %eq3A_38 : i32 to vector<16xi32>
      %eq3A_40 = arith.cmpi eq, %iota3A, %eq3A_39 : vector<16xi32>
      tpu.vector_store_idx %arg7[%get3A_17], %get3A_20 masked %eq3A_40 {add = true} : memref<10240xf32, #tpu.memory_space<vmem>>[vector<16xi32>], vector<16xf32>, vector<16xi1>
      %eq3A_41 = arith.constant 7 : i32
      %eq3A_42 = vector.broadcast %eq3A_41 : i32 to vector<16xi32>
      %eq3A_43 = arith.cmpi eq, %iota3A, %eq3A_42 : vector<16xi32>
      tpu.vector_store_idx %arg7[%get3A_17], %get3A_20 masked %eq3A_43 {add = true} : memref<10240xf32, #tpu.memory_space<vmem>>[vector<16xi32>], vector<16xf32>, vector<16xi1>
      %eq3A_44 = arith.constant 8 : i32
      %eq3A_45 = vector.broadcast %eq3A_44 : i32 to vector<16xi32>
      %eq3A_46 = arith.cmpi eq, %iota3A, %eq3A_45 : vector<16xi32>
      tpu.vector_store_idx %arg7[%get3A_17], %get3A_20 masked %eq3A_46 {add = true} : memref<10240xf32, #tpu.memory_space<vmem>>[vector<16xi32>], vector<16xf32>, vector<16xi1>
      %eq3A_47 = arith.constant 9 : i32
      %eq3A_48 = vector.broadcast %eq3A_47 : i32 to vector<16xi32>
      %eq3A_49 = arith.cmpi eq, %iota3A, %eq3A_48 : vector<16xi32>
      tpu.vector_store_idx %arg7[%get3A_17], %get3A_20 masked %eq3A_49 {add = true} : memref<10240xf32, #tpu.memory_space<vmem>>[vector<16xi32>], vector<16xf32>, vector<16xi1>
      %eq3A_50 = arith.constant 10 : i32
      %eq3A_51 = vector.broadcast %eq3A_50 : i32 to vector<16xi32>
      %eq3A_52 = arith.cmpi eq, %iota3A, %eq3A_51 : vector<16xi32>
      tpu.vector_store_idx %arg7[%get3A_17], %get3A_20 masked %eq3A_52 {add = true} : memref<10240xf32, #tpu.memory_space<vmem>>[vector<16xi32>], vector<16xf32>, vector<16xi1>
      %eq3A_53 = arith.constant 11 : i32
      %eq3A_54 = vector.broadcast %eq3A_53 : i32 to vector<16xi32>
      %eq3A_55 = arith.cmpi eq, %iota3A, %eq3A_54 : vector<16xi32>
      tpu.vector_store_idx %arg7[%get3A_17], %get3A_20 masked %eq3A_55 {add = true} : memref<10240xf32, #tpu.memory_space<vmem>>[vector<16xi32>], vector<16xf32>, vector<16xi1>
      %eq3A_56 = arith.constant 12 : i32
      %eq3A_57 = vector.broadcast %eq3A_56 : i32 to vector<16xi32>
      %eq3A_58 = arith.cmpi eq, %iota3A, %eq3A_57 : vector<16xi32>
      tpu.vector_store_idx %arg7[%get3A_17], %get3A_20 masked %eq3A_58 {add = true} : memref<10240xf32, #tpu.memory_space<vmem>>[vector<16xi32>], vector<16xf32>, vector<16xi1>
      %eq3A_59 = arith.constant 13 : i32
      %eq3A_60 = vector.broadcast %eq3A_59 : i32 to vector<16xi32>
      %eq3A_61 = arith.cmpi eq, %iota3A, %eq3A_60 : vector<16xi32>
      tpu.vector_store_idx %arg7[%get3A_17], %get3A_20 masked %eq3A_61 {add = true} : memref<10240xf32, #tpu.memory_space<vmem>>[vector<16xi32>], vector<16xf32>, vector<16xi1>
      %eq3A_62 = arith.constant 14 : i32
      %eq3A_63 = vector.broadcast %eq3A_62 : i32 to vector<16xi32>
      %eq3A_64 = arith.cmpi eq, %iota3A, %eq3A_63 : vector<16xi32>
      tpu.vector_store_idx %arg7[%get3A_17], %get3A_20 masked %eq3A_64 {add = true} : memref<10240xf32, #tpu.memory_space<vmem>>[vector<16xi32>], vector<16xf32>, vector<16xi1>
      %eq3A_65 = arith.constant 15 : i32
      %eq3A_66 = vector.broadcast %eq3A_65 : i32 to vector<16xi32>
      %eq3A_67 = arith.cmpi eq, %iota3A, %eq3A_66 : vector<16xi32>
      tpu.vector_store_idx %arg7[%get3A_17], %get3A_20 masked %eq3A_67 {add = true} : memref<10240xf32, #tpu.memory_space<vmem>>[vector<16xi32>], vector<16xf32>, vector<16xi1>
      %get3A_68 = arith.index_cast %scan3A_15 : i32 to index
      %get3A_69 = arith.constant 16 : index
      %get3A_70 = tpu.vector_load %arg5[%get3A_68, %get3A_69] {strides = array<i32>} : memref<40x128xi32, #tpu.memory_space<vmem>>, vector<16xi32>,
      %get3A_71 = arith.index_cast %scan3A_15 : i32 to index
      %get3A_72 = arith.constant 16 : index
      %get3A_73 = tpu.vector_load %arg6[%get3A_71, %get3A_72] {strides = array<i32>} : memref<40x128xf32, #tpu.memory_space<vmem>>, vector<16xf32>,
      %eq3A_74 = arith.constant 0 : i32
      %eq3A_75 = vector.broadcast %eq3A_74 : i32 to vector<16xi32>
      %eq3A_76 = arith.cmpi eq, %iota3A, %eq3A_75 : vector<16xi32>
      tpu.vector_store_idx %arg7[%get3A_70], %get3A_73 masked %eq3A_76 {add = true} : memref<10240xf32, #tpu.memory_space<vmem>>[vector<16xi32>], vector<16xf32>, vector<16xi1>
      %eq3A_77 = arith.constant 1 : i32
      %eq3A_78 = vector.broadcast %eq3A_77 : i32 to vector<16xi32>
      %eq3A_79 = arith.cmpi eq, %iota3A, %eq3A_78 : vector<16xi32>
      tpu.vector_store_idx %arg7[%get3A_70], %get3A_73 masked %eq3A_79 {add = true} : memref<10240xf32, #tpu.memory_space<vmem>>[vector<16xi32>], vector<16xf32>, vector<16xi1>
      %eq3A_80 = arith.constant 2 : i32
      %eq3A_81 = vector.broadcast %eq3A_80 : i32 to vector<16xi32>
      %eq3A_82 = arith.cmpi eq, %iota3A, %eq3A_81 : vector<16xi32>
      tpu.vector_store_idx %arg7[%get3A_70], %get3A_73 masked %eq3A_82 {add = true} : memref<10240xf32, #tpu.memory_space<vmem>>[vector<16xi32>], vector<16xf32>, vector<16xi1>
      %eq3A_83 = arith.constant 3 : i32
      %eq3A_84 = vector.broadcast %eq3A_83 : i32 to vector<16xi32>
      %eq3A_85 = arith.cmpi eq, %iota3A, %eq3A_84 : vector<16xi32>
      tpu.vector_store_idx %arg7[%get3A_70], %get3A_73 masked %eq3A_85 {add = true} : memref<10240xf32, #tpu.memory_space<vmem>>[vector<16xi32>], vector<16xf32>, vector<16xi1>
      %eq3A_86 = arith.constant 4 : i32
      %eq3A_87 = vector.broadcast %eq3A_86 : i32 to vector<16xi32>
      %eq3A_88 = arith.cmpi eq, %iota3A, %eq3A_87 : vector<16xi32>
      tpu.vector_store_idx %arg7[%get3A_70], %get3A_73 masked %eq3A_88 {add = true} : memref<10240xf32, #tpu.memory_space<vmem>>[vector<16xi32>], vector<16xf32>, vector<16xi1>
      %eq3A_89 = arith.constant 5 : i32
      %eq3A_90 = vector.broadcast %eq3A_89 : i32 to vector<16xi32>
      %eq3A_91 = arith.cmpi eq, %iota3A, %eq3A_90 : vector<16xi32>
      tpu.vector_store_idx %arg7[%get3A_70], %get3A_73 masked %eq3A_91 {add = true} : memref<10240xf32, #tpu.memory_space<vmem>>[vector<16xi32>], vector<16xf32>, vector<16xi1>
      %eq3A_92 = arith.constant 6 : i32
      %eq3A_93 = vector.broadcast %eq3A_92 : i32 to vector<16xi32>
      %eq3A_94 = arith.cmpi eq, %iota3A, %eq3A_93 : vector<16xi32>
      tpu.vector_store_idx %arg7[%get3A_70], %get3A_73 masked %eq3A_94 {add = true} : memref<10240xf32, #tpu.memory_space<vmem>>[vector<16xi32>], vector<16xf32>, vector<16xi1>
      %eq3A_95 = arith.constant 7 : i32
      %eq3A_96 = vector.broadcast %eq3A_95 : i32 to vector<16xi32>
      %eq3A_97 = arith.cmpi eq, %iota3A, %eq3A_96 : vector<16xi32>
      tpu.vector_store_idx %arg7[%get3A_70], %get3A_73 masked %eq3A_97 {add = true} : memref<10240xf32, #tpu.memory_space<vmem>>[vector<16xi32>], vector<16xf32>, vector<16xi1>
      %eq3A_98 = arith.constant 8 : i32
      %eq3A_99 = vector.broadcast %eq3A_98 : i32 to vector<16xi32>
      %eq3A_100 = arith.cmpi eq, %iota3A, %eq3A_99 : vector<16xi32>
      tpu.vector_store_idx %arg7[%get3A_70], %get3A_73 masked %eq3A_100 {add = true} : memref<10240xf32, #tpu.memory_space<vmem>>[vector<16xi32>], vector<16xf32>, vector<16xi1>
      %eq3A_101 = arith.constant 9 : i32
      %eq3A_102 = vector.broadcast %eq3A_101 : i32 to vector<16xi32>
      %eq3A_103 = arith.cmpi eq, %iota3A, %eq3A_102 : vector<16xi32>
      tpu.vector_store_idx %arg7[%get3A_70], %get3A_73 masked %eq3A_103 {add = true} : memref<10240xf32, #tpu.memory_space<vmem>>[vector<16xi32>], vector<16xf32>, vector<16xi1>
      %eq3A_104 = arith.constant 10 : i32
      %eq3A_105 = vector.broadcast %eq3A_104 : i32 to vector<16xi32>
      %eq3A_106 = arith.cmpi eq, %iota3A, %eq3A_105 : vector<16xi32>
      tpu.vector_store_idx %arg7[%get3A_70], %get3A_73 masked %eq3A_106 {add = true} : memref<10240xf32, #tpu.memory_space<vmem>>[vector<16xi32>], vector<16xf32>, vector<16xi1>
      %eq3A_107 = arith.constant 11 : i32
      %eq3A_108 = vector.broadcast %eq3A_107 : i32 to vector<16xi32>
      %eq3A_109 = arith.cmpi eq, %iota3A, %eq3A_108 : vector<16xi32>
      tpu.vector_store_idx %arg7[%get3A_70], %get3A_73 masked %eq3A_109 {add = true} : memref<10240xf32, #tpu.memory_space<vmem>>[vector<16xi32>], vector<16xf32>, vector<16xi1>
      %eq3A_110 = arith.constant 12 : i32
      %eq3A_111 = vector.broadcast %eq3A_110 : i32 to vector<16xi32>
      %eq3A_112 = arith.cmpi eq, %iota3A, %eq3A_111 : vector<16xi32>
      tpu.vector_store_idx %arg7[%get3A_70], %get3A_73 masked %eq3A_112 {add = true} : memref<10240xf32, #tpu.memory_space<vmem>>[vector<16xi32>], vector<16xf32>, vector<16xi1>
      %eq3A_113 = arith.constant 13 : i32
      %eq3A_114 = vector.broadcast %eq3A_113 : i32 to vector<16xi32>
      %eq3A_115 = arith.cmpi eq, %iota3A, %eq3A_114 : vector<16xi32>
      tpu.vector_store_idx %arg7[%get3A_70], %get3A_73 masked %eq3A_115 {add = true} : memref<10240xf32, #tpu.memory_space<vmem>>[vector<16xi32>], vector<16xf32>, vector<16xi1>
      %eq3A_116 = arith.constant 14 : i32
      %eq3A_117 = vector.broadcast %eq3A_116 : i32 to vector<16xi32>
      %eq3A_118 = arith.cmpi eq, %iota3A, %eq3A_117 : vector<16xi32>
      tpu.vector_store_idx %arg7[%get3A_70], %get3A_73 masked %eq3A_118 {add = true} : memref<10240xf32, #tpu.memory_space<vmem>>[vector<16xi32>], vector<16xf32>, vector<16xi1>
      %eq3A_119 = arith.constant 15 : i32
      %eq3A_120 = vector.broadcast %eq3A_119 : i32 to vector<16xi32>
      %eq3A_121 = arith.cmpi eq, %iota3A, %eq3A_120 : vector<16xi32>
      tpu.vector_store_idx %arg7[%get3A_70], %get3A_73 masked %eq3A_121 {add = true} : memref<10240xf32, #tpu.memory_space<vmem>>[vector<16xi32>], vector<16xf32>, vector<16xi1>
      %get3A_122 = arith.index_cast %scan3A_15 : i32 to index
      %get3A_123 = arith.constant 32 : index
      %get3A_124 = tpu.vector_load %arg5[%get3A_122, %get3A_123] {strides = array<i32>} : memref<40x128xi32, #tpu.memory_space<vmem>>, vector<16xi32>,
      %get3A_125 = arith.index_cast %scan3A_15 : i32 to index
      %get3A_126 = arith.constant 32 : index
      %get3A_127 = tpu.vector_load %arg6[%get3A_125, %get3A_126] {strides = array<i32>} : memref<40x128xf32, #tpu.memory_space<vmem>>, vector<16xf32>,
      %eq3A_128 = arith.constant 0 : i32
      %eq3A_129 = vector.broadcast %eq3A_128 : i32 to vector<16xi32>
      %eq3A_130 = arith.cmpi eq, %iota3A, %eq3A_129 : vector<16xi32>
      tpu.vector_store_idx %arg7[%get3A_124], %get3A_127 masked %eq3A_130 {add = true} : memref<10240xf32, #tpu.memory_space<vmem>>[vector<16xi32>], vector<16xf32>, vector<16xi1>
      %eq3A_131 = arith.constant 1 : i32
      %eq3A_132 = vector.broadcast %eq3A_131 : i32 to vector<16xi32>
      %eq3A_133 = arith.cmpi eq, %iota3A, %eq3A_132 : vector<16xi32>
      tpu.vector_store_idx %arg7[%get3A_124], %get3A_127 masked %eq3A_133 {add = true} : memref<10240xf32, #tpu.memory_space<vmem>>[vector<16xi32>], vector<16xf32>, vector<16xi1>
      %eq3A_134 = arith.constant 2 : i32
      %eq3A_135 = vector.broadcast %eq3A_134 : i32 to vector<16xi32>
      %eq3A_136 = arith.cmpi eq, %iota3A, %eq3A_135 : vector<16xi32>
      tpu.vector_store_idx %arg7[%get3A_124], %get3A_127 masked %eq3A_136 {add = true} : memref<10240xf32, #tpu.memory_space<vmem>>[vector<16xi32>], vector<16xf32>, vector<16xi1>
      %eq3A_137 = arith.constant 3 : i32
      %eq3A_138 = vector.broadcast %eq3A_137 : i32 to vector<16xi32>
      %eq3A_139 = arith.cmpi eq, %iota3A, %eq3A_138 : vector<16xi32>
      tpu.vector_store_idx %arg7[%get3A_124], %get3A_127 masked %eq3A_139 {add = true} : memref<10240xf32, #tpu.memory_space<vmem>>[vector<16xi32>], vector<16xf32>, vector<16xi1>
      %eq3A_140 = arith.constant 4 : i32
      %eq3A_141 = vector.broadcast %eq3A_140 : i32 to vector<16xi32>
      %eq3A_142 = arith.cmpi eq, %iota3A, %eq3A_141 : vector<16xi32>
      tpu.vector_store_idx %arg7[%get3A_124], %get3A_127 masked %eq3A_142 {add = true} : memref<10240xf32, #tpu.memory_space<vmem>>[vector<16xi32>], vector<16xf32>, vector<16xi1>
      %eq3A_143 = arith.constant 5 : i32
      %eq3A_144 = vector.broadcast %eq3A_143 : i32 to vector<16xi32>
      %eq3A_145 = arith.cmpi eq, %iota3A, %eq3A_144 : vector<16xi32>
      tpu.vector_store_idx %arg7[%get3A_124], %get3A_127 masked %eq3A_145 {add = true} : memref<10240xf32, #tpu.memory_space<vmem>>[vector<16xi32>], vector<16xf32>, vector<16xi1>
      %eq3A_146 = arith.constant 6 : i32
      %eq3A_147 = vector.broadcast %eq3A_146 : i32 to vector<16xi32>
      %eq3A_148 = arith.cmpi eq, %iota3A, %eq3A_147 : vector<16xi32>
      tpu.vector_store_idx %arg7[%get3A_124], %get3A_127 masked %eq3A_148 {add = true} : memref<10240xf32, #tpu.memory_space<vmem>>[vector<16xi32>], vector<16xf32>, vector<16xi1>
      %eq3A_149 = arith.constant 7 : i32
      %eq3A_150 = vector.broadcast %eq3A_149 : i32 to vector<16xi32>
      %eq3A_151 = arith.cmpi eq, %iota3A, %eq3A_150 : vector<16xi32>
      tpu.vector_store_idx %arg7[%get3A_124], %get3A_127 masked %eq3A_151 {add = true} : memref<10240xf32, #tpu.memory_space<vmem>>[vector<16xi32>], vector<16xf32>, vector<16xi1>
      %eq3A_152 = arith.constant 8 : i32
      %eq3A_153 = vector.broadcast %eq3A_152 : i32 to vector<16xi32>
      %eq3A_154 = arith.cmpi eq, %iota3A, %eq3A_153 : vector<16xi32>
      tpu.vector_store_idx %arg7[%get3A_124], %get3A_127 masked %eq3A_154 {add = true} : memref<10240xf32, #tpu.memory_space<vmem>>[vector<16xi32>], vector<16xf32>, vector<16xi1>
      %eq3A_155 = arith.constant 9 : i32
      %eq3A_156 = vector.broadcast %eq3A_155 : i32 to vector<16xi32>
      %eq3A_157 = arith.cmpi eq, %iota3A, %eq3A_156 : vector<16xi32>
      tpu.vector_store_idx %arg7[%get3A_124], %get3A_127 masked %eq3A_157 {add = true} : memref<10240xf32, #tpu.memory_space<vmem>>[vector<16xi32>], vector<16xf32>, vector<16xi1>
      %eq3A_158 = arith.constant 10 : i32
      %eq3A_159 = vector.broadcast %eq3A_158 : i32 to vector<16xi32>
      %eq3A_160 = arith.cmpi eq, %iota3A, %eq3A_159 : vector<16xi32>
      tpu.vector_store_idx %arg7[%get3A_124], %get3A_127 masked %eq3A_160 {add = true} : memref<10240xf32, #tpu.memory_space<vmem>>[vector<16xi32>], vector<16xf32>, vector<16xi1>
      %eq3A_161 = arith.constant 11 : i32
      %eq3A_162 = vector.broadcast %eq3A_161 : i32 to vector<16xi32>
      %eq3A_163 = arith.cmpi eq, %iota3A, %eq3A_162 : vector<16xi32>
      tpu.vector_store_idx %arg7[%get3A_124], %get3A_127 masked %eq3A_163 {add = true} : memref<10240xf32, #tpu.memory_space<vmem>>[vector<16xi32>], vector<16xf32>, vector<16xi1>
      %eq3A_164 = arith.constant 12 : i32
      %eq3A_165 = vector.broadcast %eq3A_164 : i32 to vector<16xi32>
      %eq3A_166 = arith.cmpi eq, %iota3A, %eq3A_165 : vector<16xi32>
      tpu.vector_store_idx %arg7[%get3A_124], %get3A_127 masked %eq3A_166 {add = true} : memref<10240xf32, #tpu.memory_space<vmem>>[vector<16xi32>], vector<16xf32>, vector<16xi1>
      %eq3A_167 = arith.constant 13 : i32
      %eq3A_168 = vector.broadcast %eq3A_167 : i32 to vector<16xi32>
      %eq3A_169 = arith.cmpi eq, %iota3A, %eq3A_168 : vector<16xi32>
      tpu.vector_store_idx %arg7[%get3A_124], %get3A_127 masked %eq3A_169 {add = true} : memref<10240xf32, #tpu.memory_space<vmem>>[vector<16xi32>], vector<16xf32>, vector<16xi1>
      %eq3A_170 = arith.constant 14 : i32
      %eq3A_171 = vector.broadcast %eq3A_170 : i32 to vector<16xi32>
      %eq3A_172 = arith.cmpi eq, %iota3A, %eq3A_171 : vector<16xi32>
      tpu.vector_store_idx %arg7[%get3A_124], %get3A_127 masked %eq3A_172 {add = true} : memref<10240xf32, #tpu.memory_space<vmem>>[vector<16xi32>], vector<16xf32>, vector<16xi1>
      %eq3A_173 = arith.constant 15 : i32
      %eq3A_174 = vector.broadcast %eq3A_173 : i32 to vector<16xi32>
      %eq3A_175 = arith.cmpi eq, %iota3A, %eq3A_174 : vector<16xi32>
      tpu.vector_store_idx %arg7[%get3A_124], %get3A_127 masked %eq3A_175 {add = true} : memref<10240xf32, #tpu.memory_space<vmem>>[vector<16xi32>], vector<16xf32>, vector<16xi1>
      %get3A_176 = arith.index_cast %scan3A_15 : i32 to index
      %get3A_177 = arith.constant 48 : index
      %get3A_178 = tpu.vector_load %arg5[%get3A_176, %get3A_177] {strides = array<i32>} : memref<40x128xi32, #tpu.memory_space<vmem>>, vector<16xi32>,
      %get3A_179 = arith.index_cast %scan3A_15 : i32 to index
      %get3A_180 = arith.constant 48 : index
      %get3A_181 = tpu.vector_load %arg6[%get3A_179, %get3A_180] {strides = array<i32>} : memref<40x128xf32, #tpu.memory_space<vmem>>, vector<16xf32>,
      %eq3A_182 = arith.constant 0 : i32
      %eq3A_183 = vector.broadcast %eq3A_182 : i32 to vector<16xi32>
      %eq3A_184 = arith.cmpi eq, %iota3A, %eq3A_183 : vector<16xi32>
      tpu.vector_store_idx %arg7[%get3A_178], %get3A_181 masked %eq3A_184 {add = true} : memref<10240xf32, #tpu.memory_space<vmem>>[vector<16xi32>], vector<16xf32>, vector<16xi1>
      %eq3A_185 = arith.constant 1 : i32
      %eq3A_186 = vector.broadcast %eq3A_185 : i32 to vector<16xi32>
      %eq3A_187 = arith.cmpi eq, %iota3A, %eq3A_186 : vector<16xi32>
      tpu.vector_store_idx %arg7[%get3A_178], %get3A_181 masked %eq3A_187 {add = true} : memref<10240xf32, #tpu.memory_space<vmem>>[vector<16xi32>], vector<16xf32>, vector<16xi1>
      %eq3A_188 = arith.constant 2 : i32
      %eq3A_189 = vector.broadcast %eq3A_188 : i32 to vector<16xi32>
      %eq3A_190 = arith.cmpi eq, %iota3A, %eq3A_189 : vector<16xi32>
      tpu.vector_store_idx %arg7[%get3A_178], %get3A_181 masked %eq3A_190 {add = true} : memref<10240xf32, #tpu.memory_space<vmem>>[vector<16xi32>], vector<16xf32>, vector<16xi1>
      %eq3A_191 = arith.constant 3 : i32
      %eq3A_192 = vector.broadcast %eq3A_191 : i32 to vector<16xi32>
      %eq3A_193 = arith.cmpi eq, %iota3A, %eq3A_192 : vector<16xi32>
      tpu.vector_store_idx %arg7[%get3A_178], %get3A_181 masked %eq3A_193 {add = true} : memref<10240xf32, #tpu.memory_space<vmem>>[vector<16xi32>], vector<16xf32>, vector<16xi1>
      %eq3A_194 = arith.constant 4 : i32
      %eq3A_195 = vector.broadcast %eq3A_194 : i32 to vector<16xi32>
      %eq3A_196 = arith.cmpi eq, %iota3A, %eq3A_195 : vector<16xi32>
      tpu.vector_store_idx %arg7[%get3A_178], %get3A_181 masked %eq3A_196 {add = true} : memref<10240xf32, #tpu.memory_space<vmem>>[vector<16xi32>], vector<16xf32>, vector<16xi1>
      %eq3A_197 = arith.constant 5 : i32
      %eq3A_198 = vector.broadcast %eq3A_197 : i32 to vector<16xi32>
      %eq3A_199 = arith.cmpi eq, %iota3A, %eq3A_198 : vector<16xi32>
      tpu.vector_store_idx %arg7[%get3A_178], %get3A_181 masked %eq3A_199 {add = true} : memref<10240xf32, #tpu.memory_space<vmem>>[vector<16xi32>], vector<16xf32>, vector<16xi1>
      %eq3A_200 = arith.constant 6 : i32
      %eq3A_201 = vector.broadcast %eq3A_200 : i32 to vector<16xi32>
      %eq3A_202 = arith.cmpi eq, %iota3A, %eq3A_201 : vector<16xi32>
      tpu.vector_store_idx %arg7[%get3A_178], %get3A_181 masked %eq3A_202 {add = true} : memref<10240xf32, #tpu.memory_space<vmem>>[vector<16xi32>], vector<16xf32>, vector<16xi1>
      %eq3A_203 = arith.constant 7 : i32
      %eq3A_204 = vector.broadcast %eq3A_203 : i32 to vector<16xi32>
      %eq3A_205 = arith.cmpi eq, %iota3A, %eq3A_204 : vector<16xi32>
      tpu.vector_store_idx %arg7[%get3A_178], %get3A_181 masked %eq3A_205 {add = true} : memref<10240xf32, #tpu.memory_space<vmem>>[vector<16xi32>], vector<16xf32>, vector<16xi1>
      %eq3A_206 = arith.constant 8 : i32
      %eq3A_207 = vector.broadcast %eq3A_206 : i32 to vector<16xi32>
      %eq3A_208 = arith.cmpi eq, %iota3A, %eq3A_207 : vector<16xi32>
      tpu.vector_store_idx %arg7[%get3A_178], %get3A_181 masked %eq3A_208 {add = true} : memref<10240xf32, #tpu.memory_space<vmem>>[vector<16xi32>], vector<16xf32>, vector<16xi1>
      %eq3A_209 = arith.constant 9 : i32
      %eq3A_210 = vector.broadcast %eq3A_209 : i32 to vector<16xi32>
      %eq3A_211 = arith.cmpi eq, %iota3A, %eq3A_210 : vector<16xi32>
      tpu.vector_store_idx %arg7[%get3A_178], %get3A_181 masked %eq3A_211 {add = true} : memref<10240xf32, #tpu.memory_space<vmem>>[vector<16xi32>], vector<16xf32>, vector<16xi1>
      %eq3A_212 = arith.constant 10 : i32
      %eq3A_213 = vector.broadcast %eq3A_212 : i32 to vector<16xi32>
      %eq3A_214 = arith.cmpi eq, %iota3A, %eq3A_213 : vector<16xi32>
      tpu.vector_store_idx %arg7[%get3A_178], %get3A_181 masked %eq3A_214 {add = true} : memref<10240xf32, #tpu.memory_space<vmem>>[vector<16xi32>], vector<16xf32>, vector<16xi1>
      %eq3A_215 = arith.constant 11 : i32
      %eq3A_216 = vector.broadcast %eq3A_215 : i32 to vector<16xi32>
      %eq3A_217 = arith.cmpi eq, %iota3A, %eq3A_216 : vector<16xi32>
      tpu.vector_store_idx %arg7[%get3A_178], %get3A_181 masked %eq3A_217 {add = true} : memref<10240xf32, #tpu.memory_space<vmem>>[vector<16xi32>], vector<16xf32>, vector<16xi1>
      %eq3A_218 = arith.constant 12 : i32
      %eq3A_219 = vector.broadcast %eq3A_218 : i32 to vector<16xi32>
      %eq3A_220 = arith.cmpi eq, %iota3A, %eq3A_219 : vector<16xi32>
      tpu.vector_store_idx %arg7[%get3A_178], %get3A_181 masked %eq3A_220 {add = true} : memref<10240xf32, #tpu.memory_space<vmem>>[vector<16xi32>], vector<16xf32>, vector<16xi1>
      %eq3A_221 = arith.constant 13 : i32
      %eq3A_222 = vector.broadcast %eq3A_221 : i32 to vector<16xi32>
      %eq3A_223 = arith.cmpi eq, %iota3A, %eq3A_222 : vector<16xi32>
      tpu.vector_store_idx %arg7[%get3A_178], %get3A_181 masked %eq3A_223 {add = true} : memref<10240xf32, #tpu.memory_space<vmem>>[vector<16xi32>], vector<16xf32>, vector<16xi1>
      %eq3A_224 = arith.constant 14 : i32
      %eq3A_225 = vector.broadcast %eq3A_224 : i32 to vector<16xi32>
      %eq3A_226 = arith.cmpi eq, %iota3A, %eq3A_225 : vector<16xi32>
      tpu.vector_store_idx %arg7[%get3A_178], %get3A_181 masked %eq3A_226 {add = true} : memref<10240xf32, #tpu.memory_space<vmem>>[vector<16xi32>], vector<16xf32>, vector<16xi1>
      %eq3A_227 = arith.constant 15 : i32
      %eq3A_228 = vector.broadcast %eq3A_227 : i32 to vector<16xi32>
      %eq3A_229 = arith.cmpi eq, %iota3A, %eq3A_228 : vector<16xi32>
      tpu.vector_store_idx %arg7[%get3A_178], %get3A_181 masked %eq3A_229 {add = true} : memref<10240xf32, #tpu.memory_space<vmem>>[vector<16xi32>], vector<16xf32>, vector<16xi1>
      %get3A_230 = arith.index_cast %scan3A_15 : i32 to index
      %get3A_231 = arith.constant 64 : index
      %get3A_232 = tpu.vector_load %arg5[%get3A_230, %get3A_231] {strides = array<i32>} : memref<40x128xi32, #tpu.memory_space<vmem>>, vector<16xi32>,
      %get3A_233 = arith.index_cast %scan3A_15 : i32 to index
      %get3A_234 = arith.constant 64 : index
      %get3A_235 = tpu.vector_load %arg6[%get3A_233, %get3A_234] {strides = array<i32>} : memref<40x128xf32, #tpu.memory_space<vmem>>, vector<16xf32>,
      %eq3A_236 = arith.constant 0 : i32
      %eq3A_237 = vector.broadcast %eq3A_236 : i32 to vector<16xi32>
      %eq3A_238 = arith.cmpi eq, %iota3A, %eq3A_237 : vector<16xi32>
      tpu.vector_store_idx %arg7[%get3A_232], %get3A_235 masked %eq3A_238 {add = true} : memref<10240xf32, #tpu.memory_space<vmem>>[vector<16xi32>], vector<16xf32>, vector<16xi1>
      %eq3A_239 = arith.constant 1 : i32
      %eq3A_240 = vector.broadcast %eq3A_239 : i32 to vector<16xi32>
      %eq3A_241 = arith.cmpi eq, %iota3A, %eq3A_240 : vector<16xi32>
      tpu.vector_store_idx %arg7[%get3A_232], %get3A_235 masked %eq3A_241 {add = true} : memref<10240xf32, #tpu.memory_space<vmem>>[vector<16xi32>], vector<16xf32>, vector<16xi1>
      %eq3A_242 = arith.constant 2 : i32
      %eq3A_243 = vector.broadcast %eq3A_242 : i32 to vector<16xi32>
      %eq3A_244 = arith.cmpi eq, %iota3A, %eq3A_243 : vector<16xi32>
      tpu.vector_store_idx %arg7[%get3A_232], %get3A_235 masked %eq3A_244 {add = true} : memref<10240xf32, #tpu.memory_space<vmem>>[vector<16xi32>], vector<16xf32>, vector<16xi1>
      %eq3A_245 = arith.constant 3 : i32
      %eq3A_246 = vector.broadcast %eq3A_245 : i32 to vector<16xi32>
      %eq3A_247 = arith.cmpi eq, %iota3A, %eq3A_246 : vector<16xi32>
      tpu.vector_store_idx %arg7[%get3A_232], %get3A_235 masked %eq3A_247 {add = true} : memref<10240xf32, #tpu.memory_space<vmem>>[vector<16xi32>], vector<16xf32>, vector<16xi1>
      %eq3A_248 = arith.constant 4 : i32
      %eq3A_249 = vector.broadcast %eq3A_248 : i32 to vector<16xi32>
      %eq3A_250 = arith.cmpi eq, %iota3A, %eq3A_249 : vector<16xi32>
      tpu.vector_store_idx %arg7[%get3A_232], %get3A_235 masked %eq3A_250 {add = true} : memref<10240xf32, #tpu.memory_space<vmem>>[vector<16xi32>], vector<16xf32>, vector<16xi1>
      %eq3A_251 = arith.constant 5 : i32
      %eq3A_252 = vector.broadcast %eq3A_251 : i32 to vector<16xi32>
      %eq3A_253 = arith.cmpi eq, %iota3A, %eq3A_252 : vector<16xi32>
      tpu.vector_store_idx %arg7[%get3A_232], %get3A_235 masked %eq3A_253 {add = true} : memref<10240xf32, #tpu.memory_space<vmem>>[vector<16xi32>], vector<16xf32>, vector<16xi1>
      %eq3A_254 = arith.constant 6 : i32
      %eq3A_255 = vector.broadcast %eq3A_254 : i32 to vector<16xi32>
      %eq3A_256 = arith.cmpi eq, %iota3A, %eq3A_255 : vector<16xi32>
      tpu.vector_store_idx %arg7[%get3A_232], %get3A_235 masked %eq3A_256 {add = true} : memref<10240xf32, #tpu.memory_space<vmem>>[vector<16xi32>], vector<16xf32>, vector<16xi1>
      %eq3A_257 = arith.constant 7 : i32
      %eq3A_258 = vector.broadcast %eq3A_257 : i32 to vector<16xi32>
      %eq3A_259 = arith.cmpi eq, %iota3A, %eq3A_258 : vector<16xi32>
      tpu.vector_store_idx %arg7[%get3A_232], %get3A_235 masked %eq3A_259 {add = true} : memref<10240xf32, #tpu.memory_space<vmem>>[vector<16xi32>], vector<16xf32>, vector<16xi1>
      %eq3A_260 = arith.constant 8 : i32
      %eq3A_261 = vector.broadcast %eq3A_260 : i32 to vector<16xi32>
      %eq3A_262 = arith.cmpi eq, %iota3A, %eq3A_261 : vector<16xi32>
      tpu.vector_store_idx %arg7[%get3A_232], %get3A_235 masked %eq3A_262 {add = true} : memref<10240xf32, #tpu.memory_space<vmem>>[vector<16xi32>], vector<16xf32>, vector<16xi1>
      %eq3A_263 = arith.constant 9 : i32
      %eq3A_264 = vector.broadcast %eq3A_263 : i32 to vector<16xi32>
      %eq3A_265 = arith.cmpi eq, %iota3A, %eq3A_264 : vector<16xi32>
      tpu.vector_store_idx %arg7[%get3A_232], %get3A_235 masked %eq3A_265 {add = true} : memref<10240xf32, #tpu.memory_space<vmem>>[vector<16xi32>], vector<16xf32>, vector<16xi1>
      %eq3A_266 = arith.constant 10 : i32
      %eq3A_267 = vector.broadcast %eq3A_266 : i32 to vector<16xi32>
      %eq3A_268 = arith.cmpi eq, %iota3A, %eq3A_267 : vector<16xi32>
      tpu.vector_store_idx %arg7[%get3A_232], %get3A_235 masked %eq3A_268 {add = true} : memref<10240xf32, #tpu.memory_space<vmem>>[vector<16xi32>], vector<16xf32>, vector<16xi1>
      %eq3A_269 = arith.constant 11 : i32
      %eq3A_270 = vector.broadcast %eq3A_269 : i32 to vector<16xi32>
      %eq3A_271 = arith.cmpi eq, %iota3A, %eq3A_270 : vector<16xi32>
      tpu.vector_store_idx %arg7[%get3A_232], %get3A_235 masked %eq3A_271 {add = true} : memref<10240xf32, #tpu.memory_space<vmem>>[vector<16xi32>], vector<16xf32>, vector<16xi1>
      %eq3A_272 = arith.constant 12 : i32
      %eq3A_273 = vector.broadcast %eq3A_272 : i32 to vector<16xi32>
      %eq3A_274 = arith.cmpi eq, %iota3A, %eq3A_273 : vector<16xi32>
      tpu.vector_store_idx %arg7[%get3A_232], %get3A_235 masked %eq3A_274 {add = true} : memref<10240xf32, #tpu.memory_space<vmem>>[vector<16xi32>], vector<16xf32>, vector<16xi1>
      %eq3A_275 = arith.constant 13 : i32
      %eq3A_276 = vector.broadcast %eq3A_275 : i32 to vector<16xi32>
      %eq3A_277 = arith.cmpi eq, %iota3A, %eq3A_276 : vector<16xi32>
      tpu.vector_store_idx %arg7[%get3A_232], %get3A_235 masked %eq3A_277 {add = true} : memref<10240xf32, #tpu.memory_space<vmem>>[vector<16xi32>], vector<16xf32>, vector<16xi1>
      %eq3A_278 = arith.constant 14 : i32
      %eq3A_279 = vector.broadcast %eq3A_278 : i32 to vector<16xi32>
      %eq3A_280 = arith.cmpi eq, %iota3A, %eq3A_279 : vector<16xi32>
      tpu.vector_store_idx %arg7[%get3A_232], %get3A_235 masked %eq3A_280 {add = true} : memref<10240xf32, #tpu.memory_space<vmem>>[vector<16xi32>], vector<16xf32>, vector<16xi1>
      %eq3A_281 = arith.constant 15 : i32
      %eq3A_282 = vector.broadcast %eq3A_281 : i32 to vector<16xi32>
      %eq3A_283 = arith.cmpi eq, %iota3A, %eq3A_282 : vector<16xi32>
      tpu.vector_store_idx %arg7[%get3A_232], %get3A_235 masked %eq3A_283 {add = true} : memref<10240xf32, #tpu.memory_space<vmem>>[vector<16xi32>], vector<16xf32>, vector<16xi1>
      %get3A_284 = arith.index_cast %scan3A_15 : i32 to index
      %get3A_285 = arith.constant 80 : index
      %get3A_286 = tpu.vector_load %arg5[%get3A_284, %get3A_285] {strides = array<i32>} : memref<40x128xi32, #tpu.memory_space<vmem>>, vector<16xi32>,
      %get3A_287 = arith.index_cast %scan3A_15 : i32 to index
      %get3A_288 = arith.constant 80 : index
      %get3A_289 = tpu.vector_load %arg6[%get3A_287, %get3A_288] {strides = array<i32>} : memref<40x128xf32, #tpu.memory_space<vmem>>, vector<16xf32>,
      %eq3A_290 = arith.constant 0 : i32
      %eq3A_291 = vector.broadcast %eq3A_290 : i32 to vector<16xi32>
      %eq3A_292 = arith.cmpi eq, %iota3A, %eq3A_291 : vector<16xi32>
      tpu.vector_store_idx %arg7[%get3A_286], %get3A_289 masked %eq3A_292 {add = true} : memref<10240xf32, #tpu.memory_space<vmem>>[vector<16xi32>], vector<16xf32>, vector<16xi1>
      %eq3A_293 = arith.constant 1 : i32
      %eq3A_294 = vector.broadcast %eq3A_293 : i32 to vector<16xi32>
      %eq3A_295 = arith.cmpi eq, %iota3A, %eq3A_294 : vector<16xi32>
      tpu.vector_store_idx %arg7[%get3A_286], %get3A_289 masked %eq3A_295 {add = true} : memref<10240xf32, #tpu.memory_space<vmem>>[vector<16xi32>], vector<16xf32>, vector<16xi1>
      %eq3A_296 = arith.constant 2 : i32
      %eq3A_297 = vector.broadcast %eq3A_296 : i32 to vector<16xi32>
      %eq3A_298 = arith.cmpi eq, %iota3A, %eq3A_297 : vector<16xi32>
      tpu.vector_store_idx %arg7[%get3A_286], %get3A_289 masked %eq3A_298 {add = true} : memref<10240xf32, #tpu.memory_space<vmem>>[vector<16xi32>], vector<16xf32>, vector<16xi1>
      %eq3A_299 = arith.constant 3 : i32
      %eq3A_300 = vector.broadcast %eq3A_299 : i32 to vector<16xi32>
      %eq3A_301 = arith.cmpi eq, %iota3A, %eq3A_300 : vector<16xi32>
      tpu.vector_store_idx %arg7[%get3A_286], %get3A_289 masked %eq3A_301 {add = true} : memref<10240xf32, #tpu.memory_space<vmem>>[vector<16xi32>], vector<16xf32>, vector<16xi1>
      %eq3A_302 = arith.constant 4 : i32
      %eq3A_303 = vector.broadcast %eq3A_302 : i32 to vector<16xi32>
      %eq3A_304 = arith.cmpi eq, %iota3A, %eq3A_303 : vector<16xi32>
      tpu.vector_store_idx %arg7[%get3A_286], %get3A_289 masked %eq3A_304 {add = true} : memref<10240xf32, #tpu.memory_space<vmem>>[vector<16xi32>], vector<16xf32>, vector<16xi1>
      %eq3A_305 = arith.constant 5 : i32
      %eq3A_306 = vector.broadcast %eq3A_305 : i32 to vector<16xi32>
      %eq3A_307 = arith.cmpi eq, %iota3A, %eq3A_306 : vector<16xi32>
      tpu.vector_store_idx %arg7[%get3A_286], %get3A_289 masked %eq3A_307 {add = true} : memref<10240xf32, #tpu.memory_space<vmem>>[vector<16xi32>], vector<16xf32>, vector<16xi1>
      %eq3A_308 = arith.constant 6 : i32
      %eq3A_309 = vector.broadcast %eq3A_308 : i32 to vector<16xi32>
      %eq3A_310 = arith.cmpi eq, %iota3A, %eq3A_309 : vector<16xi32>
      tpu.vector_store_idx %arg7[%get3A_286], %get3A_289 masked %eq3A_310 {add = true} : memref<10240xf32, #tpu.memory_space<vmem>>[vector<16xi32>], vector<16xf32>, vector<16xi1>
      %eq3A_311 = arith.constant 7 : i32
      %eq3A_312 = vector.broadcast %eq3A_311 : i32 to vector<16xi32>
      %eq3A_313 = arith.cmpi eq, %iota3A, %eq3A_312 : vector<16xi32>
      tpu.vector_store_idx %arg7[%get3A_286], %get3A_289 masked %eq3A_313 {add = true} : memref<10240xf32, #tpu.memory_space<vmem>>[vector<16xi32>], vector<16xf32>, vector<16xi1>
      %eq3A_314 = arith.constant 8 : i32
      %eq3A_315 = vector.broadcast %eq3A_314 : i32 to vector<16xi32>
      %eq3A_316 = arith.cmpi eq, %iota3A, %eq3A_315 : vector<16xi32>
      tpu.vector_store_idx %arg7[%get3A_286], %get3A_289 masked %eq3A_316 {add = true} : memref<10240xf32, #tpu.memory_space<vmem>>[vector<16xi32>], vector<16xf32>, vector<16xi1>
      %eq3A_317 = arith.constant 9 : i32
      %eq3A_318 = vector.broadcast %eq3A_317 : i32 to vector<16xi32>
      %eq3A_319 = arith.cmpi eq, %iota3A, %eq3A_318 : vector<16xi32>
      tpu.vector_store_idx %arg7[%get3A_286], %get3A_289 masked %eq3A_319 {add = true} : memref<10240xf32, #tpu.memory_space<vmem>>[vector<16xi32>], vector<16xf32>, vector<16xi1>
      %eq3A_320 = arith.constant 10 : i32
      %eq3A_321 = vector.broadcast %eq3A_320 : i32 to vector<16xi32>
      %eq3A_322 = arith.cmpi eq, %iota3A, %eq3A_321 : vector<16xi32>
      tpu.vector_store_idx %arg7[%get3A_286], %get3A_289 masked %eq3A_322 {add = true} : memref<10240xf32, #tpu.memory_space<vmem>>[vector<16xi32>], vector<16xf32>, vector<16xi1>
      %eq3A_323 = arith.constant 11 : i32
      %eq3A_324 = vector.broadcast %eq3A_323 : i32 to vector<16xi32>
      %eq3A_325 = arith.cmpi eq, %iota3A, %eq3A_324 : vector<16xi32>
      tpu.vector_store_idx %arg7[%get3A_286], %get3A_289 masked %eq3A_325 {add = true} : memref<10240xf32, #tpu.memory_space<vmem>>[vector<16xi32>], vector<16xf32>, vector<16xi1>
      %eq3A_326 = arith.constant 12 : i32
      %eq3A_327 = vector.broadcast %eq3A_326 : i32 to vector<16xi32>
      %eq3A_328 = arith.cmpi eq, %iota3A, %eq3A_327 : vector<16xi32>
      tpu.vector_store_idx %arg7[%get3A_286], %get3A_289 masked %eq3A_328 {add = true} : memref<10240xf32, #tpu.memory_space<vmem>>[vector<16xi32>], vector<16xf32>, vector<16xi1>
      %eq3A_329 = arith.constant 13 : i32
      %eq3A_330 = vector.broadcast %eq3A_329 : i32 to vector<16xi32>
      %eq3A_331 = arith.cmpi eq, %iota3A, %eq3A_330 : vector<16xi32>
      tpu.vector_store_idx %arg7[%get3A_286], %get3A_289 masked %eq3A_331 {add = true} : memref<10240xf32, #tpu.memory_space<vmem>>[vector<16xi32>], vector<16xf32>, vector<16xi1>
      %eq3A_332 = arith.constant 14 : i32
      %eq3A_333 = vector.broadcast %eq3A_332 : i32 to vector<16xi32>
      %eq3A_334 = arith.cmpi eq, %iota3A, %eq3A_333 : vector<16xi32>
      tpu.vector_store_idx %arg7[%get3A_286], %get3A_289 masked %eq3A_334 {add = true} : memref<10240xf32, #tpu.memory_space<vmem>>[vector<16xi32>], vector<16xf32>, vector<16xi1>
      %eq3A_335 = arith.constant 15 : i32
      %eq3A_336 = vector.broadcast %eq3A_335 : i32 to vector<16xi32>
      %eq3A_337 = arith.cmpi eq, %iota3A, %eq3A_336 : vector<16xi32>
      tpu.vector_store_idx %arg7[%get3A_286], %get3A_289 masked %eq3A_337 {add = true} : memref<10240xf32, #tpu.memory_space<vmem>>[vector<16xi32>], vector<16xf32>, vector<16xi1>
      %get3A_338 = arith.index_cast %scan3A_15 : i32 to index
      %get3A_339 = arith.constant 96 : index
      %get3A_340 = tpu.vector_load %arg5[%get3A_338, %get3A_339] {strides = array<i32>} : memref<40x128xi32, #tpu.memory_space<vmem>>, vector<16xi32>,
      %get3A_341 = arith.index_cast %scan3A_15 : i32 to index
      %get3A_342 = arith.constant 96 : index
      %get3A_343 = tpu.vector_load %arg6[%get3A_341, %get3A_342] {strides = array<i32>} : memref<40x128xf32, #tpu.memory_space<vmem>>, vector<16xf32>,
      %eq3A_344 = arith.constant 0 : i32
      %eq3A_345 = vector.broadcast %eq3A_344 : i32 to vector<16xi32>
      %eq3A_346 = arith.cmpi eq, %iota3A, %eq3A_345 : vector<16xi32>
      tpu.vector_store_idx %arg7[%get3A_340], %get3A_343 masked %eq3A_346 {add = true} : memref<10240xf32, #tpu.memory_space<vmem>>[vector<16xi32>], vector<16xf32>, vector<16xi1>
      %eq3A_347 = arith.constant 1 : i32
      %eq3A_348 = vector.broadcast %eq3A_347 : i32 to vector<16xi32>
      %eq3A_349 = arith.cmpi eq, %iota3A, %eq3A_348 : vector<16xi32>
      tpu.vector_store_idx %arg7[%get3A_340], %get3A_343 masked %eq3A_349 {add = true} : memref<10240xf32, #tpu.memory_space<vmem>>[vector<16xi32>], vector<16xf32>, vector<16xi1>
      %eq3A_350 = arith.constant 2 : i32
      %eq3A_351 = vector.broadcast %eq3A_350 : i32 to vector<16xi32>
      %eq3A_352 = arith.cmpi eq, %iota3A, %eq3A_351 : vector<16xi32>
      tpu.vector_store_idx %arg7[%get3A_340], %get3A_343 masked %eq3A_352 {add = true} : memref<10240xf32, #tpu.memory_space<vmem>>[vector<16xi32>], vector<16xf32>, vector<16xi1>
      %eq3A_353 = arith.constant 3 : i32
      %eq3A_354 = vector.broadcast %eq3A_353 : i32 to vector<16xi32>
      %eq3A_355 = arith.cmpi eq, %iota3A, %eq3A_354 : vector<16xi32>
      tpu.vector_store_idx %arg7[%get3A_340], %get3A_343 masked %eq3A_355 {add = true} : memref<10240xf32, #tpu.memory_space<vmem>>[vector<16xi32>], vector<16xf32>, vector<16xi1>
      %eq3A_356 = arith.constant 4 : i32
      %eq3A_357 = vector.broadcast %eq3A_356 : i32 to vector<16xi32>
      %eq3A_358 = arith.cmpi eq, %iota3A, %eq3A_357 : vector<16xi32>
      tpu.vector_store_idx %arg7[%get3A_340], %get3A_343 masked %eq3A_358 {add = true} : memref<10240xf32, #tpu.memory_space<vmem>>[vector<16xi32>], vector<16xf32>, vector<16xi1>
      %eq3A_359 = arith.constant 5 : i32
      %eq3A_360 = vector.broadcast %eq3A_359 : i32 to vector<16xi32>
      %eq3A_361 = arith.cmpi eq, %iota3A, %eq3A_360 : vector<16xi32>
      tpu.vector_store_idx %arg7[%get3A_340], %get3A_343 masked %eq3A_361 {add = true} : memref<10240xf32, #tpu.memory_space<vmem>>[vector<16xi32>], vector<16xf32>, vector<16xi1>
      %eq3A_362 = arith.constant 6 : i32
      %eq3A_363 = vector.broadcast %eq3A_362 : i32 to vector<16xi32>
      %eq3A_364 = arith.cmpi eq, %iota3A, %eq3A_363 : vector<16xi32>
      tpu.vector_store_idx %arg7[%get3A_340], %get3A_343 masked %eq3A_364 {add = true} : memref<10240xf32, #tpu.memory_space<vmem>>[vector<16xi32>], vector<16xf32>, vector<16xi1>
      %eq3A_365 = arith.constant 7 : i32
      %eq3A_366 = vector.broadcast %eq3A_365 : i32 to vector<16xi32>
      %eq3A_367 = arith.cmpi eq, %iota3A, %eq3A_366 : vector<16xi32>
      tpu.vector_store_idx %arg7[%get3A_340], %get3A_343 masked %eq3A_367 {add = true} : memref<10240xf32, #tpu.memory_space<vmem>>[vector<16xi32>], vector<16xf32>, vector<16xi1>
      %eq3A_368 = arith.constant 8 : i32
      %eq3A_369 = vector.broadcast %eq3A_368 : i32 to vector<16xi32>
      %eq3A_370 = arith.cmpi eq, %iota3A, %eq3A_369 : vector<16xi32>
      tpu.vector_store_idx %arg7[%get3A_340], %get3A_343 masked %eq3A_370 {add = true} : memref<10240xf32, #tpu.memory_space<vmem>>[vector<16xi32>], vector<16xf32>, vector<16xi1>
      %eq3A_371 = arith.constant 9 : i32
      %eq3A_372 = vector.broadcast %eq3A_371 : i32 to vector<16xi32>
      %eq3A_373 = arith.cmpi eq, %iota3A, %eq3A_372 : vector<16xi32>
      tpu.vector_store_idx %arg7[%get3A_340], %get3A_343 masked %eq3A_373 {add = true} : memref<10240xf32, #tpu.memory_space<vmem>>[vector<16xi32>], vector<16xf32>, vector<16xi1>
      %eq3A_374 = arith.constant 10 : i32
      %eq3A_375 = vector.broadcast %eq3A_374 : i32 to vector<16xi32>
      %eq3A_376 = arith.cmpi eq, %iota3A, %eq3A_375 : vector<16xi32>
      tpu.vector_store_idx %arg7[%get3A_340], %get3A_343 masked %eq3A_376 {add = true} : memref<10240xf32, #tpu.memory_space<vmem>>[vector<16xi32>], vector<16xf32>, vector<16xi1>
      %eq3A_377 = arith.constant 11 : i32
      %eq3A_378 = vector.broadcast %eq3A_377 : i32 to vector<16xi32>
      %eq3A_379 = arith.cmpi eq, %iota3A, %eq3A_378 : vector<16xi32>
      tpu.vector_store_idx %arg7[%get3A_340], %get3A_343 masked %eq3A_379 {add = true} : memref<10240xf32, #tpu.memory_space<vmem>>[vector<16xi32>], vector<16xf32>, vector<16xi1>
      %eq3A_380 = arith.constant 12 : i32
      %eq3A_381 = vector.broadcast %eq3A_380 : i32 to vector<16xi32>
      %eq3A_382 = arith.cmpi eq, %iota3A, %eq3A_381 : vector<16xi32>
      tpu.vector_store_idx %arg7[%get3A_340], %get3A_343 masked %eq3A_382 {add = true} : memref<10240xf32, #tpu.memory_space<vmem>>[vector<16xi32>], vector<16xf32>, vector<16xi1>
      %eq3A_383 = arith.constant 13 : i32
      %eq3A_384 = vector.broadcast %eq3A_383 : i32 to vector<16xi32>
      %eq3A_385 = arith.cmpi eq, %iota3A, %eq3A_384 : vector<16xi32>
      tpu.vector_store_idx %arg7[%get3A_340], %get3A_343 masked %eq3A_385 {add = true} : memref<10240xf32, #tpu.memory_space<vmem>>[vector<16xi32>], vector<16xf32>, vector<16xi1>
      %eq3A_386 = arith.constant 14 : i32
      %eq3A_387 = vector.broadcast %eq3A_386 : i32 to vector<16xi32>
      %eq3A_388 = arith.cmpi eq, %iota3A, %eq3A_387 : vector<16xi32>
      tpu.vector_store_idx %arg7[%get3A_340], %get3A_343 masked %eq3A_388 {add = true} : memref<10240xf32, #tpu.memory_space<vmem>>[vector<16xi32>], vector<16xf32>, vector<16xi1>
      %eq3A_389 = arith.constant 15 : i32
      %eq3A_390 = vector.broadcast %eq3A_389 : i32 to vector<16xi32>
      %eq3A_391 = arith.cmpi eq, %iota3A, %eq3A_390 : vector<16xi32>
      tpu.vector_store_idx %arg7[%get3A_340], %get3A_343 masked %eq3A_391 {add = true} : memref<10240xf32, #tpu.memory_space<vmem>>[vector<16xi32>], vector<16xf32>, vector<16xi1>
      %get3A_392 = arith.index_cast %scan3A_15 : i32 to index
      %get3A_393 = arith.constant 112 : index
      %get3A_394 = tpu.vector_load %arg5[%get3A_392, %get3A_393] {strides = array<i32>} : memref<40x128xi32, #tpu.memory_space<vmem>>, vector<16xi32>,
      %get3A_395 = arith.index_cast %scan3A_15 : i32 to index
      %get3A_396 = arith.constant 112 : index
      %get3A_397 = tpu.vector_load %arg6[%get3A_395, %get3A_396] {strides = array<i32>} : memref<40x128xf32, #tpu.memory_space<vmem>>, vector<16xf32>,
      %eq3A_398 = arith.constant 0 : i32
      %eq3A_399 = vector.broadcast %eq3A_398 : i32 to vector<16xi32>
      %eq3A_400 = arith.cmpi eq, %iota3A, %eq3A_399 : vector<16xi32>
      tpu.vector_store_idx %arg7[%get3A_394], %get3A_397 masked %eq3A_400 {add = true} : memref<10240xf32, #tpu.memory_space<vmem>>[vector<16xi32>], vector<16xf32>, vector<16xi1>
      %eq3A_401 = arith.constant 1 : i32
      %eq3A_402 = vector.broadcast %eq3A_401 : i32 to vector<16xi32>
      %eq3A_403 = arith.cmpi eq, %iota3A, %eq3A_402 : vector<16xi32>
      tpu.vector_store_idx %arg7[%get3A_394], %get3A_397 masked %eq3A_403 {add = true} : memref<10240xf32, #tpu.memory_space<vmem>>[vector<16xi32>], vector<16xf32>, vector<16xi1>
      %eq3A_404 = arith.constant 2 : i32
      %eq3A_405 = vector.broadcast %eq3A_404 : i32 to vector<16xi32>
      %eq3A_406 = arith.cmpi eq, %iota3A, %eq3A_405 : vector<16xi32>
      tpu.vector_store_idx %arg7[%get3A_394], %get3A_397 masked %eq3A_406 {add = true} : memref<10240xf32, #tpu.memory_space<vmem>>[vector<16xi32>], vector<16xf32>, vector<16xi1>
      %eq3A_407 = arith.constant 3 : i32
      %eq3A_408 = vector.broadcast %eq3A_407 : i32 to vector<16xi32>
      %eq3A_409 = arith.cmpi eq, %iota3A, %eq3A_408 : vector<16xi32>
      tpu.vector_store_idx %arg7[%get3A_394], %get3A_397 masked %eq3A_409 {add = true} : memref<10240xf32, #tpu.memory_space<vmem>>[vector<16xi32>], vector<16xf32>, vector<16xi1>
      %eq3A_410 = arith.constant 4 : i32
      %eq3A_411 = vector.broadcast %eq3A_410 : i32 to vector<16xi32>
      %eq3A_412 = arith.cmpi eq, %iota3A, %eq3A_411 : vector<16xi32>
      tpu.vector_store_idx %arg7[%get3A_394], %get3A_397 masked %eq3A_412 {add = true} : memref<10240xf32, #tpu.memory_space<vmem>>[vector<16xi32>], vector<16xf32>, vector<16xi1>
      %eq3A_413 = arith.constant 5 : i32
      %eq3A_414 = vector.broadcast %eq3A_413 : i32 to vector<16xi32>
      %eq3A_415 = arith.cmpi eq, %iota3A, %eq3A_414 : vector<16xi32>
      tpu.vector_store_idx %arg7[%get3A_394], %get3A_397 masked %eq3A_415 {add = true} : memref<10240xf32, #tpu.memory_space<vmem>>[vector<16xi32>], vector<16xf32>, vector<16xi1>
      %eq3A_416 = arith.constant 6 : i32
      %eq3A_417 = vector.broadcast %eq3A_416 : i32 to vector<16xi32>
      %eq3A_418 = arith.cmpi eq, %iota3A, %eq3A_417 : vector<16xi32>
      tpu.vector_store_idx %arg7[%get3A_394], %get3A_397 masked %eq3A_418 {add = true} : memref<10240xf32, #tpu.memory_space<vmem>>[vector<16xi32>], vector<16xf32>, vector<16xi1>
      %eq3A_419 = arith.constant 7 : i32
      %eq3A_420 = vector.broadcast %eq3A_419 : i32 to vector<16xi32>
      %eq3A_421 = arith.cmpi eq, %iota3A, %eq3A_420 : vector<16xi32>
      tpu.vector_store_idx %arg7[%get3A_394], %get3A_397 masked %eq3A_421 {add = true} : memref<10240xf32, #tpu.memory_space<vmem>>[vector<16xi32>], vector<16xf32>, vector<16xi1>
      %eq3A_422 = arith.constant 8 : i32
      %eq3A_423 = vector.broadcast %eq3A_422 : i32 to vector<16xi32>
      %eq3A_424 = arith.cmpi eq, %iota3A, %eq3A_423 : vector<16xi32>
      tpu.vector_store_idx %arg7[%get3A_394], %get3A_397 masked %eq3A_424 {add = true} : memref<10240xf32, #tpu.memory_space<vmem>>[vector<16xi32>], vector<16xf32>, vector<16xi1>
      %eq3A_425 = arith.constant 9 : i32
      %eq3A_426 = vector.broadcast %eq3A_425 : i32 to vector<16xi32>
      %eq3A_427 = arith.cmpi eq, %iota3A, %eq3A_426 : vector<16xi32>
      tpu.vector_store_idx %arg7[%get3A_394], %get3A_397 masked %eq3A_427 {add = true} : memref<10240xf32, #tpu.memory_space<vmem>>[vector<16xi32>], vector<16xf32>, vector<16xi1>
      %eq3A_428 = arith.constant 10 : i32
      %eq3A_429 = vector.broadcast %eq3A_428 : i32 to vector<16xi32>
      %eq3A_430 = arith.cmpi eq, %iota3A, %eq3A_429 : vector<16xi32>
      tpu.vector_store_idx %arg7[%get3A_394], %get3A_397 masked %eq3A_430 {add = true} : memref<10240xf32, #tpu.memory_space<vmem>>[vector<16xi32>], vector<16xf32>, vector<16xi1>
      %eq3A_431 = arith.constant 11 : i32
      %eq3A_432 = vector.broadcast %eq3A_431 : i32 to vector<16xi32>
      %eq3A_433 = arith.cmpi eq, %iota3A, %eq3A_432 : vector<16xi32>
      tpu.vector_store_idx %arg7[%get3A_394], %get3A_397 masked %eq3A_433 {add = true} : memref<10240xf32, #tpu.memory_space<vmem>>[vector<16xi32>], vector<16xf32>, vector<16xi1>
      %eq3A_434 = arith.constant 12 : i32
      %eq3A_435 = vector.broadcast %eq3A_434 : i32 to vector<16xi32>
      %eq3A_436 = arith.cmpi eq, %iota3A, %eq3A_435 : vector<16xi32>
      tpu.vector_store_idx %arg7[%get3A_394], %get3A_397 masked %eq3A_436 {add = true} : memref<10240xf32, #tpu.memory_space<vmem>>[vector<16xi32>], vector<16xf32>, vector<16xi1>
      %eq3A_437 = arith.constant 13 : i32
      %eq3A_438 = vector.broadcast %eq3A_437 : i32 to vector<16xi32>
      %eq3A_439 = arith.cmpi eq, %iota3A, %eq3A_438 : vector<16xi32>
      tpu.vector_store_idx %arg7[%get3A_394], %get3A_397 masked %eq3A_439 {add = true} : memref<10240xf32, #tpu.memory_space<vmem>>[vector<16xi32>], vector<16xf32>, vector<16xi1>
      %eq3A_440 = arith.constant 14 : i32
      %eq3A_441 = vector.broadcast %eq3A_440 : i32 to vector<16xi32>
      %eq3A_442 = arith.cmpi eq, %iota3A, %eq3A_441 : vector<16xi32>
      tpu.vector_store_idx %arg7[%get3A_394], %get3A_397 masked %eq3A_442 {add = true} : memref<10240xf32, #tpu.memory_space<vmem>>[vector<16xi32>], vector<16xf32>, vector<16xi1>
      %eq3A_443 = arith.constant 15 : i32
      %eq3A_444 = vector.broadcast %eq3A_443 : i32 to vector<16xi32>
      %eq3A_445 = arith.cmpi eq, %iota3A, %eq3A_444 : vector<16xi32>
      tpu.vector_store_idx %arg7[%get3A_394], %get3A_397 masked %eq3A_445 {add = true} : memref<10240xf32, #tpu.memory_space<vmem>>[vector<16xi32>], vector<16xf32>, vector<16xi1>
    }
    %scan3A_14 = arith.constant 40 : i32
    "tpu.region"() ({
      %run_scoped3A = tpu.sem_alloc : memref<!tpu.dma_semaphore, #tpu.memory_space<semaphore_mem>>
      %dma_start3A = arith.constant 0 : i32
      %dma_start3A_15 = arith.constant 0 : i32
      %dma_start3A_16 = tpu.memref_slice %arg4[%arg0, %dma_start3A, %dma_start3A_15] : memref<2x16x10240xf32, #tpu.memory_space<hbm>> -> memref<1x16x10240xf32, #tpu.memory_space<hbm>>
      %dma_start3A_17 = tpu.memref_squeeze %dma_start3A_16 : memref<1x16x10240xf32, #tpu.memory_space<hbm>> -> memref<16x10240xf32, #tpu.memory_space<hbm>>
      %dma_start3A_18 = arith.constant 0 : i32
      %dma_start3A_19 = tpu.memref_slice %dma_start3A_17[%arg1, %dma_start3A_18] : memref<16x10240xf32, #tpu.memory_space<hbm>> -> memref<1x10240xf32, #tpu.memory_space<hbm>>
      %dma_start3A_20 = tpu.memref_squeeze %dma_start3A_19 : memref<1x10240xf32, #tpu.memory_space<hbm>> -> memref<10240xf32, #tpu.memory_space<hbm>>
      %dma_start3A_21 = arith.constant 0 : i32
      %dma_start3A_22 = arith.constant 0 : i32
      %dma_start3A_23 = tpu.memref_slice %arg4[%arg0, %dma_start3A_21, %dma_start3A_22] : memref<2x16x10240xf32, #tpu.memory_space<hbm>> -> memref<1x16x10240xf32, #tpu.memory_space<hbm>>
      %dma_start3A_24 = tpu.memref_squeeze %dma_start3A_23 : memref<1x16x10240xf32, #tpu.memory_space<hbm>> -> memref<16x10240xf32, #tpu.memory_space<hbm>>
      %dma_start3A_25 = arith.constant 0 : i32
      %dma_start3A_26 = tpu.memref_slice %dma_start3A_24[%arg1, %dma_start3A_25] : memref<16x10240xf32, #tpu.memory_space<hbm>> -> memref<1x10240xf32, #tpu.memory_space<hbm>>
      %dma_start3A_27 = tpu.memref_squeeze %dma_start3A_26 : memref<1x10240xf32, #tpu.memory_space<hbm>> -> memref<10240xf32, #tpu.memory_space<hbm>>
      tpu.enqueue_dma source(%arg7 : memref<10240xf32, #tpu.memory_space<vmem>>) target(%dma_start3A_27 : memref<10240xf32, #tpu.memory_space<hbm>>) target_semaphore(%run_scoped3A : memref<!tpu.dma_semaphore, #tpu.memory_space<semaphore_mem>>)
      %dma_wait3A = arith.constant 0 : i32
      %dma_wait3A_28 = arith.constant 0 : i32
      %dma_wait3A_29 = tpu.memref_slice %arg4[%arg0, %dma_wait3A, %dma_wait3A_28] : memref<2x16x10240xf32, #tpu.memory_space<hbm>> -> memref<1x16x10240xf32, #tpu.memory_space<hbm>>
      %dma_wait3A_30 = tpu.memref_squeeze %dma_wait3A_29 : memref<1x16x10240xf32, #tpu.memory_space<hbm>> -> memref<16x10240xf32, #tpu.memory_space<hbm>>
      %dma_wait3A_31 = arith.constant 0 : i32
      %dma_wait3A_32 = tpu.memref_slice %dma_wait3A_30[%arg1, %dma_wait3A_31] : memref<16x10240xf32, #tpu.memory_space<hbm>> -> memref<1x10240xf32, #tpu.memory_space<hbm>>
      %dma_wait3A_33 = tpu.memref_squeeze %dma_wait3A_32 : memref<1x10240xf32, #tpu.memory_space<hbm>> -> memref<10240xf32, #tpu.memory_space<hbm>>
      %dma_wait3A_34 = arith.constant 0 : i32
      %dma_wait3A_35 = arith.constant 0 : i32
      %dma_wait3A_36 = tpu.memref_slice %arg4[%arg0, %dma_wait3A_34, %dma_wait3A_35] : memref<2x16x10240xf32, #tpu.memory_space<hbm>> -> memref<1x16x10240xf32, #tpu.memory_space<hbm>>
      %dma_wait3A_37 = tpu.memref_squeeze %dma_wait3A_36 : memref<1x16x10240xf32, #tpu.memory_space<hbm>> -> memref<16x10240xf32, #tpu.memory_space<hbm>>
      %dma_wait3A_38 = arith.constant 0 : i32
      %dma_wait3A_39 = tpu.memref_slice %dma_wait3A_37[%arg1, %dma_wait3A_38] : memref<16x10240xf32, #tpu.memory_space<hbm>> -> memref<1x10240xf32, #tpu.memory_space<hbm>>
      %dma_wait3A_40 = tpu.memref_squeeze %dma_wait3A_39 : memref<1x10240xf32, #tpu.memory_space<hbm>> -> memref<10240xf32, #tpu.memory_space<hbm>>
      tpu.wait_dma2 semaphore(%run_scoped3A : memref<!tpu.dma_semaphore, #tpu.memory_space<semaphore_mem>>) src(%arg7 : memref<10240xf32, #tpu.memory_space<vmem>>) dst(%dma_wait3A_40 : memref<10240xf32, #tpu.memory_space<hbm>>)
      tpu.yield
    }) : () -> ()
    return
  }
}

#map = affine_map<(d0, d1) -> (0, 0)>
#map1 = affine_map<(d0, d1) -> (0)>
module attributes {stable_mosaic.version = 14 : i64} {
  func.func @agg_kernel(%arg0: i32, %arg1: i32, %arg2: memref<10000x128xf32, #tpu.memory_space<hbm>>, %arg3: memref<10000x128xf32, #tpu.memory_space<hbm>>, %arg4: memref<1280x128xi32, #tpu.memory_space<hbm>>, %arg5: memref<1280x128xi32, #tpu.memory_space<hbm>>, %arg6: memref<1280x128xf32, #tpu.memory_space<hbm>>, %arg7: memref<10000xf32, #tpu.memory_space<hbm>>, %arg8: memref<10240x128xf32, #tpu.memory_space<hbm>>, %arg9: memref<10240x128xf32, #tpu.memory_space<hbm>>, %arg10: memref<8x128xi32, #tpu.memory_space<vmem>>, %arg11: memref<8x128xi32, #tpu.memory_space<vmem>>, %arg12: memref<8x128xf32, #tpu.memory_space<vmem>>, %arg13: memref<128xf32, #tpu.memory_space<vmem>>, %arg14: memref<128x128xf32, #tpu.memory_space<vmem>>, %arg15: memref<128x128xf32, #tpu.memory_space<vmem>>, %arg16: memref<10000xf32, #tpu.memory_space<vmem>>, %arg17: memref<10240x128xf32, #tpu.memory_space<vmem_shared>>, %arg18: memref<!tpu.dma_semaphore, #tpu.memory_space<semaphore_mem>>, %arg19: memref<!tpu.dma_semaphore, #tpu.memory_space<semaphore_mem>>, %arg20: memref<!tpu.dma_semaphore, #tpu.memory_space<semaphore_mem>>, %arg21: memref<!tpu.dma_semaphore, #tpu.memory_space<semaphore_mem>>) attributes {dimension_semantics = [#tpu.dimension_semantics<core_parallel>, #tpu.dimension_semantics<subcore_parallel>], iteration_bounds = array<i64: 2, 16>, scalar_prefetch = 0 : i64, scratch_operands = 12 : i64, tpu.core_type = #tpu.core_type<sc_vector_subcore>, window_params = [{transform_indices = #map}, {transform_indices = #map}, {transform_indices = #map}, {transform_indices = #map}, {transform_indices = #map}, {transform_indices = #map1}, {transform_indices = #map}, {transform_indices = #map}]} {
    %mul3A = arith.constant 80 : i32
    %mul3A_0 = arith.muli %arg1, %mul3A : i32
    "tpu.region"() ({
      %run_scoped3A = tpu.sem_alloc : memref<!tpu.dma_semaphore, #tpu.memory_space<semaphore_mem>>
      tpu.enqueue_dma source(%arg7 : memref<10000xf32, #tpu.memory_space<hbm>>) target(%arg16 : memref<10000xf32, #tpu.memory_space<vmem>>) target_semaphore(%run_scoped3A : memref<!tpu.dma_semaphore, #tpu.memory_space<semaphore_mem>>)
      tpu.wait_dma2 semaphore(%run_scoped3A : memref<!tpu.dma_semaphore, #tpu.memory_space<semaphore_mem>>) src(%arg7 : memref<10000xf32, #tpu.memory_space<hbm>>) dst(%arg16 : memref<10000xf32, #tpu.memory_space<vmem>>)
      tpu.yield
    }) : () -> ()
    %broadcast_in_dim3A = arith.constant 0.000000e+00 : f32
    %broadcast_in_dim3A_1 = vector.broadcast %broadcast_in_dim3A : f32 to vector<16xf32>
    %scan3A = arith.constant 0 : i32
    %scan3A_2 = arith.constant 0 : i32
    %scan3A_3 = arith.constant 128 : i32
    %scan3A_4 = arith.addi %scan3A_2, %scan3A_3 : i32
    %scan3A_5 = arith.constant 1 : i32
    scf.for %scan3A_42 = %scan3A_2 to %scan3A_4 step %scan3A_5  : i32 {
      %swap3A = arith.index_cast %scan3A_42 : i32 to index
      %swap3A_43 = arith.constant 0 : index
      %swap3A_44 = tpu.vector_load %arg15[%swap3A, %swap3A_43] {strides = array<i32>} : memref<128x128xf32, #tpu.memory_space<vmem>>, vector<16xf32>,
      tpu.vector_store %arg15[%swap3A, %swap3A_43], %broadcast_in_dim3A_1 {strides = array<i32>} : memref<128x128xf32, #tpu.memory_space<vmem>>, vector<16xf32>,
      %swap3A_45 = arith.index_cast %scan3A_42 : i32 to index
      %swap3A_46 = arith.constant 16 : index
      %swap3A_47 = tpu.vector_load %arg15[%swap3A_45, %swap3A_46] {strides = array<i32>} : memref<128x128xf32, #tpu.memory_space<vmem>>, vector<16xf32>,
      tpu.vector_store %arg15[%swap3A_45, %swap3A_46], %broadcast_in_dim3A_1 {strides = array<i32>} : memref<128x128xf32, #tpu.memory_space<vmem>>, vector<16xf32>,
      %swap3A_48 = arith.index_cast %scan3A_42 : i32 to index
      %swap3A_49 = arith.constant 32 : index
      %swap3A_50 = tpu.vector_load %arg15[%swap3A_48, %swap3A_49] {strides = array<i32>} : memref<128x128xf32, #tpu.memory_space<vmem>>, vector<16xf32>,
      tpu.vector_store %arg15[%swap3A_48, %swap3A_49], %broadcast_in_dim3A_1 {strides = array<i32>} : memref<128x128xf32, #tpu.memory_space<vmem>>, vector<16xf32>,
      %swap3A_51 = arith.index_cast %scan3A_42 : i32 to index
      %swap3A_52 = arith.constant 48 : index
      %swap3A_53 = tpu.vector_load %arg15[%swap3A_51, %swap3A_52] {strides = array<i32>} : memref<128x128xf32, #tpu.memory_space<vmem>>, vector<16xf32>,
      tpu.vector_store %arg15[%swap3A_51, %swap3A_52], %broadcast_in_dim3A_1 {strides = array<i32>} : memref<128x128xf32, #tpu.memory_space<vmem>>, vector<16xf32>,
      %swap3A_54 = arith.index_cast %scan3A_42 : i32 to index
      %swap3A_55 = arith.constant 64 : index
      %swap3A_56 = tpu.vector_load %arg15[%swap3A_54, %swap3A_55] {strides = array<i32>} : memref<128x128xf32, #tpu.memory_space<vmem>>, vector<16xf32>,
      tpu.vector_store %arg15[%swap3A_54, %swap3A_55], %broadcast_in_dim3A_1 {strides = array<i32>} : memref<128x128xf32, #tpu.memory_space<vmem>>, vector<16xf32>,
      %swap3A_57 = arith.index_cast %scan3A_42 : i32 to index
      %swap3A_58 = arith.constant 80 : index
      %swap3A_59 = tpu.vector_load %arg15[%swap3A_57, %swap3A_58] {strides = array<i32>} : memref<128x128xf32, #tpu.memory_space<vmem>>, vector<16xf32>,
      tpu.vector_store %arg15[%swap3A_57, %swap3A_58], %broadcast_in_dim3A_1 {strides = array<i32>} : memref<128x128xf32, #tpu.memory_space<vmem>>, vector<16xf32>,
      %swap3A_60 = arith.index_cast %scan3A_42 : i32 to index
      %swap3A_61 = arith.constant 96 : index
      %swap3A_62 = tpu.vector_load %arg15[%swap3A_60, %swap3A_61] {strides = array<i32>} : memref<128x128xf32, #tpu.memory_space<vmem>>, vector<16xf32>,
      tpu.vector_store %arg15[%swap3A_60, %swap3A_61], %broadcast_in_dim3A_1 {strides = array<i32>} : memref<128x128xf32, #tpu.memory_space<vmem>>, vector<16xf32>,
      %swap3A_63 = arith.index_cast %scan3A_42 : i32 to index
      %swap3A_64 = arith.constant 112 : index
      %swap3A_65 = tpu.vector_load %arg15[%swap3A_63, %swap3A_64] {strides = array<i32>} : memref<128x128xf32, #tpu.memory_space<vmem>>, vector<16xf32>,
      tpu.vector_store %arg15[%swap3A_63, %swap3A_64], %broadcast_in_dim3A_1 {strides = array<i32>} : memref<128x128xf32, #tpu.memory_space<vmem>>, vector<16xf32>,
    }
    %scan3A_6 = arith.constant 128 : i32
    %mul3A_7 = arith.constant 640 : i32
    %mul3A_8 = arith.muli %arg1, %mul3A_7 : i32
    %add3A = arith.constant 0 : i32
    %add3A_9 = arith.addi %mul3A_8, %add3A : i32
    "tpu.region"() ({
      %run_scoped3A = tpu.sem_alloc : memref<!tpu.dma_semaphore, #tpu.memory_space<semaphore_mem>>
      %dma_start3A = arith.constant 0 : i32
      %dma_start3A_42 = tpu.memref_slice %arg17[%add3A_9, %dma_start3A] : memref<10240x128xf32, #tpu.memory_space<vmem_shared>> -> memref<128x128xf32, #tpu.memory_space<vmem_shared>>
      %dma_start3A_43 = arith.constant 0 : i32
      %dma_start3A_44 = tpu.memref_slice %arg17[%add3A_9, %dma_start3A_43] : memref<10240x128xf32, #tpu.memory_space<vmem_shared>> -> memref<128x128xf32, #tpu.memory_space<vmem_shared>>
      tpu.enqueue_dma source(%arg15 : memref<128x128xf32, #tpu.memory_space<vmem>>) target(%dma_start3A_44 : memref<128x128xf32, #tpu.memory_space<vmem_shared>>) target_semaphore(%run_scoped3A : memref<!tpu.dma_semaphore, #tpu.memory_space<semaphore_mem>>)
      %dma_wait3A = arith.constant 0 : i32
      %dma_wait3A_45 = tpu.memref_slice %arg17[%add3A_9, %dma_wait3A] : memref<10240x128xf32, #tpu.memory_space<vmem_shared>> -> memref<128x128xf32, #tpu.memory_space<vmem_shared>>
      %dma_wait3A_46 = arith.constant 0 : i32
      %dma_wait3A_47 = tpu.memref_slice %arg17[%add3A_9, %dma_wait3A_46] : memref<10240x128xf32, #tpu.memory_space<vmem_shared>> -> memref<128x128xf32, #tpu.memory_space<vmem_shared>>
      tpu.wait_dma2 semaphore(%run_scoped3A : memref<!tpu.dma_semaphore, #tpu.memory_space<semaphore_mem>>) src(%arg15 : memref<128x128xf32, #tpu.memory_space<vmem>>) dst(%dma_wait3A_47 : memref<128x128xf32, #tpu.memory_space<vmem_shared>>)
      tpu.yield
    }) : () -> ()
    %mul3A_10 = arith.constant 640 : i32
    %mul3A_11 = arith.muli %arg1, %mul3A_10 : i32
    %add3A_12 = arith.constant 128 : i32
    %add3A_13 = arith.addi %mul3A_11, %add3A_12 : i32
    "tpu.region"() ({
      %run_scoped3A = tpu.sem_alloc : memref<!tpu.dma_semaphore, #tpu.memory_space<semaphore_mem>>
      %dma_start3A = arith.constant 0 : i32
      %dma_start3A_42 = tpu.memref_slice %arg17[%add3A_13, %dma_start3A] : memref<10240x128xf32, #tpu.memory_space<vmem_shared>> -> memref<128x128xf32, #tpu.memory_space<vmem_shared>>
      %dma_start3A_43 = arith.constant 0 : i32
      %dma_start3A_44 = tpu.memref_slice %arg17[%add3A_13, %dma_start3A_43] : memref<10240x128xf32, #tpu.memory_space<vmem_shared>> -> memref<128x128xf32, #tpu.memory_space<vmem_shared>>
      tpu.enqueue_dma source(%arg15 : memref<128x128xf32, #tpu.memory_space<vmem>>) target(%dma_start3A_44 : memref<128x128xf32, #tpu.memory_space<vmem_shared>>) target_semaphore(%run_scoped3A : memref<!tpu.dma_semaphore, #tpu.memory_space<semaphore_mem>>)
      %dma_wait3A = arith.constant 0 : i32
      %dma_wait3A_45 = tpu.memref_slice %arg17[%add3A_13, %dma_wait3A] : memref<10240x128xf32, #tpu.memory_space<vmem_shared>> -> memref<128x128xf32, #tpu.memory_space<vmem_shared>>
      %dma_wait3A_46 = arith.constant 0 : i32
      %dma_wait3A_47 = tpu.memref_slice %arg17[%add3A_13, %dma_wait3A_46] : memref<10240x128xf32, #tpu.memory_space<vmem_shared>> -> memref<128x128xf32, #tpu.memory_space<vmem_shared>>
      tpu.wait_dma2 semaphore(%run_scoped3A : memref<!tpu.dma_semaphore, #tpu.memory_space<semaphore_mem>>) src(%arg15 : memref<128x128xf32, #tpu.memory_space<vmem>>) dst(%dma_wait3A_47 : memref<128x128xf32, #tpu.memory_space<vmem_shared>>)
      tpu.yield
    }) : () -> ()
    %mul3A_14 = arith.constant 640 : i32
    %mul3A_15 = arith.muli %arg1, %mul3A_14 : i32
    %add3A_16 = arith.constant 256 : i32
    %add3A_17 = arith.addi %mul3A_15, %add3A_16 : i32
    "tpu.region"() ({
      %run_scoped3A = tpu.sem_alloc : memref<!tpu.dma_semaphore, #tpu.memory_space<semaphore_mem>>
      %dma_start3A = arith.constant 0 : i32
      %dma_start3A_42 = tpu.memref_slice %arg17[%add3A_17, %dma_start3A] : memref<10240x128xf32, #tpu.memory_space<vmem_shared>> -> memref<128x128xf32, #tpu.memory_space<vmem_shared>>
      %dma_start3A_43 = arith.constant 0 : i32
      %dma_start3A_44 = tpu.memref_slice %arg17[%add3A_17, %dma_start3A_43] : memref<10240x128xf32, #tpu.memory_space<vmem_shared>> -> memref<128x128xf32, #tpu.memory_space<vmem_shared>>
      tpu.enqueue_dma source(%arg15 : memref<128x128xf32, #tpu.memory_space<vmem>>) target(%dma_start3A_44 : memref<128x128xf32, #tpu.memory_space<vmem_shared>>) target_semaphore(%run_scoped3A : memref<!tpu.dma_semaphore, #tpu.memory_space<semaphore_mem>>)
      %dma_wait3A = arith.constant 0 : i32
      %dma_wait3A_45 = tpu.memref_slice %arg17[%add3A_17, %dma_wait3A] : memref<10240x128xf32, #tpu.memory_space<vmem_shared>> -> memref<128x128xf32, #tpu.memory_space<vmem_shared>>
      %dma_wait3A_46 = arith.constant 0 : i32
      %dma_wait3A_47 = tpu.memref_slice %arg17[%add3A_17, %dma_wait3A_46] : memref<10240x128xf32, #tpu.memory_space<vmem_shared>> -> memref<128x128xf32, #tpu.memory_space<vmem_shared>>
      tpu.wait_dma2 semaphore(%run_scoped3A : memref<!tpu.dma_semaphore, #tpu.memory_space<semaphore_mem>>) src(%arg15 : memref<128x128xf32, #tpu.memory_space<vmem>>) dst(%dma_wait3A_47 : memref<128x128xf32, #tpu.memory_space<vmem_shared>>)
      tpu.yield
    }) : () -> ()
    %mul3A_18 = arith.constant 640 : i32
    %mul3A_19 = arith.muli %arg1, %mul3A_18 : i32
    %add3A_20 = arith.constant 384 : i32
    %add3A_21 = arith.addi %mul3A_19, %add3A_20 : i32
    "tpu.region"() ({
      %run_scoped3A = tpu.sem_alloc : memref<!tpu.dma_semaphore, #tpu.memory_space<semaphore_mem>>
      %dma_start3A = arith.constant 0 : i32
      %dma_start3A_42 = tpu.memref_slice %arg17[%add3A_21, %dma_start3A] : memref<10240x128xf32, #tpu.memory_space<vmem_shared>> -> memref<128x128xf32, #tpu.memory_space<vmem_shared>>
      %dma_start3A_43 = arith.constant 0 : i32
      %dma_start3A_44 = tpu.memref_slice %arg17[%add3A_21, %dma_start3A_43] : memref<10240x128xf32, #tpu.memory_space<vmem_shared>> -> memref<128x128xf32, #tpu.memory_space<vmem_shared>>
      tpu.enqueue_dma source(%arg15 : memref<128x128xf32, #tpu.memory_space<vmem>>) target(%dma_start3A_44 : memref<128x128xf32, #tpu.memory_space<vmem_shared>>) target_semaphore(%run_scoped3A : memref<!tpu.dma_semaphore, #tpu.memory_space<semaphore_mem>>)
      %dma_wait3A = arith.constant 0 : i32
      %dma_wait3A_45 = tpu.memref_slice %arg17[%add3A_21, %dma_wait3A] : memref<10240x128xf32, #tpu.memory_space<vmem_shared>> -> memref<128x128xf32, #tpu.memory_space<vmem_shared>>
      %dma_wait3A_46 = arith.constant 0 : i32
      %dma_wait3A_47 = tpu.memref_slice %arg17[%add3A_21, %dma_wait3A_46] : memref<10240x128xf32, #tpu.memory_space<vmem_shared>> -> memref<128x128xf32, #tpu.memory_space<vmem_shared>>
      tpu.wait_dma2 semaphore(%run_scoped3A : memref<!tpu.dma_semaphore, #tpu.memory_space<semaphore_mem>>) src(%arg15 : memref<128x128xf32, #tpu.memory_space<vmem>>) dst(%dma_wait3A_47 : memref<128x128xf32, #tpu.memory_space<vmem_shared>>)
      tpu.yield
    }) : () -> ()
    %mul3A_22 = arith.constant 640 : i32
    %mul3A_23 = arith.muli %arg1, %mul3A_22 : i32
    %add3A_24 = arith.constant 512 : i32
    %add3A_25 = arith.addi %mul3A_23, %add3A_24 : i32
    "tpu.region"() ({
      %run_scoped3A = tpu.sem_alloc : memref<!tpu.dma_semaphore, #tpu.memory_space<semaphore_mem>>
      %dma_start3A = arith.constant 0 : i32
      %dma_start3A_42 = tpu.memref_slice %arg17[%add3A_25, %dma_start3A] : memref<10240x128xf32, #tpu.memory_space<vmem_shared>> -> memref<128x128xf32, #tpu.memory_space<vmem_shared>>
      %dma_start3A_43 = arith.constant 0 : i32
      %dma_start3A_44 = tpu.memref_slice %arg17[%add3A_25, %dma_start3A_43] : memref<10240x128xf32, #tpu.memory_space<vmem_shared>> -> memref<128x128xf32, #tpu.memory_space<vmem_shared>>
      tpu.enqueue_dma source(%arg15 : memref<128x128xf32, #tpu.memory_space<vmem>>) target(%dma_start3A_44 : memref<128x128xf32, #tpu.memory_space<vmem_shared>>) target_semaphore(%run_scoped3A : memref<!tpu.dma_semaphore, #tpu.memory_space<semaphore_mem>>)
      %dma_wait3A = arith.constant 0 : i32
      %dma_wait3A_45 = tpu.memref_slice %arg17[%add3A_25, %dma_wait3A] : memref<10240x128xf32, #tpu.memory_space<vmem_shared>> -> memref<128x128xf32, #tpu.memory_space<vmem_shared>>
      %dma_wait3A_46 = arith.constant 0 : i32
      %dma_wait3A_47 = tpu.memref_slice %arg17[%add3A_25, %dma_wait3A_46] : memref<10240x128xf32, #tpu.memory_space<vmem_shared>> -> memref<128x128xf32, #tpu.memory_space<vmem_shared>>
      tpu.wait_dma2 semaphore(%run_scoped3A : memref<!tpu.dma_semaphore, #tpu.memory_space<semaphore_mem>>) src(%arg15 : memref<128x128xf32, #tpu.memory_space<vmem>>) dst(%dma_wait3A_47 : memref<128x128xf32, #tpu.memory_space<vmem_shared>>)
      tpu.yield
    }) : () -> ()
    %barrier3A = arith.constant 0 : index
    tpu.barrier barrier_id(%barrier3A)
    %scan3A_26 = arith.constant 0 : i32
    %scan3A_27 = arith.constant 0 : i32
    %scan3A_28 = arith.constant 10 : i32
    %scan3A_29 = arith.addi %scan3A_27, %scan3A_28 : i32
    %scan3A_30 = arith.constant 1 : i32
    scf.for %scan3A_42 = %scan3A_27 to %scan3A_29 step %scan3A_30  : i32 {
      %mul3A_43 = arith.constant 8 : i32
      %mul3A_44 = arith.muli %scan3A_42, %mul3A_43 : i32
      %add3A_45 = arith.addi %mul3A_0, %mul3A_44 : i32
      "tpu.region"() ({
        %run_scoped3A = tpu.sem_alloc : memref<!tpu.dma_semaphore, #tpu.memory_space<semaphore_mem>>
        %dma_start3A = arith.constant 0 : i32
        %dma_start3A_75 = tpu.memref_slice %arg4[%add3A_45, %dma_start3A] : memref<1280x128xi32, #tpu.memory_space<hbm>> -> memref<8x128xi32, #tpu.memory_space<hbm>>
        %dma_start3A_76 = arith.constant 0 : i32
        %dma_start3A_77 = tpu.memref_slice %arg4[%add3A_45, %dma_start3A_76] : memref<1280x128xi32, #tpu.memory_space<hbm>> -> memref<8x128xi32, #tpu.memory_space<hbm>>
        tpu.enqueue_dma source(%dma_start3A_77 : memref<8x128xi32, #tpu.memory_space<hbm>>) target(%arg10 : memref<8x128xi32, #tpu.memory_space<vmem>>) target_semaphore(%run_scoped3A : memref<!tpu.dma_semaphore, #tpu.memory_space<semaphore_mem>>)
        %dma_wait3A_78 = arith.constant 0 : i32
        %dma_wait3A_79 = tpu.memref_slice %arg4[%add3A_45, %dma_wait3A_78] : memref<1280x128xi32, #tpu.memory_space<hbm>> -> memref<8x128xi32, #tpu.memory_space<hbm>>
        %dma_wait3A_80 = arith.constant 0 : i32
        %dma_wait3A_81 = tpu.memref_slice %arg4[%add3A_45, %dma_wait3A_80] : memref<1280x128xi32, #tpu.memory_space<hbm>> -> memref<8x128xi32, #tpu.memory_space<hbm>>
        tpu.wait_dma2 semaphore(%run_scoped3A : memref<!tpu.dma_semaphore, #tpu.memory_space<semaphore_mem>>) src(%dma_wait3A_81 : memref<8x128xi32, #tpu.memory_space<hbm>>) dst(%arg10 : memref<8x128xi32, #tpu.memory_space<vmem>>)
        tpu.yield
      }) : () -> ()
      "tpu.region"() ({
        %run_scoped3A = tpu.sem_alloc : memref<!tpu.dma_semaphore, #tpu.memory_space<semaphore_mem>>
        %dma_start3A = arith.constant 0 : i32
        %dma_start3A_75 = tpu.memref_slice %arg5[%add3A_45, %dma_start3A] : memref<1280x128xi32, #tpu.memory_space<hbm>> -> memref<8x128xi32, #tpu.memory_space<hbm>>
        %dma_start3A_76 = arith.constant 0 : i32
        %dma_start3A_77 = tpu.memref_slice %arg5[%add3A_45, %dma_start3A_76] : memref<1280x128xi32, #tpu.memory_space<hbm>> -> memref<8x128xi32, #tpu.memory_space<hbm>>
        tpu.enqueue_dma source(%dma_start3A_77 : memref<8x128xi32, #tpu.memory_space<hbm>>) target(%arg11 : memref<8x128xi32, #tpu.memory_space<vmem>>) target_semaphore(%run_scoped3A : memref<!tpu.dma_semaphore, #tpu.memory_space<semaphore_mem>>)
        %dma_wait3A_78 = arith.constant 0 : i32
        %dma_wait3A_79 = tpu.memref_slice %arg5[%add3A_45, %dma_wait3A_78] : memref<1280x128xi32, #tpu.memory_space<hbm>> -> memref<8x128xi32, #tpu.memory_space<hbm>>
        %dma_wait3A_80 = arith.constant 0 : i32
        %dma_wait3A_81 = tpu.memref_slice %arg5[%add3A_45, %dma_wait3A_80] : memref<1280x128xi32, #tpu.memory_space<hbm>> -> memref<8x128xi32, #tpu.memory_space<hbm>>
        tpu.wait_dma2 semaphore(%run_scoped3A : memref<!tpu.dma_semaphore, #tpu.memory_space<semaphore_mem>>) src(%dma_wait3A_81 : memref<8x128xi32, #tpu.memory_space<hbm>>) dst(%arg11 : memref<8x128xi32, #tpu.memory_space<vmem>>)
        tpu.yield
      }) : () -> ()
      "tpu.region"() ({
        %run_scoped3A = tpu.sem_alloc : memref<!tpu.dma_semaphore, #tpu.memory_space<semaphore_mem>>
        %dma_start3A = arith.constant 0 : i32
        %dma_start3A_75 = tpu.memref_slice %arg6[%add3A_45, %dma_start3A] : memref<1280x128xf32, #tpu.memory_space<hbm>> -> memref<8x128xf32, #tpu.memory_space<hbm>>
        %dma_start3A_76 = arith.constant 0 : i32
        %dma_start3A_77 = tpu.memref_slice %arg6[%add3A_45, %dma_start3A_76] : memref<1280x128xf32, #tpu.memory_space<hbm>> -> memref<8x128xf32, #tpu.memory_space<hbm>>
        tpu.enqueue_dma source(%dma_start3A_77 : memref<8x128xf32, #tpu.memory_space<hbm>>) target(%arg12 : memref<8x128xf32, #tpu.memory_space<vmem>>) target_semaphore(%run_scoped3A : memref<!tpu.dma_semaphore, #tpu.memory_space<semaphore_mem>>)
        %dma_wait3A_78 = arith.constant 0 : i32
        %dma_wait3A_79 = tpu.memref_slice %arg6[%add3A_45, %dma_wait3A_78] : memref<1280x128xf32, #tpu.memory_space<hbm>> -> memref<8x128xf32, #tpu.memory_space<hbm>>
        %dma_wait3A_80 = arith.constant 0 : i32
        %dma_wait3A_81 = tpu.memref_slice %arg6[%add3A_45, %dma_wait3A_80] : memref<1280x128xf32, #tpu.memory_space<hbm>> -> memref<8x128xf32, #tpu.memory_space<hbm>>
        tpu.wait_dma2 semaphore(%run_scoped3A : memref<!tpu.dma_semaphore, #tpu.memory_space<semaphore_mem>>) src(%dma_wait3A_81 : memref<8x128xf32, #tpu.memory_space<hbm>>) dst(%arg12 : memref<8x128xf32, #tpu.memory_space<vmem>>)
        tpu.yield
      }) : () -> ()
      %eq3A_46 = arith.constant 0 : i32
      %eq3A_47 = arith.cmpi eq, %arg0, %eq3A_46 : i32
      %convert_element_type3A_48 = arith.extui %eq3A_47 : i1 to i32
      %cond3A_49 = arith.constant 0 : i32
      %cond3A_50 = arith.cmpi ne, %convert_element_type3A_48, %cond3A_49 : i32
      scf.if %cond3A_50 {
        %dma_start3A = arith.constant 0 : i32
        %dma_start3A_75 = arith.constant 0 : i32
        %dma_start3A_76 = tpu.memref_slice %arg10[%dma_start3A, %dma_start3A_75] : memref<8x128xi32, #tpu.memory_space<vmem>> -> memref<1x128xi32, #tpu.memory_space<vmem>>
        %dma_start3A_77 = tpu.memref_squeeze %dma_start3A_76 : memref<1x128xi32, #tpu.memory_space<vmem>> -> memref<128xi32, #tpu.memory_space<vmem>>
        %dma_start3A_78 = arith.constant 0 : i32
        %dma_start3A_79 = arith.constant 0 : i32
        %dma_start3A_80 = tpu.memref_slice %arg2[%dma_start3A_78, %dma_start3A_79] : memref<10000x128xf32, #tpu.memory_space<hbm>> -> memref<10000x128xf32, #tpu.memory_space<hbm>>
        tpu.enqueue_indirect_dma source(%dma_start3A_80 : memref<10000x128xf32, #tpu.memory_space<hbm>>) target(%arg14 : memref<128x128xf32, #tpu.memory_space<vmem>>) offsets(%dma_start3A_77 : memref<128xi32, #tpu.memory_space<vmem>>) semaphore(%arg18 : memref<!tpu.dma_semaphore, #tpu.memory_space<semaphore_mem>>)
      } else {
      }
      %eq3A_51 = arith.constant 1 : i32
      %eq3A_52 = arith.cmpi eq, %arg0, %eq3A_51 : i32
      %convert_element_type3A_53 = arith.extui %eq3A_52 : i1 to i32
      %cond3A_54 = arith.constant 0 : i32
      %cond3A_55 = arith.cmpi ne, %convert_element_type3A_53, %cond3A_54 : i32
      scf.if %cond3A_55 {
        %dma_start3A = arith.constant 0 : i32
        %dma_start3A_75 = arith.constant 0 : i32
        %dma_start3A_76 = tpu.memref_slice %arg10[%dma_start3A, %dma_start3A_75] : memref<8x128xi32, #tpu.memory_space<vmem>> -> memref<1x128xi32, #tpu.memory_space<vmem>>
        %dma_start3A_77 = tpu.memref_squeeze %dma_start3A_76 : memref<1x128xi32, #tpu.memory_space<vmem>> -> memref<128xi32, #tpu.memory_space<vmem>>
        %dma_start3A_78 = arith.constant 0 : i32
        %dma_start3A_79 = arith.constant 0 : i32
        %dma_start3A_80 = tpu.memref_slice %arg3[%dma_start3A_78, %dma_start3A_79] : memref<10000x128xf32, #tpu.memory_space<hbm>> -> memref<10000x128xf32, #tpu.memory_space<hbm>>
        tpu.enqueue_indirect_dma source(%dma_start3A_80 : memref<10000x128xf32, #tpu.memory_space<hbm>>) target(%arg14 : memref<128x128xf32, #tpu.memory_space<vmem>>) offsets(%dma_start3A_77 : memref<128xi32, #tpu.memory_space<vmem>>) semaphore(%arg18 : memref<!tpu.dma_semaphore, #tpu.memory_space<semaphore_mem>>)
      } else {
      }
      %scan3A_56 = arith.constant 0 : i32
      %scan3A_57 = arith.constant 0 : i32
      %scan3A_58 = arith.constant 4 : i32
      %scan3A_59 = arith.addi %scan3A_57, %scan3A_58 : i32
      %scan3A_60 = arith.constant 1 : i32
      scf.for %scan3A_75 = %scan3A_57 to %scan3A_59 step %scan3A_60  : i32 {
        %mul3A_76 = arith.constant 2 : i32
        %mul3A_77 = arith.muli %mul3A_76, %scan3A_75 : i32
        %add3A_78 = arith.constant 0 : i32
        %add3A_79 = arith.addi %mul3A_77, %add3A_78 : i32
        %add3A_80 = arith.constant 1 : i32
        %add3A_81 = arith.addi %add3A_79, %add3A_80 : i32
        %lt3A = arith.constant 8 : i32
        %lt3A_82 = arith.cmpi slt, %add3A_81, %lt3A : i32
        %convert_element_type3A_83 = arith.extui %lt3A_82 : i1 to i32
        %cond3A_84 = arith.constant 0 : i32
        %cond3A_85 = arith.cmpi ne, %convert_element_type3A_83, %cond3A_84 : i32
        scf.if %cond3A_85 {
          %ge3A = arith.constant 1 : i32
          %ge3A_364 = arith.cmpi sge, %add3A_79, %ge3A : i32
          %convert_element_type3A_365 = arith.extui %ge3A_364 : i1 to i32
          %cond3A_366 = arith.constant 0 : i32
          %cond3A_367 = arith.cmpi ne, %convert_element_type3A_365, %cond3A_366 : i32
          scf.if %cond3A_367 {
            %dma_wait3A_380 = arith.constant 0 : i32
            %dma_wait3A_381 = arith.constant 0 : i32
            %dma_wait3A_382 = tpu.memref_slice %arg11[%dma_wait3A_380, %dma_wait3A_381] : memref<8x128xi32, #tpu.memory_space<vmem>> -> memref<1x128xi32, #tpu.memory_space<vmem>>
            %dma_wait3A_383 = tpu.memref_squeeze %dma_wait3A_382 : memref<1x128xi32, #tpu.memory_space<vmem>> -> memref<128xi32, #tpu.memory_space<vmem>>
            %dma_wait3A_384 = arith.constant 0 : i32
            %dma_wait3A_385 = arith.constant 0 : i32
            %dma_wait3A_386 = tpu.memref_slice %arg17[%dma_wait3A_384, %dma_wait3A_385] : memref<10240x128xf32, #tpu.memory_space<vmem_shared>> -> memref<10240x128xf32, #tpu.memory_space<vmem_shared>>
            tpu.wait_indirect_dma semaphore(%arg21 : memref<!tpu.dma_semaphore, #tpu.memory_space<semaphore_mem>>) src(%arg15 : memref<128x128xf32, #tpu.memory_space<vmem>>) dst(%dma_wait3A_386 : memref<10240x128xf32, #tpu.memory_space<vmem_shared>>)
          } else {
          }
          %add3A_368 = arith.constant 1 : i32
          %add3A_369 = arith.addi %add3A_79, %add3A_368 : i32
          %eq3A_370 = arith.constant 0 : i32
          %eq3A_371 = arith.cmpi eq, %arg0, %eq3A_370 : i32
          %convert_element_type3A_372 = arith.extui %eq3A_371 : i1 to i32
          %cond3A_373 = arith.constant 0 : i32
          %cond3A_374 = arith.cmpi ne, %convert_element_type3A_372, %cond3A_373 : i32
          scf.if %cond3A_374 {
            %dma_start3A_380 = arith.constant 0 : i32
            %dma_start3A_381 = tpu.memref_slice %arg10[%add3A_369, %dma_start3A_380] : memref<8x128xi32, #tpu.memory_space<vmem>> -> memref<1x128xi32, #tpu.memory_space<vmem>>
            %dma_start3A_382 = tpu.memref_squeeze %dma_start3A_381 : memref<1x128xi32, #tpu.memory_space<vmem>> -> memref<128xi32, #tpu.memory_space<vmem>>
            %dma_start3A_383 = arith.constant 0 : i32
            %dma_start3A_384 = arith.constant 0 : i32
            %dma_start3A_385 = tpu.memref_slice %arg2[%dma_start3A_383, %dma_start3A_384] : memref<10000x128xf32, #tpu.memory_space<hbm>> -> memref<10000x128xf32, #tpu.memory_space<hbm>>
            tpu.enqueue_indirect_dma source(%dma_start3A_385 : memref<10000x128xf32, #tpu.memory_space<hbm>>) target(%arg15 : memref<128x128xf32, #tpu.memory_space<vmem>>) offsets(%dma_start3A_382 : memref<128xi32, #tpu.memory_space<vmem>>) semaphore(%arg19 : memref<!tpu.dma_semaphore, #tpu.memory_space<semaphore_mem>>)
          } else {
          }
          %eq3A_375 = arith.constant 1 : i32
          %eq3A_376 = arith.cmpi eq, %arg0, %eq3A_375 : i32
          %convert_element_type3A_377 = arith.extui %eq3A_376 : i1 to i32
          %cond3A_378 = arith.constant 0 : i32
          %cond3A_379 = arith.cmpi ne, %convert_element_type3A_377, %cond3A_378 : i32
          scf.if %cond3A_379 {
            %dma_start3A_380 = arith.constant 0 : i32
            %dma_start3A_381 = tpu.memref_slice %arg10[%add3A_369, %dma_start3A_380] : memref<8x128xi32, #tpu.memory_space<vmem>> -> memref<1x128xi32, #tpu.memory_space<vmem>>
            %dma_start3A_382 = tpu.memref_squeeze %dma_start3A_381 : memref<1x128xi32, #tpu.memory_space<vmem>> -> memref<128xi32, #tpu.memory_space<vmem>>
            %dma_start3A_383 = arith.constant 0 : i32
            %dma_start3A_384 = arith.constant 0 : i32
            %dma_start3A_385 = tpu.memref_slice %arg3[%dma_start3A_383, %dma_start3A_384] : memref<10000x128xf32, #tpu.memory_space<hbm>> -> memref<10000x128xf32, #tpu.memory_space<hbm>>
            tpu.enqueue_indirect_dma source(%dma_start3A_385 : memref<10000x128xf32, #tpu.memory_space<hbm>>) target(%arg15 : memref<128x128xf32, #tpu.memory_space<vmem>>) offsets(%dma_start3A_382 : memref<128xi32, #tpu.memory_space<vmem>>) semaphore(%arg19 : memref<!tpu.dma_semaphore, #tpu.memory_space<semaphore_mem>>)
          } else {
          }
        } else {
        }
        %dma_wait3A_86 = arith.constant 0 : i32
        %dma_wait3A_87 = arith.constant 0 : i32
        %dma_wait3A_88 = tpu.memref_slice %arg10[%dma_wait3A_86, %dma_wait3A_87] : memref<8x128xi32, #tpu.memory_space<vmem>> -> memref<1x128xi32, #tpu.memory_space<vmem>>
        %dma_wait3A_89 = tpu.memref_squeeze %dma_wait3A_88 : memref<1x128xi32, #tpu.memory_space<vmem>> -> memref<128xi32, #tpu.memory_space<vmem>>
        %dma_wait3A_90 = arith.constant 0 : i32
        %dma_wait3A_91 = arith.constant 0 : i32
        %dma_wait3A_92 = tpu.memref_slice %arg2[%dma_wait3A_90, %dma_wait3A_91] : memref<10000x128xf32, #tpu.memory_space<hbm>> -> memref<10000x128xf32, #tpu.memory_space<hbm>>
        tpu.wait_indirect_dma semaphore(%arg18 : memref<!tpu.dma_semaphore, #tpu.memory_space<semaphore_mem>>) src(%dma_wait3A_92 : memref<10000x128xf32, #tpu.memory_space<hbm>>) dst(%arg14 : memref<128x128xf32, #tpu.memory_space<vmem>>)
        %get3A = arith.index_cast %add3A_79 : i32 to index
        %get3A_93 = arith.constant 0 : index
        %get3A_94 = tpu.vector_load %arg10[%get3A, %get3A_93] {strides = array<i32>} : memref<8x128xi32, #tpu.memory_space<vmem>>, vector<16xi32>,
        %get3A_95 = arith.index_cast %add3A_79 : i32 to index
        %get3A_96 = arith.constant 0 : index
        %get3A_97 = tpu.vector_load %arg11[%get3A_95, %get3A_96] {strides = array<i32>} : memref<8x128xi32, #tpu.memory_space<vmem>>, vector<16xi32>,
        %get3A_98 = arith.index_cast %add3A_79 : i32 to index
        %get3A_99 = arith.constant 0 : index
        %get3A_100 = tpu.vector_load %arg12[%get3A_98, %get3A_99] {strides = array<i32>} : memref<8x128xf32, #tpu.memory_space<vmem>>, vector<16xf32>,
        %gather3A = tpu.vector_load_idx %arg16[%get3A_94] : memref<10000xf32, #tpu.memory_space<vmem>>[vector<16xi32>], vector<16xf32>,
        %mul3A_101 = arith.mulf %gather3A, %get3A_100 : vector<16xf32>
        %gather3A_102 = tpu.vector_load_idx %arg16[%get3A_97] : memref<10000xf32, #tpu.memory_space<vmem>>[vector<16xi32>], vector<16xf32>,
        %mul3A_103 = arith.mulf %mul3A_101, %gather3A_102 : vector<16xf32>
        %swap3A = arith.constant 0 : index
        %swap3A_104 = tpu.vector_load %arg13[%swap3A] {strides = array<i32>} : memref<128xf32, #tpu.memory_space<vmem>>, vector<16xf32>,
        tpu.vector_store %arg13[%swap3A], %mul3A_103 {strides = array<i32>} : memref<128xf32, #tpu.memory_space<vmem>>, vector<16xf32>,
        %get3A_105 = arith.index_cast %add3A_79 : i32 to index
        %get3A_106 = arith.constant 16 : index
        %get3A_107 = tpu.vector_load %arg10[%get3A_105, %get3A_106] {strides = array<i32>} : memref<8x128xi32, #tpu.memory_space<vmem>>, vector<16xi32>,
        %get3A_108 = arith.index_cast %add3A_79 : i32 to index
        %get3A_109 = arith.constant 16 : index
        %get3A_110 = tpu.vector_load %arg11[%get3A_108, %get3A_109] {strides = array<i32>} : memref<8x128xi32, #tpu.memory_space<vmem>>, vector<16xi32>,
        %get3A_111 = arith.index_cast %add3A_79 : i32 to index
        %get3A_112 = arith.constant 16 : index
        %get3A_113 = tpu.vector_load %arg12[%get3A_111, %get3A_112] {strides = array<i32>} : memref<8x128xf32, #tpu.memory_space<vmem>>, vector<16xf32>,
        %gather3A_114 = tpu.vector_load_idx %arg16[%get3A_107] : memref<10000xf32, #tpu.memory_space<vmem>>[vector<16xi32>], vector<16xf32>,
        %mul3A_115 = arith.mulf %gather3A_114, %get3A_113 : vector<16xf32>
        %gather3A_116 = tpu.vector_load_idx %arg16[%get3A_110] : memref<10000xf32, #tpu.memory_space<vmem>>[vector<16xi32>], vector<16xf32>,
        %mul3A_117 = arith.mulf %mul3A_115, %gather3A_116 : vector<16xf32>
        %swap3A_118 = arith.constant 16 : index
        %swap3A_119 = tpu.vector_load %arg13[%swap3A_118] {strides = array<i32>} : memref<128xf32, #tpu.memory_space<vmem>>, vector<16xf32>,
        tpu.vector_store %arg13[%swap3A_118], %mul3A_117 {strides = array<i32>} : memref<128xf32, #tpu.memory_space<vmem>>, vector<16xf32>,
        %get3A_120 = arith.index_cast %add3A_79 : i32 to index
        %get3A_121 = arith.constant 32 : index
        %get3A_122 = tpu.vector_load %arg10[%get3A_120, %get3A_121] {strides = array<i32>} : memref<8x128xi32, #tpu.memory_space<vmem>>, vector<16xi32>,
        %get3A_123 = arith.index_cast %add3A_79 : i32 to index
        %get3A_124 = arith.constant 32 : index
        %get3A_125 = tpu.vector_load %arg11[%get3A_123, %get3A_124] {strides = array<i32>} : memref<8x128xi32, #tpu.memory_space<vmem>>, vector<16xi32>,
        %get3A_126 = arith.index_cast %add3A_79 : i32 to index
        %get3A_127 = arith.constant 32 : index
        %get3A_128 = tpu.vector_load %arg12[%get3A_126, %get3A_127] {strides = array<i32>} : memref<8x128xf32, #tpu.memory_space<vmem>>, vector<16xf32>,
        %gather3A_129 = tpu.vector_load_idx %arg16[%get3A_122] : memref<10000xf32, #tpu.memory_space<vmem>>[vector<16xi32>], vector<16xf32>,
        %mul3A_130 = arith.mulf %gather3A_129, %get3A_128 : vector<16xf32>
        %gather3A_131 = tpu.vector_load_idx %arg16[%get3A_125] : memref<10000xf32, #tpu.memory_space<vmem>>[vector<16xi32>], vector<16xf32>,
        %mul3A_132 = arith.mulf %mul3A_130, %gather3A_131 : vector<16xf32>
        %swap3A_133 = arith.constant 32 : index
        %swap3A_134 = tpu.vector_load %arg13[%swap3A_133] {strides = array<i32>} : memref<128xf32, #tpu.memory_space<vmem>>, vector<16xf32>,
        tpu.vector_store %arg13[%swap3A_133], %mul3A_132 {strides = array<i32>} : memref<128xf32, #tpu.memory_space<vmem>>, vector<16xf32>,
        %get3A_135 = arith.index_cast %add3A_79 : i32 to index
        %get3A_136 = arith.constant 48 : index
        %get3A_137 = tpu.vector_load %arg10[%get3A_135, %get3A_136] {strides = array<i32>} : memref<8x128xi32, #tpu.memory_space<vmem>>, vector<16xi32>,
        %get3A_138 = arith.index_cast %add3A_79 : i32 to index
        %get3A_139 = arith.constant 48 : index
        %get3A_140 = tpu.vector_load %arg11[%get3A_138, %get3A_139] {strides = array<i32>} : memref<8x128xi32, #tpu.memory_space<vmem>>, vector<16xi32>,
        %get3A_141 = arith.index_cast %add3A_79 : i32 to index
        %get3A_142 = arith.constant 48 : index
        %get3A_143 = tpu.vector_load %arg12[%get3A_141, %get3A_142] {strides = array<i32>} : memref<8x128xf32, #tpu.memory_space<vmem>>, vector<16xf32>,
        %gather3A_144 = tpu.vector_load_idx %arg16[%get3A_137] : memref<10000xf32, #tpu.memory_space<vmem>>[vector<16xi32>], vector<16xf32>,
        %mul3A_145 = arith.mulf %gather3A_144, %get3A_143 : vector<16xf32>
        %gather3A_146 = tpu.vector_load_idx %arg16[%get3A_140] : memref<10000xf32, #tpu.memory_space<vmem>>[vector<16xi32>], vector<16xf32>,
        %mul3A_147 = arith.mulf %mul3A_145, %gather3A_146 : vector<16xf32>
        %swap3A_148 = arith.constant 48 : index
        %swap3A_149 = tpu.vector_load %arg13[%swap3A_148] {strides = array<i32>} : memref<128xf32, #tpu.memory_space<vmem>>, vector<16xf32>,
        tpu.vector_store %arg13[%swap3A_148], %mul3A_147 {strides = array<i32>} : memref<128xf32, #tpu.memory_space<vmem>>, vector<16xf32>,
        %get3A_150 = arith.index_cast %add3A_79 : i32 to index
        %get3A_151 = arith.constant 64 : index
        %get3A_152 = tpu.vector_load %arg10[%get3A_150, %get3A_151] {strides = array<i32>} : memref<8x128xi32, #tpu.memory_space<vmem>>, vector<16xi32>,
        %get3A_153 = arith.index_cast %add3A_79 : i32 to index
        %get3A_154 = arith.constant 64 : index
        %get3A_155 = tpu.vector_load %arg11[%get3A_153, %get3A_154] {strides = array<i32>} : memref<8x128xi32, #tpu.memory_space<vmem>>, vector<16xi32>,
        %get3A_156 = arith.index_cast %add3A_79 : i32 to index
        %get3A_157 = arith.constant 64 : index
        %get3A_158 = tpu.vector_load %arg12[%get3A_156, %get3A_157] {strides = array<i32>} : memref<8x128xf32, #tpu.memory_space<vmem>>, vector<16xf32>,
        %gather3A_159 = tpu.vector_load_idx %arg16[%get3A_152] : memref<10000xf32, #tpu.memory_space<vmem>>[vector<16xi32>], vector<16xf32>,
        %mul3A_160 = arith.mulf %gather3A_159, %get3A_158 : vector<16xf32>
        %gather3A_161 = tpu.vector_load_idx %arg16[%get3A_155] : memref<10000xf32, #tpu.memory_space<vmem>>[vector<16xi32>], vector<16xf32>,
        %mul3A_162 = arith.mulf %mul3A_160, %gather3A_161 : vector<16xf32>
        %swap3A_163 = arith.constant 64 : index
        %swap3A_164 = tpu.vector_load %arg13[%swap3A_163] {strides = array<i32>} : memref<128xf32, #tpu.memory_space<vmem>>, vector<16xf32>,
        tpu.vector_store %arg13[%swap3A_163], %mul3A_162 {strides = array<i32>} : memref<128xf32, #tpu.memory_space<vmem>>, vector<16xf32>,
        %get3A_165 = arith.index_cast %add3A_79 : i32 to index
        %get3A_166 = arith.constant 80 : index
        %get3A_167 = tpu.vector_load %arg10[%get3A_165, %get3A_166] {strides = array<i32>} : memref<8x128xi32, #tpu.memory_space<vmem>>, vector<16xi32>,
        %get3A_168 = arith.index_cast %add3A_79 : i32 to index
        %get3A_169 = arith.constant 80 : index
        %get3A_170 = tpu.vector_load %arg11[%get3A_168, %get3A_169] {strides = array<i32>} : memref<8x128xi32, #tpu.memory_space<vmem>>, vector<16xi32>,
        %get3A_171 = arith.index_cast %add3A_79 : i32 to index
        %get3A_172 = arith.constant 80 : index
        %get3A_173 = tpu.vector_load %arg12[%get3A_171, %get3A_172] {strides = array<i32>} : memref<8x128xf32, #tpu.memory_space<vmem>>, vector<16xf32>,
        %gather3A_174 = tpu.vector_load_idx %arg16[%get3A_167] : memref<10000xf32, #tpu.memory_space<vmem>>[vector<16xi32>], vector<16xf32>,
        %mul3A_175 = arith.mulf %gather3A_174, %get3A_173 : vector<16xf32>
        %gather3A_176 = tpu.vector_load_idx %arg16[%get3A_170] : memref<10000xf32, #tpu.memory_space<vmem>>[vector<16xi32>], vector<16xf32>,
        %mul3A_177 = arith.mulf %mul3A_175, %gather3A_176 : vector<16xf32>
        %swap3A_178 = arith.constant 80 : index
        %swap3A_179 = tpu.vector_load %arg13[%swap3A_178] {strides = array<i32>} : memref<128xf32, #tpu.memory_space<vmem>>, vector<16xf32>,
        tpu.vector_store %arg13[%swap3A_178], %mul3A_177 {strides = array<i32>} : memref<128xf32, #tpu.memory_space<vmem>>, vector<16xf32>,
        %get3A_180 = arith.index_cast %add3A_79 : i32 to index
        %get3A_181 = arith.constant 96 : index
        %get3A_182 = tpu.vector_load %arg10[%get3A_180, %get3A_181] {strides = array<i32>} : memref<8x128xi32, #tpu.memory_space<vmem>>, vector<16xi32>,
        %get3A_183 = arith.index_cast %add3A_79 : i32 to index
        %get3A_184 = arith.constant 96 : index
        %get3A_185 = tpu.vector_load %arg11[%get3A_183, %get3A_184] {strides = array<i32>} : memref<8x128xi32, #tpu.memory_space<vmem>>, vector<16xi32>,
        %get3A_186 = arith.index_cast %add3A_79 : i32 to index
        %get3A_187 = arith.constant 96 : index
        %get3A_188 = tpu.vector_load %arg12[%get3A_186, %get3A_187] {strides = array<i32>} : memref<8x128xf32, #tpu.memory_space<vmem>>, vector<16xf32>,
        %gather3A_189 = tpu.vector_load_idx %arg16[%get3A_182] : memref<10000xf32, #tpu.memory_space<vmem>>[vector<16xi32>], vector<16xf32>,
        %mul3A_190 = arith.mulf %gather3A_189, %get3A_188 : vector<16xf32>
        %gather3A_191 = tpu.vector_load_idx %arg16[%get3A_185] : memref<10000xf32, #tpu.memory_space<vmem>>[vector<16xi32>], vector<16xf32>,
        %mul3A_192 = arith.mulf %mul3A_190, %gather3A_191 : vector<16xf32>
        %swap3A_193 = arith.constant 96 : index
        %swap3A_194 = tpu.vector_load %arg13[%swap3A_193] {strides = array<i32>} : memref<128xf32, #tpu.memory_space<vmem>>, vector<16xf32>,
        tpu.vector_store %arg13[%swap3A_193], %mul3A_192 {strides = array<i32>} : memref<128xf32, #tpu.memory_space<vmem>>, vector<16xf32>,
        %get3A_195 = arith.index_cast %add3A_79 : i32 to index
        %get3A_196 = arith.constant 112 : index
        %get3A_197 = tpu.vector_load %arg10[%get3A_195, %get3A_196] {strides = array<i32>} : memref<8x128xi32, #tpu.memory_space<vmem>>, vector<16xi32>,
        %get3A_198 = arith.index_cast %add3A_79 : i32 to index
        %get3A_199 = arith.constant 112 : index
        %get3A_200 = tpu.vector_load %arg11[%get3A_198, %get3A_199] {strides = array<i32>} : memref<8x128xi32, #tpu.memory_space<vmem>>, vector<16xi32>,
        %get3A_201 = arith.index_cast %add3A_79 : i32 to index
        %get3A_202 = arith.constant 112 : index
        %get3A_203 = tpu.vector_load %arg12[%get3A_201, %get3A_202] {strides = array<i32>} : memref<8x128xf32, #tpu.memory_space<vmem>>, vector<16xf32>,
        %gather3A_204 = tpu.vector_load_idx %arg16[%get3A_197] : memref<10000xf32, #tpu.memory_space<vmem>>[vector<16xi32>], vector<16xf32>,
        %mul3A_205 = arith.mulf %gather3A_204, %get3A_203 : vector<16xf32>
        %gather3A_206 = tpu.vector_load_idx %arg16[%get3A_200] : memref<10000xf32, #tpu.memory_space<vmem>>[vector<16xi32>], vector<16xf32>,
        %mul3A_207 = arith.mulf %mul3A_205, %gather3A_206 : vector<16xf32>
        %swap3A_208 = arith.constant 112 : index
        %swap3A_209 = tpu.vector_load %arg13[%swap3A_208] {strides = array<i32>} : memref<128xf32, #tpu.memory_space<vmem>>, vector<16xf32>,
        tpu.vector_store %arg13[%swap3A_208], %mul3A_207 {strides = array<i32>} : memref<128xf32, #tpu.memory_space<vmem>>, vector<16xf32>,
        %parallel_loop3A = arith.constant 0 : i32
        %parallel_loop3A_210 = arith.constant 128 : i32
        %parallel_loop3A_211 = arith.constant 1 : i32
        scf.for %parallel_loop3A_364 = %parallel_loop3A to %parallel_loop3A_210 step %parallel_loop3A_211  : i32 {
          %parallel_loop3A_365 = arith.constant 0 : i32
          %parallel_loop3A_366 = vector.broadcast %parallel_loop3A_365 : i32 to vector<16xi32>
          %parallel_loop3A_367 = vector.broadcast %parallel_loop3A_364 : i32 to vector<16xi32>
          %parallel_loop3A_368 = arith.addi %parallel_loop3A_366, %parallel_loop3A_367 : vector<16xi32>
          %parallel_loop3A_369 = tpu.vector_load_idx %arg13[%parallel_loop3A_368] : memref<128xf32, #tpu.memory_space<vmem>>[vector<16xi32>], vector<16xf32>,
          %parallel_loop3A_370 = arith.index_cast %parallel_loop3A_364 : i32 to index
          %parallel_loop3A_371 = arith.constant 0 : index
          %parallel_loop3A_372 = tpu.vector_load %arg14[%parallel_loop3A_370, %parallel_loop3A_371] {strides = array<i32>} : memref<128x128xf32, #tpu.memory_space<vmem>>, vector<16xf32>,
          %parallel_loop3A_373 = arith.mulf %parallel_loop3A_372, %parallel_loop3A_369 : vector<16xf32>
          %parallel_loop3A_374 = arith.index_cast %parallel_loop3A_364 : i32 to index
          %parallel_loop3A_375 = arith.constant 0 : index
          %parallel_loop3A_376 = tpu.vector_load %arg14[%parallel_loop3A_374, %parallel_loop3A_375] {strides = array<i32>} : memref<128x128xf32, #tpu.memory_space<vmem>>, vector<16xf32>,
          tpu.vector_store %arg14[%parallel_loop3A_374, %parallel_loop3A_375], %parallel_loop3A_373 {strides = array<i32>} : memref<128x128xf32, #tpu.memory_space<vmem>>, vector<16xf32>,
          %parallel_loop3A_377 = arith.index_cast %parallel_loop3A_364 : i32 to index
          %parallel_loop3A_378 = arith.constant 16 : index
          %parallel_loop3A_379 = tpu.vector_load %arg14[%parallel_loop3A_377, %parallel_loop3A_378] {strides = array<i32>} : memref<128x128xf32, #tpu.memory_space<vmem>>, vector<16xf32>,
          %parallel_loop3A_380 = arith.mulf %parallel_loop3A_379, %parallel_loop3A_369 : vector<16xf32>
          %parallel_loop3A_381 = arith.index_cast %parallel_loop3A_364 : i32 to index
          %parallel_loop3A_382 = arith.constant 16 : index
          %parallel_loop3A_383 = tpu.vector_load %arg14[%parallel_loop3A_381, %parallel_loop3A_382] {strides = array<i32>} : memref<128x128xf32, #tpu.memory_space<vmem>>, vector<16xf32>,
          tpu.vector_store %arg14[%parallel_loop3A_381, %parallel_loop3A_382], %parallel_loop3A_380 {strides = array<i32>} : memref<128x128xf32, #tpu.memory_space<vmem>>, vector<16xf32>,
          %parallel_loop3A_384 = arith.index_cast %parallel_loop3A_364 : i32 to index
          %parallel_loop3A_385 = arith.constant 32 : index
          %parallel_loop3A_386 = tpu.vector_load %arg14[%parallel_loop3A_384, %parallel_loop3A_385] {strides = array<i32>} : memref<128x128xf32, #tpu.memory_space<vmem>>, vector<16xf32>,
          %parallel_loop3A_387 = arith.mulf %parallel_loop3A_386, %parallel_loop3A_369 : vector<16xf32>
          %parallel_loop3A_388 = arith.index_cast %parallel_loop3A_364 : i32 to index
          %parallel_loop3A_389 = arith.constant 32 : index
          %parallel_loop3A_390 = tpu.vector_load %arg14[%parallel_loop3A_388, %parallel_loop3A_389] {strides = array<i32>} : memref<128x128xf32, #tpu.memory_space<vmem>>, vector<16xf32>,
          tpu.vector_store %arg14[%parallel_loop3A_388, %parallel_loop3A_389], %parallel_loop3A_387 {strides = array<i32>} : memref<128x128xf32, #tpu.memory_space<vmem>>, vector<16xf32>,
          %parallel_loop3A_391 = arith.index_cast %parallel_loop3A_364 : i32 to index
          %parallel_loop3A_392 = arith.constant 48 : index
          %parallel_loop3A_393 = tpu.vector_load %arg14[%parallel_loop3A_391, %parallel_loop3A_392] {strides = array<i32>} : memref<128x128xf32, #tpu.memory_space<vmem>>, vector<16xf32>,
          %parallel_loop3A_394 = arith.mulf %parallel_loop3A_393, %parallel_loop3A_369 : vector<16xf32>
          %parallel_loop3A_395 = arith.index_cast %parallel_loop3A_364 : i32 to index
          %parallel_loop3A_396 = arith.constant 48 : index
          %parallel_loop3A_397 = tpu.vector_load %arg14[%parallel_loop3A_395, %parallel_loop3A_396] {strides = array<i32>} : memref<128x128xf32, #tpu.memory_space<vmem>>, vector<16xf32>,
          tpu.vector_store %arg14[%parallel_loop3A_395, %parallel_loop3A_396], %parallel_loop3A_394 {strides = array<i32>} : memref<128x128xf32, #tpu.memory_space<vmem>>, vector<16xf32>,
          %parallel_loop3A_398 = arith.index_cast %parallel_loop3A_364 : i32 to index
          %parallel_loop3A_399 = arith.constant 64 : index
          %parallel_loop3A_400 = tpu.vector_load %arg14[%parallel_loop3A_398, %parallel_loop3A_399] {strides = array<i32>} : memref<128x128xf32, #tpu.memory_space<vmem>>, vector<16xf32>,
          %parallel_loop3A_401 = arith.mulf %parallel_loop3A_400, %parallel_loop3A_369 : vector<16xf32>
          %parallel_loop3A_402 = arith.index_cast %parallel_loop3A_364 : i32 to index
          %parallel_loop3A_403 = arith.constant 64 : index
          %parallel_loop3A_404 = tpu.vector_load %arg14[%parallel_loop3A_402, %parallel_loop3A_403] {strides = array<i32>} : memref<128x128xf32, #tpu.memory_space<vmem>>, vector<16xf32>,
          tpu.vector_store %arg14[%parallel_loop3A_402, %parallel_loop3A_403], %parallel_loop3A_401 {strides = array<i32>} : memref<128x128xf32, #tpu.memory_space<vmem>>, vector<16xf32>,
          %parallel_loop3A_405 = arith.index_cast %parallel_loop3A_364 : i32 to index
          %parallel_loop3A_406 = arith.constant 80 : index
          %parallel_loop3A_407 = tpu.vector_load %arg14[%parallel_loop3A_405, %parallel_loop3A_406] {strides = array<i32>} : memref<128x128xf32, #tpu.memory_space<vmem>>, vector<16xf32>,
          %parallel_loop3A_408 = arith.mulf %parallel_loop3A_407, %parallel_loop3A_369 : vector<16xf32>
          %parallel_loop3A_409 = arith.index_cast %parallel_loop3A_364 : i32 to index
          %parallel_loop3A_410 = arith.constant 80 : index
          %parallel_loop3A_411 = tpu.vector_load %arg14[%parallel_loop3A_409, %parallel_loop3A_410] {strides = array<i32>} : memref<128x128xf32, #tpu.memory_space<vmem>>, vector<16xf32>,
          tpu.vector_store %arg14[%parallel_loop3A_409, %parallel_loop3A_410], %parallel_loop3A_408 {strides = array<i32>} : memref<128x128xf32, #tpu.memory_space<vmem>>, vector<16xf32>,
          %parallel_loop3A_412 = arith.index_cast %parallel_loop3A_364 : i32 to index
          %parallel_loop3A_413 = arith.constant 96 : index
          %parallel_loop3A_414 = tpu.vector_load %arg14[%parallel_loop3A_412, %parallel_loop3A_413] {strides = array<i32>} : memref<128x128xf32, #tpu.memory_space<vmem>>, vector<16xf32>,
          %parallel_loop3A_415 = arith.mulf %parallel_loop3A_414, %parallel_loop3A_369 : vector<16xf32>
          %parallel_loop3A_416 = arith.index_cast %parallel_loop3A_364 : i32 to index
          %parallel_loop3A_417 = arith.constant 96 : index
          %parallel_loop3A_418 = tpu.vector_load %arg14[%parallel_loop3A_416, %parallel_loop3A_417] {strides = array<i32>} : memref<128x128xf32, #tpu.memory_space<vmem>>, vector<16xf32>,
          tpu.vector_store %arg14[%parallel_loop3A_416, %parallel_loop3A_417], %parallel_loop3A_415 {strides = array<i32>} : memref<128x128xf32, #tpu.memory_space<vmem>>, vector<16xf32>,
          %parallel_loop3A_419 = arith.index_cast %parallel_loop3A_364 : i32 to index
          %parallel_loop3A_420 = arith.constant 112 : index
          %parallel_loop3A_421 = tpu.vector_load %arg14[%parallel_loop3A_419, %parallel_loop3A_420] {strides = array<i32>} : memref<128x128xf32, #tpu.memory_space<vmem>>, vector<16xf32>,
          %parallel_loop3A_422 = arith.mulf %parallel_loop3A_421, %parallel_loop3A_369 : vector<16xf32>
          %parallel_loop3A_423 = arith.index_cast %parallel_loop3A_364 : i32 to index
          %parallel_loop3A_424 = arith.constant 112 : index
          %parallel_loop3A_425 = tpu.vector_load %arg14[%parallel_loop3A_423, %parallel_loop3A_424] {strides = array<i32>} : memref<128x128xf32, #tpu.memory_space<vmem>>, vector<16xf32>,
          tpu.vector_store %arg14[%parallel_loop3A_423, %parallel_loop3A_424], %parallel_loop3A_422 {strides = array<i32>} : memref<128x128xf32, #tpu.memory_space<vmem>>, vector<16xf32>,
        } {sc.loop_unroll_factor = 4 : i64, sc.parallel_access}
        %dma_start3A = arith.constant 0 : i32
        %dma_start3A_212 = tpu.memref_slice %arg11[%add3A_79, %dma_start3A] : memref<8x128xi32, #tpu.memory_space<vmem>> -> memref<1x128xi32, #tpu.memory_space<vmem>>
        %dma_start3A_213 = tpu.memref_squeeze %dma_start3A_212 : memref<1x128xi32, #tpu.memory_space<vmem>> -> memref<128xi32, #tpu.memory_space<vmem>>
        %dma_start3A_214 = arith.constant 0 : i32
        %dma_start3A_215 = arith.constant 0 : i32
        %dma_start3A_216 = tpu.memref_slice %arg17[%dma_start3A_214, %dma_start3A_215] : memref<10240x128xf32, #tpu.memory_space<vmem_shared>> -> memref<10240x128xf32, #tpu.memory_space<vmem_shared>>
        tpu.enqueue_indirect_dma source(%arg14 : memref<128x128xf32, #tpu.memory_space<vmem>>) target(%dma_start3A_216 : memref<10240x128xf32, #tpu.memory_space<vmem_shared>>) offsets(%dma_start3A_213 : memref<128xi32, #tpu.memory_space<vmem>>) semaphore(%arg20 : memref<!tpu.dma_semaphore, #tpu.memory_space<semaphore_mem>>) {add = true}
        %mul3A_217 = arith.constant 2 : i32
        %mul3A_218 = arith.muli %mul3A_217, %scan3A_75 : i32
        %add3A_219 = arith.constant 1 : i32
        %add3A_220 = arith.addi %mul3A_218, %add3A_219 : i32
        %add3A_221 = arith.constant 1 : i32
        %add3A_222 = arith.addi %add3A_220, %add3A_221 : i32
        %lt3A_223 = arith.constant 8 : i32
        %lt3A_224 = arith.cmpi slt, %add3A_222, %lt3A_223 : i32
        %convert_element_type3A_225 = arith.extui %lt3A_224 : i1 to i32
        %cond3A_226 = arith.constant 0 : i32
        %cond3A_227 = arith.cmpi ne, %convert_element_type3A_225, %cond3A_226 : i32
        scf.if %cond3A_227 {
          %ge3A = arith.constant 1 : i32
          %ge3A_364 = arith.cmpi sge, %add3A_220, %ge3A : i32
          %convert_element_type3A_365 = arith.extui %ge3A_364 : i1 to i32
          %cond3A_366 = arith.constant 0 : i32
          %cond3A_367 = arith.cmpi ne, %convert_element_type3A_365, %cond3A_366 : i32
          scf.if %cond3A_367 {
            %dma_wait3A_380 = arith.constant 0 : i32
            %dma_wait3A_381 = arith.constant 0 : i32
            %dma_wait3A_382 = tpu.memref_slice %arg11[%dma_wait3A_380, %dma_wait3A_381] : memref<8x128xi32, #tpu.memory_space<vmem>> -> memref<1x128xi32, #tpu.memory_space<vmem>>
            %dma_wait3A_383 = tpu.memref_squeeze %dma_wait3A_382 : memref<1x128xi32, #tpu.memory_space<vmem>> -> memref<128xi32, #tpu.memory_space<vmem>>
            %dma_wait3A_384 = arith.constant 0 : i32
            %dma_wait3A_385 = arith.constant 0 : i32
            %dma_wait3A_386 = tpu.memref_slice %arg17[%dma_wait3A_384, %dma_wait3A_385] : memref<10240x128xf32, #tpu.memory_space<vmem_shared>> -> memref<10240x128xf32, #tpu.memory_space<vmem_shared>>
            tpu.wait_indirect_dma semaphore(%arg20 : memref<!tpu.dma_semaphore, #tpu.memory_space<semaphore_mem>>) src(%arg14 : memref<128x128xf32, #tpu.memory_space<vmem>>) dst(%dma_wait3A_386 : memref<10240x128xf32, #tpu.memory_space<vmem_shared>>)
          } else {
          }
          %add3A_368 = arith.constant 1 : i32
          %add3A_369 = arith.addi %add3A_220, %add3A_368 : i32
          %eq3A_370 = arith.constant 0 : i32
          %eq3A_371 = arith.cmpi eq, %arg0, %eq3A_370 : i32
          %convert_element_type3A_372 = arith.extui %eq3A_371 : i1 to i32
          %cond3A_373 = arith.constant 0 : i32
          %cond3A_374 = arith.cmpi ne, %convert_element_type3A_372, %cond3A_373 : i32
          scf.if %cond3A_374 {
            %dma_start3A_380 = arith.constant 0 : i32
            %dma_start3A_381 = tpu.memref_slice %arg10[%add3A_369, %dma_start3A_380] : memref<8x128xi32, #tpu.memory_space<vmem>> -> memref<1x128xi32, #tpu.memory_space<vmem>>
            %dma_start3A_382 = tpu.memref_squeeze %dma_start3A_381 : memref<1x128xi32, #tpu.memory_space<vmem>> -> memref<128xi32, #tpu.memory_space<vmem>>
            %dma_start3A_383 = arith.constant 0 : i32
            %dma_start3A_384 = arith.constant 0 : i32
            %dma_start3A_385 = tpu.memref_slice %arg2[%dma_start3A_383, %dma_start3A_384] : memref<10000x128xf32, #tpu.memory_space<hbm>> -> memref<10000x128xf32, #tpu.memory_space<hbm>>
            tpu.enqueue_indirect_dma source(%dma_start3A_385 : memref<10000x128xf32, #tpu.memory_space<hbm>>) target(%arg14 : memref<128x128xf32, #tpu.memory_space<vmem>>) offsets(%dma_start3A_382 : memref<128xi32, #tpu.memory_space<vmem>>) semaphore(%arg18 : memref<!tpu.dma_semaphore, #tpu.memory_space<semaphore_mem>>)
          } else {
          }
          %eq3A_375 = arith.constant 1 : i32
          %eq3A_376 = arith.cmpi eq, %arg0, %eq3A_375 : i32
          %convert_element_type3A_377 = arith.extui %eq3A_376 : i1 to i32
          %cond3A_378 = arith.constant 0 : i32
          %cond3A_379 = arith.cmpi ne, %convert_element_type3A_377, %cond3A_378 : i32
          scf.if %cond3A_379 {
            %dma_start3A_380 = arith.constant 0 : i32
            %dma_start3A_381 = tpu.memref_slice %arg10[%add3A_369, %dma_start3A_380] : memref<8x128xi32, #tpu.memory_space<vmem>> -> memref<1x128xi32, #tpu.memory_space<vmem>>
            %dma_start3A_382 = tpu.memref_squeeze %dma_start3A_381 : memref<1x128xi32, #tpu.memory_space<vmem>> -> memref<128xi32, #tpu.memory_space<vmem>>
            %dma_start3A_383 = arith.constant 0 : i32
            %dma_start3A_384 = arith.constant 0 : i32
            %dma_start3A_385 = tpu.memref_slice %arg3[%dma_start3A_383, %dma_start3A_384] : memref<10000x128xf32, #tpu.memory_space<hbm>> -> memref<10000x128xf32, #tpu.memory_space<hbm>>
            tpu.enqueue_indirect_dma source(%dma_start3A_385 : memref<10000x128xf32, #tpu.memory_space<hbm>>) target(%arg14 : memref<128x128xf32, #tpu.memory_space<vmem>>) offsets(%dma_start3A_382 : memref<128xi32, #tpu.memory_space<vmem>>) semaphore(%arg18 : memref<!tpu.dma_semaphore, #tpu.memory_space<semaphore_mem>>)
          } else {
          }
        } else {
        }
        %dma_wait3A_228 = arith.constant 0 : i32
        %dma_wait3A_229 = arith.constant 0 : i32
        %dma_wait3A_230 = tpu.memref_slice %arg10[%dma_wait3A_228, %dma_wait3A_229] : memref<8x128xi32, #tpu.memory_space<vmem>> -> memref<1x128xi32, #tpu.memory_space<vmem>>
        %dma_wait3A_231 = tpu.memref_squeeze %dma_wait3A_230 : memref<1x128xi32, #tpu.memory_space<vmem>> -> memref<128xi32, #tpu.memory_space<vmem>>
        %dma_wait3A_232 = arith.constant 0 : i32
        %dma_wait3A_233 = arith.constant 0 : i32
        %dma_wait3A_234 = tpu.memref_slice %arg2[%dma_wait3A_232, %dma_wait3A_233] : memref<10000x128xf32, #tpu.memory_space<hbm>> -> memref<10000x128xf32, #tpu.memory_space<hbm>>
        tpu.wait_indirect_dma semaphore(%arg19 : memref<!tpu.dma_semaphore, #tpu.memory_space<semaphore_mem>>) src(%dma_wait3A_234 : memref<10000x128xf32, #tpu.memory_space<hbm>>) dst(%arg15 : memref<128x128xf32, #tpu.memory_space<vmem>>)
        %get3A_235 = arith.index_cast %add3A_220 : i32 to index
        %get3A_236 = arith.constant 0 : index
        %get3A_237 = tpu.vector_load %arg10[%get3A_235, %get3A_236] {strides = array<i32>} : memref<8x128xi32, #tpu.memory_space<vmem>>, vector<16xi32>,
        %get3A_238 = arith.index_cast %add3A_220 : i32 to index
        %get3A_239 = arith.constant 0 : index
        %get3A_240 = tpu.vector_load %arg11[%get3A_238, %get3A_239] {strides = array<i32>} : memref<8x128xi32, #tpu.memory_space<vmem>>, vector<16xi32>,
        %get3A_241 = arith.index_cast %add3A_220 : i32 to index
        %get3A_242 = arith.constant 0 : index
        %get3A_243 = tpu.vector_load %arg12[%get3A_241, %get3A_242] {strides = array<i32>} : memref<8x128xf32, #tpu.memory_space<vmem>>, vector<16xf32>,
        %gather3A_244 = tpu.vector_load_idx %arg16[%get3A_237] : memref<10000xf32, #tpu.memory_space<vmem>>[vector<16xi32>], vector<16xf32>,
        %mul3A_245 = arith.mulf %gather3A_244, %get3A_243 : vector<16xf32>
        %gather3A_246 = tpu.vector_load_idx %arg16[%get3A_240] : memref<10000xf32, #tpu.memory_space<vmem>>[vector<16xi32>], vector<16xf32>,
        %mul3A_247 = arith.mulf %mul3A_245, %gather3A_246 : vector<16xf32>
        %swap3A_248 = arith.constant 0 : index
        %swap3A_249 = tpu.vector_load %arg13[%swap3A_248] {strides = array<i32>} : memref<128xf32, #tpu.memory_space<vmem>>, vector<16xf32>,
        tpu.vector_store %arg13[%swap3A_248], %mul3A_247 {strides = array<i32>} : memref<128xf32, #tpu.memory_space<vmem>>, vector<16xf32>,
        %get3A_250 = arith.index_cast %add3A_220 : i32 to index
        %get3A_251 = arith.constant 16 : index
        %get3A_252 = tpu.vector_load %arg10[%get3A_250, %get3A_251] {strides = array<i32>} : memref<8x128xi32, #tpu.memory_space<vmem>>, vector<16xi32>,
        %get3A_253 = arith.index_cast %add3A_220 : i32 to index
        %get3A_254 = arith.constant 16 : index
        %get3A_255 = tpu.vector_load %arg11[%get3A_253, %get3A_254] {strides = array<i32>} : memref<8x128xi32, #tpu.memory_space<vmem>>, vector<16xi32>,
        %get3A_256 = arith.index_cast %add3A_220 : i32 to index
        %get3A_257 = arith.constant 16 : index
        %get3A_258 = tpu.vector_load %arg12[%get3A_256, %get3A_257] {strides = array<i32>} : memref<8x128xf32, #tpu.memory_space<vmem>>, vector<16xf32>,
        %gather3A_259 = tpu.vector_load_idx %arg16[%get3A_252] : memref<10000xf32, #tpu.memory_space<vmem>>[vector<16xi32>], vector<16xf32>,
        %mul3A_260 = arith.mulf %gather3A_259, %get3A_258 : vector<16xf32>
        %gather3A_261 = tpu.vector_load_idx %arg16[%get3A_255] : memref<10000xf32, #tpu.memory_space<vmem>>[vector<16xi32>], vector<16xf32>,
        %mul3A_262 = arith.mulf %mul3A_260, %gather3A_261 : vector<16xf32>
        %swap3A_263 = arith.constant 16 : index
        %swap3A_264 = tpu.vector_load %arg13[%swap3A_263] {strides = array<i32>} : memref<128xf32, #tpu.memory_space<vmem>>, vector<16xf32>,
        tpu.vector_store %arg13[%swap3A_263], %mul3A_262 {strides = array<i32>} : memref<128xf32, #tpu.memory_space<vmem>>, vector<16xf32>,
        %get3A_265 = arith.index_cast %add3A_220 : i32 to index
        %get3A_266 = arith.constant 32 : index
        %get3A_267 = tpu.vector_load %arg10[%get3A_265, %get3A_266] {strides = array<i32>} : memref<8x128xi32, #tpu.memory_space<vmem>>, vector<16xi32>,
        %get3A_268 = arith.index_cast %add3A_220 : i32 to index
        %get3A_269 = arith.constant 32 : index
        %get3A_270 = tpu.vector_load %arg11[%get3A_268, %get3A_269] {strides = array<i32>} : memref<8x128xi32, #tpu.memory_space<vmem>>, vector<16xi32>,
        %get3A_271 = arith.index_cast %add3A_220 : i32 to index
        %get3A_272 = arith.constant 32 : index
        %get3A_273 = tpu.vector_load %arg12[%get3A_271, %get3A_272] {strides = array<i32>} : memref<8x128xf32, #tpu.memory_space<vmem>>, vector<16xf32>,
        %gather3A_274 = tpu.vector_load_idx %arg16[%get3A_267] : memref<10000xf32, #tpu.memory_space<vmem>>[vector<16xi32>], vector<16xf32>,
        %mul3A_275 = arith.mulf %gather3A_274, %get3A_273 : vector<16xf32>
        %gather3A_276 = tpu.vector_load_idx %arg16[%get3A_270] : memref<10000xf32, #tpu.memory_space<vmem>>[vector<16xi32>], vector<16xf32>,
        %mul3A_277 = arith.mulf %mul3A_275, %gather3A_276 : vector<16xf32>
        %swap3A_278 = arith.constant 32 : index
        %swap3A_279 = tpu.vector_load %arg13[%swap3A_278] {strides = array<i32>} : memref<128xf32, #tpu.memory_space<vmem>>, vector<16xf32>,
        tpu.vector_store %arg13[%swap3A_278], %mul3A_277 {strides = array<i32>} : memref<128xf32, #tpu.memory_space<vmem>>, vector<16xf32>,
        %get3A_280 = arith.index_cast %add3A_220 : i32 to index
        %get3A_281 = arith.constant 48 : index
        %get3A_282 = tpu.vector_load %arg10[%get3A_280, %get3A_281] {strides = array<i32>} : memref<8x128xi32, #tpu.memory_space<vmem>>, vector<16xi32>,
        %get3A_283 = arith.index_cast %add3A_220 : i32 to index
        %get3A_284 = arith.constant 48 : index
        %get3A_285 = tpu.vector_load %arg11[%get3A_283, %get3A_284] {strides = array<i32>} : memref<8x128xi32, #tpu.memory_space<vmem>>, vector<16xi32>,
        %get3A_286 = arith.index_cast %add3A_220 : i32 to index
        %get3A_287 = arith.constant 48 : index
        %get3A_288 = tpu.vector_load %arg12[%get3A_286, %get3A_287] {strides = array<i32>} : memref<8x128xf32, #tpu.memory_space<vmem>>, vector<16xf32>,
        %gather3A_289 = tpu.vector_load_idx %arg16[%get3A_282] : memref<10000xf32, #tpu.memory_space<vmem>>[vector<16xi32>], vector<16xf32>,
        %mul3A_290 = arith.mulf %gather3A_289, %get3A_288 : vector<16xf32>
        %gather3A_291 = tpu.vector_load_idx %arg16[%get3A_285] : memref<10000xf32, #tpu.memory_space<vmem>>[vector<16xi32>], vector<16xf32>,
        %mul3A_292 = arith.mulf %mul3A_290, %gather3A_291 : vector<16xf32>
        %swap3A_293 = arith.constant 48 : index
        %swap3A_294 = tpu.vector_load %arg13[%swap3A_293] {strides = array<i32>} : memref<128xf32, #tpu.memory_space<vmem>>, vector<16xf32>,
        tpu.vector_store %arg13[%swap3A_293], %mul3A_292 {strides = array<i32>} : memref<128xf32, #tpu.memory_space<vmem>>, vector<16xf32>,
        %get3A_295 = arith.index_cast %add3A_220 : i32 to index
        %get3A_296 = arith.constant 64 : index
        %get3A_297 = tpu.vector_load %arg10[%get3A_295, %get3A_296] {strides = array<i32>} : memref<8x128xi32, #tpu.memory_space<vmem>>, vector<16xi32>,
        %get3A_298 = arith.index_cast %add3A_220 : i32 to index
        %get3A_299 = arith.constant 64 : index
        %get3A_300 = tpu.vector_load %arg11[%get3A_298, %get3A_299] {strides = array<i32>} : memref<8x128xi32, #tpu.memory_space<vmem>>, vector<16xi32>,
        %get3A_301 = arith.index_cast %add3A_220 : i32 to index
        %get3A_302 = arith.constant 64 : index
        %get3A_303 = tpu.vector_load %arg12[%get3A_301, %get3A_302] {strides = array<i32>} : memref<8x128xf32, #tpu.memory_space<vmem>>, vector<16xf32>,
        %gather3A_304 = tpu.vector_load_idx %arg16[%get3A_297] : memref<10000xf32, #tpu.memory_space<vmem>>[vector<16xi32>], vector<16xf32>,
        %mul3A_305 = arith.mulf %gather3A_304, %get3A_303 : vector<16xf32>
        %gather3A_306 = tpu.vector_load_idx %arg16[%get3A_300] : memref<10000xf32, #tpu.memory_space<vmem>>[vector<16xi32>], vector<16xf32>,
        %mul3A_307 = arith.mulf %mul3A_305, %gather3A_306 : vector<16xf32>
        %swap3A_308 = arith.constant 64 : index
        %swap3A_309 = tpu.vector_load %arg13[%swap3A_308] {strides = array<i32>} : memref<128xf32, #tpu.memory_space<vmem>>, vector<16xf32>,
        tpu.vector_store %arg13[%swap3A_308], %mul3A_307 {strides = array<i32>} : memref<128xf32, #tpu.memory_space<vmem>>, vector<16xf32>,
        %get3A_310 = arith.index_cast %add3A_220 : i32 to index
        %get3A_311 = arith.constant 80 : index
        %get3A_312 = tpu.vector_load %arg10[%get3A_310, %get3A_311] {strides = array<i32>} : memref<8x128xi32, #tpu.memory_space<vmem>>, vector<16xi32>,
        %get3A_313 = arith.index_cast %add3A_220 : i32 to index
        %get3A_314 = arith.constant 80 : index
        %get3A_315 = tpu.vector_load %arg11[%get3A_313, %get3A_314] {strides = array<i32>} : memref<8x128xi32, #tpu.memory_space<vmem>>, vector<16xi32>,
        %get3A_316 = arith.index_cast %add3A_220 : i32 to index
        %get3A_317 = arith.constant 80 : index
        %get3A_318 = tpu.vector_load %arg12[%get3A_316, %get3A_317] {strides = array<i32>} : memref<8x128xf32, #tpu.memory_space<vmem>>, vector<16xf32>,
        %gather3A_319 = tpu.vector_load_idx %arg16[%get3A_312] : memref<10000xf32, #tpu.memory_space<vmem>>[vector<16xi32>], vector<16xf32>,
        %mul3A_320 = arith.mulf %gather3A_319, %get3A_318 : vector<16xf32>
        %gather3A_321 = tpu.vector_load_idx %arg16[%get3A_315] : memref<10000xf32, #tpu.memory_space<vmem>>[vector<16xi32>], vector<16xf32>,
        %mul3A_322 = arith.mulf %mul3A_320, %gather3A_321 : vector<16xf32>
        %swap3A_323 = arith.constant 80 : index
        %swap3A_324 = tpu.vector_load %arg13[%swap3A_323] {strides = array<i32>} : memref<128xf32, #tpu.memory_space<vmem>>, vector<16xf32>,
        tpu.vector_store %arg13[%swap3A_323], %mul3A_322 {strides = array<i32>} : memref<128xf32, #tpu.memory_space<vmem>>, vector<16xf32>,
        %get3A_325 = arith.index_cast %add3A_220 : i32 to index
        %get3A_326 = arith.constant 96 : index
        %get3A_327 = tpu.vector_load %arg10[%get3A_325, %get3A_326] {strides = array<i32>} : memref<8x128xi32, #tpu.memory_space<vmem>>, vector<16xi32>,
        %get3A_328 = arith.index_cast %add3A_220 : i32 to index
        %get3A_329 = arith.constant 96 : index
        %get3A_330 = tpu.vector_load %arg11[%get3A_328, %get3A_329] {strides = array<i32>} : memref<8x128xi32, #tpu.memory_space<vmem>>, vector<16xi32>,
        %get3A_331 = arith.index_cast %add3A_220 : i32 to index
        %get3A_332 = arith.constant 96 : index
        %get3A_333 = tpu.vector_load %arg12[%get3A_331, %get3A_332] {strides = array<i32>} : memref<8x128xf32, #tpu.memory_space<vmem>>, vector<16xf32>,
        %gather3A_334 = tpu.vector_load_idx %arg16[%get3A_327] : memref<10000xf32, #tpu.memory_space<vmem>>[vector<16xi32>], vector<16xf32>,
        %mul3A_335 = arith.mulf %gather3A_334, %get3A_333 : vector<16xf32>
        %gather3A_336 = tpu.vector_load_idx %arg16[%get3A_330] : memref<10000xf32, #tpu.memory_space<vmem>>[vector<16xi32>], vector<16xf32>,
        %mul3A_337 = arith.mulf %mul3A_335, %gather3A_336 : vector<16xf32>
        %swap3A_338 = arith.constant 96 : index
        %swap3A_339 = tpu.vector_load %arg13[%swap3A_338] {strides = array<i32>} : memref<128xf32, #tpu.memory_space<vmem>>, vector<16xf32>,
        tpu.vector_store %arg13[%swap3A_338], %mul3A_337 {strides = array<i32>} : memref<128xf32, #tpu.memory_space<vmem>>, vector<16xf32>,
        %get3A_340 = arith.index_cast %add3A_220 : i32 to index
        %get3A_341 = arith.constant 112 : index
        %get3A_342 = tpu.vector_load %arg10[%get3A_340, %get3A_341] {strides = array<i32>} : memref<8x128xi32, #tpu.memory_space<vmem>>, vector<16xi32>,
        %get3A_343 = arith.index_cast %add3A_220 : i32 to index
        %get3A_344 = arith.constant 112 : index
        %get3A_345 = tpu.vector_load %arg11[%get3A_343, %get3A_344] {strides = array<i32>} : memref<8x128xi32, #tpu.memory_space<vmem>>, vector<16xi32>,
        %get3A_346 = arith.index_cast %add3A_220 : i32 to index
        %get3A_347 = arith.constant 112 : index
        %get3A_348 = tpu.vector_load %arg12[%get3A_346, %get3A_347] {strides = array<i32>} : memref<8x128xf32, #tpu.memory_space<vmem>>, vector<16xf32>,
        %gather3A_349 = tpu.vector_load_idx %arg16[%get3A_342] : memref<10000xf32, #tpu.memory_space<vmem>>[vector<16xi32>], vector<16xf32>,
        %mul3A_350 = arith.mulf %gather3A_349, %get3A_348 : vector<16xf32>
        %gather3A_351 = tpu.vector_load_idx %arg16[%get3A_345] : memref<10000xf32, #tpu.memory_space<vmem>>[vector<16xi32>], vector<16xf32>,
        %mul3A_352 = arith.mulf %mul3A_350, %gather3A_351 : vector<16xf32>
        %swap3A_353 = arith.constant 112 : index
        %swap3A_354 = tpu.vector_load %arg13[%swap3A_353] {strides = array<i32>} : memref<128xf32, #tpu.memory_space<vmem>>, vector<16xf32>,
        tpu.vector_store %arg13[%swap3A_353], %mul3A_352 {strides = array<i32>} : memref<128xf32, #tpu.memory_space<vmem>>, vector<16xf32>,
        %parallel_loop3A_355 = arith.constant 0 : i32
        %parallel_loop3A_356 = arith.constant 128 : i32
        %parallel_loop3A_357 = arith.constant 1 : i32
        scf.for %parallel_loop3A_364 = %parallel_loop3A_355 to %parallel_loop3A_356 step %parallel_loop3A_357  : i32 {
          %parallel_loop3A_365 = arith.constant 0 : i32
          %parallel_loop3A_366 = vector.broadcast %parallel_loop3A_365 : i32 to vector<16xi32>
          %parallel_loop3A_367 = vector.broadcast %parallel_loop3A_364 : i32 to vector<16xi32>
          %parallel_loop3A_368 = arith.addi %parallel_loop3A_366, %parallel_loop3A_367 : vector<16xi32>
          %parallel_loop3A_369 = tpu.vector_load_idx %arg13[%parallel_loop3A_368] : memref<128xf32, #tpu.memory_space<vmem>>[vector<16xi32>], vector<16xf32>,
          %parallel_loop3A_370 = arith.index_cast %parallel_loop3A_364 : i32 to index
          %parallel_loop3A_371 = arith.constant 0 : index
          %parallel_loop3A_372 = tpu.vector_load %arg15[%parallel_loop3A_370, %parallel_loop3A_371] {strides = array<i32>} : memref<128x128xf32, #tpu.memory_space<vmem>>, vector<16xf32>,
          %parallel_loop3A_373 = arith.mulf %parallel_loop3A_372, %parallel_loop3A_369 : vector<16xf32>
          %parallel_loop3A_374 = arith.index_cast %parallel_loop3A_364 : i32 to index
          %parallel_loop3A_375 = arith.constant 0 : index
          %parallel_loop3A_376 = tpu.vector_load %arg15[%parallel_loop3A_374, %parallel_loop3A_375] {strides = array<i32>} : memref<128x128xf32, #tpu.memory_space<vmem>>, vector<16xf32>,
          tpu.vector_store %arg15[%parallel_loop3A_374, %parallel_loop3A_375], %parallel_loop3A_373 {strides = array<i32>} : memref<128x128xf32, #tpu.memory_space<vmem>>, vector<16xf32>,
          %parallel_loop3A_377 = arith.index_cast %parallel_loop3A_364 : i32 to index
          %parallel_loop3A_378 = arith.constant 16 : index
          %parallel_loop3A_379 = tpu.vector_load %arg15[%parallel_loop3A_377, %parallel_loop3A_378] {strides = array<i32>} : memref<128x128xf32, #tpu.memory_space<vmem>>, vector<16xf32>,
          %parallel_loop3A_380 = arith.mulf %parallel_loop3A_379, %parallel_loop3A_369 : vector<16xf32>
          %parallel_loop3A_381 = arith.index_cast %parallel_loop3A_364 : i32 to index
          %parallel_loop3A_382 = arith.constant 16 : index
          %parallel_loop3A_383 = tpu.vector_load %arg15[%parallel_loop3A_381, %parallel_loop3A_382] {strides = array<i32>} : memref<128x128xf32, #tpu.memory_space<vmem>>, vector<16xf32>,
          tpu.vector_store %arg15[%parallel_loop3A_381, %parallel_loop3A_382], %parallel_loop3A_380 {strides = array<i32>} : memref<128x128xf32, #tpu.memory_space<vmem>>, vector<16xf32>,
          %parallel_loop3A_384 = arith.index_cast %parallel_loop3A_364 : i32 to index
          %parallel_loop3A_385 = arith.constant 32 : index
          %parallel_loop3A_386 = tpu.vector_load %arg15[%parallel_loop3A_384, %parallel_loop3A_385] {strides = array<i32>} : memref<128x128xf32, #tpu.memory_space<vmem>>, vector<16xf32>,
          %parallel_loop3A_387 = arith.mulf %parallel_loop3A_386, %parallel_loop3A_369 : vector<16xf32>
          %parallel_loop3A_388 = arith.index_cast %parallel_loop3A_364 : i32 to index
          %parallel_loop3A_389 = arith.constant 32 : index
          %parallel_loop3A_390 = tpu.vector_load %arg15[%parallel_loop3A_388, %parallel_loop3A_389] {strides = array<i32>} : memref<128x128xf32, #tpu.memory_space<vmem>>, vector<16xf32>,
          tpu.vector_store %arg15[%parallel_loop3A_388, %parallel_loop3A_389], %parallel_loop3A_387 {strides = array<i32>} : memref<128x128xf32, #tpu.memory_space<vmem>>, vector<16xf32>,
          %parallel_loop3A_391 = arith.index_cast %parallel_loop3A_364 : i32 to index
          %parallel_loop3A_392 = arith.constant 48 : index
          %parallel_loop3A_393 = tpu.vector_load %arg15[%parallel_loop3A_391, %parallel_loop3A_392] {strides = array<i32>} : memref<128x128xf32, #tpu.memory_space<vmem>>, vector<16xf32>,
          %parallel_loop3A_394 = arith.mulf %parallel_loop3A_393, %parallel_loop3A_369 : vector<16xf32>
          %parallel_loop3A_395 = arith.index_cast %parallel_loop3A_364 : i32 to index
          %parallel_loop3A_396 = arith.constant 48 : index
          %parallel_loop3A_397 = tpu.vector_load %arg15[%parallel_loop3A_395, %parallel_loop3A_396] {strides = array<i32>} : memref<128x128xf32, #tpu.memory_space<vmem>>, vector<16xf32>,
          tpu.vector_store %arg15[%parallel_loop3A_395, %parallel_loop3A_396], %parallel_loop3A_394 {strides = array<i32>} : memref<128x128xf32, #tpu.memory_space<vmem>>, vector<16xf32>,
          %parallel_loop3A_398 = arith.index_cast %parallel_loop3A_364 : i32 to index
          %parallel_loop3A_399 = arith.constant 64 : index
          %parallel_loop3A_400 = tpu.vector_load %arg15[%parallel_loop3A_398, %parallel_loop3A_399] {strides = array<i32>} : memref<128x128xf32, #tpu.memory_space<vmem>>, vector<16xf32>,
          %parallel_loop3A_401 = arith.mulf %parallel_loop3A_400, %parallel_loop3A_369 : vector<16xf32>
          %parallel_loop3A_402 = arith.index_cast %parallel_loop3A_364 : i32 to index
          %parallel_loop3A_403 = arith.constant 64 : index
          %parallel_loop3A_404 = tpu.vector_load %arg15[%parallel_loop3A_402, %parallel_loop3A_403] {strides = array<i32>} : memref<128x128xf32, #tpu.memory_space<vmem>>, vector<16xf32>,
          tpu.vector_store %arg15[%parallel_loop3A_402, %parallel_loop3A_403], %parallel_loop3A_401 {strides = array<i32>} : memref<128x128xf32, #tpu.memory_space<vmem>>, vector<16xf32>,
          %parallel_loop3A_405 = arith.index_cast %parallel_loop3A_364 : i32 to index
          %parallel_loop3A_406 = arith.constant 80 : index
          %parallel_loop3A_407 = tpu.vector_load %arg15[%parallel_loop3A_405, %parallel_loop3A_406] {strides = array<i32>} : memref<128x128xf32, #tpu.memory_space<vmem>>, vector<16xf32>,
          %parallel_loop3A_408 = arith.mulf %parallel_loop3A_407, %parallel_loop3A_369 : vector<16xf32>
          %parallel_loop3A_409 = arith.index_cast %parallel_loop3A_364 : i32 to index
          %parallel_loop3A_410 = arith.constant 80 : index
          %parallel_loop3A_411 = tpu.vector_load %arg15[%parallel_loop3A_409, %parallel_loop3A_410] {strides = array<i32>} : memref<128x128xf32, #tpu.memory_space<vmem>>, vector<16xf32>,
          tpu.vector_store %arg15[%parallel_loop3A_409, %parallel_loop3A_410], %parallel_loop3A_408 {strides = array<i32>} : memref<128x128xf32, #tpu.memory_space<vmem>>, vector<16xf32>,
          %parallel_loop3A_412 = arith.index_cast %parallel_loop3A_364 : i32 to index
          %parallel_loop3A_413 = arith.constant 96 : index
          %parallel_loop3A_414 = tpu.vector_load %arg15[%parallel_loop3A_412, %parallel_loop3A_413] {strides = array<i32>} : memref<128x128xf32, #tpu.memory_space<vmem>>, vector<16xf32>,
          %parallel_loop3A_415 = arith.mulf %parallel_loop3A_414, %parallel_loop3A_369 : vector<16xf32>
          %parallel_loop3A_416 = arith.index_cast %parallel_loop3A_364 : i32 to index
          %parallel_loop3A_417 = arith.constant 96 : index
          %parallel_loop3A_418 = tpu.vector_load %arg15[%parallel_loop3A_416, %parallel_loop3A_417] {strides = array<i32>} : memref<128x128xf32, #tpu.memory_space<vmem>>, vector<16xf32>,
          tpu.vector_store %arg15[%parallel_loop3A_416, %parallel_loop3A_417], %parallel_loop3A_415 {strides = array<i32>} : memref<128x128xf32, #tpu.memory_space<vmem>>, vector<16xf32>,
          %parallel_loop3A_419 = arith.index_cast %parallel_loop3A_364 : i32 to index
          %parallel_loop3A_420 = arith.constant 112 : index
          %parallel_loop3A_421 = tpu.vector_load %arg15[%parallel_loop3A_419, %parallel_loop3A_420] {strides = array<i32>} : memref<128x128xf32, #tpu.memory_space<vmem>>, vector<16xf32>,
          %parallel_loop3A_422 = arith.mulf %parallel_loop3A_421, %parallel_loop3A_369 : vector<16xf32>
          %parallel_loop3A_423 = arith.index_cast %parallel_loop3A_364 : i32 to index
          %parallel_loop3A_424 = arith.constant 112 : index
          %parallel_loop3A_425 = tpu.vector_load %arg15[%parallel_loop3A_423, %parallel_loop3A_424] {strides = array<i32>} : memref<128x128xf32, #tpu.memory_space<vmem>>, vector<16xf32>,
          tpu.vector_store %arg15[%parallel_loop3A_423, %parallel_loop3A_424], %parallel_loop3A_422 {strides = array<i32>} : memref<128x128xf32, #tpu.memory_space<vmem>>, vector<16xf32>,
        } {sc.loop_unroll_factor = 4 : i64, sc.parallel_access}
        %dma_start3A_358 = arith.constant 0 : i32
        %dma_start3A_359 = tpu.memref_slice %arg11[%add3A_220, %dma_start3A_358] : memref<8x128xi32, #tpu.memory_space<vmem>> -> memref<1x128xi32, #tpu.memory_space<vmem>>
        %dma_start3A_360 = tpu.memref_squeeze %dma_start3A_359 : memref<1x128xi32, #tpu.memory_space<vmem>> -> memref<128xi32, #tpu.memory_space<vmem>>
        %dma_start3A_361 = arith.constant 0 : i32
        %dma_start3A_362 = arith.constant 0 : i32
        %dma_start3A_363 = tpu.memref_slice %arg17[%dma_start3A_361, %dma_start3A_362] : memref<10240x128xf32, #tpu.memory_space<vmem_shared>> -> memref<10240x128xf32, #tpu.memory_space<vmem_shared>>
        tpu.enqueue_indirect_dma source(%arg15 : memref<128x128xf32, #tpu.memory_space<vmem>>) target(%dma_start3A_363 : memref<10240x128xf32, #tpu.memory_space<vmem_shared>>) offsets(%dma_start3A_360 : memref<128xi32, #tpu.memory_space<vmem>>) semaphore(%arg21 : memref<!tpu.dma_semaphore, #tpu.memory_space<semaphore_mem>>) {add = true}
      }
      %scan3A_61 = arith.constant 4 : i32
      %dma_wait3A = arith.constant 0 : i32
      %dma_wait3A_62 = arith.constant 0 : i32
      %dma_wait3A_63 = tpu.memref_slice %arg11[%dma_wait3A, %dma_wait3A_62] : memref<8x128xi32, #tpu.memory_space<vmem>> -> memref<1x128xi32, #tpu.memory_space<vmem>>
      %dma_wait3A_64 = tpu.memref_squeeze %dma_wait3A_63 : memref<1x128xi32, #tpu.memory_space<vmem>> -> memref<128xi32, #tpu.memory_space<vmem>>
      %dma_wait3A_65 = arith.constant 0 : i32
      %dma_wait3A_66 = arith.constant 0 : i32
      %dma_wait3A_67 = tpu.memref_slice %arg17[%dma_wait3A_65, %dma_wait3A_66] : memref<10240x128xf32, #tpu.memory_space<vmem_shared>> -> memref<10240x128xf32, #tpu.memory_space<vmem_shared>>
      tpu.wait_indirect_dma semaphore(%arg20 : memref<!tpu.dma_semaphore, #tpu.memory_space<semaphore_mem>>) src(%arg14 : memref<128x128xf32, #tpu.memory_space<vmem>>) dst(%dma_wait3A_67 : memref<10240x128xf32, #tpu.memory_space<vmem_shared>>)
      %dma_wait3A_68 = arith.constant 0 : i32
      %dma_wait3A_69 = arith.constant 0 : i32
      %dma_wait3A_70 = tpu.memref_slice %arg11[%dma_wait3A_68, %dma_wait3A_69] : memref<8x128xi32, #tpu.memory_space<vmem>> -> memref<1x128xi32, #tpu.memory_space<vmem>>
      %dma_wait3A_71 = tpu.memref_squeeze %dma_wait3A_70 : memref<1x128xi32, #tpu.memory_space<vmem>> -> memref<128xi32, #tpu.memory_space<vmem>>
      %dma_wait3A_72 = arith.constant 0 : i32
      %dma_wait3A_73 = arith.constant 0 : i32
      %dma_wait3A_74 = tpu.memref_slice %arg17[%dma_wait3A_72, %dma_wait3A_73] : memref<10240x128xf32, #tpu.memory_space<vmem_shared>> -> memref<10240x128xf32, #tpu.memory_space<vmem_shared>>
      tpu.wait_indirect_dma semaphore(%arg21 : memref<!tpu.dma_semaphore, #tpu.memory_space<semaphore_mem>>) src(%arg15 : memref<128x128xf32, #tpu.memory_space<vmem>>) dst(%dma_wait3A_74 : memref<10240x128xf32, #tpu.memory_space<vmem_shared>>)
    }
    %scan3A_31 = arith.constant 10 : i32
    %barrier3A_32 = arith.constant 0 : index
    tpu.barrier barrier_id(%barrier3A_32)
    %mul3A_33 = arith.constant 640 : i32
    %mul3A_34 = arith.muli %arg1, %mul3A_33 : i32
    %eq3A = arith.constant 0 : i32
    %eq3A_35 = arith.cmpi eq, %arg0, %eq3A : i32
    %convert_element_type3A = arith.extui %eq3A_35 : i1 to i32
    %cond3A = arith.constant 0 : i32
    %cond3A_36 = arith.cmpi ne, %convert_element_type3A, %cond3A : i32
    scf.if %cond3A_36 {
      "tpu.region"() ({
        %run_scoped3A = tpu.sem_alloc : memref<!tpu.dma_semaphore, #tpu.memory_space<semaphore_mem>>
        %dma_start3A = arith.constant 0 : i32
        %dma_start3A_42 = tpu.memref_slice %arg8[%mul3A_34, %dma_start3A] : memref<10240x128xf32, #tpu.memory_space<hbm>> -> memref<640x128xf32, #tpu.memory_space<hbm>>
        %dma_start3A_43 = arith.constant 0 : i32
        %dma_start3A_44 = tpu.memref_slice %arg17[%mul3A_34, %dma_start3A_43] : memref<10240x128xf32, #tpu.memory_space<vmem_shared>> -> memref<640x128xf32, #tpu.memory_space<vmem_shared>>
        tpu.enqueue_dma source(%dma_start3A_44 : memref<640x128xf32, #tpu.memory_space<vmem_shared>>) target(%dma_start3A_42 : memref<640x128xf32, #tpu.memory_space<hbm>>) target_semaphore(%run_scoped3A : memref<!tpu.dma_semaphore, #tpu.memory_space<semaphore_mem>>)
        %dma_wait3A = arith.constant 0 : i32
        %dma_wait3A_45 = tpu.memref_slice %arg8[%mul3A_34, %dma_wait3A] : memref<10240x128xf32, #tpu.memory_space<hbm>> -> memref<640x128xf32, #tpu.memory_space<hbm>>
        %dma_wait3A_46 = arith.constant 0 : i32
        %dma_wait3A_47 = tpu.memref_slice %arg17[%mul3A_34, %dma_wait3A_46] : memref<10240x128xf32, #tpu.memory_space<vmem_shared>> -> memref<640x128xf32, #tpu.memory_space<vmem_shared>>
        tpu.wait_dma2 semaphore(%run_scoped3A : memref<!tpu.dma_semaphore, #tpu.memory_space<semaphore_mem>>) src(%dma_wait3A_47 : memref<640x128xf32, #tpu.memory_space<vmem_shared>>) dst(%dma_wait3A_45 : memref<640x128xf32, #tpu.memory_space<hbm>>)
        tpu.yield
      }) : () -> ()
    } else {
    }
    %eq3A_37 = arith.constant 1 : i32
    %eq3A_38 = arith.cmpi eq, %arg0, %eq3A_37 : i32
    %convert_element_type3A_39 = arith.extui %eq3A_38 : i1 to i32
    %cond3A_40 = arith.constant 0 : i32
    %cond3A_41 = arith.cmpi ne, %convert_element_type3A_39, %cond3A_40 : i32
    scf.if %cond3A_41 {
      "tpu.region"() ({
        %run_scoped3A = tpu.sem_alloc : memref<!tpu.dma_semaphore, #tpu.memory_space<semaphore_mem>>
        %dma_start3A = arith.constant 0 : i32
        %dma_start3A_42 = tpu.memref_slice %arg9[%mul3A_34, %dma_start3A] : memref<10240x128xf32, #tpu.memory_space<hbm>> -> memref<640x128xf32, #tpu.memory_space<hbm>>
        %dma_start3A_43 = arith.constant 0 : i32
        %dma_start3A_44 = tpu.memref_slice %arg17[%mul3A_34, %dma_start3A_43] : memref<10240x128xf32, #tpu.memory_space<vmem_shared>> -> memref<640x128xf32, #tpu.memory_space<vmem_shared>>
        tpu.enqueue_dma source(%dma_start3A_44 : memref<640x128xf32, #tpu.memory_space<vmem_shared>>) target(%dma_start3A_42 : memref<640x128xf32, #tpu.memory_space<hbm>>) target_semaphore(%run_scoped3A : memref<!tpu.dma_semaphore, #tpu.memory_space<semaphore_mem>>)
        %dma_wait3A = arith.constant 0 : i32
        %dma_wait3A_45 = tpu.memref_slice %arg9[%mul3A_34, %dma_wait3A] : memref<10240x128xf32, #tpu.memory_space<hbm>> -> memref<640x128xf32, #tpu.memory_space<hbm>>
        %dma_wait3A_46 = arith.constant 0 : i32
        %dma_wait3A_47 = tpu.memref_slice %arg17[%mul3A_34, %dma_wait3A_46] : memref<10240x128xf32, #tpu.memory_space<vmem_shared>> -> memref<640x128xf32, #tpu.memory_space<vmem_shared>>
        tpu.wait_dma2 semaphore(%run_scoped3A : memref<!tpu.dma_semaphore, #tpu.memory_space<semaphore_mem>>) src(%dma_wait3A_47 : memref<640x128xf32, #tpu.memory_space<vmem_shared>>) dst(%dma_wait3A_45 : memref<640x128xf32, #tpu.memory_space<hbm>>)
        tpu.yield
      }) : () -> ()
    } else {
    }
    return
  }
}

module attributes {stable_mosaic.version = 14 : i64} {
  func.func @body(%arg0: memref<32x10240xf32, #tpu.memory_space<vmem>>, %arg1: memref<1x10240xf32, #tpu.memory_space<vmem>>, %arg2: memref<1x10240xf32, #tpu.memory_space<vmem>>) attributes {dimension_semantics = [], scalar_prefetch = 0 : i64, scratch_operands = 0 : i64, tpu.core_type = #tpu.core_type<tc>} {
    %get3A = arith.constant 0 : index
    %get3A_0 = arith.constant 0 : index
    %get3A_1 = vector.load %arg0[%get3A, %get3A_0] : memref<32x10240xf32, #tpu.memory_space<vmem>>, vector<32x10240xf32>
    %reduce_sum3A = arith.constant dense<0.000000e+00> : vector<10240xf32>
    %reduce_sum3A_2 = vector.multi_reduction <add>, %get3A_1, %reduce_sum3A [0] : vector<32x10240xf32> to vector<10240xf32>
    %broadcast_in_dim3A = vector.shape_cast %reduce_sum3A_2 : vector<10240xf32> to vector<1x10240xf32>
    %add3A = arith.constant 1.000000e+00 : f32
    %add3A_3 = vector.broadcast %add3A : f32 to vector<1x10240xf32>
    %add3A_4 = arith.addf %add3A_3, %broadcast_in_dim3A : vector<1x10240xf32>
    %max3A = arith.constant 1.000000e-30 : f32
    %max3A_5 = vector.broadcast %max3A : f32 to vector<1x10240xf32>
    %max3A_6 = arith.maximumf %add3A_4, %max3A_5 : vector<1x10240xf32>
    %rsqrt3A = math.rsqrt %max3A_6 : vector<1x10240xf32>
    %swap3A = arith.constant 0 : index
    %swap3A_7 = arith.constant 0 : index
    %swap3A_8 = vector.load %arg1[%swap3A, %swap3A_7] : memref<1x10240xf32, #tpu.memory_space<vmem>>, vector<1x10240xf32>
    tpu.vector_store %arg1[%swap3A, %swap3A_7], %rsqrt3A {strides = array<i32>} : memref<1x10240xf32, #tpu.memory_space<vmem>>, vector<1x10240xf32>,
    %div3A = arith.constant 1.000000e+00 : f32
    %div3A_9 = vector.broadcast %div3A : f32 to vector<1x10240xf32>
    %div3A_10 = arith.divf %div3A_9, %max3A_6 : vector<1x10240xf32>
    %swap3A_11 = arith.constant 0 : index
    %swap3A_12 = arith.constant 0 : index
    %swap3A_13 = vector.load %arg2[%swap3A_11, %swap3A_12] : memref<1x10240xf32, #tpu.memory_space<vmem>>, vector<1x10240xf32>
    tpu.vector_store %arg2[%swap3A_11, %swap3A_12], %div3A_10 {strides = array<i32>} : memref<1x10240xf32, #tpu.memory_space<vmem>>, vector<1x10240xf32>,
    return
  }
}

module attributes {stable_mosaic.version = 14 : i64} {
  func.func @body(%arg0: i32, %arg1: memref<1000x256xf32, #tpu.memory_space<vmem>>, %arg2: memref<256x256xf32, #tpu.memory_space<vmem>>, %arg3: memref<1000x128xf32, #tpu.memory_space<vmem>>, %arg4: memref<1000x128xf32, #tpu.memory_space<vmem>>) attributes {dimension_semantics = [#tpu.dimension_semantics<arbitrary>], iteration_bounds = array<i64: 10>, scalar_prefetch = 0 : i64, scratch_operands = 0 : i64, tpu.core_type = #tpu.core_type<tc>, window_params = [{transform_indices = @transform_0, window_bounds = array<i64: 1000, 256>}, {pipeline_mode = #tpu.pipeline_mode<synchronous>, transform_indices = @transform_1, window_bounds = array<i64: 256, 256>}, {transform_indices = @transform_2, window_bounds = array<i64: 1000, 128>}, {transform_indices = @transform_3, window_bounds = array<i64: 1000, 128>}]} {
    %get3A = arith.constant 0 : index
    %get3A_0 = arith.constant 0 : index
    %get3A_1 = vector.load %arg1[%get3A, %get3A_0] : memref<1000x256xf32, #tpu.memory_space<vmem>>, vector<1000x256xf32>
    %get3A_2 = arith.constant 0 : index
    %get3A_3 = arith.constant 0 : index
    %get3A_4 = vector.load %arg2[%get3A_2, %get3A_3] : memref<256x256xf32, #tpu.memory_space<vmem>>, vector<256x256xf32>
    %dot_general3A = arith.constant dense<0.000000e+00> : vector<1000x256xf32>
    %dot_general3A_5 = tpu.matmul %get3A_1, %get3A_4, %dot_general3A {dimension_numbers = #tpu.dot_dimension_numbers<[1], [0], [0], [1], [0, 0, 1, 1], [], []>, transpose_lhs_hint = false} : vector<1000x256xf32>, vector<256x256xf32>, vector<1000x256xf32> -> vector<1000x256xf32>
    %slice3A = vector.extract_strided_slice %dot_general3A_5 {offsets = [0, 0], sizes = [1000, 128], strides = [1, 1]} : vector<1000x256xf32> to vector<1000x128xf32>
    %swap3A = arith.constant 0 : index
    %swap3A_6 = arith.constant 0 : index
    %swap3A_7 = vector.load %arg3[%swap3A, %swap3A_6] : memref<1000x128xf32, #tpu.memory_space<vmem>>, vector<1000x128xf32>
    tpu.vector_store %arg3[%swap3A, %swap3A_6], %slice3A {strides = array<i32>} : memref<1000x128xf32, #tpu.memory_space<vmem>>, vector<1000x128xf32>,
    %slice3A_8 = vector.extract_strided_slice %dot_general3A_5 {offsets = [0, 128], sizes = [1000, 128], strides = [1, 1]} : vector<1000x256xf32> to vector<1000x128xf32>
    %swap3A_9 = arith.constant 0 : index
    %swap3A_10 = arith.constant 0 : index
    %swap3A_11 = vector.load %arg4[%swap3A_9, %swap3A_10] : memref<1000x128xf32, #tpu.memory_space<vmem>>, vector<1000x128xf32>
    tpu.vector_store %arg4[%swap3A_9, %swap3A_10], %slice3A_8 {strides = array<i32>} : memref<1000x128xf32, #tpu.memory_space<vmem>>, vector<1000x128xf32>,
    return
  }
  func.func @transform_0(%arg0: i32) -> (i32, i32) {
    %c0_i32 = arith.constant 0 : i32
    %c0_i32_0 = arith.constant 0 : i32
    return %arg0, %c0_i32 : i32, i32
  }
  func.func @transform_1(%arg0: i32) -> (i32, i32) {
    %c0_i32 = arith.constant 0 : i32
    %c0_i32_0 = arith.constant 0 : i32
    %c0_i32_1 = arith.constant 0 : i32
    return %c0_i32, %c0_i32_0 : i32, i32
  }
  func.func @transform_2(%arg0: i32) -> (i32, i32) {
    %c0_i32 = arith.constant 0 : i32
    %c0_i32_0 = arith.constant 0 : i32
    return %arg0, %c0_i32 : i32, i32
  }
  func.func @transform_3(%arg0: i32) -> (i32, i32) {
    %c0_i32 = arith.constant 0 : i32
    %c0_i32_0 = arith.constant 0 : i32
    return %arg0, %c0_i32 : i32, i32
  }
}

module attributes {stable_mosaic.version = 14 : i64} {
  func.func @body(%arg0: i32, %arg1: memref<1000x128xf32, #tpu.memory_space<vmem>>, %arg2: memref<1000x128xf32, #tpu.memory_space<vmem>>, %arg3: memref<1000x128xf32, #tpu.memory_space<vmem>>, %arg4: memref<1000x128xf32, #tpu.memory_space<vmem>>, %arg5: memref<1000x1xf32, #tpu.memory_space<vmem>>, %arg6: memref<1x256xf32, #tpu.memory_space<vmem>>, %arg7: memref<256x64xf32, #tpu.memory_space<vmem>>, %arg8: memref<1000x64xf32, #tpu.memory_space<vmem>>) attributes {dimension_semantics = [#tpu.dimension_semantics<arbitrary>], iteration_bounds = array<i64: 10>, scalar_prefetch = 0 : i64, scratch_operands = 0 : i64, tpu.core_type = #tpu.core_type<tc>, window_params = [{transform_indices = @transform_0, window_bounds = array<i64: 1000, 128>}, {transform_indices = @transform_1, window_bounds = array<i64: 1000, 128>}, {transform_indices = @transform_2, window_bounds = array<i64: 1000, 128>}, {transform_indices = @transform_3, window_bounds = array<i64: 1000, 128>}, {transform_indices = @transform_4, window_bounds = array<i64: 1000, 1>}, {pipeline_mode = #tpu.pipeline_mode<synchronous>, transform_indices = @transform_5, window_bounds = array<i64: 1, 256>}, {pipeline_mode = #tpu.pipeline_mode<synchronous>, transform_indices = @transform_6, window_bounds = array<i64: 256, 64>}, {transform_indices = @transform_7, window_bounds = array<i64: 1000, 64>}]} {
    %get3A = arith.constant 0 : index
    %get3A_0 = arith.constant 0 : index
    %get3A_1 = vector.load %arg5[%get3A, %get3A_0] : memref<1000x1xf32, #tpu.memory_space<vmem>>, vector<1000x1xf32>
    %get3A_2 = arith.constant 0 : index
    %get3A_3 = arith.constant 0 : index
    %get3A_4 = vector.load %arg1[%get3A_2, %get3A_3] : memref<1000x128xf32, #tpu.memory_space<vmem>>, vector<1000x128xf32>
    %get3A_5 = arith.constant 0 : index
    %get3A_6 = arith.constant 0 : index
    %get3A_7 = vector.load %arg3[%get3A_5, %get3A_6] : memref<1000x128xf32, #tpu.memory_space<vmem>>, vector<1000x128xf32>
    %mul3A = vector.broadcast %get3A_1 : vector<1000x1xf32> to vector<1000x128xf32>
    %mul3A_8 = arith.mulf %mul3A, %get3A_7 : vector<1000x128xf32>
    %add3A = arith.addf %get3A_4, %mul3A_8 : vector<1000x128xf32>
    %get3A_9 = arith.constant 0 : index
    %get3A_10 = arith.constant 0 : index
    %get3A_11 = vector.load %arg6[%get3A_9, %get3A_10] : memref<1x256xf32, #tpu.memory_space<vmem>>, vector<1x128xf32>
    %get3A_12 = vector.shape_cast %get3A_11 : vector<1x128xf32> to vector<128xf32>
    %broadcast_in_dim3A = vector.shape_cast %get3A_12 : vector<128xf32> to vector<1x128xf32>
    %add3A_13 = vector.broadcast %broadcast_in_dim3A : vector<1x128xf32> to vector<1000x128xf32>
    %add3A_14 = arith.addf %add3A, %add3A_13 : vector<1000x128xf32>
    %max3A = arith.constant 0.000000e+00 : f32
    %max3A_15 = vector.broadcast %max3A : f32 to vector<1000x128xf32>
    %max3A_16 = arith.maximumf %add3A_14, %max3A_15 : vector<1000x128xf32>
    %get3A_17 = arith.constant 0 : index
    %get3A_18 = arith.constant 0 : index
    %get3A_19 = vector.load %arg2[%get3A_17, %get3A_18] : memref<1000x128xf32, #tpu.memory_space<vmem>>, vector<1000x128xf32>
    %get3A_20 = arith.constant 0 : index
    %get3A_21 = arith.constant 0 : index
    %get3A_22 = vector.load %arg4[%get3A_20, %get3A_21] : memref<1000x128xf32, #tpu.memory_space<vmem>>, vector<1000x128xf32>
    %mul3A_23 = vector.broadcast %get3A_1 : vector<1000x1xf32> to vector<1000x128xf32>
    %mul3A_24 = arith.mulf %mul3A_23, %get3A_22 : vector<1000x128xf32>
    %add3A_25 = arith.addf %get3A_19, %mul3A_24 : vector<1000x128xf32>
    %get3A_26 = arith.constant 0 : index
    %get3A_27 = arith.constant 128 : index
    %get3A_28 = vector.load %arg6[%get3A_26, %get3A_27] : memref<1x256xf32, #tpu.memory_space<vmem>>, vector<1x128xf32>
    %get3A_29 = vector.shape_cast %get3A_28 : vector<1x128xf32> to vector<128xf32>
    %broadcast_in_dim3A_30 = vector.shape_cast %get3A_29 : vector<128xf32> to vector<1x128xf32>
    %add3A_31 = vector.broadcast %broadcast_in_dim3A_30 : vector<1x128xf32> to vector<1000x128xf32>
    %add3A_32 = arith.addf %add3A_25, %add3A_31 : vector<1000x128xf32>
    %max3A_33 = arith.constant 0.000000e+00 : f32
    %max3A_34 = vector.broadcast %max3A_33 : f32 to vector<1000x128xf32>
    %max3A_35 = arith.maximumf %add3A_32, %max3A_34 : vector<1000x128xf32>
    %concatenate3A = tpu.concatenate %max3A_16, %max3A_35 in 1 : vector<1000x128xf32>, vector<1000x128xf32> -> vector<1000x256xf32>
    %get3A_36 = arith.constant 0 : index
    %get3A_37 = arith.constant 0 : index
    %get3A_38 = vector.load %arg7[%get3A_36, %get3A_37] : memref<256x64xf32, #tpu.memory_space<vmem>>, vector<256x64xf32>
    %dot_general3A = arith.constant dense<0.000000e+00> : vector<1000x64xf32>
    %dot_general3A_39 = tpu.matmul %concatenate3A, %get3A_38, %dot_general3A {dimension_numbers = #tpu.dot_dimension_numbers<[1], [0], [0], [1], [0, 0, 1, 1], [], []>, transpose_lhs_hint = false} : vector<1000x256xf32>, vector<256x64xf32>, vector<1000x64xf32> -> vector<1000x64xf32>
    %swap3A = arith.constant 0 : index
    %swap3A_40 = arith.constant 0 : index
    %swap3A_41 = vector.load %arg8[%swap3A, %swap3A_40] : memref<1000x64xf32, #tpu.memory_space<vmem>>, vector<1000x64xf32>
    tpu.vector_store %arg8[%swap3A, %swap3A_40], %dot_general3A_39 {strides = array<i32>} : memref<1000x64xf32, #tpu.memory_space<vmem>>, vector<1000x64xf32>,
    return
  }
  func.func @transform_0(%arg0: i32) -> (i32, i32) {
    %c0_i32 = arith.constant 0 : i32
    %c0_i32_0 = arith.constant 0 : i32
    return %arg0, %c0_i32 : i32, i32
  }
  func.func @transform_1(%arg0: i32) -> (i32, i32) {
    %c0_i32 = arith.constant 0 : i32
    %c0_i32_0 = arith.constant 0 : i32
    return %arg0, %c0_i32 : i32, i32
  }
  func.func @transform_2(%arg0: i32) -> (i32, i32) {
    %c0_i32 = arith.constant 0 : i32
    %c0_i32_0 = arith.constant 0 : i32
    return %arg0, %c0_i32 : i32, i32
  }
  func.func @transform_3(%arg0: i32) -> (i32, i32) {
    %c0_i32 = arith.constant 0 : i32
    %c0_i32_0 = arith.constant 0 : i32
    return %arg0, %c0_i32 : i32, i32
  }
  func.func @transform_4(%arg0: i32) -> (i32, i32) {
    %c0_i32 = arith.constant 0 : i32
    %c0_i32_0 = arith.constant 0 : i32
    return %arg0, %c0_i32 : i32, i32
  }
  func.func @transform_5(%arg0: i32) -> (i32, i32) {
    %c0_i32 = arith.constant 0 : i32
    %c0_i32_0 = arith.constant 0 : i32
    %c0_i32_1 = arith.constant 0 : i32
    return %c0_i32, %c0_i32_0 : i32, i32
  }
  func.func @transform_6(%arg0: i32) -> (i32, i32) {
    %c0_i32 = arith.constant 0 : i32
    %c0_i32_0 = arith.constant 0 : i32
    %c0_i32_1 = arith.constant 0 : i32
    return %c0_i32, %c0_i32_0 : i32, i32
  }
  func.func @transform_7(%arg0: i32) -> (i32, i32) {
    %c0_i32 = arith.constant 0 : i32
    %c0_i32_0 = arith.constant 0 : i32
    return %arg0, %c0_i32 : i32, i32
  }
}

module attributes {stable_mosaic.version = 14 : i64} {
  func.func @body(%arg0: i32, %arg1: memref<2x1000x64xf32, #tpu.memory_space<vmem>>, %arg2: memref<1000x64xf32, #tpu.memory_space<vmem>>, %arg3: memref<1000x1xf32, #tpu.memory_space<vmem>>, %arg4: memref<1x64xf32, #tpu.memory_space<vmem>>, %arg5: memref<1000x64xf32, #tpu.memory_space<vmem>>) attributes {dimension_semantics = [#tpu.dimension_semantics<arbitrary>], iteration_bounds = array<i64: 10>, scalar_prefetch = 0 : i64, scratch_operands = 0 : i64, tpu.core_type = #tpu.core_type<tc>, window_params = [{transform_indices = @transform_0, window_bounds = array<i64: 2, 1000, 64>}, {transform_indices = @transform_1, window_bounds = array<i64: 1000, 64>}, {transform_indices = @transform_2, window_bounds = array<i64: 1000, 1>}, {pipeline_mode = #tpu.pipeline_mode<synchronous>, transform_indices = @transform_3, window_bounds = array<i64: 1, 64>}, {transform_indices = @transform_4, window_bounds = array<i64: 1000, 64>}]} {
    %get3A = arith.constant 0 : index
    %get3A_0 = arith.constant 0 : index
    %get3A_1 = arith.constant 0 : index
    %get3A_2 = vector.load %arg1[%get3A, %get3A_0, %get3A_1] : memref<2x1000x64xf32, #tpu.memory_space<vmem>>, vector<2x1000x64xf32>
    %reduce_sum3A = arith.constant dense<0.000000e+00> : vector<1000x64xf32>
    %reduce_sum3A_3 = vector.multi_reduction <add>, %get3A_2, %reduce_sum3A [0] : vector<2x1000x64xf32> to vector<1000x64xf32>
    %get3A_4 = arith.constant 0 : index
    %get3A_5 = arith.constant 0 : index
    %get3A_6 = vector.load %arg3[%get3A_4, %get3A_5] : memref<1000x1xf32, #tpu.memory_space<vmem>>, vector<1000x1xf32>
    %get3A_7 = arith.constant 0 : index
    %get3A_8 = arith.constant 0 : index
    %get3A_9 = vector.load %arg2[%get3A_7, %get3A_8] : memref<1000x64xf32, #tpu.memory_space<vmem>>, vector<1000x64xf32>
    %mul3A = vector.broadcast %get3A_6 : vector<1000x1xf32> to vector<1000x64xf32>
    %mul3A_10 = arith.mulf %mul3A, %get3A_9 : vector<1000x64xf32>
    %add3A = arith.addf %reduce_sum3A_3, %mul3A_10 : vector<1000x64xf32>
    %get3A_11 = arith.constant 0 : index
    %get3A_12 = arith.constant 0 : index
    %get3A_13 = vector.load %arg4[%get3A_11, %get3A_12] : memref<1x64xf32, #tpu.memory_space<vmem>>, vector<1x64xf32>
    %get3A_14 = vector.shape_cast %get3A_13 : vector<1x64xf32> to vector<64xf32>
    %broadcast_in_dim3A = vector.shape_cast %get3A_14 : vector<64xf32> to vector<1x64xf32>
    %add3A_15 = vector.broadcast %broadcast_in_dim3A : vector<1x64xf32> to vector<1000x64xf32>
    %add3A_16 = arith.addf %add3A, %add3A_15 : vector<1000x64xf32>
    %reduce_max3A = arith.constant dense<0xFF800000> : vector<1000xf32>
    %reduce_max3A_17 = vector.multi_reduction <maximumf>, %add3A_16, %reduce_max3A [1] : vector<1000x64xf32> to vector<1000xf32>
    %broadcast_in_dim3A_18 = vector.shape_cast %reduce_max3A_17 : vector<1000xf32> to vector<1000x1xf32>
    %sub3A = vector.broadcast %broadcast_in_dim3A_18 : vector<1000x1xf32> to vector<1000x64xf32>
    %sub3A_19 = arith.subf %add3A_16, %sub3A : vector<1000x64xf32>
    %exp3A = math.exp %sub3A_19 : vector<1000x64xf32>
    %reduce_sum3A_20 = arith.constant dense<0.000000e+00> : vector<1000xf32>
    %reduce_sum3A_21 = vector.multi_reduction <add>, %exp3A, %reduce_sum3A_20 [1] : vector<1000x64xf32> to vector<1000xf32>
    %broadcast_in_dim3A_22 = vector.shape_cast %reduce_sum3A_21 : vector<1000xf32> to vector<1000x1xf32>
    %log3A = math.log %broadcast_in_dim3A_22 : vector<1000x1xf32>
    %sub3A_23 = vector.broadcast %log3A : vector<1000x1xf32> to vector<1000x64xf32>
    %sub3A_24 = arith.subf %sub3A_19, %sub3A_23 : vector<1000x64xf32>
    %swap3A = arith.constant 0 : index
    %swap3A_25 = arith.constant 0 : index
    %swap3A_26 = vector.load %arg5[%swap3A, %swap3A_25] : memref<1000x64xf32, #tpu.memory_space<vmem>>, vector<1000x64xf32>
    tpu.vector_store %arg5[%swap3A, %swap3A_25], %sub3A_24 {strides = array<i32>} : memref<1000x64xf32, #tpu.memory_space<vmem>>, vector<1000x64xf32>,
    return
  }
  func.func @transform_0(%arg0: i32) -> (i32, i32, i32) {
    %c0_i32 = arith.constant 0 : i32
    %c0_i32_0 = arith.constant 0 : i32
    %c0_i32_1 = arith.constant 0 : i32
    return %c0_i32, %arg0, %c0_i32_0 : i32, i32, i32
  }
  func.func @transform_1(%arg0: i32) -> (i32, i32) {
    %c0_i32 = arith.constant 0 : i32
    %c0_i32_0 = arith.constant 0 : i32
    return %arg0, %c0_i32 : i32, i32
  }
  func.func @transform_2(%arg0: i32) -> (i32, i32) {
    %c0_i32 = arith.constant 0 : i32
    %c0_i32_0 = arith.constant 0 : i32
    return %arg0, %c0_i32 : i32, i32
  }
  func.func @transform_3(%arg0: i32) -> (i32, i32) {
    %c0_i32 = arith.constant 0 : i32
    %c0_i32_0 = arith.constant 0 : i32
    %c0_i32_1 = arith.constant 0 : i32
    return %c0_i32, %c0_i32_0 : i32, i32
  }
  func.func @transform_4(%arg0: i32) -> (i32, i32) {
    %c0_i32 = arith.constant 0 : i32
    %c0_i32_0 = arith.constant 0 : i32
    return %arg0, %c0_i32 : i32, i32
  }
}

</mosaic_0001>

<sc_bundles>
// kernel: kernel.12.cloned.1.call-start
scs
__scs_entry_jumppad:
0x0: {  	(pc) =	sbr.rel $0x88, $3  }
0x1: {  	(tag) =	ssettag $0x0;
	lr =	simm.s32 $0x1  }
0x2: {  	[smem:$0x3F9A] =	sst lr;
	_ =	strace $0xD0000000  }
0x3: {  	_ = 	snop  }
0x4: {  	_ = 	snop  }
0x5: {  	_ = 	snop  }
0x6: {  	_ = 	snop  }
0x7: {  	_ = 	snop  }
__scs_overlays_trampoline_lowered:
0x8: {  	[smem:$0x3FA9] =	sst s0  }
0x9: {  	[smem:$0x3FAA] =	sst s1  }
0xa: {  	[smem:$0x3FAB] =	sst s2  }
0xb: {  	[smem:$0x3FAC] =	sst s3  }
0xc: {  	[smem:$0x3FAD] =	sst s4  }
0xd: {  	[smem:$0x3FAE] =	sst s5  }
0xe: {  	[smem:$0x3FAF] =	sst s6  }
0xf: {  	[smem:$0x3FB0] =	sst s7  }
0x10: {  	[smem:$0x3FB1] =	sst s8  }
0x11: {  	[smem:$0x3FB2] =	sst s9;
	s0 =	simm.s32 @!p0 $0x0  }
0x12: {  	s1 =	sld [smem:$0x3F98];
	s0 =	simm.s32 @p0 $0x1  }
0x13: {  	[smem:$0x3FB3] =	sst s0;
	s0 =	simm.s32 @!p1 $0x0  }
0x14: {  	s2 =	sld [smem:$0x3F97];
	s0 =	simm.s32 @p1 $0x1  }
0x15: {  	[smem:$0x3FB4] =	sst s0;
	s0 =	simm.s32 @!p2 $0x0  }
0x16: {  	s3 =	sld [smem:$0x3FDB];
	s0 =	simm.s32 @p2 $0x1  }
0x17: {  	s4 =	simm.s32 $0x1BF5;
	[smem:$0x3FB6] =	sst s0  }
0x18: {  	s0 =	sld [smem:$0x3F99];
	_ =	swait.ge [sflag:s4], $0x0  }
0x19: {  	s7 =	sld [smem:$0x3F9A]  }
0x1a: {  	s8 =	sadd.s32 $0xFFFFE003, lr  }
0x1b: {  	s9 =	sadd.s32 $0xFFFFFEF7, lr;
	s5 =	simm.s32 $0xFFFFFFFF;
	p2 =	slt.u32 s8, $0xFFFFF086  }
0x1c: {  	p1 =	slt.u32 s9, $0xF7A;
	s5 =	simm.s32 @!p2 $0x0  }
0x1d: {  	s5 =	simm.s32 @p1 $0x1;
	p0 =	seq.s32 s7, s2  }
0x1e: {  	s7 =	smul.u32 @!p0 $0xF7A, s2;
	p2 =	seq.s32 @!p0 s5, $0x0  }
0x1f: {  	s9 =	smul.u32 $0xF7A, s1;
	s8 =	simm.s32 @!p0 $0x1BF5;
	p2 =	por !p2, p0  }
0x20: {  	[sflag:s8] =	ssyncset.s32 @!p0 $0xFFFFF086;
	s6 =	sadd.s32 @!p0 s3, s7;
	s7 =	simm.s32 @!p0 $0x108  }
0x21: {  	s3 =	sadd.s32 s3, s9;
	s6 =	sadd.s32 @!p0 $0x88, s6;
	s7 =	simm.s32 @p2 $0x1082  }
0x22: {  	[simem:s7], [sflag:s8] =	dma.local @!p0 [hbm:s6], $0xF7A  }
0x23: {  	s9 =	sor.u32 $0xD0000000, s2;
	s6 =	simm.s32 $0x108;
	_ =	swait.ge @!p0 [sflag:s8], $0x0  }
0x24: {  	s3 =	sadd.s32 $0x88, s3;
	s6 =	simm.s32 @!p1 $0x1082;
	[sflag:s4] =	ssyncset.s32 $0xFFFFF086  }
0x25: {  	[simem:s6], [sflag:s4] =	dma.local [hbm:s3], $0xF7A  }
0x26: {  	[smem:$0x3F9A] =	sst s1;
	(tag) =	ssettag s2;
	_ =	strace s9  }
0x27: {  	s1 =	sld [smem:$0x3FAA]  }
0x28: {  	s2 =	sld [smem:$0x3FAB]  }
0x29: {  	s4 =	sld [smem:$0x3FAD]  }
0x2a: {  	p0 =	seq.s32 s5, $0x0;
	s5 =	sld [smem:$0x3FAE]  }
0x2b: {  	s6 =	sld [smem:$0x3FAF]  }
0x2c: {  	s7 =	sld [smem:$0x3FB0]  }
0x2d: {  	s3 =	simm.s32 $0x108;
	s8 =	sld [smem:$0x3FB1]  }
0x2e: {  	s3 =	simm.s32 @!p0 $0x1082;
	s9 =	sld [smem:$0x3FB2]  }
0x2f: {  	lr =	sadd.s32 s0, s3;
	s0 =	sld [smem:$0x3FA9]  }
0x30: {  	s3 =	sld [smem:$0x3FAC]  }
0x31: {  	[smem:$0x3FB5] =	sst s10  }
0x32: {  	s10 =	sld [smem:$0x3FB3];
	_ =	sdelay $0x3  }
0x33: {  	p0 =	seq.s32 s10, $0x1;
	s10 =	sld [smem:$0x3FB5];
	_ =	sdelay $0x3  }
0x34: {  	[smem:$0x3FB5] =	sst s10  }
0x35: {  	s10 =	sld [smem:$0x3FB4];
	_ =	sdelay $0x3  }
0x36: {  	p1 =	seq.s32 s10, $0x1;
	s10 =	sld [smem:$0x3FB5];
	_ =	sdelay $0x3  }
0x37: {  	[smem:$0x3FB5] =	sst s10  }
0x38: {  	s10 =	sld [smem:$0x3FB6]  }
0x39: {  	_ = 	snop;
	(pc) =	sbr.ind lr, $3  }
0x3a: {  	_ = 	snop  }
0x3b: {  	_ = 	snop  }
0x3c: {  	p2 =	seq.s32 s10, $0x1;
	s10 =	sld [smem:$0x3FB5]  }
0x3d: {  	_ =	shalt  }
0x3e: {  	_ =	shalt  }
0x3f: {  	_ =	shalt  }
0x40: {  	_ =	shalt  }
0x41: {  	_ =	shalt  }
0x42: {  	_ =	shalt  }
0x43: {  	_ =	shalt  }
0x44: {  	_ =	shalt  }
0x45: {  	_ =	shalt  }
0x46: {  	_ =	shalt  }
0x47: {  	_ =	shalt  }
0x48: {  	_ =	shalt  }
0x49: {  	_ =	shalt  }
0x4a: {  	_ =	shalt  }
0x4b: {  	_ =	shalt  }
0x4c: {  	_ =	shalt  }
0x4d: {  	_ =	shalt  }
0x4e: {  	_ =	shalt  }
0x4f: {  	_ =	shalt  }
0x50: {  	_ =	shalt  }
0x51: {  	_ =	shalt  }
0x52: {  	_ =	shalt  }
0x53: {  	_ =	shalt  }
0x54: {  	_ =	shalt  }
0x55: {  	_ =	shalt  }
0x56: {  	_ =	shalt  }
0x57: {  	_ =	shalt  }
0x58: {  	_ =	shalt  }
0x59: {  	_ =	shalt  }
0x5a: {  	_ =	shalt  }
0x5b: {  	_ =	shalt  }
0x5c: {  	_ =	shalt  }
0x5d: {  	_ =	shalt  }
0x5e: {  	_ =	shalt  }
0x5f: {  	_ =	shalt  }
0x60: {  	_ =	shalt  }
0x61: {  	_ =	shalt  }
0x62: {  	_ =	shalt  }
0x63: {  	_ =	shalt  }
0x64: {  	_ =	shalt  }
0x65: {  	_ =	shalt  }
0x66: {  	_ =	shalt  }
0x67: {  	_ =	shalt  }
0x68: {  	_ =	shalt  }
0x69: {  	_ =	shalt  }
0x6a: {  	_ =	shalt  }
0x6b: {  	_ =	shalt  }
0x6c: {  	_ =	shalt  }
0x6d: {  	_ =	shalt  }
0x6e: {  	_ =	shalt  }
0x6f: {  	_ =	shalt  }
0x70: {  	_ =	shalt  }
0x71: {  	_ =	shalt  }
0x72: {  	_ =	shalt  }
0x73: {  	_ =	shalt  }
0x74: {  	_ =	shalt  }
0x75: {  	_ =	shalt  }
0x76: {  	_ =	shalt  }
0x77: {  	_ =	shalt  }
0x78: {  	_ =	shalt  }
0x79: {  	_ =	shalt  }
0x7a: {  	_ =	shalt  }
0x7b: {  	_ =	shalt  }
0x7c: {  	_ =	shalt  }
0x7d: {  	_ =	shalt  }
0x7e: {  	_ =	shalt  }
0x7f: {  	_ =	shalt  }
0x80: {  	_ =	shalt  }
0x81: {  	_ =	shalt  }
0x82: {  	_ =	shalt  }
0x83: {  	_ =	shalt  }
0x84: {  	_ =	shalt  }
0x85: {  	_ =	shalt  }
0x86: {  	_ =	shalt  }
0x87: {  	_ =	shalt  }
.Lfunc_end0:
.L_simem_size_0:
called_computation.1_lowered:
.L_overlay_start_0:
0x88: {  	s2 =	sld [smem:$0x3FD9]  }
0x89: {  	s3 =	sld [smem:$0x3FFE];
	_ =	sdelay $0x1  }
0x8a: {  	s1 =	srdreg.scid  }
0x8b: {  	s0 =	sand.u32 $0x1, s1  }
0x8c: {  	s16 =	sshll.u32 s0, $0xA;
	s2 =	sadd.s32 s3, s2  }
0x8d: {  	s2 =	sadd.s32 s2, s16  }
0x8e: {  	[smem:$0x3FC1] =	sst s2  }
0x8f: {  	_ = 	snop  }
0x90: {  	(tm) =	ssettm $0x1  }
0x91: {  	s17 =	sld [smem:$0x3FFB];
	_ =	sdelay $0x3  }
0x92: {  	_ =	strace s17  }
0x93: {  	s2 =	sld [smem:$0x3FFC];
	_ =	sdelay $0x3  }
0x94: {  	_ =	strace s2  }
0x95: {  	s2 =	sld [smem:$0x3FFD];
	_ =	sdelay $0x3  }
0x96: {  	_ =	strace s2  }
0x97: {  	_ =	strace $0x8FFFFFFF  }
0x98: {  	s18 =	sld [smem:$0x3FDB];
	_ =	sdelay $0x1  }
0x99: {  	s19 =	simm.s32 $_scs_section_size  }
0x9a: {  	s4 =	simm.s32 $_size__tile_overlayer_lowered;
	s5 =	simm.s32 $_tile_overlayer_lowered  }
0x9b: {  	s22 =	simm.s32 $0x1BFF;
	s21 =	sshll.u32 s5, $0x1;
	s2 =	sadd.s32 s19, s18  }
0x9c: {  	s6 =	simm.s32 $0x0;
	s20 =	sshll.u32 s4, $0x1;
	s4 =	sadd.s32 s21, s2  }
0x9d: {  	[timem:s6], [sflag:s22] =	dma.local [hbm:s4], s20  }
0x9e: {  	_ =	swait.ge [sflag:s22], s20  }
0x9f: {  	s3 =	ssub.s32 $0x0, s20;
	[sflag:s22] =	ssyncset.done $0x0  }
0xa0: {  	[sflag:s22] =	ssyncadd.s32 s3;
	_ =	sdelay $0x1  }
0xa1: {  	s23 =	simm.s32 $0x1B8B  }
0xa2: {  	_ =	swait.ge [sflag:s23], $0x1  }
0xa3: {  	[sflag:s23] =	ssyncset.done $0x0  }
0xa4: {  	s25 =	simm.s32 $0x1B8E;
	s24 =	sld [smem:$0x3FFE];
	[sflag:s23] =	ssyncadd.s32 $0xFFFFFFFF  }
0xa5: {  	s26 =	simm.s32 $execute0_lowered;
	[smem:$0x3FD2] =	sst s25  }
0xa6: {  	s4 =	sshll.u32 s26, $0x1;
	_ =	strace $0x80000049;
	[dreg:$0x1] =	wrdreg $0xFFFFFFFF  }
0xa7: {  	s28 =	simm.s32 $_size_execute0_lowered;
	s2 =	sadd.s32 s2, s4;
	[dreg:$0x0] =	wrdreg $0x0  }
0xa8: {  	s4 =	sshll.u32 s28, $0x1;
	[dreg:$0x2] =	wrdreg s2  }
0xa9: {  	[dreg:$0x3] =	wrdreg s4  }
0xaa: {  	[dreg:$0x4] =	wrdreg $0xC0  }
0xab: {  	_ =	task [dreg:s6], $0x5FFFF  }
0xac: {  	[dreg:$0x1] =	wrdreg $0xFFFFFFFF  }
0xad: {  	[dreg:$0x0] =	wrdreg $0x60  }
0xae: {  	[dreg:$0x2] =	wrdreg s24  }
0xaf: {  	[dreg:$0x3] =	wrdreg $0xB4000  }
0xb0: {  	[dreg:$0x4] =	wrdreg $0x9  }
0xb1: {  	_ =	task.clear_ibuf [dreg:s6], $0x5FFFF;
	_ =	strace $0x90000049  }
0xb2: {  	s29 =	simm.s32 $0x9;
	_ =	strace $0x8000004B  }
0xb3: {  	_ =	swait.ge [sflag:s29], $0x1  }
0xb4: {  	[sflag:s29] =	ssyncadd.s32 $0xFFFFFFFF  }
0xb5: {  	_ =	strace $0x9000004B  }
0xb6: {  	_ =	sfence  }
0xb7: {  	s30 =	sld [smem:$0x0];
	_ =	sdelay $0x2  }
0xb8: {  	s31 =	sshll.u32 s1, $0xD;
	s1 =	sshrl.u32 s1, $0x2  }
0xb9: {  	s3 =	sand.u32 $0x4000, s31;
	s1 =	sadd.s32 s1, s30  }
0xba: {  	s0 =	sor.u32 s3, s0;
	s1 =	sshll.u32 s1, $0x11  }
0xbb: {  	s0 =	sor.u32 s1, s0  }
0xbc: {  	s0 =	sadd.s32 $0x8F2B, s0  }
0xbd: {  	[sflag:s0] =	ssyncadd.remote.s32 $0x1  }
0xbe: {  	_ =	sfence.sel $0xFFFF  }
0xbf: {  	[dreg:$0x0] =	wrdreg $0xFFFFFFFF;
	(pc) =	sbr.abs _section_cstart, $3  }
0xc0: {  	[dreg:$0x1] =	wrdreg $0xFFFFFFFF  }
0xc1: {  	_ =	task.clear_ibuf [dreg:s6], $0x2FFFF;
	_ =	strace $0x9FFFFFFF  }
0xc2: {  	(tm) =	ssettm $0x7FFFFFFF  }
0xc3: {  	_ =	shalt  }
tec
execute0_lowered:
.L_overlay_start_1:
0x0: {  	(tag) =	ssettag $0x1  }
0x1: {  	s0 =	rddreg [dreg:$0x0]  }
0x2: {  	s2 =	rddreg [dreg:$0x1];
	s1 =	simm.s32 $0x0  }
0x3: {  	s10 =	stileid.u32;
	s20 =	srdreg.scid;
	s17 =	simm.s32 $0x8C80  }
0x4: {  	s18 =	simm.s32 $0x5;
	s19 =	simm.s32 $0x4C80;
	s28 =	simm.s32 $0x3  }
0x5: {  	s29 =	simm.s32 $0x4;
	s30 =	simm.s32 $0x0;
	s31 =	simm.s32 $0x0  }
0x6: {  	[smem:$0x7FF] =	sst s1;
	s3 =	smul.u32 $0x50000, s10;
	s4 =	sadd.s32 $0x11A00, s0  }
0x7: {  	s5 =	sadd.s32 $0xCA00, s0;
	s1 =	sand.u32 $0x1, s20;
	s13 =	smul.u32 $0xA, s10  }
0x8: {  	s6 =	sadd.s32 $0x2A00, s0;
	s8 =	sadd.s32 $0x6EE00, s0;
	s26 =	smul.u32 $0x2800, s10  }
0x9: {  	s20 =	simm.s32 $0x400;
	_ =	strace $0x8000004A;
	s7 =	ssub.s32 $0x2, s1  }
0xa: {  	[dreg:$0x3] =	wrdreg s8;
	p0 =	seq.s32 s1, $0x0;
	p1 =	seq.s32 s1, $0x1  }
0xb: {  	s1 =	simm.s32 $0x97400;
	s3 =	sshrl.u32 s3, $0x2;
	s9 =	sshrl.u32 s7, $0x1  }
0xc: {  	s1 =	simm.s32 @!p1 $0x6F400;
	s8 =	sadd.s32 s3, s2;
	s21 =	ssub.s32 s7, s9  }
0xd: {  	s9 =	simm.s32 $0x20A00;
	s1 =	sadd.s32 s1, s0;
	s22 =	sadd.s32 $0x4000, s8  }
0xe: {  	s23 =	sadd.s32 $0x8000, s8;
	s24 =	sadd.s32 $0xC000, s8;
	[dreg:$0x4] =	wrdreg s22  }
0xf: {  	s25 =	sadd.s32 $0x10000, s8;
	s3 =	smax.u32 s21, $0x1;
	[dreg:$0x5] =	wrdreg s23  }
0x10: {  	s9 =	simm.s32 @!p0 $0x47C00;
	s16 =	sadd.s32 s1, s26;
	[dreg:$0x6] =	wrdreg s24  }
0x11: {  	s21 =	simm.s32 $0x800;
	s26 =	simm.s32 $0x2;
	[dreg:$0x7] =	wrdreg s25  }
0x12: {  	[dreg:$0x8] =	wrdreg s3;
	s15 =	sadd.s32 s9, s0;
	s22 =	simm.s32 $0x80  }
0x13: {  	v0 =	vimm.f32 $0.0e+00;
	s23 =	simm.s32 $0xC80;
	s24 =	simm.s32 $0x1;
	s25 =	simm.s32 $0xC00  }
.LBB2_1:
0x14: {  	s0 =	simm.s32 $0x0;
	s1 =	rddreg [dreg:$0x3]  }
0x15: {  	[tilespmem:s17], [sflag:$0x5] =	stream.linear.gather [hbm4b:s1+s0], $0x2780, $0x38;
	[tilespmem:$0x1F400] =	vst v63  }
0x16: {  	_ =	swait.ge [sflag:s18], $0x2780  }
0x17: {  	[sflag:s18] =	ssyncset.done $0x0  }
0x18: {  	s0 =	simm.s32 $0x0;
	s1 =	simm.s32 $0x200;
	[sflag:s18] =	ssyncadd.s32 $0xFFFFD880  }
.LBB2_2:
0x19: {  	p0 =	sne.s32 s1, $0xFE00;
	[tilespmem:s0+$0x4CF0] =	vst v0  }
0x1a: {  	[tilespmem:s0+$0x4C80] =	vst v0  }
0x1b: {  	[tilespmem:s0+$0x4C90] =	vst v0  }
.Ltmp0:
0x1c: {  	[tilespmem:s0+$0x4CA0] =	vst v0;
	(pc) =	sbr.rel @p0 .LBB2_2-.Ltmp0, $4  }
0x1d: {  	[tilespmem:s0+$0x4CB0] =	vst v0  }
0x1e: {  	[tilespmem:s0+$0x4CC0] =	vst v0  }
0x1f: {  	[tilespmem:s0+$0x4CD0] =	vst v0  }
0x20: {  	[tilespmem:s0+$0x4CE0] =	vst v0;
	s0 =	sshra.s32 s1, $0x2;
	s1 =	sadd.s32 $0x200, s1  }
0x21: {  	[tilespmem:s0+$0x4CF0] =	vst v0  }
0x22: {  	[tilespmem:s0+$0x4C80] =	vst v0  }
0x23: {  	[tilespmem:s0+$0x4C90] =	vst v0  }
0x24: {  	[tilespmem:s0+$0x4CA0] =	vst v0  }
0x25: {  	[tilespmem:s0+$0x4CB0] =	vst v0  }
0x26: {  	[tilespmem:s0+$0x4CC0] =	vst v0  }
0x27: {  	[tilespmem:s0+$0x4CD0] =	vst v0  }
0x28: {  	[tilespmem:s0+$0x4CE0] =	vst v0  }
0x29: {  	[spmem:s8] =	stream.linear.scatter [tilespmem:s19], [sflag:$0x5], $0x4000, $0x38;
	[tilespmem:$0x1F400] =	vst v63  }
0x2a: {  	_ =	swait.ge [sflag:s18], $0x4000  }
0x2b: {  	[sflag:s18] =	ssyncset.done $0x0  }
0x2c: {  	s10 =	rddreg [dreg:$0x4];
	[sflag:s18] =	ssyncadd.s32 $0xFFFFC000  }
0x2d: {  	[spmem:s10] =	stream.linear.scatter [tilespmem:s19], [sflag:$0x5], $0x4000, $0x38;
	[tilespmem:$0x1F400] =	vst v63  }
0x2e: {  	_ =	swait.ge [sflag:s18], $0x4000  }
0x2f: {  	[sflag:s18] =	ssyncset.done $0x0  }
0x30: {  	s11 =	rddreg [dreg:$0x5];
	[sflag:s18] =	ssyncadd.s32 $0xFFFFC000  }
0x31: {  	[spmem:s11] =	stream.linear.scatter [tilespmem:s19], [sflag:$0x5], $0x4000, $0x38;
	[tilespmem:$0x1F400] =	vst v63  }
0x32: {  	_ =	swait.ge [sflag:s18], $0x4000  }
0x33: {  	[sflag:s18] =	ssyncset.done $0x0  }
0x34: {  	s12 =	rddreg [dreg:$0x6];
	[sflag:s18] =	ssyncadd.s32 $0xFFFFC000  }
0x35: {  	[spmem:s12] =	stream.linear.scatter [tilespmem:s19], [sflag:$0x5], $0x4000, $0x38;
	[tilespmem:$0x1F400] =	vst v63  }
0x36: {  	_ =	swait.ge [sflag:s18], $0x4000  }
0x37: {  	[sflag:s18] =	ssyncset.done $0x0  }
0x38: {  	s14 =	rddreg [dreg:$0x7];
	[sflag:s18] =	ssyncadd.s32 $0xFFFFC000  }
0x39: {  	[spmem:s14] =	stream.linear.scatter [tilespmem:s19], [sflag:$0x5], $0x4000, $0x38;
	[tilespmem:$0x1F400] =	vst v63  }
0x3a: {  	_ =	swait.ge [sflag:s18], $0x4000  }
0x3b: {  	[sflag:s18] =	ssyncset.done $0x0  }
0x3c: {  	[sflag:s18] =	ssyncadd.s32 $0xFFFFC000  }
0x3d: {  	s0 =	simm.s32 $0x0;
	[bflag:$0x0] =	sbarrier.arrive $0xFFFF  }
.LBB2_4:
0x3e: {  	s1 =	sadd.s32 s13, s0  }
0x3f: {  	s1 =	sshll.u32 s1, $0x7  }
0x40: {  	s3 =	sadd.s32 s4, s1  }
0x41: {  	[tilespmem:s31], [sflag:$0x5] =	stream.linear.gather [hbm4b:s3+s31], $0x400, $0x38;
	[tilespmem:$0x1F400] =	vst v63  }
0x42: {  	_ =	swait.ge [sflag:s18], $0x400  }
0x43: {  	[sflag:s18] =	ssyncset.done $0x0  }
0x44: {  	s14 =	sadd.s32 s5, s1;
	[sflag:s18] =	ssyncadd.s32 $0xFFFFFC00  }
0x45: {  	[tilespmem:s20], [sflag:$0x5] =	stream.linear.gather [hbm4b:s14+s31], $0x400, $0x38;
	[tilespmem:$0x1F400] =	vst v63  }
0x46: {  	_ =	swait.ge [sflag:s18], $0x400  }
0x47: {  	[sflag:s18] =	ssyncset.done $0x0  }
0x48: {  	s1 =	sadd.s32 s6, s1;
	[sflag:s18] =	ssyncadd.s32 $0xFFFFFC00  }
0x49: {  	[tilespmem:s21], [sflag:$0x5] =	stream.linear.gather [hbm4b:s1+s31], $0x400, $0x38;
	[tilespmem:$0x1F400] =	vst v63  }
0x4a: {  	_ =	swait.ge [sflag:s18], $0x400  }
0x4b: {  	[sflag:s18] =	ssyncset.done $0x0  }
0x4c: {  	s3 =	simm.s32 $0x0;
	[sflag:s18] =	ssyncadd.s32 $0xFFFFFC00  }
0x4d: {  	[tilespmem:s23], [sflag:$0x1] =	stream.indirect.gather [hbm4b:s15+s22], $0x80, s31, s22, $0xb8;
	[tilespmem:$0x1F400] =	vst v63  }
.LBB2_5:
0x4e: {  	p0 =	seq.s32 s3, $0x0  }
0x4f: {  	s7 =	simm.s32 @!p0 $0x4  }
0x50: {  	s1 =	sshllo.u32 s3, $0x1;
	_ =	swait.ge @!p0 [sflag:s7], $0x4000  }
0x51: {  	s1 =	sshll.u32 s1, $0x7;
	[sflag:s7] =	ssyncset.done @!p0 $0x0  }
0x52: {  	s9 =	sand.u32 $0x3FFFFF80, s1;
	[sflag:s7] =	ssyncadd.s32 @!p0 $0xFFFFC000  }
0x53: {  	[tilespmem:s19], [sflag:$0x2] =	stream.indirect.gather [hbm4b:s15+s22], $0x80, s9, s22, $0xb8;
	[tilespmem:$0x1F400] =	vst v63  }
0x54: {  	_ =	swait.ge [sflag:s24], $0x4000  }
0x55: {  	[sflag:s24] =	ssyncset.done $0x0  }
0x56: {  	s7 =	sshll.u32 s3, $0x8;
	[sflag:s24] =	ssyncadd.s32 $0xFFFFC000  }
0x57: {  	v1 =	vld [tilespmem:s7+$0x0];
	_ =	sdelay $0x1  }
0x58: {  	v2 =	vld [tilespmem:s7+$0x400];
	_ =	sdelay $0x4  }
0x59: {  	v3 =	vld [tilespmem:s7+$0x800]  }
0x5a: {  	v1 =	vld.idx.msk [tilespmem:v1+s17+$0x0], $0xffff;
	_ =	sdelay $0x1  }
0x5b: {  	v2 =	vld.idx.msk [tilespmem:v2+s17+$0x0], $0xffff;
	_ =	sdelay $0x2  }
0x5c: {  	v1 =	vmul.f32 v1, v3;
	_ =	sdelay $0x1  }
0x5d: {  	v1 =	vmul.f32 v2, v1;
	_ =	sdelay $0x1  }
0x5e: {  	[tilespmem:$0xC00] =	vst v1  }
0x5f: {  	v1 =	vld [tilespmem:s7+$0x10];
	_ =	sdelay $0x1  }
0x60: {  	v2 =	vld [tilespmem:s7+$0x410];
	_ =	sdelay $0x4  }
0x61: {  	v3 =	vld [tilespmem:s7+$0x810]  }
0x62: {  	v1 =	vld.idx.msk [tilespmem:v1+s17+$0x0], $0xffff;
	_ =	sdelay $0x1  }
0x63: {  	v2 =	vld.idx.msk [tilespmem:v2+s17+$0x0], $0xffff;
	_ =	sdelay $0x2  }
0x64: {  	v1 =	vmul.f32 v1, v3;
	_ =	sdelay $0x1  }
0x65: {  	v1 =	vmul.f32 v2, v1;
	_ =	sdelay $0x1  }
0x66: {  	[tilespmem:$0xC10] =	vst v1  }
0x67: {  	v1 =	vld [tilespmem:s7+$0x20];
	_ =	sdelay $0x1  }
0x68: {  	v2 =	vld [tilespmem:s7+$0x420];
	_ =	sdelay $0x4  }
0x69: {  	v3 =	vld [tilespmem:s7+$0x820]  }
0x6a: {  	v1 =	vld.idx.msk [tilespmem:v1+s17+$0x0], $0xffff;
	_ =	sdelay $0x1  }
0x6b: {  	v2 =	vld.idx.msk [tilespmem:v2+s17+$0x0], $0xffff;
	_ =	sdelay $0x2  }
0x6c: {  	v1 =	vmul.f32 v1, v3;
	_ =	sdelay $0x1  }
0x6d: {  	v1 =	vmul.f32 v2, v1;
	_ =	sdelay $0x1  }
0x6e: {  	[tilespmem:$0xC20] =	vst v1  }
0x6f: {  	v1 =	vld [tilespmem:s7+$0x30];
	_ =	sdelay $0x1  }
0x70: {  	v2 =	vld [tilespmem:s7+$0x430];
	_ =	sdelay $0x4  }
0x71: {  	v3 =	vld [tilespmem:s7+$0x830]  }
0x72: {  	v1 =	vld.idx.msk [tilespmem:v1+s17+$0x0], $0xffff;
	_ =	sdelay $0x1  }
0x73: {  	v2 =	vld.idx.msk [tilespmem:v2+s17+$0x0], $0xffff;
	_ =	sdelay $0x2  }
0x74: {  	v1 =	vmul.f32 v1, v3;
	_ =	sdelay $0x1  }
0x75: {  	v1 =	vmul.f32 v2, v1;
	_ =	sdelay $0x1  }
0x76: {  	[tilespmem:$0xC30] =	vst v1  }
0x77: {  	v1 =	vld [tilespmem:s7+$0x40];
	_ =	sdelay $0x1  }
0x78: {  	v2 =	vld [tilespmem:s7+$0x440];
	_ =	sdelay $0x4  }
0x79: {  	v3 =	vld [tilespmem:s7+$0x840]  }
0x7a: {  	v1 =	vld.idx.msk [tilespmem:v1+s17+$0x0], $0xffff;
	_ =	sdelay $0x1  }
0x7b: {  	v2 =	vld.idx.msk [tilespmem:v2+s17+$0x0], $0xffff;
	_ =	sdelay $0x2  }
0x7c: {  	v1 =	vmul.f32 v1, v3;
	_ =	sdelay $0x1  }
0x7d: {  	v1 =	vmul.f32 v2, v1;
	_ =	sdelay $0x1  }
0x7e: {  	[tilespmem:$0xC40] =	vst v1  }
0x7f: {  	v1 =	vld [tilespmem:s7+$0x50];
	_ =	sdelay $0x1  }
0x80: {  	v2 =	vld [tilespmem:s7+$0x450];
	_ =	sdelay $0x4  }
0x81: {  	v3 =	vld [tilespmem:s7+$0x850]  }
0x82: {  	v1 =	vld.idx.msk [tilespmem:v1+s17+$0x0], $0xffff;
	_ =	sdelay $0x1  }
0x83: {  	v2 =	vld.idx.msk [tilespmem:v2+s17+$0x0], $0xffff;
	_ =	sdelay $0x2  }
0x84: {  	v1 =	vmul.f32 v1, v3;
	_ =	sdelay $0x1  }
0x85: {  	v1 =	vmul.f32 v2, v1;
	_ =	sdelay $0x1  }
0x86: {  	[tilespmem:$0xC50] =	vst v1  }
0x87: {  	v1 =	vld [tilespmem:s7+$0x60];
	_ =	sdelay $0x1  }
0x88: {  	v2 =	vld [tilespmem:s7+$0x460];
	_ =	sdelay $0x4  }
0x89: {  	v3 =	vld [tilespmem:s7+$0x860]  }
0x8a: {  	v1 =	vld.idx.msk [tilespmem:v1+s17+$0x0], $0xffff;
	_ =	sdelay $0x1  }
0x8b: {  	v2 =	vld.idx.msk [tilespmem:v2+s17+$0x0], $0xffff;
	_ =	sdelay $0x2  }
0x8c: {  	v1 =	vmul.f32 v1, v3;
	_ =	sdelay $0x1  }
0x8d: {  	v1 =	vmul.f32 v2, v1;
	_ =	sdelay $0x1  }
0x8e: {  	[tilespmem:$0xC60] =	vst v1  }
0x8f: {  	v1 =	vld [tilespmem:s7+$0x70];
	_ =	sdelay $0x1  }
0x90: {  	v2 =	vld [tilespmem:s7+$0x470];
	_ =	sdelay $0x4  }
0x91: {  	v3 =	vld [tilespmem:s7+$0x870]  }
0x92: {  	v1 =	vld.idx.msk [tilespmem:v1+s17+$0x0], $0xffff  }
0x93: {  	s9 =	simm.s32 $0x0  }
0x94: {  	v4 =	vmov s9;
	v2 =	vld.idx.msk [tilespmem:v2+s17+$0x0], $0xffff  }
0x95: {  	v4 =	vand.u32 $0xFFFFFFFC, v4  }
0x96: {  	v4 =	vbroadcast v4, $0x0  }
0x97: {  	v1 =	vmul.f32 v1, v3  }
0x98: {  	s10 =	simm.s32 $0x2  }
0x99: {  	v5 =	vmov s10;
	v1 =	vmul.f32 v2, v1  }
0x9a: {  	v5 =	vand.u32 $0xFFFFFFFE, v5  }
0x9b: {  	v3 =	vbroadcast v5, $0x0;
	[tilespmem:$0xC70] =	vst v1  }
0x9c: {  	s9 =	simm.s32 $0xD80;
	v1 =	vld.idx.msk [tilespmem:v4+s25+$0x0], $0xffff  }
0x9d: {  	v4 =	vld [tilespmem:s9+$0x70]  }
0x9e: {  	v5 =	vld [tilespmem:s9+$0xFFFFFF00]  }
0x9f: {  	v6 =	vld [tilespmem:s9+$0xFFFFFF10]  }
0xa0: {  	s10 =	simm.s32 $0x1;
	v7 =	vld [tilespmem:s9+$0xFFFFFF20]  }
0xa1: {  	v2 =	vld.idx.msk [tilespmem:v3+s25+$0x0], $0xffff;
	v3 =	vmov s10  }
0xa2: {  	v8 =	vld [tilespmem:s9+$0xFFFFFF30];
	v3 =	vand.u32 $0xFFFFFFFD, v3  }
0xa3: {  	v9 =	vld [tilespmem:s9+$0xFFFFFF40];
	v3 =	vbroadcast v3, $0x0  }
0xa4: {  	v10 =	vld [tilespmem:s9+$0xFFFFFF50]  }
0xa5: {  	v11 =	vld [tilespmem:s9+$0xFFFFFF60];
	v5 =	vmul.f32 v5, v1  }
0xa6: {  	v13 =	vld [tilespmem:s9+$0x40];
	v4 =	vmul.f32 v4, v2  }
0xa7: {  	[tilespmem:s9+$0xFFFFFF00] =	vst v5;
	v5 =	vmul.f32 v6, v1;
	v6 =	vld [tilespmem:s9+$0xFFFFFF70]  }
0xa8: {  	[tilespmem:s9+$0x70] =	vst v4;
	v4 =	vmul.f32 v7, v1;
	v7 =	vld [tilespmem:s9+$0xFFFFFF80]  }
0xa9: {  	v3 =	vld.idx.msk [tilespmem:v3+s25+$0x0], $0xffff;
	[tilespmem:s9+$0xFFFFFF10] =	vst v5;
	v5 =	vmul.f32 v8, v1  }
0xaa: {  	v8 =	vld [tilespmem:s9+$0xFFFFFF90];
	[tilespmem:s9+$0xFFFFFF20] =	vst v4;
	v4 =	vmul.f32 v9, v1  }
0xab: {  	v9 =	vld [tilespmem:s9+$0xFFFFFFA0];
	[tilespmem:s9+$0xFFFFFF30] =	vst v5;
	v5 =	vmul.f32 v10, v1  }
0xac: {  	v10 =	vld [tilespmem:s9+$0xFFFFFFB0];
	[tilespmem:s9+$0xFFFFFF40] =	vst v4;
	v4 =	vmul.f32 v11, v1  }
0xad: {  	v11 =	vld [tilespmem:s9+$0xFFFFFFC0];
	v6 =	vmul.f32 v6, v1;
	[tilespmem:s9+$0xFFFFFF50] =	vst v5  }
0xae: {  	v5 =	vmul.f32 v7, v3;
	v7 =	vld [tilespmem:s9+$0xFFFFFFD0];
	[tilespmem:s9+$0xFFFFFF60] =	vst v4  }
0xaf: {  	s11 =	simm.s32 $0x3;
	v4 =	vld [tilespmem:s9+$0xFFFFFFE0];
	v8 =	vmul.f32 v8, v3;
	[tilespmem:s9+$0xFFFFFF70] =	vst v6  }
0xb0: {  	v12 =	vmov s11;
	v6 =	vld [tilespmem:s9+$0xFFFFFFF0];
	[tilespmem:s9+$0xFFFFFF80] =	vst v5;
	v5 =	vmul.f32 v9, v3  }
0xb1: {  	[tilespmem:s9+$0xFFFFFF90] =	vst v8;
	v8 =	vmul.f32 v10, v3;
	v9 =	vld [tilespmem:s9+$0x0]  }
0xb2: {  	v10 =	vld [tilespmem:s9+$0x10];
	[tilespmem:s9+$0xFFFFFFA0] =	vst v5;
	v5 =	vmul.f32 v11, v3  }
0xb3: {  	[tilespmem:s9+$0xFFFFFFB0] =	vst v8;
	v8 =	vld [tilespmem:s9+$0x20];
	v7 =	vmul.f32 v7, v3  }
0xb4: {  	v11 =	vld [tilespmem:s9+$0x30];
	v4 =	vmul.f32 v4, v3;
	[tilespmem:s9+$0xFFFFFFC0] =	vst v5  }
0xb5: {  	v1 =	vld.idx.msk [tilespmem:v12+s25+$0x0], $0xffff;
	v3 =	vmul.f32 v6, v3;
	[tilespmem:s9+$0xFFFFFFD0] =	vst v7  }
0xb6: {  	[tilespmem:s9+$0xFFFFFFE0] =	vst v4;
	v5 =	vmul.f32 v9, v2;
	v4 =	vld [tilespmem:s9+$0x50]  }
0xb7: {  	s12 =	simm.s32 $0x4;
	[tilespmem:s9+$0xFFFFFFF0] =	vst v3;
	v6 =	vmul.f32 v10, v2;
	v3 =	vld [tilespmem:s9+$0x60]  }
0xb8: {  	s14 =	simm.s32 $0x7;
	v7 =	vmov s12;
	[tilespmem:s9+$0x0] =	vst v5;
	v9 =	vmul.f32 v8, v2;
	v8 =	vld [tilespmem:s9+$0x80]  }
0xb9: {  	s11 =	simm.s32 $0x5;
	s7 =	sadd.s32 $0x400, s7;
	v12 =	vand.u32 $0xFFFFFFFC, v7;
	v7 =	vld [tilespmem:s9+$0x90];
	v5 =	vmov s14;
	[tilespmem:s9+$0x10] =	vst v6;
	v10 =	vmul.f32 v11, v2  }
0xba: {  	s10 =	simm.s32 $0xD80;
	s12 =	simm.s32 $0x6;
	v6 =	vbroadcast v12, $0x0;
	v12 =	vmov s11;
	s11 =	simm.s32 $0x8;
	v11 =	vmul.f32 v13, v2;
	[tilespmem:s9+$0x20] =	vst v9;
	v9 =	vld [tilespmem:s9+$0xA0]  }
.LBB2_6:
0xbb: {  	p0 =	slt.u32 s11, $0x7C;
	v12 =	vand.u32 $0xFFFFFFFD, v12;
	v13 =	vmov s12;
	[tilespmem:s9+$0x30] =	vst v10;
	v4 =	vmul.f32 v4, v2;
	v10 =	vld [tilespmem:s9+$0xB0]  }
0xbc: {  	v12 =	vbroadcast v12, $0x0;
	v13 =	vand.u32 $0xFFFFFFFE, v13;
	[tilespmem:s9+$0x40] =	vst v11;
	v2 =	vmul.f32 v3, v2;
	v3 =	vld [tilespmem:s9+$0xC0]  }
0xbd: {  	v11 =	vbroadcast v13, $0x0;
	[tilespmem:s9+$0x50] =	vst v4;
	v4 =	vmul.f32 v8, v1;
	v8 =	vld [tilespmem:s9+$0xD0]  }
0xbe: {  	[tilespmem:s9+$0x60] =	vst v2;
	v2 =	vmul.f32 v7, v1;
	v7 =	vld [tilespmem:s9+$0xE0]  }
0xbf: {  	[tilespmem:s9+$0x80] =	vst v4;
	v4 =	vmul.f32 v9, v1;
	v9 =	vld [tilespmem:s9+$0xF0]  }
0xc0: {  	v5 =	vld.idx.msk [tilespmem:v5+s25+$0x0], $0xffff;
	[tilespmem:s9+$0x90] =	vst v2;
	v2 =	vmul.f32 v10, v1  }
0xc1: {  	v6 =	vld.idx.msk [tilespmem:v6+s25+$0x0], $0xffff;
	[tilespmem:s9+$0xA0] =	vst v4;
	v3 =	vmul.f32 v3, v1  }
0xc2: {  	v4 =	vld.idx.msk [tilespmem:v12+s25+$0x0], $0xffff;
	[tilespmem:s9+$0xB0] =	vst v2;
	v8 =	vmul.f32 v8, v1  }
0xc3: {  	s9 =	sadd.s32 $0x200, s9;
	v2 =	vld.idx.msk [tilespmem:v11+s25+$0x0], $0xffff;
	[tilespmem:s10+$0xC0] =	vst v3;
	v3 =	vmul.f32 v7, v1  }
0xc4: {  	v7 =	vld [tilespmem:s9+$0x70];
	[tilespmem:s10+$0xD0] =	vst v8;
	v9 =	vmul.f32 v9, v1  }
0xc5: {  	v8 =	vld [tilespmem:s9+$0xFFFFFF00];
	[tilespmem:s10+$0xE0] =	vst v3  }
0xc6: {  	v1 =	vmov v5;
	v3 =	vld [tilespmem:s9+$0xFFFFFF10];
	[tilespmem:s10+$0xF0] =	vst v9;
	s10 =	smov.u32 s9  }
0xc7: {  	v5 =	vld [tilespmem:s9+$0xFFFFFF20]  }
0xc8: {  	v9 =	vld [tilespmem:s9+$0xFFFFFF30]  }
0xc9: {  	v10 =	vld [tilespmem:s9+$0xFFFFFF40];
	v7 =	vmul.f32 v7, v2  }
0xca: {  	v8 =	vmul.f32 v8, v6;
	v11 =	vld [tilespmem:s9+$0xFFFFFF50]  }
0xcb: {  	v3 =	vmul.f32 v3, v6;
	v12 =	vld [tilespmem:s9+$0xFFFFFF60];
	[tilespmem:s9+$0x70] =	vst v7  }
0xcc: {  	[tilespmem:s9+$0xFFFFFF00] =	vst v8;
	v5 =	vmul.f32 v5, v6;
	v7 =	vld [tilespmem:s9+$0xFFFFFF70]  }
0xcd: {  	[tilespmem:s9+$0xFFFFFF10] =	vst v3;
	v3 =	vmul.f32 v9, v6;
	v8 =	vld [tilespmem:s9+$0xFFFFFF80]  }
0xce: {  	[tilespmem:s9+$0xFFFFFF20] =	vst v5;
	v5 =	vmul.f32 v10, v6;
	v9 =	vld [tilespmem:s9+$0xFFFFFF90]  }
0xcf: {  	[tilespmem:s9+$0xFFFFFF30] =	vst v3;
	v3 =	vmul.f32 v11, v6;
	v10 =	vld [tilespmem:s9+$0xFFFFFFA0]  }
0xd0: {  	[tilespmem:s9+$0xFFFFFF40] =	vst v5;
	v5 =	vmul.f32 v12, v6;
	v11 =	vld [tilespmem:s9+$0xFFFFFFB0]  }
0xd1: {  	[tilespmem:s9+$0xFFFFFF50] =	vst v3;
	v3 =	vmul.f32 v7, v6;
	v6 =	vld [tilespmem:s9+$0xFFFFFFC0]  }
0xd2: {  	[tilespmem:s9+$0xFFFFFF60] =	vst v5;
	v5 =	vmul.f32 v8, v4;
	v7 =	vld [tilespmem:s9+$0xFFFFFFD0]  }
0xd3: {  	[tilespmem:s9+$0xFFFFFF70] =	vst v3;
	v3 =	vmul.f32 v9, v4;
	v8 =	vld [tilespmem:s9+$0xFFFFFFE0]  }
0xd4: {  	[tilespmem:s9+$0xFFFFFF80] =	vst v5;
	v5 =	vmul.f32 v10, v4;
	v9 =	vld [tilespmem:s9+$0xFFFFFFF0]  }
0xd5: {  	[tilespmem:s9+$0xFFFFFF90] =	vst v3;
	v3 =	vmul.f32 v11, v4;
	v10 =	vld [tilespmem:s9+$0x0]  }
0xd6: {  	[tilespmem:s9+$0xFFFFFFA0] =	vst v5;
	v5 =	vmul.f32 v6, v4;
	v6 =	vld [tilespmem:s9+$0x10]  }
0xd7: {  	[tilespmem:s9+$0xFFFFFFB0] =	vst v3;
	v3 =	vmul.f32 v7, v4;
	v7 =	vld [tilespmem:s9+$0x20]  }
0xd8: {  	[tilespmem:s9+$0xFFFFFFC0] =	vst v5;
	v5 =	vmul.f32 v8, v4;
	v11 =	vld [tilespmem:s9+$0x30]  }
0xd9: {  	[tilespmem:s9+$0xFFFFFFD0] =	vst v3;
	v3 =	vmul.f32 v9, v4;
	v9 =	vld [tilespmem:s9+$0x40]  }
.Ltmp1:
0xda: {  	[tilespmem:s9+$0xFFFFFFE0] =	vst v5;
	v5 =	vmul.f32 v10, v2;
	v4 =	vld [tilespmem:s9+$0x50];
	(pc) =	sbr.rel @p0 .LBB2_6-.Ltmp1, $4  }
0xdb: {  	[tilespmem:s9+$0xFFFFFFF0] =	vst v3;
	v6 =	vmul.f32 v6, v2;
	v3 =	vld [tilespmem:s9+$0x60]  }
0xdc: {  	s12 =	sadd.s32 $0x3, s11;
	v10 =	vmov s11;
	[tilespmem:s9+$0x0] =	vst v5;
	v13 =	vmul.f32 v7, v2;
	v8 =	vld [tilespmem:s9+$0x80]  }
0xdd: {  	s14 =	sadd.s32 $0x1, s11;
	v12 =	vand.u32 $0xFFFFFFFC, v10;
	v5 =	vmov s12;
	[tilespmem:s9+$0x10] =	vst v6;
	v10 =	vmul.f32 v11, v2;
	v7 =	vld [tilespmem:s9+$0x90]  }
0xde: {  	s12 =	sadd.s32 $0x2, s11;
	s11 =	sadd.s32 $0x4, s11;
	v6 =	vbroadcast v12, $0x0;
	v12 =	vmov s14;
	[tilespmem:s9+$0x20] =	vst v13;
	v11 =	vmul.f32 v9, v2;
	v9 =	vld [tilespmem:s9+$0xA0]  }
0xdf: {  	v13 =	vld [tilespmem:s9+$0xB0]  }
0xe0: {  	v15 =	vld [tilespmem:s9+$0xC0]  }
0xe1: {  	v14 =	vmov s12;
	v16 =	vld [tilespmem:s9+$0xD0]  }
0xe2: {  	v17 =	vld [tilespmem:s9+$0xE0];
	[tilespmem:s9+$0x30] =	vst v10;
	v4 =	vmul.f32 v4, v2;
	v14 =	vand.u32 $0xFFFFFFFE, v14  }
0xe3: {  	v12 =	vand.u32 $0xFFFFFFFD, v12;
	v5 =	vld.idx.msk [tilespmem:v5+s25+$0x0], $0xffff;
	[tilespmem:s9+$0x40] =	vst v11;
	v2 =	vmul.f32 v3, v2;
	v14 =	vbroadcast v14, $0x0  }
0xe4: {  	s11 =	sadd.s32 $0x200, s9;
	v12 =	vbroadcast v12, $0x0;
	v3 =	vld.idx.msk [tilespmem:v6+s25+$0x0], $0xffff;
	v8 =	vmul.f32 v8, v1;
	[tilespmem:s9+$0x50] =	vst v4  }
0xe5: {  	v10 =	vld [tilespmem:s11+$0xFFFFFF00];
	v4 =	vmul.f32 v7, v1;
	[tilespmem:s9+$0x60] =	vst v2  }
0xe6: {  	[tilespmem:s9+$0x80] =	vst v8;
	v8 =	vld [tilespmem:s9+$0xF0];
	v2 =	vmul.f32 v9, v1  }
0xe7: {  	v11 =	vld [tilespmem:s11+$0xFFFFFF10];
	[tilespmem:s9+$0x90] =	vst v4;
	v4 =	vmul.f32 v13, v1  }
0xe8: {  	v9 =	vld [tilespmem:s11+$0x70];
	[tilespmem:s9+$0xA0] =	vst v2;
	v2 =	vmul.f32 v15, v1  }
0xe9: {  	[tilespmem:s9+$0xB0] =	vst v4;
	v4 =	vmul.f32 v16, v1;
	v7 =	vld.idx.msk [tilespmem:v14+s25+$0x0], $0xffff  }
0xea: {  	v6 =	vld.idx.msk [tilespmem:v12+s25+$0x0], $0xffff;
	[tilespmem:s10+$0xC0] =	vst v2;
	v2 =	vmul.f32 v17, v1  }
0xeb: {  	v12 =	vld [tilespmem:s11+$0xFFFFFF20];
	[tilespmem:s10+$0xD0] =	vst v4;
	v1 =	vmul.f32 v8, v1  }
0xec: {  	v4 =	vld [tilespmem:s11+$0xFFFFFF30];
	[tilespmem:s10+$0xE0] =	vst v2  }
0xed: {  	v2 =	vld [tilespmem:s11+$0xFFFFFF40];
	[tilespmem:s10+$0xF0] =	vst v1;
	v1 =	vmul.f32 v10, v3  }
0xee: {  	v8 =	vmul.f32 v9, v7;
	v9 =	vld [tilespmem:s11+$0xFFFFFF50]  }
0xef: {  	v10 =	vmul.f32 v11, v3;
	v11 =	vld [tilespmem:s11+$0xFFFFFF60];
	[tilespmem:s11+$0xFFFFFF00] =	vst v1  }
0xf0: {  	v1 =	vmul.f32 v12, v3;
	[tilespmem:s11+$0x70] =	vst v8;
	v8 =	vld [tilespmem:s11+$0xFFFFFF70]  }
0xf1: {  	[tilespmem:s11+$0xFFFFFF10] =	vst v10;
	v10 =	vld [tilespmem:s11+$0xFFFFFF80];
	v4 =	vmul.f32 v4, v3  }
0xf2: {  	[tilespmem:s11+$0xFFFFFF20] =	vst v1;
	v1 =	vmul.f32 v2, v3;
	v2 =	vld [tilespmem:s11+$0xFFFFFF90]  }
0xf3: {  	[tilespmem:s11+$0xFFFFFF30] =	vst v4;
	v4 =	vmul.f32 v9, v3;
	v9 =	vld [tilespmem:s11+$0xFFFFFFA0]  }
0xf4: {  	[tilespmem:s11+$0xFFFFFF40] =	vst v1;
	v1 =	vmul.f32 v11, v3;
	v11 =	vld [tilespmem:s11+$0xFFFFFFB0]  }
0xf5: {  	[tilespmem:s11+$0xFFFFFF50] =	vst v4;
	v3 =	vmul.f32 v8, v3;
	v4 =	vld [tilespmem:s11+$0xFFFFFFC0]  }
0xf6: {  	[tilespmem:s11+$0xFFFFFF60] =	vst v1;
	v1 =	vmul.f32 v10, v6;
	v8 =	vld [tilespmem:s11+$0xFFFFFFD0]  }
0xf7: {  	v2 =	vmul.f32 v2, v6;
	[tilespmem:s11+$0xFFFFFF70] =	vst v3;
	v3 =	vld [tilespmem:s11+$0xFFFFFFE0]  }
0xf8: {  	[tilespmem:s11+$0xFFFFFF80] =	vst v1;
	v1 =	vmul.f32 v9, v6;
	v9 =	vld [tilespmem:s11+$0xFFFFFFF0]  }
0xf9: {  	v10 =	vld [tilespmem:s11+$0x0];
	[tilespmem:s11+$0xFFFFFF90] =	vst v2;
	v2 =	vmul.f32 v11, v6  }
0xfa: {  	[tilespmem:s11+$0xFFFFFFA0] =	vst v1;
	v1 =	vmul.f32 v4, v6;
	v4 =	vld [tilespmem:s11+$0x10]  }
0xfb: {  	[tilespmem:s11+$0xFFFFFFB0] =	vst v2;
	v2 =	vmul.f32 v8, v6;
	v8 =	vld [tilespmem:s11+$0x20]  }
0xfc: {  	[tilespmem:s11+$0xFFFFFFC0] =	vst v1;
	v1 =	vmul.f32 v3, v6;
	v3 =	vld [tilespmem:s11+$0x30]  }
0xfd: {  	[tilespmem:s11+$0xFFFFFFD0] =	vst v2;
	v2 =	vmul.f32 v9, v6;
	v6 =	vld [tilespmem:s11+$0x40]  }
0xfe: {  	v9 =	vld [tilespmem:s11+$0x50];
	[tilespmem:s11+$0xFFFFFFE0] =	vst v1;
	v1 =	vmul.f32 v10, v7  }
0xff: {  	[tilespmem:s11+$0xFFFFFFF0] =	vst v2;
	v2 =	vmul.f32 v4, v7;
	v4 =	vld [tilespmem:s11+$0x60]  }
0x100: {  	[tilespmem:s11+$0x0] =	vst v1;
	v1 =	vmul.f32 v8, v7;
	v8 =	vld [tilespmem:s11+$0x80]  }
0x101: {  	[tilespmem:s11+$0x10] =	vst v2;
	v2 =	vmul.f32 v3, v7;
	v3 =	vld [tilespmem:s11+$0x90]  }
0x102: {  	[tilespmem:s11+$0x20] =	vst v1;
	v1 =	vmul.f32 v6, v7;
	v6 =	vld [tilespmem:s11+$0xA0]  }
0x103: {  	[tilespmem:s11+$0x30] =	vst v2;
	v2 =	vmul.f32 v9, v7;
	v9 =	vld [tilespmem:s11+$0xB0]  }
0x104: {  	[tilespmem:s11+$0x40] =	vst v1;
	v1 =	vmul.f32 v4, v7;
	v4 =	vld [tilespmem:s11+$0xC0]  }
0x105: {  	v7 =	vld [tilespmem:s11+$0xD0];
	[tilespmem:s11+$0x50] =	vst v2;
	v2 =	vmul.f32 v8, v5  }
0x106: {  	[tilespmem:s11+$0x60] =	vst v1;
	v1 =	vmul.f32 v3, v5;
	v3 =	vld [tilespmem:s11+$0xE0]  }
0x107: {  	[tilespmem:s11+$0x80] =	vst v2;
	v2 =	vmul.f32 v6, v5;
	v6 =	vld [tilespmem:s11+$0xF0]  }
0x108: {  	[tilespmem:s11+$0x90] =	vst v1;
	v1 =	vmul.f32 v9, v5  }
0x109: {  	[tilespmem:s11+$0xA0] =	vst v2;
	v2 =	vmul.f32 v4, v5  }
0x10a: {  	[tilespmem:s11+$0xB0] =	vst v1;
	v1 =	vmul.f32 v7, v5  }
0x10b: {  	[tilespmem:s11+$0xC0] =	vst v2;
	v2 =	vmul.f32 v3, v5  }
0x10c: {  	[tilespmem:s11+$0xD0] =	vst v1;
	v1 =	vmul.f32 v6, v5  }
0x10d: {  	[tilespmem:s11+$0xE0] =	vst v2  }
0x10e: {  	p0 =	seq.s32 s3, $0x3;
	[tilespmem:s11+$0xF0] =	vst v1  }
0x10f: {  	[spmem:s2] =	stream.indirect.scatter.add.f32 [tilespmem:s23], [sflag:$0x3], $0x80, s7, s22, $0xb8;
	[tilespmem:$0x1F400] =	vst v63  }
0x110: {  	s7 =	simm.s32 @!p0 $0x3  }
0x111: {  	_ =	swait.ge @!p0 [sflag:s7], $0x4000  }
0x112: {  	s9 =	sshll.u32 @!p0 s3, $0xA;
	[sflag:s7] =	ssyncset.done @!p0 $0x0  }
0x113: {  	[sflag:s7] =	ssyncadd.s32 @!p0 $0xFFFFC000;
	s7 =	sshra.s32 @!p0 s9, $0x2  }
0x114: {  	s10 =	simm.s32 @!p0 $0xC80;
	s9 =	simm.s32 @!p0 $0x80;
	s7 =	sadd.s32 @!p0 $0x100, s7  }
0x115: {  	[tilespmem:s10], [sflag:$0x1] =	stream.indirect.gather @!p0 [hbm4b:s15+s9], $0x80, s7, s9, $0xb8;
	[tilespmem:$0x1F400] =	vst v63  }
0x116: {  	_ =	swait.ge [sflag:s26], $0x4000  }
0x117: {  	[sflag:s26] =	ssyncset.done $0x0  }
0x118: {  	[sflag:s26] =	ssyncadd.s32 $0xFFFFC000  }
0x119: {  	v1 =	vld [tilespmem:s1+$0x0];
	_ =	sdelay $0x1  }
0x11a: {  	v2 =	vld [tilespmem:s1+$0x400];
	_ =	sdelay $0x4  }
0x11b: {  	v3 =	vld [tilespmem:s1+$0x800]  }
0x11c: {  	v1 =	vld.idx.msk [tilespmem:v1+s17+$0x0], $0xffff;
	_ =	sdelay $0x1  }
0x11d: {  	v2 =	vld.idx.msk [tilespmem:v2+s17+$0x0], $0xffff;
	_ =	sdelay $0x2  }
0x11e: {  	v1 =	vmul.f32 v1, v3;
	_ =	sdelay $0x1  }
0x11f: {  	v1 =	vmul.f32 v2, v1;
	_ =	sdelay $0x1  }
0x120: {  	[tilespmem:$0xC00] =	vst v1  }
0x121: {  	v1 =	vld [tilespmem:s1+$0x10];
	_ =	sdelay $0x1  }
0x122: {  	v2 =	vld [tilespmem:s1+$0x410];
	_ =	sdelay $0x4  }
0x123: {  	v3 =	vld [tilespmem:s1+$0x810]  }
0x124: {  	v1 =	vld.idx.msk [tilespmem:v1+s17+$0x0], $0xffff;
	_ =	sdelay $0x1  }
0x125: {  	v2 =	vld.idx.msk [tilespmem:v2+s17+$0x0], $0xffff;
	_ =	sdelay $0x2  }
0x126: {  	v1 =	vmul.f32 v1, v3;
	_ =	sdelay $0x1  }
0x127: {  	v1 =	vmul.f32 v2, v1;
	_ =	sdelay $0x1  }
0x128: {  	[tilespmem:$0xC10] =	vst v1  }
0x129: {  	v1 =	vld [tilespmem:s1+$0x20];
	_ =	sdelay $0x1  }
0x12a: {  	v2 =	vld [tilespmem:s1+$0x420];
	_ =	sdelay $0x4  }
0x12b: {  	v3 =	vld [tilespmem:s1+$0x820]  }
0x12c: {  	v1 =	vld.idx.msk [tilespmem:v1+s17+$0x0], $0xffff;
	_ =	sdelay $0x1  }
0x12d: {  	v2 =	vld.idx.msk [tilespmem:v2+s17+$0x0], $0xffff;
	_ =	sdelay $0x2  }
0x12e: {  	v1 =	vmul.f32 v1, v3;
	_ =	sdelay $0x1  }
0x12f: {  	v1 =	vmul.f32 v2, v1;
	_ =	sdelay $0x1  }
0x130: {  	[tilespmem:$0xC20] =	vst v1  }
0x131: {  	v1 =	vld [tilespmem:s1+$0x30];
	_ =	sdelay $0x1  }
0x132: {  	v2 =	vld [tilespmem:s1+$0x430];
	_ =	sdelay $0x4  }
0x133: {  	v3 =	vld [tilespmem:s1+$0x830]  }
0x134: {  	v1 =	vld.idx.msk [tilespmem:v1+s17+$0x0], $0xffff;
	_ =	sdelay $0x1  }
0x135: {  	v2 =	vld.idx.msk [tilespmem:v2+s17+$0x0], $0xffff;
	_ =	sdelay $0x2  }
0x136: {  	v1 =	vmul.f32 v1, v3;
	_ =	sdelay $0x1  }
0x137: {  	v1 =	vmul.f32 v2, v1;
	_ =	sdelay $0x1  }
0x138: {  	[tilespmem:$0xC30] =	vst v1  }
0x139: {  	v1 =	vld [tilespmem:s1+$0x40];
	_ =	sdelay $0x1  }
0x13a: {  	v2 =	vld [tilespmem:s1+$0x440];
	_ =	sdelay $0x4  }
0x13b: {  	v3 =	vld [tilespmem:s1+$0x840]  }
0x13c: {  	v1 =	vld.idx.msk [tilespmem:v1+s17+$0x0], $0xffff;
	_ =	sdelay $0x1  }
0x13d: {  	v2 =	vld.idx.msk [tilespmem:v2+s17+$0x0], $0xffff;
	_ =	sdelay $0x2  }
0x13e: {  	v1 =	vmul.f32 v1, v3;
	_ =	sdelay $0x1  }
0x13f: {  	v1 =	vmul.f32 v2, v1;
	_ =	sdelay $0x1  }
0x140: {  	[tilespmem:$0xC40] =	vst v1  }
0x141: {  	v1 =	vld [tilespmem:s1+$0x50];
	_ =	sdelay $0x1  }
0x142: {  	v2 =	vld [tilespmem:s1+$0x450];
	_ =	sdelay $0x4  }
0x143: {  	v3 =	vld [tilespmem:s1+$0x850]  }
0x144: {  	v1 =	vld.idx.msk [tilespmem:v1+s17+$0x0], $0xffff;
	_ =	sdelay $0x1  }
0x145: {  	v2 =	vld.idx.msk [tilespmem:v2+s17+$0x0], $0xffff;
	_ =	sdelay $0x2  }
0x146: {  	v1 =	vmul.f32 v1, v3;
	_ =	sdelay $0x1  }
0x147: {  	v1 =	vmul.f32 v2, v1;
	_ =	sdelay $0x1  }
0x148: {  	[tilespmem:$0xC50] =	vst v1  }
0x149: {  	v1 =	vld [tilespmem:s1+$0x60];
	_ =	sdelay $0x1  }
0x14a: {  	v2 =	vld [tilespmem:s1+$0x460];
	_ =	sdelay $0x4  }
0x14b: {  	v3 =	vld [tilespmem:s1+$0x860]  }
0x14c: {  	v1 =	vld.idx.msk [tilespmem:v1+s17+$0x0], $0xffff;
	_ =	sdelay $0x1  }
0x14d: {  	v2 =	vld.idx.msk [tilespmem:v2+s17+$0x0], $0xffff;
	_ =	sdelay $0x2  }
0x14e: {  	v1 =	vmul.f32 v1, v3;
	_ =	sdelay $0x1  }
0x14f: {  	v1 =	vmul.f32 v2, v1;
	_ =	sdelay $0x1  }
0x150: {  	[tilespmem:$0xC60] =	vst v1  }
0x151: {  	v1 =	vld [tilespmem:s1+$0x70];
	_ =	sdelay $0x1  }
0x152: {  	v2 =	vld [tilespmem:s1+$0x470];
	_ =	sdelay $0x4  }
0x153: {  	v3 =	vld [tilespmem:s1+$0x870]  }
0x154: {  	v1 =	vld.idx.msk [tilespmem:v1+s17+$0x0], $0xffff  }
0x155: {  	s11 =	simm.s32 $0x0  }
0x156: {  	v4 =	vmov s11;
	v2 =	vld.idx.msk [tilespmem:v2+s17+$0x0], $0xffff  }
0x157: {  	v4 =	vand.u32 $0xFFFFFFFC, v4  }
0x158: {  	v4 =	vbroadcast v4, $0x0  }
0x159: {  	v1 =	vmul.f32 v1, v3  }
0x15a: {  	s12 =	simm.s32 $0x2  }
0x15b: {  	v5 =	vmov s12;
	v1 =	vmul.f32 v2, v1  }
0x15c: {  	v5 =	vand.u32 $0xFFFFFFFE, v5  }
0x15d: {  	v3 =	vbroadcast v5, $0x0;
	[tilespmem:$0xC70] =	vst v1  }
0x15e: {  	s7 =	simm.s32 $0x4D80;
	v1 =	vld.idx.msk [tilespmem:v4+s25+$0x0], $0xffff  }
0x15f: {  	v4 =	vld [tilespmem:s7+$0x70]  }
0x160: {  	v5 =	vld [tilespmem:s7+$0xFFFFFF00]  }
0x161: {  	v6 =	vld [tilespmem:s7+$0xFFFFFF10]  }
0x162: {  	s14 =	simm.s32 $0x1;
	v7 =	vld [tilespmem:s7+$0xFFFFFF20]  }
0x163: {  	v2 =	vld.idx.msk [tilespmem:v3+s25+$0x0], $0xffff;
	v3 =	vmov s14  }
0x164: {  	v8 =	vld [tilespmem:s7+$0xFFFFFF30];
	v3 =	vand.u32 $0xFFFFFFFD, v3  }
0x165: {  	v9 =	vld [tilespmem:s7+$0xFFFFFF40];
	v3 =	vbroadcast v3, $0x0  }
0x166: {  	v10 =	vld [tilespmem:s7+$0xFFFFFF50]  }
0x167: {  	v11 =	vld [tilespmem:s7+$0xFFFFFF60];
	v5 =	vmul.f32 v5, v1  }
0x168: {  	v13 =	vld [tilespmem:s7+$0x40];
	v4 =	vmul.f32 v4, v2  }
0x169: {  	[tilespmem:s7+$0xFFFFFF00] =	vst v5;
	v5 =	vmul.f32 v6, v1;
	v6 =	vld [tilespmem:s7+$0xFFFFFF70]  }
0x16a: {  	[tilespmem:s7+$0x70] =	vst v4;
	v4 =	vmul.f32 v7, v1;
	v7 =	vld [tilespmem:s7+$0xFFFFFF80]  }
0x16b: {  	v3 =	vld.idx.msk [tilespmem:v3+s25+$0x0], $0xffff;
	[tilespmem:s7+$0xFFFFFF10] =	vst v5;
	v5 =	vmul.f32 v8, v1  }
0x16c: {  	v8 =	vld [tilespmem:s7+$0xFFFFFF90];
	[tilespmem:s7+$0xFFFFFF20] =	vst v4;
	v4 =	vmul.f32 v9, v1  }
0x16d: {  	v9 =	vld [tilespmem:s7+$0xFFFFFFA0];
	[tilespmem:s7+$0xFFFFFF30] =	vst v5;
	v5 =	vmul.f32 v10, v1  }
0x16e: {  	v10 =	vld [tilespmem:s7+$0xFFFFFFB0];
	[tilespmem:s7+$0xFFFFFF40] =	vst v4;
	v4 =	vmul.f32 v11, v1  }
0x16f: {  	v11 =	vld [tilespmem:s7+$0xFFFFFFC0];
	v6 =	vmul.f32 v6, v1;
	[tilespmem:s7+$0xFFFFFF50] =	vst v5  }
0x170: {  	v5 =	vmul.f32 v7, v3;
	v7 =	vld [tilespmem:s7+$0xFFFFFFD0];
	[tilespmem:s7+$0xFFFFFF60] =	vst v4  }
0x171: {  	s10 =	simm.s32 $0x3;
	v4 =	vld [tilespmem:s7+$0xFFFFFFE0];
	v8 =	vmul.f32 v8, v3;
	[tilespmem:s7+$0xFFFFFF70] =	vst v6  }
0x172: {  	v12 =	vmov s10;
	v6 =	vld [tilespmem:s7+$0xFFFFFFF0];
	[tilespmem:s7+$0xFFFFFF80] =	vst v5;
	v5 =	vmul.f32 v9, v3  }
0x173: {  	[tilespmem:s7+$0xFFFFFF90] =	vst v8;
	v8 =	vmul.f32 v10, v3;
	v9 =	vld [tilespmem:s7+$0x0]  }
0x174: {  	v10 =	vld [tilespmem:s7+$0x10];
	[tilespmem:s7+$0xFFFFFFA0] =	vst v5;
	v5 =	vmul.f32 v11, v3  }
0x175: {  	[tilespmem:s7+$0xFFFFFFB0] =	vst v8;
	v8 =	vld [tilespmem:s7+$0x20];
	v7 =	vmul.f32 v7, v3  }
0x176: {  	v11 =	vld [tilespmem:s7+$0x30];
	v4 =	vmul.f32 v4, v3;
	[tilespmem:s7+$0xFFFFFFC0] =	vst v5  }
0x177: {  	v1 =	vld.idx.msk [tilespmem:v12+s25+$0x0], $0xffff;
	v3 =	vmul.f32 v6, v3;
	[tilespmem:s7+$0xFFFFFFD0] =	vst v7  }
0x178: {  	[tilespmem:s7+$0xFFFFFFE0] =	vst v4;
	v5 =	vmul.f32 v9, v2;
	v4 =	vld [tilespmem:s7+$0x50]  }
0x179: {  	s11 =	simm.s32 $0x4;
	[tilespmem:s7+$0xFFFFFFF0] =	vst v3;
	v6 =	vmul.f32 v10, v2;
	v3 =	vld [tilespmem:s7+$0x60]  }
0x17a: {  	s12 =	simm.s32 $0x7;
	v7 =	vmov s11;
	[tilespmem:s7+$0x0] =	vst v5;
	v9 =	vmul.f32 v8, v2;
	v8 =	vld [tilespmem:s7+$0x80]  }
0x17b: {  	s9 =	simm.s32 $0x4D80;
	s14 =	simm.s32 $0x5;
	v12 =	vand.u32 $0xFFFFFFFC, v7;
	v7 =	vld [tilespmem:s7+$0x90];
	v5 =	vmov s12;
	[tilespmem:s7+$0x10] =	vst v6;
	v10 =	vmul.f32 v11, v2  }
0x17c: {  	s10 =	simm.s32 $0x8;
	s1 =	sadd.s32 $0x400, s1;
	s11 =	simm.s32 $0x6;
	v6 =	vbroadcast v12, $0x0;
	v12 =	vmov s14;
	v11 =	vmul.f32 v13, v2;
	[tilespmem:s7+$0x20] =	vst v9;
	v9 =	vld [tilespmem:s7+$0xA0]  }
.LBB2_8:
0x17d: {  	p0 =	slt.u32 s10, $0x7C;
	v12 =	vand.u32 $0xFFFFFFFD, v12;
	v13 =	vmov s11;
	[tilespmem:s7+$0x30] =	vst v10;
	v4 =	vmul.f32 v4, v2;
	v10 =	vld [tilespmem:s7+$0xB0]  }
0x17e: {  	v12 =	vbroadcast v12, $0x0;
	v13 =	vand.u32 $0xFFFFFFFE, v13;
	[tilespmem:s7+$0x40] =	vst v11;
	v2 =	vmul.f32 v3, v2;
	v3 =	vld [tilespmem:s7+$0xC0]  }
0x17f: {  	v11 =	vbroadcast v13, $0x0;
	[tilespmem:s7+$0x50] =	vst v4;
	v4 =	vmul.f32 v8, v1;
	v8 =	vld [tilespmem:s7+$0xD0]  }
0x180: {  	[tilespmem:s7+$0x60] =	vst v2;
	v2 =	vmul.f32 v7, v1;
	v7 =	vld [tilespmem:s7+$0xE0]  }
0x181: {  	[tilespmem:s7+$0x80] =	vst v4;
	v4 =	vmul.f32 v9, v1;
	v9 =	vld [tilespmem:s7+$0xF0]  }
0x182: {  	v5 =	vld.idx.msk [tilespmem:v5+s25+$0x0], $0xffff;
	[tilespmem:s7+$0x90] =	vst v2;
	v2 =	vmul.f32 v10, v1  }
0x183: {  	v6 =	vld.idx.msk [tilespmem:v6+s25+$0x0], $0xffff;
	[tilespmem:s7+$0xA0] =	vst v4;
	v3 =	vmul.f32 v3, v1  }
0x184: {  	v4 =	vld.idx.msk [tilespmem:v12+s25+$0x0], $0xffff;
	[tilespmem:s7+$0xB0] =	vst v2;
	v8 =	vmul.f32 v8, v1  }
0x185: {  	s7 =	sadd.s32 $0x200, s7;
	v2 =	vld.idx.msk [tilespmem:v11+s25+$0x0], $0xffff;
	[tilespmem:s9+$0xC0] =	vst v3;
	v3 =	vmul.f32 v7, v1  }
0x186: {  	v7 =	vld [tilespmem:s7+$0x70];
	[tilespmem:s9+$0xD0] =	vst v8;
	v9 =	vmul.f32 v9, v1  }
0x187: {  	v8 =	vld [tilespmem:s7+$0xFFFFFF00];
	[tilespmem:s9+$0xE0] =	vst v3  }
0x188: {  	v1 =	vmov v5;
	v3 =	vld [tilespmem:s7+$0xFFFFFF10];
	[tilespmem:s9+$0xF0] =	vst v9;
	s9 =	smov.u32 s7  }
0x189: {  	v5 =	vld [tilespmem:s7+$0xFFFFFF20]  }
0x18a: {  	v9 =	vld [tilespmem:s7+$0xFFFFFF30]  }
0x18b: {  	v10 =	vld [tilespmem:s7+$0xFFFFFF40];
	v7 =	vmul.f32 v7, v2  }
0x18c: {  	v8 =	vmul.f32 v8, v6;
	v11 =	vld [tilespmem:s7+$0xFFFFFF50]  }
0x18d: {  	v3 =	vmul.f32 v3, v6;
	v12 =	vld [tilespmem:s7+$0xFFFFFF60];
	[tilespmem:s7+$0x70] =	vst v7  }
0x18e: {  	[tilespmem:s7+$0xFFFFFF00] =	vst v8;
	v5 =	vmul.f32 v5, v6;
	v7 =	vld [tilespmem:s7+$0xFFFFFF70]  }
0x18f: {  	[tilespmem:s7+$0xFFFFFF10] =	vst v3;
	v3 =	vmul.f32 v9, v6;
	v8 =	vld [tilespmem:s7+$0xFFFFFF80]  }
0x190: {  	[tilespmem:s7+$0xFFFFFF20] =	vst v5;
	v5 =	vmul.f32 v10, v6;
	v9 =	vld [tilespmem:s7+$0xFFFFFF90]  }
0x191: {  	[tilespmem:s7+$0xFFFFFF30] =	vst v3;
	v3 =	vmul.f32 v11, v6;
	v10 =	vld [tilespmem:s7+$0xFFFFFFA0]  }
0x192: {  	[tilespmem:s7+$0xFFFFFF40] =	vst v5;
	v5 =	vmul.f32 v12, v6;
	v11 =	vld [tilespmem:s7+$0xFFFFFFB0]  }
0x193: {  	[tilespmem:s7+$0xFFFFFF50] =	vst v3;
	v3 =	vmul.f32 v7, v6;
	v6 =	vld [tilespmem:s7+$0xFFFFFFC0]  }
0x194: {  	[tilespmem:s7+$0xFFFFFF60] =	vst v5;
	v5 =	vmul.f32 v8, v4;
	v7 =	vld [tilespmem:s7+$0xFFFFFFD0]  }
0x195: {  	[tilespmem:s7+$0xFFFFFF70] =	vst v3;
	v3 =	vmul.f32 v9, v4;
	v8 =	vld [tilespmem:s7+$0xFFFFFFE0]  }
0x196: {  	[tilespmem:s7+$0xFFFFFF80] =	vst v5;
	v5 =	vmul.f32 v10, v4;
	v9 =	vld [tilespmem:s7+$0xFFFFFFF0]  }
0x197: {  	[tilespmem:s7+$0xFFFFFF90] =	vst v3;
	v3 =	vmul.f32 v11, v4;
	v10 =	vld [tilespmem:s7+$0x0]  }
0x198: {  	[tilespmem:s7+$0xFFFFFFA0] =	vst v5;
	v5 =	vmul.f32 v6, v4;
	v6 =	vld [tilespmem:s7+$0x10]  }
0x199: {  	[tilespmem:s7+$0xFFFFFFB0] =	vst v3;
	v3 =	vmul.f32 v7, v4;
	v7 =	vld [tilespmem:s7+$0x20]  }
0x19a: {  	[tilespmem:s7+$0xFFFFFFC0] =	vst v5;
	v5 =	vmul.f32 v8, v4;
	v11 =	vld [tilespmem:s7+$0x30]  }
0x19b: {  	[tilespmem:s7+$0xFFFFFFD0] =	vst v3;
	v3 =	vmul.f32 v9, v4;
	v9 =	vld [tilespmem:s7+$0x40]  }
.Ltmp2:
0x19c: {  	[tilespmem:s7+$0xFFFFFFE0] =	vst v5;
	v5 =	vmul.f32 v10, v2;
	v4 =	vld [tilespmem:s7+$0x50];
	(pc) =	sbr.rel @p0 .LBB2_8-.Ltmp2, $4  }
0x19d: {  	[tilespmem:s7+$0xFFFFFFF0] =	vst v3;
	v6 =	vmul.f32 v6, v2;
	v3 =	vld [tilespmem:s7+$0x60]  }
0x19e: {  	s11 =	sadd.s32 $0x3, s10;
	v10 =	vmov s10;
	[tilespmem:s7+$0x0] =	vst v5;
	v13 =	vmul.f32 v7, v2;
	v8 =	vld [tilespmem:s7+$0x80]  }
0x19f: {  	s12 =	sadd.s32 $0x1, s10;
	v12 =	vand.u32 $0xFFFFFFFC, v10;
	v5 =	vmov s11;
	[tilespmem:s7+$0x10] =	vst v6;
	v10 =	vmul.f32 v11, v2;
	v7 =	vld [tilespmem:s7+$0x90]  }
0x1a0: {  	s11 =	sadd.s32 $0x2, s10;
	s10 =	sadd.s32 $0x4, s10;
	v6 =	vbroadcast v12, $0x0;
	v12 =	vmov s12;
	[tilespmem:s7+$0x20] =	vst v13;
	v11 =	vmul.f32 v9, v2;
	v9 =	vld [tilespmem:s7+$0xA0]  }
0x1a1: {  	v13 =	vld [tilespmem:s7+$0xB0]  }
0x1a2: {  	v15 =	vld [tilespmem:s7+$0xC0]  }
0x1a3: {  	v16 =	vld [tilespmem:s7+$0xD0]  }
0x1a4: {  	v17 =	vld [tilespmem:s7+$0xE0]  }
0x1a5: {  	v29 =	vld [tilespmem:s7+$0xF0];
	[tilespmem:s7+$0x30] =	vst v10;
	v4 =	vmul.f32 v4, v2  }
0x1a6: {  	v5 =	vld.idx.msk [tilespmem:v5+s25+$0x0], $0xffff;
	[tilespmem:s7+$0x40] =	vst v11;
	v2 =	vmul.f32 v3, v2  }
0x1a7: {  	s10 =	sadd.s32 $0x200, s7;
	v3 =	vld.idx.msk [tilespmem:v6+s25+$0x0], $0xffff;
	v8 =	vmul.f32 v8, v1;
	[tilespmem:s7+$0x50] =	vst v4  }
0x1a8: {  	v14 =	vmov s11;
	v34 =	vld [tilespmem:s10+$0x70];
	v30 =	vmul.f32 v7, v1;
	[tilespmem:s7+$0x60] =	vst v2  }
0x1a9: {  	v14 =	vand.u32 $0xFFFFFFFE, v14;
	v35 =	vld [tilespmem:s10+$0xFFFFFF00];
	[tilespmem:s7+$0x80] =	vst v8;
	v2 =	vmul.f32 v9, v1  }
0x1aa: {  	v37 =	vld [tilespmem:s10+$0xFFFFFF10];
	v14 =	vbroadcast v14, $0x0;
	[tilespmem:s7+$0x90] =	vst v30;
	v33 =	vmul.f32 v13, v1  }
0x1ab: {  	v38 =	vld [tilespmem:s10+$0xFFFFFF20];
	[tilespmem:s7+$0xA0] =	vst v2;
	v2 =	vmul.f32 v15, v1  }
0x1ac: {  	v12 =	vand.u32 $0xFFFFFFFD, v12;
	v39 =	vld [tilespmem:s10+$0xFFFFFF30];
	v36 =	vmul.f32 v16, v1;
	[tilespmem:s7+$0xB0] =	vst v33  }
0x1ad: {  	v12 =	vbroadcast v12, $0x0;
	v41 =	vld [tilespmem:s10+$0xFFFFFF50];
	[tilespmem:s9+$0xC0] =	vst v2;
	v2 =	vmul.f32 v17, v1  }
0x1ae: {  	v43 =	vld [tilespmem:s10+$0xFFFFFF60];
	[tilespmem:s9+$0xD0] =	vst v36;
	v1 =	vmul.f32 v29, v1  }
0x1af: {  	v42 =	vmul.f32 v37, v3;
	[tilespmem:s9+$0xE0] =	vst v2;
	v2 =	vld [tilespmem:s10+$0xFFFFFF40]  }
0x1b0: {  	v32 =	vld.idx.msk [tilespmem:v14+s25+$0x0], $0xffff;
	[tilespmem:s9+$0xF0] =	vst v1;
	v1 =	vmul.f32 v35, v3  }
0x1b1: {  	v44 =	vld [tilespmem:s10+$0xFFFFFF70];
	v4 =	vmul.f32 v39, v3;
	[tilespmem:s10+$0xFFFFFF10] =	vst v42  }
0x1b2: {  	v45 =	vld [tilespmem:s10+$0xFFFFFF80];
	[tilespmem:s10+$0xFFFFFF00] =	vst v1;
	v1 =	vmul.f32 v38, v3  }
0x1b3: {  	v46 =	vmul.f32 v41, v3;
	v31 =	vld.idx.msk [tilespmem:v12+s25+$0x0], $0xffff;
	[tilespmem:s10+$0xFFFFFF30] =	vst v4  }
0x1b4: {  	[tilespmem:s10+$0xFFFFFF20] =	vst v1;
	v1 =	vmul.f32 v2, v3;
	v2 =	vld [tilespmem:s10+$0xFFFFFF90]  }
0x1b5: {  	v47 =	vld [tilespmem:s10+$0xFFFFFFA0];
	[tilespmem:s10+$0xFFFFFF50] =	vst v46;
	v40 =	vmul.f32 v34, v32  }
0x1b6: {  	v48 =	vld [tilespmem:s10+$0xFFFFFFB0];
	[tilespmem:s10+$0xFFFFFF40] =	vst v1;
	v1 =	vmul.f32 v43, v3  }
0x1b7: {  	v49 =	vld [tilespmem:s10+$0xFFFFFFC0];
	[tilespmem:s10+$0x70] =	vst v40;
	v3 =	vmul.f32 v44, v3  }
0x1b8: {  	v50 =	vld [tilespmem:s10+$0xFFFFFFD0];
	[tilespmem:s10+$0xFFFFFF60] =	vst v1;
	v1 =	vmul.f32 v45, v31  }
0x1b9: {  	[tilespmem:s10+$0xFFFFFF70] =	vst v3;
	v3 =	vld [tilespmem:s10+$0xFFFFFFE0];
	v2 =	vmul.f32 v2, v31  }
0x1ba: {  	v51 =	vld [tilespmem:s10+$0xFFFFFFF0];
	[tilespmem:s10+$0xFFFFFF80] =	vst v1;
	v1 =	vmul.f32 v47, v31  }
0x1bb: {  	v52 =	vld [tilespmem:s10+$0x0];
	[tilespmem:s10+$0xFFFFFF90] =	vst v2;
	v2 =	vmul.f32 v48, v31  }
0x1bc: {  	v53 =	vld [tilespmem:s10+$0x10];
	[tilespmem:s10+$0xFFFFFFA0] =	vst v1;
	v1 =	vmul.f32 v49, v31  }
0x1bd: {  	v54 =	vld [tilespmem:s10+$0x20];
	[tilespmem:s10+$0xFFFFFFB0] =	vst v2;
	v2 =	vmul.f32 v50, v31  }
0x1be: {  	[tilespmem:s10+$0xFFFFFFC0] =	vst v1;
	v1 =	vmul.f32 v3, v31;
	v3 =	vld [tilespmem:s10+$0x30]  }
0x1bf: {  	v55 =	vld [tilespmem:s10+$0x40];
	[tilespmem:s10+$0xFFFFFFD0] =	vst v2;
	v2 =	vmul.f32 v51, v31  }
0x1c0: {  	v56 =	vld [tilespmem:s10+$0x50];
	[tilespmem:s10+$0xFFFFFFE0] =	vst v1;
	v1 =	vmul.f32 v52, v32  }
0x1c1: {  	v57 =	vld [tilespmem:s10+$0x60];
	[tilespmem:s10+$0xFFFFFFF0] =	vst v2;
	v2 =	vmul.f32 v53, v32  }
0x1c2: {  	v58 =	vld [tilespmem:s10+$0x80];
	[tilespmem:s10+$0x0] =	vst v1;
	v1 =	vmul.f32 v54, v32  }
0x1c3: {  	[tilespmem:s10+$0x10] =	vst v2;
	v2 =	vmul.f32 v3, v32;
	v3 =	vld [tilespmem:s10+$0x90]  }
0x1c4: {  	v59 =	vld [tilespmem:s10+$0xA0];
	[tilespmem:s10+$0x20] =	vst v1;
	v1 =	vmul.f32 v55, v32  }
0x1c5: {  	v60 =	vld [tilespmem:s10+$0xB0];
	[tilespmem:s10+$0x30] =	vst v2;
	v2 =	vmul.f32 v56, v32  }
0x1c6: {  	v61 =	vld [tilespmem:s10+$0xC0];
	[tilespmem:s10+$0x40] =	vst v1;
	v1 =	vmul.f32 v57, v32  }
0x1c7: {  	v62 =	vld [tilespmem:s10+$0xD0];
	[tilespmem:s10+$0x50] =	vst v2;
	v2 =	vmul.f32 v58, v5  }
0x1c8: {  	[tilespmem:s10+$0x60] =	vst v1;
	v1 =	vmul.f32 v3, v5;
	v3 =	vld [tilespmem:s10+$0xE0]  }
0x1c9: {  	v63 =	vld [tilespmem:s10+$0xF0];
	[tilespmem:s10+$0x80] =	vst v2;
	v2 =	vmul.f32 v59, v5  }
0x1ca: {  	[tilespmem:s10+$0x90] =	vst v1;
	v1 =	vmul.f32 v60, v5  }
0x1cb: {  	s3 =	sadd.s32 $0x1, s3;
	[tilespmem:s10+$0xA0] =	vst v2;
	v2 =	vmul.f32 v61, v5  }
0x1cc: {  	p0 =	sne.s32 s3, $0x4;
	[tilespmem:s10+$0xB0] =	vst v1;
	v1 =	vmul.f32 v62, v5  }
.Ltmp3:
0x1cd: {  	[tilespmem:s10+$0xC0] =	vst v2;
	v2 =	vmul.f32 v3, v5;
	(pc) =	sbr.rel @p0 .LBB2_5-.Ltmp3, $4  }
0x1ce: {  	[tilespmem:s10+$0xD0] =	vst v1;
	v1 =	vmul.f32 v63, v5  }
0x1cf: {  	[tilespmem:s10+$0xE0] =	vst v2  }
0x1d0: {  	[tilespmem:s10+$0xF0] =	vst v1  }
0x1d1: {  	[spmem:s2] =	stream.indirect.scatter.add.f32 [tilespmem:s19], [sflag:$0x4], $0x80, s1, s22, $0xb8;
	[tilespmem:$0x1F400] =	vst v63  }
0x1d2: {  	s0 =	sadd.s32 $0x1, s0  }
0x1d3: {  	_ =	swait.ge [sflag:s28], $0x4000;
	p0 =	sne.s32 s0, $0xA  }
.Ltmp4:
0x1d4: {  	[sflag:s28] =	ssyncset.done $0x0;
	(pc) =	sbr.rel @p0 .LBB2_4-.Ltmp4, $4  }
0x1d5: {  	[sflag:s28] =	ssyncadd.s32 $0xFFFFC000  }
0x1d6: {  	_ =	swait.ge [sflag:s29], $0x4000  }
0x1d7: {  	[sflag:s29] =	ssyncset.done $0x0  }
0x1d8: {  	[sflag:s29] =	ssyncadd.s32 $0xFFFFC000  }
0x1d9: {  	s0 =	stileid.u32  }
0x1da: {  	s0 =	sshll.u32 s0, $0x6  }
0x1db: {  	[bflag:$0x0] =	sbarrier.arrive $0xFFFF;
	s1 =	sshrl.u32 s8, $0x3;
	s0 =	sor.u32 $0x1C05, s0  }
0x1dc: {  	[hbm:s16], [sflag:s0] =	dma.local [spmem:s1], $0x2800  }
0x1dd: {  	_ =	swait.ge [sflag:s18], $0x2800  }
0x1de: {  	s30 =	sadd.s32 $0x1, s30;
	s14 =	rddreg [dreg:$0x8]  }
0x1df: {  	p0 =	sne.s32 s30, s14  }
.Ltmp5:
0x1e0: {  	_ = 	snop;
	(pc) =	sbr.rel @p0 .LBB2_1-.Ltmp5, $3  }
0x1e1: {  	_ =	sdelay $0x1  }
0x1e2: {  	[sflag:s18] =	ssyncset.done $0x0  }
0x1e3: {  	[sflag:s18] =	ssyncadd.s32 $0xFFFFD800  }
0x1e4: {  	_ =	sfence.sel $0x180000  }
0x1e5: {  	[bflag:$0x0] =	sbarrier.arrive $0xFFFF  }
0x1e6: {  	_ =	strace $0x9000004A  }
0x1e7: {  	s0 =	stileid.u32;
	[bflag:$0x2] =	sbarrier.arrive $0xFFFF  }
0x1e8: {  	p0 =	sne.s32 s0, $0x0;
	s0 =	rddreg [dreg:$0x2]  }
0x1e9: {  	s0 =	sadd.s32 @!p0 $0x100000, s0  }
0x1ea: {  	[sflag:s0] =	ssyncadd.tile.s32 @!p0 $0x1;
	_ =	shalt  }
.Lfunc_end2:
_tile_overlayer_lowered:
.L_overlay_start_2:
0x1eb: {  	(tag) =	ssettag $0x2  }
0x1ec: {  	s0 =	rddreg [dreg:$0x0];
	s2 =	stileid.u32  }
0x1ed: {  	s1 =	rddreg [dreg:$0x1];
	p0 =	sne.s32 s2, $0x0  }
0x1ee: {  	s3 =	rddreg [dreg:$0x2];
	[bflag:$0x3] =	sbarrier.arrive $0xFFFF;
	s2 =	simm.s32 @!p0 $0x1C05  }
0x1ef: {  	[timem:s3], [sflag:s2] =	dma.local @!p0 [hbm:s0], s1  }
0x1f0: {  	s0 =	simm.s32 @!p0 $0x5  }
0x1f1: {  	_ =	swait.ge @!p0 [sflag:s0], s1  }
0x1f2: {  	s1 =	ssub.s32 @!p0 $0x0, s1;
	[sflag:s0] =	ssyncset.done @!p0 $0x0  }
0x1f3: {  	[sflag:s0] =	ssyncadd.s32 @!p0 s1  }
0x1f4: {  	[bflag:$0x3] =	sbarrier.arrive $0xFFFF  }
0x1f5: {  	_ =	shalt  }

// kernel: kernel.15.cloned.1.call-start
scs
__scs_entry_jumppad:
0x0: {  	(pc) =	sbr.rel $0x88, $3  }
0x1: {  	(tag) =	ssettag $0x0;
	lr =	simm.s32 $0x1  }
0x2: {  	[smem:$0x3F9A] =	sst lr;
	_ =	strace $0xD0000000  }
0x3: {  	_ = 	snop  }
0x4: {  	_ = 	snop  }
0x5: {  	_ = 	snop  }
0x6: {  	_ = 	snop  }
0x7: {  	_ = 	snop  }
__scs_overlays_trampoline_lowered:
0x8: {  	[smem:$0x3FA9] =	sst s0  }
0x9: {  	[smem:$0x3FAA] =	sst s1  }
0xa: {  	[smem:$0x3FAB] =	sst s2  }
0xb: {  	[smem:$0x3FAC] =	sst s3  }
0xc: {  	[smem:$0x3FAD] =	sst s4  }
0xd: {  	[smem:$0x3FAE] =	sst s5  }
0xe: {  	[smem:$0x3FAF] =	sst s6  }
0xf: {  	[smem:$0x3FB0] =	sst s7  }
0x10: {  	[smem:$0x3FB1] =	sst s8  }
0x11: {  	[smem:$0x3FB2] =	sst s9;
	s0 =	simm.s32 @!p0 $0x0  }
0x12: {  	s1 =	sld [smem:$0x3F98];
	s0 =	simm.s32 @p0 $0x1  }
0x13: {  	[smem:$0x3FB3] =	sst s0;
	s0 =	simm.s32 @!p1 $0x0  }
0x14: {  	s2 =	sld [smem:$0x3F97];
	s0 =	simm.s32 @p1 $0x1  }
0x15: {  	[smem:$0x3FB4] =	sst s0;
	s0 =	simm.s32 @!p2 $0x0  }
0x16: {  	s3 =	sld [smem:$0x3FDB];
	s0 =	simm.s32 @p2 $0x1  }
0x17: {  	s4 =	simm.s32 $0x1BF5;
	[smem:$0x3FB6] =	sst s0  }
0x18: {  	s0 =	sld [smem:$0x3F99];
	_ =	swait.ge [sflag:s4], $0x0  }
0x19: {  	s7 =	sld [smem:$0x3F9A]  }
0x1a: {  	s8 =	sadd.s32 $0xFFFFE003, lr  }
0x1b: {  	s9 =	sadd.s32 $0xFFFFFEF7, lr;
	s5 =	simm.s32 $0xFFFFFFFF;
	p2 =	slt.u32 s8, $0xFFFFF086  }
0x1c: {  	p1 =	slt.u32 s9, $0xF7A;
	s5 =	simm.s32 @!p2 $0x0  }
0x1d: {  	s5 =	simm.s32 @p1 $0x1;
	p0 =	seq.s32 s7, s2  }
0x1e: {  	s7 =	smul.u32 @!p0 $0xF7A, s2;
	p2 =	seq.s32 @!p0 s5, $0x0  }
0x1f: {  	s9 =	smul.u32 $0xF7A, s1;
	s8 =	simm.s32 @!p0 $0x1BF5;
	p2 =	por !p2, p0  }
0x20: {  	[sflag:s8] =	ssyncset.s32 @!p0 $0xFFFFF086;
	s6 =	sadd.s32 @!p0 s3, s7;
	s7 =	simm.s32 @!p0 $0x108  }
0x21: {  	s3 =	sadd.s32 s3, s9;
	s6 =	sadd.s32 @!p0 $0x88, s6;
	s7 =	simm.s32 @p2 $0x1082  }
0x22: {  	[simem:s7], [sflag:s8] =	dma.local @!p0 [hbm:s6], $0xF7A  }
0x23: {  	s9 =	sor.u32 $0xD0000000, s2;
	s6 =	simm.s32 $0x108;
	_ =	swait.ge @!p0 [sflag:s8], $0x0  }
0x24: {  	s3 =	sadd.s32 $0x88, s3;
	s6 =	simm.s32 @!p1 $0x1082;
	[sflag:s4] =	ssyncset.s32 $0xFFFFF086  }
0x25: {  	[simem:s6], [sflag:s4] =	dma.local [hbm:s3], $0xF7A  }
0x26: {  	[smem:$0x3F9A] =	sst s1;
	(tag) =	ssettag s2;
	_ =	strace s9  }
0x27: {  	s1 =	sld [smem:$0x3FAA]  }
0x28: {  	s2 =	sld [smem:$0x3FAB]  }
0x29: {  	s4 =	sld [smem:$0x3FAD]  }
0x2a: {  	p0 =	seq.s32 s5, $0x0;
	s5 =	sld [smem:$0x3FAE]  }
0x2b: {  	s6 =	sld [smem:$0x3FAF]  }
0x2c: {  	s7 =	sld [smem:$0x3FB0]  }
0x2d: {  	s3 =	simm.s32 $0x108;
	s8 =	sld [smem:$0x3FB1]  }
0x2e: {  	s3 =	simm.s32 @!p0 $0x1082;
	s9 =	sld [smem:$0x3FB2]  }
0x2f: {  	lr =	sadd.s32 s0, s3;
	s0 =	sld [smem:$0x3FA9]  }
0x30: {  	s3 =	sld [smem:$0x3FAC]  }
0x31: {  	[smem:$0x3FB5] =	sst s10  }
0x32: {  	s10 =	sld [smem:$0x3FB3];
	_ =	sdelay $0x3  }
0x33: {  	p0 =	seq.s32 s10, $0x1;
	s10 =	sld [smem:$0x3FB5];
	_ =	sdelay $0x3  }
0x34: {  	[smem:$0x3FB5] =	sst s10  }
0x35: {  	s10 =	sld [smem:$0x3FB4];
	_ =	sdelay $0x3  }
0x36: {  	p1 =	seq.s32 s10, $0x1;
	s10 =	sld [smem:$0x3FB5];
	_ =	sdelay $0x3  }
0x37: {  	[smem:$0x3FB5] =	sst s10  }
0x38: {  	s10 =	sld [smem:$0x3FB6]  }
0x39: {  	_ = 	snop;
	(pc) =	sbr.ind lr, $3  }
0x3a: {  	_ = 	snop  }
0x3b: {  	_ = 	snop  }
0x3c: {  	p2 =	seq.s32 s10, $0x1;
	s10 =	sld [smem:$0x3FB5]  }
0x3d: {  	_ =	shalt  }
0x3e: {  	_ =	shalt  }
0x3f: {  	_ =	shalt  }
0x40: {  	_ =	shalt  }
0x41: {  	_ =	shalt  }
0x42: {  	_ =	shalt  }
0x43: {  	_ =	shalt  }
0x44: {  	_ =	shalt  }
0x45: {  	_ =	shalt  }
0x46: {  	_ =	shalt  }
0x47: {  	_ =	shalt  }
0x48: {  	_ =	shalt  }
0x49: {  	_ =	shalt  }
0x4a: {  	_ =	shalt  }
0x4b: {  	_ =	shalt  }
0x4c: {  	_ =	shalt  }
0x4d: {  	_ =	shalt  }
0x4e: {  	_ =	shalt  }
0x4f: {  	_ =	shalt  }
0x50: {  	_ =	shalt  }
0x51: {  	_ =	shalt  }
0x52: {  	_ =	shalt  }
0x53: {  	_ =	shalt  }
0x54: {  	_ =	shalt  }
0x55: {  	_ =	shalt  }
0x56: {  	_ =	shalt  }
0x57: {  	_ =	shalt  }
0x58: {  	_ =	shalt  }
0x59: {  	_ =	shalt  }
0x5a: {  	_ =	shalt  }
0x5b: {  	_ =	shalt  }
0x5c: {  	_ =	shalt  }
0x5d: {  	_ =	shalt  }
0x5e: {  	_ =	shalt  }
0x5f: {  	_ =	shalt  }
0x60: {  	_ =	shalt  }
0x61: {  	_ =	shalt  }
0x62: {  	_ =	shalt  }
0x63: {  	_ =	shalt  }
0x64: {  	_ =	shalt  }
0x65: {  	_ =	shalt  }
0x66: {  	_ =	shalt  }
0x67: {  	_ =	shalt  }
0x68: {  	_ =	shalt  }
0x69: {  	_ =	shalt  }
0x6a: {  	_ =	shalt  }
0x6b: {  	_ =	shalt  }
0x6c: {  	_ =	shalt  }
0x6d: {  	_ =	shalt  }
0x6e: {  	_ =	shalt  }
0x6f: {  	_ =	shalt  }
0x70: {  	_ =	shalt  }
0x71: {  	_ =	shalt  }
0x72: {  	_ =	shalt  }
0x73: {  	_ =	shalt  }
0x74: {  	_ =	shalt  }
0x75: {  	_ =	shalt  }
0x76: {  	_ =	shalt  }
0x77: {  	_ =	shalt  }
0x78: {  	_ =	shalt  }
0x79: {  	_ =	shalt  }
0x7a: {  	_ =	shalt  }
0x7b: {  	_ =	shalt  }
0x7c: {  	_ =	shalt  }
0x7d: {  	_ =	shalt  }
0x7e: {  	_ =	shalt  }
0x7f: {  	_ =	shalt  }
0x80: {  	_ =	shalt  }
0x81: {  	_ =	shalt  }
0x82: {  	_ =	shalt  }
0x83: {  	_ =	shalt  }
0x84: {  	_ =	shalt  }
0x85: {  	_ =	shalt  }
0x86: {  	_ =	shalt  }
0x87: {  	_ =	shalt  }
.Lfunc_end0:
.L_simem_size_0:
called_computation.2_lowered:
.L_overlay_start_0:
0x88: {  	s2 =	sld [smem:$0x3FD9]  }
0x89: {  	s3 =	sld [smem:$0x3FFE];
	_ =	sdelay $0x1  }
0x8a: {  	s1 =	srdreg.scid  }
0x8b: {  	s0 =	sand.u32 $0x1, s1  }
0x8c: {  	s17 =	sshll.u32 s0, $0xA;
	s2 =	sadd.s32 s3, s2  }
0x8d: {  	s2 =	sadd.s32 s2, s17  }
0x8e: {  	[smem:$0x3FC1] =	sst s2  }
0x8f: {  	_ = 	snop  }
0x90: {  	s2 =	sld [smem:$0x3FD0];
	(tm) =	ssettm $0x1  }
0x91: {  	s18 =	sld [smem:$0x3FFB];
	_ =	sdelay $0x3  }
0x92: {  	_ =	strace s18  }
0x93: {  	s3 =	sld [smem:$0x3FFC];
	_ =	sdelay $0x3  }
0x94: {  	_ =	strace s3  }
0x95: {  	s3 =	sld [smem:$0x3FFD];
	_ =	sdelay $0x3  }
0x96: {  	_ =	strace s3  }
0x97: {  	_ =	strace $0x8FFFFFFF  }
0x98: {  	s19 =	sld [smem:$0x3FDB];
	_ =	sdelay $0x1  }
0x99: {  	s4 =	simm.s32 $_scs_section_size  }
0x9a: {  	s5 =	simm.s32 $_size__tile_overlayer_lowered;
	s6 =	simm.s32 $_tile_overlayer_lowered  }
0x9b: {  	s22 =	simm.s32 $0x1BFF;
	s21 =	sshll.u32 s6, $0x1;
	s3 =	sadd.s32 s4, s19  }
0x9c: {  	s7 =	simm.s32 $0x0;
	s20 =	sshll.u32 s5, $0x1;
	s5 =	sadd.s32 s21, s3  }
0x9d: {  	[timem:s7], [sflag:s22] =	dma.local [hbm:s5], s20  }
0x9e: {  	_ =	swait.ge [sflag:s22], s20  }
0x9f: {  	s4 =	ssub.s32 $0x0, s20;
	[sflag:s22] =	ssyncset.done $0x0  }
0xa0: {  	[sflag:s22] =	ssyncadd.s32 s4;
	_ =	sdelay $0x1  }
0xa1: {  	s23 =	simm.s32 $0x1B8B  }
0xa2: {  	_ =	swait.ge [sflag:s23], $0x1  }
0xa3: {  	[sflag:s23] =	ssyncset.done $0x0  }
0xa4: {  	s25 =	simm.s32 $0x1B8E;
	s24 =	sld [smem:$0x3FFE];
	[sflag:s23] =	ssyncadd.s32 $0xFFFFFFFF  }
0xa5: {  	s26 =	simm.s32 $execute0_lowered;
	[smem:$0x3FD2] =	sst s25  }
0xa6: {  	s5 =	sshll.u32 s26, $0x1;
	_ =	strace $0x8000004C;
	[dreg:$0x1] =	wrdreg $0xFFFFFFFF  }
0xa7: {  	s28 =	simm.s32 $_size_execute0_lowered;
	s3 =	sadd.s32 s3, s5;
	[dreg:$0x0] =	wrdreg $0x0  }
0xa8: {  	s5 =	sshll.u32 s28, $0x1;
	[dreg:$0x2] =	wrdreg s3  }
0xa9: {  	[dreg:$0x3] =	wrdreg s5  }
0xaa: {  	[dreg:$0x4] =	wrdreg $0xC0  }
0xab: {  	_ =	task [dreg:s7], $0x5FFFF  }
0xac: {  	[dreg:$0x1] =	wrdreg $0xFFFFFFFF  }
0xad: {  	[dreg:$0x0] =	wrdreg $0x60  }
0xae: {  	[dreg:$0x2] =	wrdreg s2  }
0xaf: {  	[dreg:$0x3] =	wrdreg s24  }
0xb0: {  	[dreg:$0x4] =	wrdreg $0xA3900  }
0xb1: {  	[dreg:$0x5] =	wrdreg $0x9  }
0xb2: {  	_ =	task.clear_ibuf [dreg:s7], $0x6FFFF;
	_ =	strace $0x9000004C  }
0xb3: {  	s29 =	simm.s32 $0x9;
	_ =	strace $0x8000004E  }
0xb4: {  	_ =	swait.ge [sflag:s29], $0x1  }
0xb5: {  	[sflag:s29] =	ssyncadd.s32 $0xFFFFFFFF  }
0xb6: {  	_ =	strace $0x9000004E  }
0xb7: {  	_ =	sfence  }
0xb8: {  	s30 =	sld [smem:$0x0];
	_ =	sdelay $0x2  }
0xb9: {  	s31 =	sshll.u32 s1, $0xD;
	s1 =	sshrl.u32 s1, $0x2  }
0xba: {  	s3 =	sand.u32 $0x4000, s31;
	s1 =	sadd.s32 s1, s30  }
0xbb: {  	s0 =	sor.u32 s3, s0;
	s1 =	sshll.u32 s1, $0x11  }
0xbc: {  	s0 =	sor.u32 s1, s0  }
0xbd: {  	s0 =	sadd.s32 $0x8F2B, s0  }
0xbe: {  	[sflag:s0] =	ssyncadd.remote.s32 $0x1  }
0xbf: {  	_ =	sfence.sel $0xFFFF  }
0xc0: {  	[dreg:$0x0] =	wrdreg $0xFFFFFFFF;
	(pc) =	sbr.abs _section_cstart, $3  }
0xc1: {  	[dreg:$0x1] =	wrdreg $0xFFFFFFFF  }
0xc2: {  	_ =	task.clear_ibuf [dreg:s7], $0x2FFFF;
	_ =	strace $0x9FFFFFFF  }
0xc3: {  	(tm) =	ssettm $0x7FFFFFFF  }
tec
execute0_lowered:
.L_overlay_start_1:
0x0: {  	(tag) =	ssettag $0x1  }
0x1: {  	s0 =	srdreg.scid;
	s1 =	rddreg [dreg:$0x0]  }
0x2: {  	s2 =	rddreg [dreg:$0x1];
	s7 =	stileid.u32  }
0x3: {  	s3 =	rddreg [dreg:$0x2];
	s5 =	simm.s32 $0x0;
	s15 =	simm.s32 $0x7C80  }
0x4: {  	s16 =	simm.s32 $0x5;
	s17 =	simm.s32 $0x5C80;
	s20 =	simm.s32 $0x80  }
0x5: {  	s21 =	simm.s32 $0x3C80;
	s22 =	simm.s32 $0x1;
	s28 =	simm.s32 $0x4  }
0x6: {  	s29 =	simm.s32 $0x0;
	s30 =	simm.s32 $0x0;
	s6 =	smul.u32 $0x28000, s7  }
0x7: {  	s0 =	sand.u32 $0x1, s0;
	[smem:$0x7FF] =	sst s5;
	s14 =	smul.u32 $0xA000, s7  }
0x8: {  	s8 =	sadd.s32 $0x6EE00, s2;
	s4 =	sshll.u32 s0, $0x4;
	s23 =	smul.u32 $0x14000, s0  }
0x9: {  	_ =	strace $0x8000004D;
	[dreg:$0x4] =	wrdreg s8;
	s0 =	ssub.s32 $0x2, s0  }
0xa: {  	s4 =	sor.u32 s7, s4;
	s24 =	sshrl.u32 s0, $0x1;
	s25 =	sshrl.u32 s6, $0x2  }
0xb: {  	s6 =	sadd.s32 s14, s3;
	s31 =	sshrl.u32 s14, $0x3;
	s4 =	smul.u32 $0x280, s4  }
0xc: {  	s0 =	ssub.s32 s0, s24;
	s26 =	sadd.s32 s25, s3;
	s25 =	simm.s32 $0x2  }
0xd: {  	s7 =	sadd.s32 $0x2000, s26;
	s8 =	sadd.s32 $0x4000, s26;
	s9 =	sadd.s32 $0x6000, s26  }
0xe: {  	s10 =	sadd.s32 $0x8000, s26;
	s14 =	smax.u32 s0, $0x1;
	s26 =	simm.s32 $0x3  }
0xf: {  	s4 =	sadd.s32 s4, s2;
	s2 =	sadd.s32 s23, s2;
	[dreg:$0x5] =	wrdreg s7  }
0x10: {  	s23 =	simm.s32 $0x3C00;
	s11 =	sadd.s32 $0x1BA00, s4;
	s2 =	sadd.s32 $0x20A00, s2  }
0x11: {  	v0 =	vimm.f32 $0.0e+00;
	s12 =	sadd.s32 $0x16A00, s4;
	s13 =	sadd.s32 $0x7A00, s4;
	s24 =	sadd.s32 s31, s2  }
.LBB2_1:
0x12: {  	s0 =	simm.s32 $0x0;
	s2 =	rddreg [dreg:$0x4]  }
0x13: {  	[tilespmem:s15], [sflag:$0x5] =	stream.linear.gather [hbm4b:s2+s0], $0x2710, $0x38;
	[tilespmem:$0x14390] =	vst v63  }
0x14: {  	_ =	swait.ge [sflag:s16], $0x2710  }
0x15: {  	[sflag:s16] =	ssyncset.done $0x0  }
0x16: {  	s2 =	simm.s32 $0x100;
	s0 =	simm.s32 $0x0;
	[sflag:s16] =	ssyncadd.s32 $0xFFFFD8F0  }
.LBB2_2:
0x17: {  	p0 =	sne.s32 s2, $0x7F00;
	[tilespmem:s0+$0x5CB0] =	vst v0;
	s4 =	smov.u32 s2;
	s2 =	sadd.s32 $0x100, s2  }
.Ltmp0:
0x18: {  	[tilespmem:s0+$0x5CA0] =	vst v0;
	(pc) =	sbr.rel @p0 .LBB2_2-.Ltmp0, $3  }
0x19: {  	[tilespmem:s0+$0x5C80] =	vst v0  }
0x1a: {  	[tilespmem:s0+$0x5C90] =	vst v0;
	_ =	sdelay $0x1  }
0x1b: {  	s0 =	sshra.s32 s4, $0x2  }
0x1c: {  	[tilespmem:s0+$0x5CB0] =	vst v0  }
0x1d: {  	[tilespmem:s0+$0x5CA0] =	vst v0  }
0x1e: {  	[tilespmem:s0+$0x5C80] =	vst v0  }
0x1f: {  	[tilespmem:s0+$0x5C90] =	vst v0  }
0x20: {  	[spmem:s6] =	stream.linear.scatter [tilespmem:s17], [sflag:$0x5], $0x2000, $0x38;
	[tilespmem:$0x14390] =	vst v63  }
0x21: {  	_ =	swait.ge [sflag:s16], $0x2000  }
0x22: {  	[sflag:s16] =	ssyncset.done $0x0  }
0x23: {  	s7 =	rddreg [dreg:$0x5];
	[sflag:s16] =	ssyncadd.s32 $0xFFFFE000  }
0x24: {  	[spmem:s7] =	stream.linear.scatter [tilespmem:s17], [sflag:$0x5], $0x2000, $0x38;
	[tilespmem:$0x14390] =	vst v63  }
0x25: {  	_ =	swait.ge [sflag:s16], $0x2000  }
0x26: {  	[sflag:s16] =	ssyncset.done $0x0  }
0x27: {  	[sflag:s16] =	ssyncadd.s32 $0xFFFFE000  }
0x28: {  	[spmem:s8] =	stream.linear.scatter [tilespmem:s17], [sflag:$0x5], $0x2000, $0x38;
	[tilespmem:$0x14390] =	vst v63  }
0x29: {  	_ =	swait.ge [sflag:s16], $0x2000  }
0x2a: {  	[sflag:s16] =	ssyncset.done $0x0  }
0x2b: {  	[sflag:s16] =	ssyncadd.s32 $0xFFFFE000  }
0x2c: {  	[spmem:s9] =	stream.linear.scatter [tilespmem:s17], [sflag:$0x5], $0x2000, $0x38;
	[tilespmem:$0x14390] =	vst v63  }
0x2d: {  	_ =	swait.ge [sflag:s16], $0x2000  }
0x2e: {  	[sflag:s16] =	ssyncset.done $0x0  }
0x2f: {  	[sflag:s16] =	ssyncadd.s32 $0xFFFFE000  }
0x30: {  	[spmem:s10] =	stream.linear.scatter [tilespmem:s17], [sflag:$0x5], $0x2000, $0x38;
	[tilespmem:$0x14390] =	vst v63  }
0x31: {  	_ =	swait.ge [sflag:s16], $0x2000  }
0x32: {  	[sflag:s16] =	ssyncset.done $0x0  }
0x33: {  	[sflag:s16] =	ssyncadd.s32 $0xFFFFE000  }
0x34: {  	[bflag:$0x0] =	sbarrier.arrive $0xFFFF  }
0x35: {  	[tilespmem:s30], [sflag:$0x5] =	stream.linear.gather [hbm4b:s11+s30], $0x1400, $0x38;
	[tilespmem:$0x14390] =	vst v63  }
0x36: {  	_ =	swait.ge [sflag:s16], $0x1400  }
0x37: {  	[sflag:s16] =	ssyncset.done $0x0  }
0x38: {  	s18 =	simm.s32 $0x1400;
	[sflag:s16] =	ssyncadd.s32 $0xFFFFEC00  }
0x39: {  	[tilespmem:s18], [sflag:$0x5] =	stream.linear.gather [hbm4b:s12+s30], $0x1400, $0x38;
	[tilespmem:$0x14390] =	vst v63  }
0x3a: {  	_ =	swait.ge [sflag:s16], $0x1400  }
0x3b: {  	[sflag:s16] =	ssyncset.done $0x0  }
0x3c: {  	s19 =	simm.s32 $0x2800;
	[sflag:s16] =	ssyncadd.s32 $0xFFFFEC00  }
0x3d: {  	[tilespmem:s19], [sflag:$0x5] =	stream.linear.gather [hbm4b:s13+s30], $0x1400, $0x38;
	[tilespmem:$0x14390] =	vst v63  }
0x3e: {  	_ =	swait.ge [sflag:s16], $0x1400  }
0x3f: {  	[sflag:s16] =	ssyncset.done $0x0  }
0x40: {  	s31 =	simm.s32 $0x0;
	[sflag:s16] =	ssyncadd.s32 $0xFFFFEC00  }
0x41: {  	[tilespmem:s21], [sflag:$0x1] =	stream.indirect.gather [hbm4b:s1+s20], $0x40, s30, s20, $0xb8;
	[tilespmem:$0x14390] =	vst v63  }
.LBB2_4:
0x42: {  	p0 =	seq.s32 s31, $0x0  }
0x43: {  	s0 =	simm.s32 @!p0 $0x4  }
0x44: {  	s2 =	sshllo.u32 s31, $0x1;
	_ =	swait.ge @!p0 [sflag:s0], $0x2000  }
0x45: {  	s2 =	sshll.u32 s2, $0x7;
	[sflag:s0] =	ssyncset.done @!p0 $0x0  }
0x46: {  	s7 =	sand.u32 $0x3FFFFF80, s2;
	[sflag:s0] =	ssyncadd.s32 @!p0 $0xFFFFE000  }
0x47: {  	[tilespmem:s17], [sflag:$0x2] =	stream.indirect.gather [hbm4b:s1+s20], $0x40, s7, s20, $0xb8;
	[tilespmem:$0x14390] =	vst v63  }
0x48: {  	_ =	swait.ge [sflag:s22], $0x2000  }
0x49: {  	[sflag:s22] =	ssyncset.done $0x0  }
0x4a: {  	s4 =	sshll.u32 s31, $0x8;
	[sflag:s22] =	ssyncadd.s32 $0xFFFFE000  }
0x4b: {  	v1 =	vld [tilespmem:s4+$0x0];
	_ =	sdelay $0x1  }
0x4c: {  	v2 =	vld [tilespmem:s4+$0x1400];
	_ =	sdelay $0x4  }
0x4d: {  	v3 =	vld [tilespmem:s4+$0x2800]  }
0x4e: {  	v1 =	vld.idx.msk [tilespmem:v1+s15+$0x0], $0xffff;
	_ =	sdelay $0x1  }
0x4f: {  	v2 =	vld.idx.msk [tilespmem:v2+s15+$0x0], $0xffff;
	_ =	sdelay $0x2  }
0x50: {  	v1 =	vmul.f32 v1, v3;
	_ =	sdelay $0x1  }
0x51: {  	v1 =	vmul.f32 v2, v1;
	_ =	sdelay $0x1  }
0x52: {  	[tilespmem:$0x3C00] =	vst v1  }
0x53: {  	v1 =	vld [tilespmem:s4+$0x10];
	_ =	sdelay $0x1  }
0x54: {  	v2 =	vld [tilespmem:s4+$0x1410];
	_ =	sdelay $0x4  }
0x55: {  	v3 =	vld [tilespmem:s4+$0x2810]  }
0x56: {  	v1 =	vld.idx.msk [tilespmem:v1+s15+$0x0], $0xffff;
	_ =	sdelay $0x1  }
0x57: {  	v2 =	vld.idx.msk [tilespmem:v2+s15+$0x0], $0xffff;
	_ =	sdelay $0x2  }
0x58: {  	v1 =	vmul.f32 v1, v3;
	_ =	sdelay $0x1  }
0x59: {  	v1 =	vmul.f32 v2, v1;
	_ =	sdelay $0x1  }
0x5a: {  	[tilespmem:$0x3C10] =	vst v1  }
0x5b: {  	v1 =	vld [tilespmem:s4+$0x20];
	_ =	sdelay $0x1  }
0x5c: {  	v2 =	vld [tilespmem:s4+$0x1420];
	_ =	sdelay $0x4  }
0x5d: {  	v3 =	vld [tilespmem:s4+$0x2820]  }
0x5e: {  	v1 =	vld.idx.msk [tilespmem:v1+s15+$0x0], $0xffff;
	_ =	sdelay $0x1  }
0x5f: {  	v2 =	vld.idx.msk [tilespmem:v2+s15+$0x0], $0xffff;
	_ =	sdelay $0x2  }
0x60: {  	v1 =	vmul.f32 v1, v3;
	_ =	sdelay $0x1  }
0x61: {  	v1 =	vmul.f32 v2, v1;
	_ =	sdelay $0x1  }
0x62: {  	[tilespmem:$0x3C20] =	vst v1  }
0x63: {  	v1 =	vld [tilespmem:s4+$0x30];
	_ =	sdelay $0x1  }
0x64: {  	v2 =	vld [tilespmem:s4+$0x1430];
	_ =	sdelay $0x4  }
0x65: {  	v3 =	vld [tilespmem:s4+$0x2830]  }
0x66: {  	v1 =	vld.idx.msk [tilespmem:v1+s15+$0x0], $0xffff;
	_ =	sdelay $0x1  }
0x67: {  	v2 =	vld.idx.msk [tilespmem:v2+s15+$0x0], $0xffff;
	_ =	sdelay $0x2  }
0x68: {  	v1 =	vmul.f32 v1, v3;
	_ =	sdelay $0x1  }
0x69: {  	v1 =	vmul.f32 v2, v1;
	_ =	sdelay $0x1  }
0x6a: {  	[tilespmem:$0x3C30] =	vst v1  }
0x6b: {  	v1 =	vld [tilespmem:s4+$0x40];
	_ =	sdelay $0x1  }
0x6c: {  	v2 =	vld [tilespmem:s4+$0x1440];
	_ =	sdelay $0x4  }
0x6d: {  	v3 =	vld [tilespmem:s4+$0x2840]  }
0x6e: {  	v1 =	vld.idx.msk [tilespmem:v1+s15+$0x0], $0xffff;
	_ =	sdelay $0x1  }
0x6f: {  	v2 =	vld.idx.msk [tilespmem:v2+s15+$0x0], $0xffff;
	_ =	sdelay $0x2  }
0x70: {  	v1 =	vmul.f32 v1, v3;
	_ =	sdelay $0x1  }
0x71: {  	v1 =	vmul.f32 v2, v1;
	_ =	sdelay $0x1  }
0x72: {  	[tilespmem:$0x3C40] =	vst v1  }
0x73: {  	v1 =	vld [tilespmem:s4+$0x50];
	_ =	sdelay $0x1  }
0x74: {  	v2 =	vld [tilespmem:s4+$0x1450];
	_ =	sdelay $0x4  }
0x75: {  	v3 =	vld [tilespmem:s4+$0x2850]  }
0x76: {  	v1 =	vld.idx.msk [tilespmem:v1+s15+$0x0], $0xffff;
	_ =	sdelay $0x1  }
0x77: {  	v2 =	vld.idx.msk [tilespmem:v2+s15+$0x0], $0xffff;
	_ =	sdelay $0x2  }
0x78: {  	v1 =	vmul.f32 v1, v3;
	_ =	sdelay $0x1  }
0x79: {  	v1 =	vmul.f32 v2, v1;
	_ =	sdelay $0x1  }
0x7a: {  	[tilespmem:$0x3C50] =	vst v1  }
0x7b: {  	v1 =	vld [tilespmem:s4+$0x60];
	_ =	sdelay $0x1  }
0x7c: {  	v2 =	vld [tilespmem:s4+$0x1460];
	_ =	sdelay $0x4  }
0x7d: {  	v3 =	vld [tilespmem:s4+$0x2860]  }
0x7e: {  	v1 =	vld.idx.msk [tilespmem:v1+s15+$0x0], $0xffff;
	_ =	sdelay $0x1  }
0x7f: {  	v2 =	vld.idx.msk [tilespmem:v2+s15+$0x0], $0xffff;
	_ =	sdelay $0x2  }
0x80: {  	v1 =	vmul.f32 v1, v3;
	_ =	sdelay $0x1  }
0x81: {  	v1 =	vmul.f32 v2, v1;
	_ =	sdelay $0x1  }
0x82: {  	[tilespmem:$0x3C60] =	vst v1  }
0x83: {  	v1 =	vld [tilespmem:s4+$0x70];
	_ =	sdelay $0x2  }
0x84: {  	v2 =	vld [tilespmem:s4+$0x1470];
	_ =	sdelay $0x3  }
0x85: {  	v3 =	vld [tilespmem:s4+$0x2870]  }
0x86: {  	v1 =	vld.idx.msk [tilespmem:v1+s15+$0x0], $0xffff;
	_ =	sdelay $0x2  }
0x87: {  	v2 =	vld.idx.msk [tilespmem:v2+s15+$0x0], $0xffff;
	_ =	sdelay $0x1  }
0x88: {  	s18 =	simm.s32 $0x3;
	s5 =	simm.s32 $0x1;
	v1 =	vmul.f32 v1, v3;
	v3 =	vmov s30  }
0x89: {  	s19 =	simm.s32 $0x2;
	v4 =	vmov s18;
	v5 =	vmov s5;
	v3 =	vand.u32 $0xFFFFFFFC, v3  }
0x8a: {  	v6 =	vmov s19;
	v5 =	vand.u32 $0xFFFFFFFD, v5;
	v3 =	vbroadcast v3, $0x0  }
0x8b: {  	v6 =	vand.u32 $0xFFFFFFFE, v6;
	v5 =	vbroadcast v5, $0x0;
	v1 =	vmul.f32 v2, v1  }
0x8c: {  	v2 =	vbroadcast v6, $0x0  }
0x8d: {  	[tilespmem:$0x3C70] =	vst v1  }
0x8e: {  	s18 =	simm.s32 $0x3D00;
	v1 =	vld.idx.msk [tilespmem:v4+s23+$0x0], $0xffff  }
0x8f: {  	v4 =	vld [tilespmem:s18+$0x30]  }
0x90: {  	v8 =	vld.idx.msk [tilespmem:v3+s23+$0x0], $0xffff  }
0x91: {  	v3 =	vld.idx.msk [tilespmem:v5+s23+$0x0], $0xffff  }
0x92: {  	v2 =	vld.idx.msk [tilespmem:v2+s23+$0x0], $0xffff  }
0x93: {  	v5 =	vld [tilespmem:s18+$0xFFFFFF80]  }
0x94: {  	v6 =	vld [tilespmem:s18+$0xFFFFFF90]  }
0x95: {  	v7 =	vld [tilespmem:s18+$0xFFFFFFA0]  }
0x96: {  	v9 =	vld [tilespmem:s18+$0xFFFFFFB0]  }
0x97: {  	v10 =	vld [tilespmem:s18+$0xFFFFFFC0];
	v11 =	vmul.f32 v4, v2  }
0x98: {  	v12 =	vmul.f32 v5, v8;
	v5 =	vld [tilespmem:s18+$0xFFFFFFD0]  }
0x99: {  	s5 =	simm.s32 $0x4;
	v13 =	vmul.f32 v6, v8;
	v4 =	vld [tilespmem:s18+$0xFFFFFFE0];
	[tilespmem:s18+$0x30] =	vst v11  }
0x9a: {  	s7 =	simm.s32 $0x7;
	v6 =	vmov s5;
	[tilespmem:s18+$0xFFFFFF80] =	vst v12;
	v12 =	vmul.f32 v7, v8;
	v7 =	vld [tilespmem:s18+$0xFFFFFFF0]  }
0x9b: {  	s19 =	simm.s32 $0x5;
	s0 =	simm.s32 $0x8;
	v14 =	vand.u32 $0xFFFFFFFC, v6;
	v6 =	vmov s7;
	[tilespmem:s18+$0xFFFFFF90] =	vst v13;
	v11 =	vmul.f32 v9, v8;
	v9 =	vld [tilespmem:s18+$0x0]  }
0x9c: {  	s4 =	sadd.s32 $0x1400, s4;
	s5 =	simm.s32 $0x6;
	v8 =	vbroadcast v14, $0x0;
	v13 =	vmov s19;
	s19 =	simm.s32 $0x3D00;
	[tilespmem:s18+$0xFFFFFFA0] =	vst v12;
	v12 =	vmul.f32 v10, v3;
	v10 =	vld [tilespmem:s18+$0x10]  }
.LBB2_5:
0x9d: {  	p0 =	slt.u32 s0, $0x7C;
	v13 =	vand.u32 $0xFFFFFFFD, v13;
	v14 =	vmov s5;
	[tilespmem:s18+$0xFFFFFFB0] =	vst v11;
	v5 =	vmul.f32 v5, v3;
	v11 =	vld [tilespmem:s18+$0x20]  }
0x9e: {  	v13 =	vbroadcast v13, $0x0;
	v14 =	vand.u32 $0xFFFFFFFE, v14;
	[tilespmem:s18+$0xFFFFFFC0] =	vst v12;
	v4 =	vmul.f32 v4, v3;
	v12 =	vld [tilespmem:s18+$0x40]  }
0x9f: {  	v14 =	vbroadcast v14, $0x0;
	[tilespmem:s18+$0xFFFFFFD0] =	vst v5;
	v3 =	vmul.f32 v7, v3;
	v5 =	vld [tilespmem:s18+$0x50]  }
0xa0: {  	[tilespmem:s18+$0xFFFFFFE0] =	vst v4;
	v4 =	vmul.f32 v9, v2;
	v7 =	vld [tilespmem:s18+$0x60]  }
0xa1: {  	[tilespmem:s18+$0xFFFFFFF0] =	vst v3;
	v3 =	vmul.f32 v10, v2;
	v9 =	vld [tilespmem:s18+$0x70]  }
0xa2: {  	v6 =	vld.idx.msk [tilespmem:v6+s23+$0x0], $0xffff;
	[tilespmem:s18+$0x0] =	vst v4;
	v2 =	vmul.f32 v11, v2  }
0xa3: {  	v8 =	vld.idx.msk [tilespmem:v8+s23+$0x0], $0xffff;
	[tilespmem:s18+$0x10] =	vst v3;
	v4 =	vmul.f32 v12, v1  }
0xa4: {  	v3 =	vld.idx.msk [tilespmem:v13+s23+$0x0], $0xffff;
	[tilespmem:s18+$0x20] =	vst v2;
	v5 =	vmul.f32 v5, v1  }
0xa5: {  	s18 =	sadd.s32 $0x100, s18;
	v2 =	vld.idx.msk [tilespmem:v14+s23+$0x0], $0xffff;
	[tilespmem:s19+$0x40] =	vst v4;
	v4 =	vmul.f32 v7, v1  }
0xa6: {  	v7 =	vld [tilespmem:s18+$0x30];
	[tilespmem:s19+$0x50] =	vst v5;
	v9 =	vmul.f32 v9, v1  }
0xa7: {  	v5 =	vld [tilespmem:s18+$0xFFFFFF80];
	[tilespmem:s19+$0x60] =	vst v4  }
0xa8: {  	v1 =	vmov v6;
	v4 =	vld [tilespmem:s18+$0xFFFFFF90];
	[tilespmem:s19+$0x70] =	vst v9;
	s19 =	smov.u32 s18  }
0xa9: {  	v6 =	vld [tilespmem:s18+$0xFFFFFFA0]  }
0xaa: {  	v9 =	vld [tilespmem:s18+$0xFFFFFFB0]  }
0xab: {  	v10 =	vld [tilespmem:s18+$0xFFFFFFC0];
	v7 =	vmul.f32 v7, v2  }
.Ltmp1:
0xac: {  	v11 =	vmul.f32 v5, v8;
	v5 =	vld [tilespmem:s18+$0xFFFFFFD0];
	(pc) =	sbr.rel @p0 .LBB2_5-.Ltmp1, $4  }
0xad: {  	v12 =	vmul.f32 v4, v8;
	v4 =	vld [tilespmem:s18+$0xFFFFFFE0];
	[tilespmem:s18+$0x30] =	vst v7  }
0xae: {  	s5 =	sadd.s32 $0x3, s0;
	v13 =	vmov s0;
	[tilespmem:s18+$0xFFFFFF80] =	vst v11;
	v14 =	vmul.f32 v6, v8;
	v7 =	vld [tilespmem:s18+$0xFFFFFFF0]  }
0xaf: {  	s7 =	sadd.s32 $0x1, s0;
	v13 =	vand.u32 $0xFFFFFFFC, v13;
	v6 =	vmov s5;
	[tilespmem:s18+$0xFFFFFF90] =	vst v12;
	v11 =	vmul.f32 v9, v8;
	v9 =	vld [tilespmem:s18+$0x0]  }
0xb0: {  	s5 =	sadd.s32 $0x2, s0;
	s0 =	sadd.s32 $0x4, s0;
	v8 =	vbroadcast v13, $0x0;
	v13 =	vmov s7;
	[tilespmem:s18+$0xFFFFFFA0] =	vst v14;
	v12 =	vmul.f32 v10, v3;
	v10 =	vld [tilespmem:s18+$0x10]  }
0xb1: {  	v15 =	vld [tilespmem:s18+$0x20]  }
0xb2: {  	v16 =	vld [tilespmem:s18+$0x40]  }
0xb3: {  	v14 =	vmov s5;
	v17 =	vld [tilespmem:s18+$0x50]  }
0xb4: {  	v18 =	vld [tilespmem:s18+$0x60];
	[tilespmem:s18+$0xFFFFFFB0] =	vst v11;
	v5 =	vmul.f32 v5, v3;
	v14 =	vand.u32 $0xFFFFFFFE, v14  }
0xb5: {  	v11 =	vld [tilespmem:s18+$0x70];
	[tilespmem:s18+$0xFFFFFFC0] =	vst v12;
	v4 =	vmul.f32 v4, v3;
	v14 =	vbroadcast v14, $0x0  }
0xb6: {  	v13 =	vand.u32 $0xFFFFFFFD, v13;
	v6 =	vld.idx.msk [tilespmem:v6+s23+$0x0], $0xffff;
	s0 =	sadd.s32 $0x100, s18;
	[tilespmem:s18+$0xFFFFFFD0] =	vst v5;
	v3 =	vmul.f32 v7, v3  }
0xb7: {  	v13 =	vbroadcast v13, $0x0;
	v12 =	vld [tilespmem:s0+$0xFFFFFFA0];
	[tilespmem:s18+$0xFFFFFFE0] =	vst v4;
	v4 =	vmul.f32 v9, v2  }
0xb8: {  	v5 =	vld.idx.msk [tilespmem:v8+s23+$0x0], $0xffff;
	[tilespmem:s18+$0xFFFFFFF0] =	vst v3;
	v3 =	vmul.f32 v10, v2  }
0xb9: {  	v9 =	vld [tilespmem:s0+$0xFFFFFF80];
	[tilespmem:s18+$0x0] =	vst v4;
	v2 =	vmul.f32 v15, v2  }
0xba: {  	v4 =	vld [tilespmem:s0+$0x30];
	[tilespmem:s18+$0x10] =	vst v3;
	v3 =	vmul.f32 v16, v1  }
0xbb: {  	[tilespmem:s18+$0x20] =	vst v2;
	v2 =	vmul.f32 v17, v1;
	v8 =	vld.idx.msk [tilespmem:v14+s23+$0x0], $0xffff  }
0xbc: {  	v10 =	vld [tilespmem:s0+$0xFFFFFF90];
	[tilespmem:s19+$0x40] =	vst v3;
	v3 =	vmul.f32 v18, v1  }
0xbd: {  	v7 =	vld.idx.msk [tilespmem:v13+s23+$0x0], $0xffff;
	v1 =	vmul.f32 v11, v1;
	[tilespmem:s19+$0x50] =	vst v2  }
0xbe: {  	v2 =	vld [tilespmem:s0+$0xFFFFFFB0];
	[tilespmem:s19+$0x60] =	vst v3  }
0xbf: {  	v3 =	vld [tilespmem:s0+$0xFFFFFFC0];
	[tilespmem:s19+$0x70] =	vst v1;
	v1 =	vmul.f32 v9, v5  }
0xc0: {  	v9 =	vld [tilespmem:s0+$0xFFFFFFD0];
	v4 =	vmul.f32 v4, v8  }
0xc1: {  	v11 =	vld [tilespmem:s0+$0xFFFFFFE0];
	v10 =	vmul.f32 v10, v5;
	[tilespmem:s0+$0xFFFFFF80] =	vst v1  }
0xc2: {  	v1 =	vmul.f32 v12, v5;
	[tilespmem:s0+$0x30] =	vst v4;
	v4 =	vld [tilespmem:s0+$0xFFFFFFF0]  }
0xc3: {  	[tilespmem:s0+$0xFFFFFF90] =	vst v10;
	v2 =	vmul.f32 v2, v5;
	v5 =	vld [tilespmem:s0+$0x0]  }
0xc4: {  	[tilespmem:s0+$0xFFFFFFA0] =	vst v1;
	v1 =	vmul.f32 v3, v7;
	v3 =	vld [tilespmem:s0+$0x10]  }
0xc5: {  	[tilespmem:s0+$0xFFFFFFB0] =	vst v2;
	v2 =	vmul.f32 v9, v7;
	v9 =	vld [tilespmem:s0+$0x20]  }
0xc6: {  	v10 =	vld [tilespmem:s0+$0x40];
	[tilespmem:s0+$0xFFFFFFC0] =	vst v1;
	v1 =	vmul.f32 v11, v7  }
0xc7: {  	[tilespmem:s0+$0xFFFFFFD0] =	vst v2;
	v2 =	vmul.f32 v4, v7;
	v4 =	vld [tilespmem:s0+$0x50]  }
0xc8: {  	[tilespmem:s0+$0xFFFFFFE0] =	vst v1;
	v1 =	vmul.f32 v5, v8;
	v5 =	vld [tilespmem:s0+$0x60]  }
0xc9: {  	[tilespmem:s0+$0xFFFFFFF0] =	vst v2;
	v2 =	vmul.f32 v3, v8;
	v3 =	vld [tilespmem:s0+$0x70]  }
0xca: {  	[tilespmem:s0+$0x0] =	vst v1;
	v1 =	vmul.f32 v9, v8  }
0xcb: {  	[tilespmem:s0+$0x10] =	vst v2;
	v2 =	vmul.f32 v10, v6  }
0xcc: {  	[tilespmem:s0+$0x20] =	vst v1;
	v1 =	vmul.f32 v4, v6  }
0xcd: {  	[tilespmem:s0+$0x40] =	vst v2;
	v2 =	vmul.f32 v5, v6  }
0xce: {  	[tilespmem:s0+$0x50] =	vst v1;
	v1 =	vmul.f32 v3, v6  }
0xcf: {  	p0 =	seq.s32 s31, $0x13;
	[tilespmem:s0+$0x60] =	vst v2  }
0xd0: {  	[tilespmem:s0+$0x70] =	vst v1;
	s0 =	simm.s32 @!p0 $0x3  }
0xd1: {  	[spmem:s3] =	stream.indirect.scatter.add.f32 [tilespmem:s21], [sflag:$0x3], $0x40, s4, s20, $0xb8;
	[tilespmem:$0x14390] =	vst v63  }
0xd2: {  	_ =	swait.ge @!p0 [sflag:s0], $0x2000  }
0xd3: {  	s4 =	sshll.u32 @!p0 s31, $0x8;
	[sflag:s0] =	ssyncset.done @!p0 $0x0  }
0xd4: {  	[sflag:s0] =	ssyncadd.s32 @!p0 $0xFFFFE000;
	s0 =	sand.u32 @!p0 $0x3FFFFF00, s4  }
0xd5: {  	s5 =	simm.s32 @!p0 $0x3C80;
	s4 =	simm.s32 @!p0 $0x80;
	s0 =	sadd.s32 @!p0 $0x100, s0  }
0xd6: {  	[tilespmem:s5], [sflag:$0x1] =	stream.indirect.gather @!p0 [hbm4b:s1+s4], $0x40, s0, s4, $0xb8;
	[tilespmem:$0x14390] =	vst v63  }
0xd7: {  	_ =	swait.ge [sflag:s25], $0x2000  }
0xd8: {  	[sflag:s25] =	ssyncset.done $0x0  }
0xd9: {  	[sflag:s25] =	ssyncadd.s32 $0xFFFFE000  }
0xda: {  	v1 =	vld [tilespmem:s2+$0x0];
	_ =	sdelay $0x1  }
0xdb: {  	v2 =	vld [tilespmem:s2+$0x1400];
	_ =	sdelay $0x4  }
0xdc: {  	v3 =	vld [tilespmem:s2+$0x2800]  }
0xdd: {  	v1 =	vld.idx.msk [tilespmem:v1+s15+$0x0], $0xffff;
	_ =	sdelay $0x1  }
0xde: {  	v2 =	vld.idx.msk [tilespmem:v2+s15+$0x0], $0xffff;
	_ =	sdelay $0x2  }
0xdf: {  	v1 =	vmul.f32 v1, v3;
	_ =	sdelay $0x1  }
0xe0: {  	v1 =	vmul.f32 v2, v1;
	_ =	sdelay $0x1  }
0xe1: {  	[tilespmem:$0x3C00] =	vst v1  }
0xe2: {  	v1 =	vld [tilespmem:s2+$0x10];
	_ =	sdelay $0x1  }
0xe3: {  	v2 =	vld [tilespmem:s2+$0x1410];
	_ =	sdelay $0x4  }
0xe4: {  	v3 =	vld [tilespmem:s2+$0x2810]  }
0xe5: {  	v1 =	vld.idx.msk [tilespmem:v1+s15+$0x0], $0xffff;
	_ =	sdelay $0x1  }
0xe6: {  	v2 =	vld.idx.msk [tilespmem:v2+s15+$0x0], $0xffff;
	_ =	sdelay $0x2  }
0xe7: {  	v1 =	vmul.f32 v1, v3;
	_ =	sdelay $0x1  }
0xe8: {  	v1 =	vmul.f32 v2, v1;
	_ =	sdelay $0x1  }
0xe9: {  	[tilespmem:$0x3C10] =	vst v1  }
0xea: {  	v1 =	vld [tilespmem:s2+$0x20];
	_ =	sdelay $0x1  }
0xeb: {  	v2 =	vld [tilespmem:s2+$0x1420];
	_ =	sdelay $0x4  }
0xec: {  	v3 =	vld [tilespmem:s2+$0x2820]  }
0xed: {  	v1 =	vld.idx.msk [tilespmem:v1+s15+$0x0], $0xffff;
	_ =	sdelay $0x1  }
0xee: {  	v2 =	vld.idx.msk [tilespmem:v2+s15+$0x0], $0xffff;
	_ =	sdelay $0x2  }
0xef: {  	v1 =	vmul.f32 v1, v3;
	_ =	sdelay $0x1  }
0xf0: {  	v1 =	vmul.f32 v2, v1;
	_ =	sdelay $0x1  }
0xf1: {  	[tilespmem:$0x3C20] =	vst v1  }
0xf2: {  	v1 =	vld [tilespmem:s2+$0x30];
	_ =	sdelay $0x1  }
0xf3: {  	v2 =	vld [tilespmem:s2+$0x1430];
	_ =	sdelay $0x4  }
0xf4: {  	v3 =	vld [tilespmem:s2+$0x2830]  }
0xf5: {  	v1 =	vld.idx.msk [tilespmem:v1+s15+$0x0], $0xffff;
	_ =	sdelay $0x1  }
0xf6: {  	v2 =	vld.idx.msk [tilespmem:v2+s15+$0x0], $0xffff;
	_ =	sdelay $0x2  }
0xf7: {  	v1 =	vmul.f32 v1, v3;
	_ =	sdelay $0x1  }
0xf8: {  	v1 =	vmul.f32 v2, v1;
	_ =	sdelay $0x1  }
0xf9: {  	[tilespmem:$0x3C30] =	vst v1  }
0xfa: {  	v1 =	vld [tilespmem:s2+$0x40];
	_ =	sdelay $0x1  }
0xfb: {  	v2 =	vld [tilespmem:s2+$0x1440];
	_ =	sdelay $0x4  }
0xfc: {  	v3 =	vld [tilespmem:s2+$0x2840]  }
0xfd: {  	v1 =	vld.idx.msk [tilespmem:v1+s15+$0x0], $0xffff;
	_ =	sdelay $0x1  }
0xfe: {  	v2 =	vld.idx.msk [tilespmem:v2+s15+$0x0], $0xffff;
	_ =	sdelay $0x2  }
0xff: {  	v1 =	vmul.f32 v1, v3;
	_ =	sdelay $0x1  }
0x100: {  	v1 =	vmul.f32 v2, v1;
	_ =	sdelay $0x1  }
0x101: {  	[tilespmem:$0x3C40] =	vst v1  }
0x102: {  	v1 =	vld [tilespmem:s2+$0x50];
	_ =	sdelay $0x1  }
0x103: {  	v2 =	vld [tilespmem:s2+$0x1450];
	_ =	sdelay $0x4  }
0x104: {  	v3 =	vld [tilespmem:s2+$0x2850]  }
0x105: {  	v1 =	vld.idx.msk [tilespmem:v1+s15+$0x0], $0xffff;
	_ =	sdelay $0x1  }
0x106: {  	v2 =	vld.idx.msk [tilespmem:v2+s15+$0x0], $0xffff;
	_ =	sdelay $0x2  }
0x107: {  	v1 =	vmul.f32 v1, v3;
	_ =	sdelay $0x1  }
0x108: {  	v1 =	vmul.f32 v2, v1;
	_ =	sdelay $0x1  }
0x109: {  	[tilespmem:$0x3C50] =	vst v1  }
0x10a: {  	v1 =	vld [tilespmem:s2+$0x60];
	_ =	sdelay $0x1  }
0x10b: {  	v2 =	vld [tilespmem:s2+$0x1460];
	_ =	sdelay $0x4  }
0x10c: {  	v3 =	vld [tilespmem:s2+$0x2860]  }
0x10d: {  	v1 =	vld.idx.msk [tilespmem:v1+s15+$0x0], $0xffff;
	_ =	sdelay $0x1  }
0x10e: {  	v2 =	vld.idx.msk [tilespmem:v2+s15+$0x0], $0xffff;
	_ =	sdelay $0x2  }
0x10f: {  	v1 =	vmul.f32 v1, v3;
	_ =	sdelay $0x1  }
0x110: {  	v1 =	vmul.f32 v2, v1;
	_ =	sdelay $0x1  }
0x111: {  	[tilespmem:$0x3C60] =	vst v1  }
0x112: {  	v1 =	vld [tilespmem:s2+$0x70];
	_ =	sdelay $0x2  }
0x113: {  	v2 =	vld [tilespmem:s2+$0x1470];
	_ =	sdelay $0x3  }
0x114: {  	v3 =	vld [tilespmem:s2+$0x2870]  }
0x115: {  	v1 =	vld.idx.msk [tilespmem:v1+s15+$0x0], $0xffff;
	_ =	sdelay $0x2  }
0x116: {  	v2 =	vld.idx.msk [tilespmem:v2+s15+$0x0], $0xffff  }
0x117: {  	s7 =	simm.s32 $0x0  }
0x118: {  	s18 =	simm.s32 $0x3;
	s19 =	simm.s32 $0x1;
	v1 =	vmul.f32 v1, v3;
	v3 =	vmov s7  }
0x119: {  	v4 =	vmov s18;
	v5 =	vmov s19;
	s5 =	simm.s32 $0x2;
	v3 =	vand.u32 $0xFFFFFFFC, v3  }
0x11a: {  	v5 =	vand.u32 $0xFFFFFFFD, v5;
	v6 =	vmov s5;
	v3 =	vbroadcast v3, $0x0  }
0x11b: {  	v5 =	vbroadcast v5, $0x0;
	v6 =	vand.u32 $0xFFFFFFFE, v6;
	v1 =	vmul.f32 v2, v1  }
0x11c: {  	v2 =	vbroadcast v6, $0x0  }
0x11d: {  	[tilespmem:$0x3C70] =	vst v1  }
0x11e: {  	s4 =	simm.s32 $0x5D00;
	v1 =	vld.idx.msk [tilespmem:v4+s23+$0x0], $0xffff  }
0x11f: {  	v4 =	vld [tilespmem:s4+$0x30]  }
0x120: {  	v8 =	vld.idx.msk [tilespmem:v3+s23+$0x0], $0xffff  }
0x121: {  	v3 =	vld.idx.msk [tilespmem:v5+s23+$0x0], $0xffff  }
0x122: {  	v2 =	vld.idx.msk [tilespmem:v2+s23+$0x0], $0xffff  }
0x123: {  	v5 =	vld [tilespmem:s4+$0xFFFFFF80]  }
0x124: {  	v6 =	vld [tilespmem:s4+$0xFFFFFF90]  }
0x125: {  	v7 =	vld [tilespmem:s4+$0xFFFFFFA0]  }
0x126: {  	v9 =	vld [tilespmem:s4+$0xFFFFFFB0]  }
0x127: {  	v10 =	vld [tilespmem:s4+$0xFFFFFFC0];
	v11 =	vmul.f32 v4, v2  }
0x128: {  	v12 =	vmul.f32 v5, v8;
	v5 =	vld [tilespmem:s4+$0xFFFFFFD0]  }
0x129: {  	s7 =	simm.s32 $0x4;
	v13 =	vmul.f32 v6, v8;
	v4 =	vld [tilespmem:s4+$0xFFFFFFE0];
	[tilespmem:s4+$0x30] =	vst v11  }
0x12a: {  	s18 =	simm.s32 $0x7;
	v6 =	vmov s7;
	[tilespmem:s4+$0xFFFFFF80] =	vst v12;
	v12 =	vmul.f32 v7, v8;
	v7 =	vld [tilespmem:s4+$0xFFFFFFF0]  }
0x12b: {  	s19 =	simm.s32 $0x5;
	s0 =	simm.s32 $0x8;
	v14 =	vand.u32 $0xFFFFFFFC, v6;
	v6 =	vmov s18;
	[tilespmem:s4+$0xFFFFFF90] =	vst v13;
	v11 =	vmul.f32 v9, v8;
	v9 =	vld [tilespmem:s4+$0x0]  }
0x12c: {  	s5 =	simm.s32 $0x6;
	s2 =	sadd.s32 $0x1400, s2;
	s18 =	simm.s32 $0x5D00;
	v8 =	vbroadcast v14, $0x0;
	v13 =	vmov s19;
	[tilespmem:s4+$0xFFFFFFA0] =	vst v12;
	v12 =	vmul.f32 v10, v3;
	v10 =	vld [tilespmem:s4+$0x10]  }
.LBB2_7:
0x12d: {  	p0 =	slt.u32 s0, $0x7C;
	v13 =	vand.u32 $0xFFFFFFFD, v13;
	v14 =	vmov s5;
	[tilespmem:s4+$0xFFFFFFB0] =	vst v11;
	v5 =	vmul.f32 v5, v3;
	v11 =	vld [tilespmem:s4+$0x20]  }
0x12e: {  	v13 =	vbroadcast v13, $0x0;
	v14 =	vand.u32 $0xFFFFFFFE, v14;
	[tilespmem:s4+$0xFFFFFFC0] =	vst v12;
	v4 =	vmul.f32 v4, v3;
	v12 =	vld [tilespmem:s4+$0x40]  }
0x12f: {  	v14 =	vbroadcast v14, $0x0;
	[tilespmem:s4+$0xFFFFFFD0] =	vst v5;
	v3 =	vmul.f32 v7, v3;
	v5 =	vld [tilespmem:s4+$0x50]  }
0x130: {  	[tilespmem:s4+$0xFFFFFFE0] =	vst v4;
	v4 =	vmul.f32 v9, v2;
	v7 =	vld [tilespmem:s4+$0x60]  }
0x131: {  	[tilespmem:s4+$0xFFFFFFF0] =	vst v3;
	v3 =	vmul.f32 v10, v2;
	v9 =	vld [tilespmem:s4+$0x70]  }
0x132: {  	v6 =	vld.idx.msk [tilespmem:v6+s23+$0x0], $0xffff;
	[tilespmem:s4+$0x0] =	vst v4;
	v2 =	vmul.f32 v11, v2  }
0x133: {  	v8 =	vld.idx.msk [tilespmem:v8+s23+$0x0], $0xffff;
	[tilespmem:s4+$0x10] =	vst v3;
	v4 =	vmul.f32 v12, v1  }
0x134: {  	v3 =	vld.idx.msk [tilespmem:v13+s23+$0x0], $0xffff;
	[tilespmem:s4+$0x20] =	vst v2;
	v5 =	vmul.f32 v5, v1  }
0x135: {  	s4 =	sadd.s32 $0x100, s4;
	v2 =	vld.idx.msk [tilespmem:v14+s23+$0x0], $0xffff;
	[tilespmem:s18+$0x40] =	vst v4;
	v4 =	vmul.f32 v7, v1  }
0x136: {  	v7 =	vld [tilespmem:s4+$0x30];
	[tilespmem:s18+$0x50] =	vst v5;
	v9 =	vmul.f32 v9, v1  }
0x137: {  	v5 =	vld [tilespmem:s4+$0xFFFFFF80];
	[tilespmem:s18+$0x60] =	vst v4  }
0x138: {  	v1 =	vmov v6;
	v4 =	vld [tilespmem:s4+$0xFFFFFF90];
	[tilespmem:s18+$0x70] =	vst v9;
	s18 =	smov.u32 s4  }
0x139: {  	v6 =	vld [tilespmem:s4+$0xFFFFFFA0]  }
0x13a: {  	v9 =	vld [tilespmem:s4+$0xFFFFFFB0]  }
0x13b: {  	v10 =	vld [tilespmem:s4+$0xFFFFFFC0];
	v7 =	vmul.f32 v7, v2  }
.Ltmp2:
0x13c: {  	v11 =	vmul.f32 v5, v8;
	v5 =	vld [tilespmem:s4+$0xFFFFFFD0];
	(pc) =	sbr.rel @p0 .LBB2_7-.Ltmp2, $4  }
0x13d: {  	v12 =	vmul.f32 v4, v8;
	v4 =	vld [tilespmem:s4+$0xFFFFFFE0];
	[tilespmem:s4+$0x30] =	vst v7  }
0x13e: {  	s5 =	sadd.s32 $0x3, s0;
	v13 =	vmov s0;
	[tilespmem:s4+$0xFFFFFF80] =	vst v11;
	v14 =	vmul.f32 v6, v8;
	v7 =	vld [tilespmem:s4+$0xFFFFFFF0]  }
0x13f: {  	s7 =	sadd.s32 $0x1, s0;
	v13 =	vand.u32 $0xFFFFFFFC, v13;
	v6 =	vmov s5;
	[tilespmem:s4+$0xFFFFFF90] =	vst v12;
	v11 =	vmul.f32 v9, v8;
	v9 =	vld [tilespmem:s4+$0x0]  }
0x140: {  	s5 =	sadd.s32 $0x2, s0;
	s0 =	sadd.s32 $0x4, s0;
	v8 =	vbroadcast v13, $0x0;
	v13 =	vmov s7;
	[tilespmem:s4+$0xFFFFFFA0] =	vst v14;
	v12 =	vmul.f32 v10, v3;
	v10 =	vld [tilespmem:s4+$0x10]  }
0x141: {  	v15 =	vld [tilespmem:s4+$0x20]  }
0x142: {  	v16 =	vld [tilespmem:s4+$0x40]  }
0x143: {  	v17 =	vld [tilespmem:s4+$0x50]  }
0x144: {  	v13 =	vand.u32 $0xFFFFFFFD, v13;
	v18 =	vld [tilespmem:s4+$0x60]  }
0x145: {  	v14 =	vmov s5;
	[tilespmem:s4+$0xFFFFFFB0] =	vst v11;
	v5 =	vmul.f32 v5, v3;
	v47 =	vld [tilespmem:s4+$0x70];
	v13 =	vbroadcast v13, $0x0  }
0x146: {  	v6 =	vld.idx.msk [tilespmem:v6+s23+$0x0], $0xffff;
	v14 =	vand.u32 $0xFFFFFFFE, v14;
	[tilespmem:s4+$0xFFFFFFC0] =	vst v12;
	v4 =	vmul.f32 v4, v3;
	v3 =	vmul.f32 v7, v3  }
0x147: {  	s0 =	sadd.s32 $0x100, s4;
	v48 =	vld.idx.msk [tilespmem:v8+s23+$0x0], $0xffff;
	v14 =	vbroadcast v14, $0x0;
	[tilespmem:s4+$0xFFFFFFD0] =	vst v5  }
0x148: {  	v52 =	vld [tilespmem:s0+$0x30];
	[tilespmem:s4+$0xFFFFFFF0] =	vst v3;
	v3 =	vmul.f32 v10, v2  }
0x149: {  	v53 =	vld [tilespmem:s0+$0xFFFFFF80];
	[tilespmem:s4+$0xFFFFFFE0] =	vst v4;
	v49 =	vmul.f32 v9, v2;
	v2 =	vmul.f32 v15, v2  }
0x14a: {  	v54 =	vld [tilespmem:s0+$0xFFFFFF90];
	[tilespmem:s4+$0x10] =	vst v3;
	v3 =	vmul.f32 v16, v1  }
0x14b: {  	v55 =	vld [tilespmem:s0+$0xFFFFFFA0];
	[tilespmem:s4+$0x20] =	vst v2;
	v2 =	vmul.f32 v17, v1  }
0x14c: {  	v50 =	vld.idx.msk [tilespmem:v13+s23+$0x0], $0xffff;
	[tilespmem:s18+$0x40] =	vst v3;
	v3 =	vmul.f32 v18, v1  }
0x14d: {  	v51 =	vld.idx.msk [tilespmem:v14+s23+$0x0], $0xffff;
	v1 =	vmul.f32 v47, v1;
	[tilespmem:s18+$0x50] =	vst v2  }
0x14e: {  	v2 =	vld [tilespmem:s0+$0xFFFFFFB0];
	[tilespmem:s18+$0x60] =	vst v3  }
0x14f: {  	v3 =	vld [tilespmem:s0+$0xFFFFFFC0];
	[tilespmem:s18+$0x70] =	vst v1;
	v1 =	vmul.f32 v53, v48  }
0x150: {  	v56 =	vld [tilespmem:s0+$0xFFFFFFD0];
	[tilespmem:s4+$0x0] =	vst v49;
	v10 =	vmul.f32 v54, v48  }
0x151: {  	v57 =	vld [tilespmem:s0+$0xFFFFFFE0];
	[tilespmem:s0+$0xFFFFFF80] =	vst v1;
	v1 =	vmul.f32 v55, v48  }
0x152: {  	v58 =	vld [tilespmem:s0+$0xFFFFFFF0];
	[tilespmem:s0+$0xFFFFFF90] =	vst v10;
	v4 =	vmul.f32 v52, v51  }
0x153: {  	v59 =	vld [tilespmem:s0+$0x0];
	v2 =	vmul.f32 v2, v48;
	[tilespmem:s0+$0xFFFFFFA0] =	vst v1  }
0x154: {  	[tilespmem:s0+$0x30] =	vst v4;
	v1 =	vmul.f32 v3, v50;
	v3 =	vld [tilespmem:s0+$0x10]  }
0x155: {  	v60 =	vld [tilespmem:s0+$0x20];
	[tilespmem:s0+$0xFFFFFFB0] =	vst v2;
	v2 =	vmul.f32 v56, v50  }
0x156: {  	v61 =	vld [tilespmem:s0+$0x40];
	[tilespmem:s0+$0xFFFFFFC0] =	vst v1;
	v1 =	vmul.f32 v57, v50  }
0x157: {  	v62 =	vld [tilespmem:s0+$0x50];
	[tilespmem:s0+$0xFFFFFFD0] =	vst v2;
	v2 =	vmul.f32 v58, v50  }
0x158: {  	v63 =	vld [tilespmem:s0+$0x60];
	[tilespmem:s0+$0xFFFFFFE0] =	vst v1;
	v1 =	vmul.f32 v59, v51  }
0x159: {  	[tilespmem:s0+$0xFFFFFFF0] =	vst v2;
	v2 =	vmul.f32 v3, v51;
	v3 =	vld [tilespmem:s0+$0x70]  }
0x15a: {  	[tilespmem:s0+$0x0] =	vst v1;
	v1 =	vmul.f32 v60, v51  }
0x15b: {  	s31 =	sadd.s32 $0x1, s31;
	[tilespmem:s0+$0x10] =	vst v2;
	v2 =	vmul.f32 v61, v6  }
0x15c: {  	p0 =	sne.s32 s31, $0x14;
	[tilespmem:s0+$0x20] =	vst v1;
	v1 =	vmul.f32 v62, v6  }
.Ltmp3:
0x15d: {  	[tilespmem:s0+$0x40] =	vst v2;
	v2 =	vmul.f32 v63, v6;
	(pc) =	sbr.rel @p0 .LBB2_4-.Ltmp3, $4  }
0x15e: {  	[tilespmem:s0+$0x50] =	vst v1;
	v1 =	vmul.f32 v3, v6  }
0x15f: {  	[tilespmem:s0+$0x60] =	vst v2  }
0x160: {  	[tilespmem:s0+$0x70] =	vst v1  }
0x161: {  	[spmem:s3] =	stream.indirect.scatter.add.f32 [tilespmem:s17], [sflag:$0x4], $0x40, s2, s20, $0xb8;
	[tilespmem:$0x14390] =	vst v63  }
0x162: {  	_ =	swait.ge [sflag:s26], $0x2000  }
0x163: {  	[sflag:s26] =	ssyncset.done $0x0  }
0x164: {  	[sflag:s26] =	ssyncadd.s32 $0xFFFFE000  }
0x165: {  	s0 =	stileid.u32;
	_ =	swait.ge [sflag:s28], $0x2000  }
0x166: {  	s2 =	sshrl.u32 s6, $0x3;
	s29 =	sadd.s32 $0x1, s29;
	[sflag:s28] =	ssyncset.done $0x0  }
0x167: {  	s0 =	sshll.u32 s0, $0x6;
	p0 =	sne.s32 s29, s14;
	[sflag:s28] =	ssyncadd.s32 $0xFFFFE000  }
.Ltmp4:
0x168: {  	s0 =	sor.u32 $0x1C05, s0;
	[bflag:$0x0] =	sbarrier.arrive $0xFFFF;
	(pc) =	sbr.rel @p0 .LBB2_1-.Ltmp4, $4  }
0x169: {  	[hbm:s24], [sflag:s0] =	dma.local [spmem:s2], $0x1400  }
0x16a: {  	_ =	swait.ge [sflag:s16], $0x1400  }
0x16b: {  	[sflag:s16] =	ssyncset.done $0x0  }
0x16c: {  	[sflag:s16] =	ssyncadd.s32 $0xFFFFEC00  }
0x16d: {  	_ =	sfence.sel $0x180000  }
0x16e: {  	[bflag:$0x0] =	sbarrier.arrive $0xFFFF  }
0x16f: {  	_ =	strace $0x9000004D  }
0x170: {  	s0 =	stileid.u32;
	[bflag:$0x2] =	sbarrier.arrive $0xFFFF  }
0x171: {  	p0 =	sne.s32 s0, $0x0;
	s0 =	rddreg [dreg:$0x3]  }
0x172: {  	s0 =	sadd.s32 @!p0 $0x100000, s0  }
0x173: {  	[sflag:s0] =	ssyncadd.tile.s32 @!p0 $0x1;
	_ =	shalt  }
.Lfunc_end2:
_tile_overlayer_lowered:
.L_overlay_start_2:
0x174: {  	(tag) =	ssettag $0x2  }
0x175: {  	s0 =	rddreg [dreg:$0x0];
	s2 =	stileid.u32  }
0x176: {  	s1 =	rddreg [dreg:$0x1];
	p0 =	sne.s32 s2, $0x0  }
0x177: {  	s3 =	rddreg [dreg:$0x2];
	[bflag:$0x3] =	sbarrier.arrive $0xFFFF;
	s2 =	simm.s32 @!p0 $0x1C05  }
0x178: {  	[timem:s3], [sflag:s2] =	dma.local @!p0 [hbm:s0], s1  }
0x179: {  	s0 =	simm.s32 @!p0 $0x5  }
0x17a: {  	_ =	swait.ge @!p0 [sflag:s0], s1  }
0x17b: {  	s1 =	ssub.s32 @!p0 $0x0, s1;
	[sflag:s0] =	ssyncset.done @!p0 $0x0  }
0x17c: {  	[sflag:s0] =	ssyncadd.s32 @!p0 s1  }
0x17d: {  	[bflag:$0x3] =	sbarrier.arrive $0xFFFF  }
0x17e: {  	_ =	shalt  }

// kernel: kernel.9.cloned.1.call-start
scs
__scs_entry_jumppad:
0x0: {  	(pc) =	sbr.rel $0x88, $3  }
0x1: {  	(tag) =	ssettag $0x0;
	lr =	simm.s32 $0x1  }
0x2: {  	[smem:$0x3F9A] =	sst lr;
	_ =	strace $0xD0000000  }
0x3: {  	_ = 	snop  }
0x4: {  	_ = 	snop  }
0x5: {  	_ = 	snop  }
0x6: {  	_ = 	snop  }
0x7: {  	_ = 	snop  }
__scs_overlays_trampoline_lowered:
0x8: {  	[smem:$0x3FA9] =	sst s0  }
0x9: {  	[smem:$0x3FAA] =	sst s1  }
0xa: {  	[smem:$0x3FAB] =	sst s2  }
0xb: {  	[smem:$0x3FAC] =	sst s3  }
0xc: {  	[smem:$0x3FAD] =	sst s4  }
0xd: {  	[smem:$0x3FAE] =	sst s5  }
0xe: {  	[smem:$0x3FAF] =	sst s6  }
0xf: {  	[smem:$0x3FB0] =	sst s7  }
0x10: {  	[smem:$0x3FB1] =	sst s8  }
0x11: {  	[smem:$0x3FB2] =	sst s9;
	s0 =	simm.s32 @!p0 $0x0  }
0x12: {  	s1 =	sld [smem:$0x3F98];
	s0 =	simm.s32 @p0 $0x1  }
0x13: {  	[smem:$0x3FB3] =	sst s0;
	s0 =	simm.s32 @!p1 $0x0  }
0x14: {  	s2 =	sld [smem:$0x3F97];
	s0 =	simm.s32 @p1 $0x1  }
0x15: {  	[smem:$0x3FB4] =	sst s0;
	s0 =	simm.s32 @!p2 $0x0  }
0x16: {  	s3 =	sld [smem:$0x3FDB];
	s0 =	simm.s32 @p2 $0x1  }
0x17: {  	s4 =	simm.s32 $0x1BF5;
	[smem:$0x3FB6] =	sst s0  }
0x18: {  	s0 =	sld [smem:$0x3F99];
	_ =	swait.ge [sflag:s4], $0x0  }
0x19: {  	s7 =	sld [smem:$0x3F9A]  }
0x1a: {  	s8 =	sadd.s32 $0xFFFFE003, lr  }
0x1b: {  	s9 =	sadd.s32 $0xFFFFFEF7, lr;
	s5 =	simm.s32 $0xFFFFFFFF;
	p2 =	slt.u32 s8, $0xFFFFF086  }
0x1c: {  	p1 =	slt.u32 s9, $0xF7A;
	s5 =	simm.s32 @!p2 $0x0  }
0x1d: {  	s5 =	simm.s32 @p1 $0x1;
	p0 =	seq.s32 s7, s2  }
0x1e: {  	s7 =	smul.u32 @!p0 $0xF7A, s2;
	p2 =	seq.s32 @!p0 s5, $0x0  }
0x1f: {  	s9 =	smul.u32 $0xF7A, s1;
	s8 =	simm.s32 @!p0 $0x1BF5;
	p2 =	por !p2, p0  }
0x20: {  	[sflag:s8] =	ssyncset.s32 @!p0 $0xFFFFF086;
	s6 =	sadd.s32 @!p0 s3, s7;
	s7 =	simm.s32 @!p0 $0x108  }
0x21: {  	s3 =	sadd.s32 s3, s9;
	s6 =	sadd.s32 @!p0 $0x88, s6;
	s7 =	simm.s32 @p2 $0x1082  }
0x22: {  	[simem:s7], [sflag:s8] =	dma.local @!p0 [hbm:s6], $0xF7A  }
0x23: {  	s9 =	sor.u32 $0xD0000000, s2;
	s6 =	simm.s32 $0x108;
	_ =	swait.ge @!p0 [sflag:s8], $0x0  }
0x24: {  	s3 =	sadd.s32 $0x88, s3;
	s6 =	simm.s32 @!p1 $0x1082;
	[sflag:s4] =	ssyncset.s32 $0xFFFFF086  }
0x25: {  	[simem:s6], [sflag:s4] =	dma.local [hbm:s3], $0xF7A  }
0x26: {  	[smem:$0x3F9A] =	sst s1;
	(tag) =	ssettag s2;
	_ =	strace s9  }
0x27: {  	s1 =	sld [smem:$0x3FAA]  }
0x28: {  	s2 =	sld [smem:$0x3FAB]  }
0x29: {  	s4 =	sld [smem:$0x3FAD]  }
0x2a: {  	p0 =	seq.s32 s5, $0x0;
	s5 =	sld [smem:$0x3FAE]  }
0x2b: {  	s6 =	sld [smem:$0x3FAF]  }
0x2c: {  	s7 =	sld [smem:$0x3FB0]  }
0x2d: {  	s3 =	simm.s32 $0x108;
	s8 =	sld [smem:$0x3FB1]  }
0x2e: {  	s3 =	simm.s32 @!p0 $0x1082;
	s9 =	sld [smem:$0x3FB2]  }
0x2f: {  	lr =	sadd.s32 s0, s3;
	s0 =	sld [smem:$0x3FA9]  }
0x30: {  	s3 =	sld [smem:$0x3FAC]  }
0x31: {  	[smem:$0x3FB5] =	sst s10  }
0x32: {  	s10 =	sld [smem:$0x3FB3];
	_ =	sdelay $0x3  }
0x33: {  	p0 =	seq.s32 s10, $0x1;
	s10 =	sld [smem:$0x3FB5];
	_ =	sdelay $0x3  }
0x34: {  	[smem:$0x3FB5] =	sst s10  }
0x35: {  	s10 =	sld [smem:$0x3FB4];
	_ =	sdelay $0x3  }
0x36: {  	p1 =	seq.s32 s10, $0x1;
	s10 =	sld [smem:$0x3FB5];
	_ =	sdelay $0x3  }
0x37: {  	[smem:$0x3FB5] =	sst s10  }
0x38: {  	s10 =	sld [smem:$0x3FB6]  }
0x39: {  	_ = 	snop;
	(pc) =	sbr.ind lr, $3  }
0x3a: {  	_ = 	snop  }
0x3b: {  	_ = 	snop  }
0x3c: {  	p2 =	seq.s32 s10, $0x1;
	s10 =	sld [smem:$0x3FB5]  }
0x3d: {  	_ =	shalt  }
0x3e: {  	_ =	shalt  }
0x3f: {  	_ =	shalt  }
0x40: {  	_ =	shalt  }
0x41: {  	_ =	shalt  }
0x42: {  	_ =	shalt  }
0x43: {  	_ =	shalt  }
0x44: {  	_ =	shalt  }
0x45: {  	_ =	shalt  }
0x46: {  	_ =	shalt  }
0x47: {  	_ =	shalt  }
0x48: {  	_ =	shalt  }
0x49: {  	_ =	shalt  }
0x4a: {  	_ =	shalt  }
0x4b: {  	_ =	shalt  }
0x4c: {  	_ =	shalt  }
0x4d: {  	_ =	shalt  }
0x4e: {  	_ =	shalt  }
0x4f: {  	_ =	shalt  }
0x50: {  	_ =	shalt  }
0x51: {  	_ =	shalt  }
0x52: {  	_ =	shalt  }
0x53: {  	_ =	shalt  }
0x54: {  	_ =	shalt  }
0x55: {  	_ =	shalt  }
0x56: {  	_ =	shalt  }
0x57: {  	_ =	shalt  }
0x58: {  	_ =	shalt  }
0x59: {  	_ =	shalt  }
0x5a: {  	_ =	shalt  }
0x5b: {  	_ =	shalt  }
0x5c: {  	_ =	shalt  }
0x5d: {  	_ =	shalt  }
0x5e: {  	_ =	shalt  }
0x5f: {  	_ =	shalt  }
0x60: {  	_ =	shalt  }
0x61: {  	_ =	shalt  }
0x62: {  	_ =	shalt  }
0x63: {  	_ =	shalt  }
0x64: {  	_ =	shalt  }
0x65: {  	_ =	shalt  }
0x66: {  	_ =	shalt  }
0x67: {  	_ =	shalt  }
0x68: {  	_ =	shalt  }
0x69: {  	_ =	shalt  }
0x6a: {  	_ =	shalt  }
0x6b: {  	_ =	shalt  }
0x6c: {  	_ =	shalt  }
0x6d: {  	_ =	shalt  }
0x6e: {  	_ =	shalt  }
0x6f: {  	_ =	shalt  }
0x70: {  	_ =	shalt  }
0x71: {  	_ =	shalt  }
0x72: {  	_ =	shalt  }
0x73: {  	_ =	shalt  }
0x74: {  	_ =	shalt  }
0x75: {  	_ =	shalt  }
0x76: {  	_ =	shalt  }
0x77: {  	_ =	shalt  }
0x78: {  	_ =	shalt  }
0x79: {  	_ =	shalt  }
0x7a: {  	_ =	shalt  }
0x7b: {  	_ =	shalt  }
0x7c: {  	_ =	shalt  }
0x7d: {  	_ =	shalt  }
0x7e: {  	_ =	shalt  }
0x7f: {  	_ =	shalt  }
0x80: {  	_ =	shalt  }
0x81: {  	_ =	shalt  }
0x82: {  	_ =	shalt  }
0x83: {  	_ =	shalt  }
0x84: {  	_ =	shalt  }
0x85: {  	_ =	shalt  }
0x86: {  	_ =	shalt  }
0x87: {  	_ =	shalt  }
.Lfunc_end0:
.L_simem_size_0:
called_computation_lowered:
.L_overlay_start_0:
0x88: {  	s2 =	sld [smem:$0x3FD9]  }
0x89: {  	s3 =	sld [smem:$0x3FFE];
	_ =	sdelay $0x1  }
0x8a: {  	s1 =	srdreg.scid  }
0x8b: {  	s0 =	sand.u32 $0x1, s1  }
0x8c: {  	s17 =	sshll.u32 s0, $0xA;
	s2 =	sadd.s32 s3, s2  }
0x8d: {  	s2 =	sadd.s32 s2, s17  }
0x8e: {  	[smem:$0x3FC1] =	sst s2  }
0x8f: {  	_ = 	snop  }
0x90: {  	s2 =	sld [smem:$0x3FD0];
	(tm) =	ssettm $0x1  }
0x91: {  	s18 =	sld [smem:$0x3FFB];
	_ =	sdelay $0x3  }
0x92: {  	_ =	strace s18  }
0x93: {  	s3 =	sld [smem:$0x3FFC];
	_ =	sdelay $0x3  }
0x94: {  	_ =	strace s3  }
0x95: {  	s3 =	sld [smem:$0x3FFD];
	_ =	sdelay $0x3  }
0x96: {  	_ =	strace s3  }
0x97: {  	_ =	strace $0x8FFFFFFF  }
0x98: {  	s19 =	sld [smem:$0x3FDB];
	_ =	sdelay $0x1  }
0x99: {  	s4 =	simm.s32 $_scs_section_size  }
0x9a: {  	s5 =	simm.s32 $_size__tile_overlayer_lowered;
	s6 =	simm.s32 $_tile_overlayer_lowered  }
0x9b: {  	s22 =	simm.s32 $0x1BFF;
	s21 =	sshll.u32 s6, $0x1;
	s3 =	sadd.s32 s4, s19  }
0x9c: {  	s7 =	simm.s32 $0x0;
	s20 =	sshll.u32 s5, $0x1;
	s5 =	sadd.s32 s21, s3  }
0x9d: {  	[timem:s7], [sflag:s22] =	dma.local [hbm:s5], s20  }
0x9e: {  	_ =	swait.ge [sflag:s22], s20  }
0x9f: {  	s4 =	ssub.s32 $0x0, s20;
	[sflag:s22] =	ssyncset.done $0x0  }
0xa0: {  	[sflag:s22] =	ssyncadd.s32 s4;
	_ =	sdelay $0x1  }
0xa1: {  	s23 =	simm.s32 $0x1B8B  }
0xa2: {  	_ =	swait.ge [sflag:s23], $0x1  }
0xa3: {  	[sflag:s23] =	ssyncset.done $0x0  }
0xa4: {  	s25 =	simm.s32 $0x1B8E;
	s24 =	sld [smem:$0x3FFE];
	[sflag:s23] =	ssyncadd.s32 $0xFFFFFFFF  }
0xa5: {  	s26 =	simm.s32 $execute0_lowered;
	[smem:$0x3FD2] =	sst s25  }
0xa6: {  	s5 =	sshll.u32 s26, $0x1;
	_ =	strace $0x80000046;
	[dreg:$0x1] =	wrdreg $0xFFFFFFFF  }
0xa7: {  	s28 =	simm.s32 $_size_execute0_lowered;
	s3 =	sadd.s32 s3, s5;
	[dreg:$0x0] =	wrdreg $0x0  }
0xa8: {  	s5 =	sshll.u32 s28, $0x1;
	[dreg:$0x2] =	wrdreg s3  }
0xa9: {  	[dreg:$0x3] =	wrdreg s5  }
0xaa: {  	[dreg:$0x4] =	wrdreg $0xC0  }
0xab: {  	_ =	task [dreg:s7], $0x5FFFF  }
0xac: {  	[dreg:$0x1] =	wrdreg $0xFFFFFFFF  }
0xad: {  	[dreg:$0x0] =	wrdreg $0x60  }
0xae: {  	[dreg:$0x2] =	wrdreg s24  }
0xaf: {  	[dreg:$0x3] =	wrdreg s2  }
0xb0: {  	[dreg:$0x4] =	wrdreg $0x9  }
0xb1: {  	_ =	task.clear_ibuf [dreg:s7], $0x5FFFF;
	_ =	strace $0x90000046  }
0xb2: {  	s29 =	simm.s32 $0x9;
	_ =	strace $0x80000048  }
0xb3: {  	_ =	swait.ge [sflag:s29], $0x1  }
0xb4: {  	[sflag:s29] =	ssyncadd.s32 $0xFFFFFFFF  }
0xb5: {  	_ =	strace $0x90000048  }
0xb6: {  	_ =	sfence  }
0xb7: {  	s30 =	sld [smem:$0x0];
	_ =	sdelay $0x2  }
0xb8: {  	s31 =	sshll.u32 s1, $0xD;
	s1 =	sshrl.u32 s1, $0x2  }
0xb9: {  	s3 =	sand.u32 $0x4000, s31;
	s1 =	sadd.s32 s1, s30  }
0xba: {  	s0 =	sor.u32 s3, s0;
	s1 =	sshll.u32 s1, $0x11  }
0xbb: {  	s0 =	sor.u32 s1, s0  }
0xbc: {  	s0 =	sadd.s32 $0x8F2B, s0  }
0xbd: {  	[sflag:s0] =	ssyncadd.remote.s32 $0x1  }
0xbe: {  	_ =	sfence.sel $0xFFFF  }
0xbf: {  	[dreg:$0x0] =	wrdreg $0xFFFFFFFF;
	(pc) =	sbr.abs _section_cstart, $3  }
0xc0: {  	[dreg:$0x1] =	wrdreg $0xFFFFFFFF  }
0xc1: {  	_ =	task.clear_ibuf [dreg:s7], $0x2FFFF;
	_ =	strace $0x9FFFFFFF  }
0xc2: {  	(tm) =	ssettm $0x7FFFFFFF  }
0xc3: {  	_ =	shalt  }
tec
execute0_lowered:
.L_overlay_start_1:
0x0: {  	(tag) =	ssettag $0x1  }
0x1: {  	s4 =	rddreg [dreg:$0x0]  }
0x2: {  	s0 =	srdreg.scid;
	s5 =	rddreg [dreg:$0x1];
	s2 =	simm.s32 $0x0  }
0x3: {  	s11 =	simm.s32 $0x400;
	s12 =	simm.s32 $0x0;
	s3 =	sand.u32 $0x1, s0  }
0x4: {  	s0 =	stileid.u32;
	[smem:$0x7FF] =	sst s2;
	s1 =	sshll.u32 s3, $0x4  }
0x5: {  	s26 =	ssub.s32 $0x2, s3;
	s7 =	smul.u32 $0x5000, s3;
	s28 =	sshrl.u32 s0, $0x3  }
0x6: {  	s10 =	sshll.u32 s0, $0x7;
	s6 =	sor.u32 s0, s1;
	s1 =	rddreg [dreg:$0x2]  }
0x7: {  	v0 =	vimm.f32 $0.0e+00;
	_ =	strace $0x80000047;
	s8 =	sshrl.u32 s26, $0x1;
	s9 =	smul.u32 $0x14000, s28  }
0x8: {  	vm0 =	vcmask $0x704;
	vm1 =	vcmask $0xB08;
	vm2 =	vcmask $0xF0C;
	s29 =	sand.u32 $0x380, s10;
	s10 =	simm.s32 $0x80;
	s6 =	smul.u32 $0x280, s6  }
0x9: {  	vm3 =	vcmask $0x1310;
	vm4 =	vcmask $0x1714;
	vm5 =	vcmask $0x1B18;
	s30 =	sadd.s32 s5, s7;
	s7 =	simm.s32 $0x1400;
	s31 =	sor.u32 s29, s9  }
0xa: {  	vm6 =	vcmask $0x1F1C;
	vm7 =	vcmask $0x2320;
	vm8 =	vcmask $0x2724;
	s4 =	sadd.s32 s6, s4;
	s6 =	ssub.s32 s26, s8;
	s9 =	sshrl.u32 s31, $0x3  }
0xb: {  	vm9 =	vcmask $0x2B28;
	vm10 =	vcmask $0x2F2C;
	vm11 =	vcmask $0x3330;
	s8 =	simm.s32 $0x2800;
	s3 =	sadd.s32 $0xCA00, s4;
	s4 =	sadd.s32 $0x2A00, s4  }
0xc: {  	vm12 =	vcmask $0x3734;
	vm13 =	vcmask $0x3B38;
	vm14 =	vcmask $0x3F3C;
	s5 =	smax.u32 s6, $0x1;
	s6 =	simm.s32 $0x1;
	s9 =	sadd.s32 s9, s30  }
.LBB2_1:
0xd: {  	[tilespmem:s2], [sflag:$0x1] =	stream.linear.gather [hbm4b:s3+s2], $0x1400, $0x38;
	[tilespmem:$0x5000] =	vst v63  }
0xe: {  	_ =	swait.ge [sflag:s6], $0x1400  }
0xf: {  	[sflag:s6] =	ssyncset.done $0x0  }
0x10: {  	[sflag:s6] =	ssyncadd.s32 $0xFFFFEC00  }
0x11: {  	[tilespmem:s7], [sflag:$0x1] =	stream.linear.gather [hbm4b:s4+s2], $0x1400, $0x38;
	[tilespmem:$0x5000] =	vst v63  }
0x12: {  	_ =	swait.ge [sflag:s6], $0x1400  }
0x13: {  	[sflag:s6] =	ssyncset.done $0x0  }
0x14: {  	s13 =	simm.s32 $0x0;
	[sflag:s6] =	ssyncadd.s32 $0xFFFFEC00  }
.LBB2_2:
0x15: {  	p0 =	sne.s32 s13, $0x9FC0  }
.Ltmp0:
0x16: {  	_ = 	snop;
	(pc) =	sbr.rel @p0 .LBB2_2-.Ltmp0, $3  }
0x17: {  	_ =	sdelay $0x1  }
0x18: {  	s14 =	sshra.s32 s13, $0x2  }
0x19: {  	s13 =	sadd.s32 $0x40, s13;
	[tilespmem:s14+$0x2800] =	vst v0  }
0x1a: {  	s13 =	simm.s32 $0x0  }
.LBB2_4:
0x1b: {  	s14 =	sshra.s32 s13, $0x2  }
0x1c: {  	v1 =	vld [tilespmem:s14+$0x0];
	_ =	sdelay $0x2  }
0x1d: {  	v2 =	vld [tilespmem:s14+$0x1400];
	_ =	sdelay $0x4  }
0x1e: {  	[tilespmem:v1+s8+$0x0] =	vst.idx.add.f32.msk $0x1, v2  }
0x1f: {  	[tilespmem:v1+s8+$0x0] =	vst.idx.add.f32.msk vm0, v2  }
0x20: {  	[tilespmem:v1+s8+$0x0] =	vst.idx.add.f32.msk vm1, v2  }
0x21: {  	[tilespmem:v1+s8+$0x0] =	vst.idx.add.f32.msk vm2, v2  }
0x22: {  	[tilespmem:v1+s8+$0x0] =	vst.idx.add.f32.msk vm3, v2  }
0x23: {  	[tilespmem:v1+s8+$0x0] =	vst.idx.add.f32.msk vm4, v2  }
0x24: {  	[tilespmem:v1+s8+$0x0] =	vst.idx.add.f32.msk vm5, v2  }
0x25: {  	[tilespmem:v1+s8+$0x0] =	vst.idx.add.f32.msk vm6, v2  }
0x26: {  	[tilespmem:v1+s8+$0x0] =	vst.idx.add.f32.msk vm7, v2  }
0x27: {  	[tilespmem:v1+s8+$0x0] =	vst.idx.add.f32.msk vm8, v2  }
0x28: {  	[tilespmem:v1+s8+$0x0] =	vst.idx.add.f32.msk vm9, v2  }
0x29: {  	[tilespmem:v1+s8+$0x0] =	vst.idx.add.f32.msk vm10, v2  }
0x2a: {  	[tilespmem:v1+s8+$0x0] =	vst.idx.add.f32.msk vm11, v2  }
0x2b: {  	[tilespmem:v1+s8+$0x0] =	vst.idx.add.f32.msk vm12, v2  }
0x2c: {  	[tilespmem:v1+s8+$0x0] =	vst.idx.add.f32.msk vm13, v2  }
0x2d: {  	[tilespmem:v1+s8+$0x0] =	vst.idx.add.f32.msk vm14, v2  }
0x2e: {  	v1 =	vld [tilespmem:s14+$0x10];
	_ =	sdelay $0x2  }
0x2f: {  	v2 =	vld [tilespmem:s14+$0x1410];
	_ =	sdelay $0x4  }
0x30: {  	[tilespmem:v1+s8+$0x0] =	vst.idx.add.f32.msk $0x1, v2  }
0x31: {  	[tilespmem:v1+s8+$0x0] =	vst.idx.add.f32.msk vm0, v2  }
0x32: {  	[tilespmem:v1+s8+$0x0] =	vst.idx.add.f32.msk vm1, v2  }
0x33: {  	[tilespmem:v1+s8+$0x0] =	vst.idx.add.f32.msk vm2, v2  }
0x34: {  	[tilespmem:v1+s8+$0x0] =	vst.idx.add.f32.msk vm3, v2  }
0x35: {  	[tilespmem:v1+s8+$0x0] =	vst.idx.add.f32.msk vm4, v2  }
0x36: {  	[tilespmem:v1+s8+$0x0] =	vst.idx.add.f32.msk vm5, v2  }
0x37: {  	[tilespmem:v1+s8+$0x0] =	vst.idx.add.f32.msk vm6, v2  }
0x38: {  	[tilespmem:v1+s8+$0x0] =	vst.idx.add.f32.msk vm7, v2  }
0x39: {  	[tilespmem:v1+s8+$0x0] =	vst.idx.add.f32.msk vm8, v2  }
0x3a: {  	[tilespmem:v1+s8+$0x0] =	vst.idx.add.f32.msk vm9, v2  }
0x3b: {  	[tilespmem:v1+s8+$0x0] =	vst.idx.add.f32.msk vm10, v2  }
0x3c: {  	[tilespmem:v1+s8+$0x0] =	vst.idx.add.f32.msk vm11, v2  }
0x3d: {  	[tilespmem:v1+s8+$0x0] =	vst.idx.add.f32.msk vm12, v2  }
0x3e: {  	[tilespmem:v1+s8+$0x0] =	vst.idx.add.f32.msk vm13, v2  }
0x3f: {  	[tilespmem:v1+s8+$0x0] =	vst.idx.add.f32.msk vm14, v2  }
0x40: {  	v1 =	vld [tilespmem:s14+$0x20];
	_ =	sdelay $0x2  }
0x41: {  	v2 =	vld [tilespmem:s14+$0x1420];
	_ =	sdelay $0x4  }
0x42: {  	[tilespmem:v1+s8+$0x0] =	vst.idx.add.f32.msk $0x1, v2  }
0x43: {  	[tilespmem:v1+s8+$0x0] =	vst.idx.add.f32.msk vm0, v2  }
0x44: {  	[tilespmem:v1+s8+$0x0] =	vst.idx.add.f32.msk vm1, v2  }
0x45: {  	[tilespmem:v1+s8+$0x0] =	vst.idx.add.f32.msk vm2, v2  }
0x46: {  	[tilespmem:v1+s8+$0x0] =	vst.idx.add.f32.msk vm3, v2  }
0x47: {  	[tilespmem:v1+s8+$0x0] =	vst.idx.add.f32.msk vm4, v2  }
0x48: {  	[tilespmem:v1+s8+$0x0] =	vst.idx.add.f32.msk vm5, v2  }
0x49: {  	[tilespmem:v1+s8+$0x0] =	vst.idx.add.f32.msk vm6, v2  }
0x4a: {  	[tilespmem:v1+s8+$0x0] =	vst.idx.add.f32.msk vm7, v2  }
0x4b: {  	[tilespmem:v1+s8+$0x0] =	vst.idx.add.f32.msk vm8, v2  }
0x4c: {  	[tilespmem:v1+s8+$0x0] =	vst.idx.add.f32.msk vm9, v2  }
0x4d: {  	[tilespmem:v1+s8+$0x0] =	vst.idx.add.f32.msk vm10, v2  }
0x4e: {  	[tilespmem:v1+s8+$0x0] =	vst.idx.add.f32.msk vm11, v2  }
0x4f: {  	[tilespmem:v1+s8+$0x0] =	vst.idx.add.f32.msk vm12, v2  }
0x50: {  	[tilespmem:v1+s8+$0x0] =	vst.idx.add.f32.msk vm13, v2  }
0x51: {  	[tilespmem:v1+s8+$0x0] =	vst.idx.add.f32.msk vm14, v2  }
0x52: {  	v1 =	vld [tilespmem:s14+$0x30];
	_ =	sdelay $0x2  }
0x53: {  	v2 =	vld [tilespmem:s14+$0x1430];
	_ =	sdelay $0x4  }
0x54: {  	[tilespmem:v1+s8+$0x0] =	vst.idx.add.f32.msk $0x1, v2  }
0x55: {  	[tilespmem:v1+s8+$0x0] =	vst.idx.add.f32.msk vm0, v2  }
0x56: {  	[tilespmem:v1+s8+$0x0] =	vst.idx.add.f32.msk vm1, v2  }
0x57: {  	[tilespmem:v1+s8+$0x0] =	vst.idx.add.f32.msk vm2, v2  }
0x58: {  	[tilespmem:v1+s8+$0x0] =	vst.idx.add.f32.msk vm3, v2  }
0x59: {  	[tilespmem:v1+s8+$0x0] =	vst.idx.add.f32.msk vm4, v2  }
0x5a: {  	[tilespmem:v1+s8+$0x0] =	vst.idx.add.f32.msk vm5, v2  }
0x5b: {  	[tilespmem:v1+s8+$0x0] =	vst.idx.add.f32.msk vm6, v2  }
0x5c: {  	[tilespmem:v1+s8+$0x0] =	vst.idx.add.f32.msk vm7, v2  }
0x5d: {  	[tilespmem:v1+s8+$0x0] =	vst.idx.add.f32.msk vm8, v2  }
0x5e: {  	[tilespmem:v1+s8+$0x0] =	vst.idx.add.f32.msk vm9, v2  }
0x5f: {  	[tilespmem:v1+s8+$0x0] =	vst.idx.add.f32.msk vm10, v2  }
0x60: {  	[tilespmem:v1+s8+$0x0] =	vst.idx.add.f32.msk vm11, v2  }
0x61: {  	[tilespmem:v1+s8+$0x0] =	vst.idx.add.f32.msk vm12, v2  }
0x62: {  	[tilespmem:v1+s8+$0x0] =	vst.idx.add.f32.msk vm13, v2  }
0x63: {  	[tilespmem:v1+s8+$0x0] =	vst.idx.add.f32.msk vm14, v2  }
0x64: {  	v1 =	vld [tilespmem:s14+$0x40];
	_ =	sdelay $0x2  }
0x65: {  	v2 =	vld [tilespmem:s14+$0x1440];
	_ =	sdelay $0x4  }
0x66: {  	[tilespmem:v1+s8+$0x0] =	vst.idx.add.f32.msk $0x1, v2  }
0x67: {  	[tilespmem:v1+s8+$0x0] =	vst.idx.add.f32.msk vm0, v2  }
0x68: {  	[tilespmem:v1+s8+$0x0] =	vst.idx.add.f32.msk vm1, v2  }
0x69: {  	[tilespmem:v1+s8+$0x0] =	vst.idx.add.f32.msk vm2, v2  }
0x6a: {  	[tilespmem:v1+s8+$0x0] =	vst.idx.add.f32.msk vm3, v2  }
0x6b: {  	[tilespmem:v1+s8+$0x0] =	vst.idx.add.f32.msk vm4, v2  }
0x6c: {  	[tilespmem:v1+s8+$0x0] =	vst.idx.add.f32.msk vm5, v2  }
0x6d: {  	[tilespmem:v1+s8+$0x0] =	vst.idx.add.f32.msk vm6, v2  }
0x6e: {  	[tilespmem:v1+s8+$0x0] =	vst.idx.add.f32.msk vm7, v2  }
0x6f: {  	[tilespmem:v1+s8+$0x0] =	vst.idx.add.f32.msk vm8, v2  }
0x70: {  	[tilespmem:v1+s8+$0x0] =	vst.idx.add.f32.msk vm9, v2  }
0x71: {  	[tilespmem:v1+s8+$0x0] =	vst.idx.add.f32.msk vm10, v2  }
0x72: {  	[tilespmem:v1+s8+$0x0] =	vst.idx.add.f32.msk vm11, v2  }
0x73: {  	[tilespmem:v1+s8+$0x0] =	vst.idx.add.f32.msk vm12, v2  }
0x74: {  	[tilespmem:v1+s8+$0x0] =	vst.idx.add.f32.msk vm13, v2  }
0x75: {  	[tilespmem:v1+s8+$0x0] =	vst.idx.add.f32.msk vm14, v2  }
0x76: {  	v1 =	vld [tilespmem:s14+$0x50];
	_ =	sdelay $0x2  }
0x77: {  	v2 =	vld [tilespmem:s14+$0x1450];
	_ =	sdelay $0x4  }
0x78: {  	[tilespmem:v1+s8+$0x0] =	vst.idx.add.f32.msk $0x1, v2  }
0x79: {  	[tilespmem:v1+s8+$0x0] =	vst.idx.add.f32.msk vm0, v2  }
0x7a: {  	[tilespmem:v1+s8+$0x0] =	vst.idx.add.f32.msk vm1, v2  }
0x7b: {  	[tilespmem:v1+s8+$0x0] =	vst.idx.add.f32.msk vm2, v2  }
0x7c: {  	[tilespmem:v1+s8+$0x0] =	vst.idx.add.f32.msk vm3, v2  }
0x7d: {  	[tilespmem:v1+s8+$0x0] =	vst.idx.add.f32.msk vm4, v2  }
0x7e: {  	[tilespmem:v1+s8+$0x0] =	vst.idx.add.f32.msk vm5, v2  }
0x7f: {  	[tilespmem:v1+s8+$0x0] =	vst.idx.add.f32.msk vm6, v2  }
0x80: {  	[tilespmem:v1+s8+$0x0] =	vst.idx.add.f32.msk vm7, v2  }
0x81: {  	[tilespmem:v1+s8+$0x0] =	vst.idx.add.f32.msk vm8, v2  }
0x82: {  	[tilespmem:v1+s8+$0x0] =	vst.idx.add.f32.msk vm9, v2  }
0x83: {  	[tilespmem:v1+s8+$0x0] =	vst.idx.add.f32.msk vm10, v2  }
0x84: {  	[tilespmem:v1+s8+$0x0] =	vst.idx.add.f32.msk vm11, v2  }
0x85: {  	[tilespmem:v1+s8+$0x0] =	vst.idx.add.f32.msk vm12, v2  }
0x86: {  	[tilespmem:v1+s8+$0x0] =	vst.idx.add.f32.msk vm13, v2  }
0x87: {  	[tilespmem:v1+s8+$0x0] =	vst.idx.add.f32.msk vm14, v2  }
0x88: {  	v1 =	vld [tilespmem:s14+$0x60];
	_ =	sdelay $0x2  }
0x89: {  	v2 =	vld [tilespmem:s14+$0x1460];
	_ =	sdelay $0x4  }
0x8a: {  	[tilespmem:v1+s8+$0x0] =	vst.idx.add.f32.msk $0x1, v2  }
0x8b: {  	[tilespmem:v1+s8+$0x0] =	vst.idx.add.f32.msk vm0, v2  }
0x8c: {  	[tilespmem:v1+s8+$0x0] =	vst.idx.add.f32.msk vm1, v2  }
0x8d: {  	[tilespmem:v1+s8+$0x0] =	vst.idx.add.f32.msk vm2, v2  }
0x8e: {  	[tilespmem:v1+s8+$0x0] =	vst.idx.add.f32.msk vm3, v2  }
0x8f: {  	[tilespmem:v1+s8+$0x0] =	vst.idx.add.f32.msk vm4, v2  }
0x90: {  	[tilespmem:v1+s8+$0x0] =	vst.idx.add.f32.msk vm5, v2  }
0x91: {  	[tilespmem:v1+s8+$0x0] =	vst.idx.add.f32.msk vm6, v2  }
0x92: {  	[tilespmem:v1+s8+$0x0] =	vst.idx.add.f32.msk vm7, v2  }
0x93: {  	[tilespmem:v1+s8+$0x0] =	vst.idx.add.f32.msk vm8, v2  }
0x94: {  	[tilespmem:v1+s8+$0x0] =	vst.idx.add.f32.msk vm9, v2  }
0x95: {  	[tilespmem:v1+s8+$0x0] =	vst.idx.add.f32.msk vm10, v2  }
0x96: {  	[tilespmem:v1+s8+$0x0] =	vst.idx.add.f32.msk vm11, v2  }
0x97: {  	[tilespmem:v1+s8+$0x0] =	vst.idx.add.f32.msk vm12, v2  }
0x98: {  	[tilespmem:v1+s8+$0x0] =	vst.idx.add.f32.msk vm13, v2  }
0x99: {  	[tilespmem:v1+s8+$0x0] =	vst.idx.add.f32.msk vm14, v2  }
0x9a: {  	v1 =	vld [tilespmem:s14+$0x70];
	_ =	sdelay $0x2  }
0x9b: {  	v2 =	vld [tilespmem:s14+$0x1470];
	_ =	sdelay $0x4  }
0x9c: {  	[tilespmem:v1+s8+$0x0] =	vst.idx.add.f32.msk $0x1, v2  }
0x9d: {  	[tilespmem:v1+s8+$0x0] =	vst.idx.add.f32.msk vm0, v2  }
0x9e: {  	[tilespmem:v1+s8+$0x0] =	vst.idx.add.f32.msk vm1, v2  }
0x9f: {  	[tilespmem:v1+s8+$0x0] =	vst.idx.add.f32.msk vm2, v2  }
0xa0: {  	[tilespmem:v1+s8+$0x0] =	vst.idx.add.f32.msk vm3, v2  }
0xa1: {  	[tilespmem:v1+s8+$0x0] =	vst.idx.add.f32.msk vm4, v2  }
0xa2: {  	[tilespmem:v1+s8+$0x0] =	vst.idx.add.f32.msk vm5, v2  }
0xa3: {  	[tilespmem:v1+s8+$0x0] =	vst.idx.add.f32.msk vm6, v2  }
0xa4: {  	[tilespmem:v1+s8+$0x0] =	vst.idx.add.f32.msk vm7, v2  }
0xa5: {  	[tilespmem:v1+s8+$0x0] =	vst.idx.add.f32.msk vm8, v2  }
0xa6: {  	p0 =	sne.s32 s13, $0x4E00;
	[tilespmem:v1+s8+$0x0] =	vst.idx.add.f32.msk vm9, v2  }
.Ltmp1:
0xa7: {  	[tilespmem:v1+s8+$0x0] =	vst.idx.add.f32.msk vm10, v2;
	(pc) =	sbr.rel @p0 .LBB2_4-.Ltmp1, $4  }
0xa8: {  	[tilespmem:v1+s8+$0x0] =	vst.idx.add.f32.msk vm11, v2  }
0xa9: {  	[tilespmem:v1+s8+$0x0] =	vst.idx.add.f32.msk vm12, v2  }
0xaa: {  	[tilespmem:v1+s8+$0x0] =	vst.idx.add.f32.msk vm13, v2  }
0xab: {  	s13 =	sadd.s32 $0x200, s13;
	[tilespmem:v1+s8+$0x0] =	vst.idx.add.f32.msk vm14, v2  }
0xac: {  	s12 =	sadd.s32 $0x1, s12  }
0xad: {  	p0 =	sne.s32 s12, s5  }
.Ltmp2:
0xae: {  	_ = 	snop;
	(pc) =	sbr.rel @p0 .LBB2_1-.Ltmp2, $4  }
0xaf: {  	[hbm4b:s9+s10] =	stream.strided.scatter [tilespmem:s8], [sflag:$0x1], $0x2800, s11, s10, $0x38;
	[tilespmem:$0x5000] =	vst v63  }
0xb0: {  	_ =	swait.ge [sflag:s6], $0x2800  }
0xb1: {  	[sflag:s6] =	ssyncset.done $0x0  }
0xb2: {  	[sflag:s6] =	ssyncadd.s32 $0xFFFFD800  }
0xb3: {  	_ =	sfence.sel $0x180000  }
0xb4: {  	[bflag:$0x0] =	sbarrier.arrive $0xFFFF  }
0xb5: {  	p0 =	sne.s32 s0, $0x0;
	_ =	strace $0x90000047  }
0xb6: {  	s0 =	sadd.s32 @!p0 $0x100000, s1;
	[bflag:$0x2] =	sbarrier.arrive $0xFFFF  }
0xb7: {  	[sflag:s0] =	ssyncadd.tile.s32 @!p0 $0x1;
	_ =	shalt  }
.Lfunc_end2:
_tile_overlayer_lowered:
.L_overlay_start_2:
0xb8: {  	(tag) =	ssettag $0x2  }
0xb9: {  	s0 =	rddreg [dreg:$0x0];
	s2 =	stileid.u32  }
0xba: {  	s1 =	rddreg [dreg:$0x1];
	p0 =	sne.s32 s2, $0x0  }
0xbb: {  	s3 =	rddreg [dreg:$0x2];
	[bflag:$0x3] =	sbarrier.arrive $0xFFFF;
	s2 =	simm.s32 @!p0 $0x1C01  }
0xbc: {  	[timem:s3], [sflag:s2] =	dma.local @!p0 [hbm:s0], s1  }
0xbd: {  	s0 =	simm.s32 @!p0 $0x1  }
0xbe: {  	_ =	swait.ge @!p0 [sflag:s0], s1  }
0xbf: {  	s1 =	ssub.s32 @!p0 $0x0, s1;
	[sflag:s0] =	ssyncset.done @!p0 $0x0  }
0xc0: {  	[sflag:s0] =	ssyncadd.s32 @!p0 s1  }
0xc1: {  	[bflag:$0x3] =	sbarrier.arrive $0xFFFF  }
0xc2: {  	_ =	shalt  }

</sc_bundles>
